<compile_context>
chip_gen: v7x
topology: tpu7x:2x2x1
jax: 0.10.2.dev20260603
libtpu: 0.0.44.dev20260713+nightly
codegen_flags: <defaults>
</compile_context>

<pallas_src>
import functools

import jax
import jax.numpy as jnp
from jax import lax
from jax.experimental import pallas as pl
from jax.experimental.pallas import tpu as pltpu
from jax.experimental.pallas import tpu_sc as plsc

_INFO = plsc.get_sparse_core_info()
_NC, _NS, _L = _INFO.num_cores, _INFO.num_subcores, _INFO.num_lanes
_NW = _NC * _NS


def _sc_body(row_base, c, rw, ch, nchunk, x_hbm, emb_hbm, out_hbm,
             x_a, x_b, idx_v, rows_v, sem_a, sem_b, sem_g):
    wid = lax.axis_index("s") * _NC + lax.axis_index("c")
    row0 = wid * rw
    lanes = lax.iota(jnp.int32, _L)
    neg_inf = jnp.full((_L,), -jnp.inf, jnp.float32)
    big = jnp.full((_L,), c, jnp.int32)
    nfull = c // _L
    tail0 = c - _L
    tail_cols = lanes + tail0

    bufs = (x_a, x_b)
    sems = (sem_a, sem_b)

    def start_load(chunk, buf):
        return pltpu.make_async_copy(
            x_hbm.at[pl.ds(row_base + row0 + chunk * ch, ch)],
            bufs[buf], sems[buf])

    def do_chunk(chunk, half):
        buf = bufs[half]
        start_load(chunk, half).wait()
        for g in range(ch // _L):
            acc = jnp.zeros((_L,), jnp.int32)
            for q in range(_L // 4):
                r0 = g * _L + q * 4
                init = (lanes,) + tuple(
                    (neg_inf, jnp.zeros((_L,), jnp.int32))
                    for _ in range(4))

                @plsc.parallel_loop(0, nfull, unroll=2, carry=init)
                def kloop(k, carry, buf=buf, r0=r0):
                    colv, *st = carry
                    out = []
                    for rr in range(4):
                        cm, cc = st[rr]
                        v = buf[r0 + rr, pl.ds(k * _L, _L)]
                        upd = v > cm
                        cm = jnp.where(upd, v, cm)
                        cc = jnp.where(upd, colv, cc)
                        out.append((cm, cc))
                    return (colv + _L,) + tuple(out)

                _, *st = kloop
                for rr in range(4):
                    cm, cc = st[rr]
                    v = buf[r0 + rr, pl.ds(tail0, _L)]
                    upd = v > cm
                    cm = jnp.where(upd, v, cm)
                    cc = jnp.where(upd, tail_cols, cc)
                    m = jnp.max(cm)
                    idx_r = jnp.min(jnp.where(cm == m, cc, big))
                    sel = lanes == (q * 4 + rr)
                    acc = jnp.where(sel, jnp.full((_L,), idx_r, jnp.int32),
                                    acc)
            idx_v[pl.ds(chunk * ch + g * _L, _L)] = acc

    start_load(0, 0).start()
    start_load(1, 1).start()

    def pair_body(cp, carry):
        for half in range(2):
            chunk = cp * 2 + half
            do_chunk(chunk, half)

            @pl.when(chunk + 2 < nchunk)
            def _(chunk=chunk, half=half):
                start_load(chunk + 2, half).start()
        return carry

    lax.fori_loop(0, nchunk // 2, pair_body, 0)

    gchunk = 128
    for q in range(rw // gchunk):
        cp = pltpu.make_async_copy(
            emb_hbm.at[idx_v.at[pl.ds(q * gchunk, gchunk)]], rows_v, sem_g)
        cp.start()
        cp.wait()
        pltpu.sync_copy(
            rows_v, out_hbm.at[pl.ds(row0 + q * gchunk, gchunk)])


def _tc_body(x_ref, emb_ref, out_ref):
    x = x_ref[...]
    c = x.shape[1]
    cols = lax.broadcasted_iota(jnp.int32, x.shape, 1)
    xm = jnp.where(cols < c, x, -jnp.inf)
    m = jnp.max(xm, axis=1, keepdims=True)
    idx = jnp.min(jnp.where(xm == m, cols, c), axis=1)
    onehot = (cols == idx[:, None])
    out_ref[...] = jnp.dot(onehot.astype(jnp.float32), emb_ref[...],
                           preferred_element_type=jnp.float32)


def kernel(class_logits, embedding):
    n, c = class_logits.shape
    _, d = embedding.shape
    n_tc = n // 2
    n_sc = n - n_tc
    rw = n_sc // _NW
    ch = 2 * _L
    nchunk = rw // ch

    br = 512
    tc_out = pl.pallas_call(
        _tc_body,
        grid=(n_tc // br,),
        in_specs=[
            pl.BlockSpec((br, c), lambda i: (i, 0)),
            pl.BlockSpec((c, d), lambda i: (0, 0)),
        ],
        out_specs=pl.BlockSpec((br, d), lambda i: (i, 0)),
        out_shape=jax.ShapeDtypeStruct((n_tc, d), jnp.float32),
    )(class_logits, embedding)

    mesh = plsc.VectorSubcoreMesh(core_axis_name="c", subcore_axis_name="s")
    body = functools.partial(_sc_body, n_tc, c, rw, ch, nchunk)
    sc = pl.kernel(
        body,
        out_type=jax.ShapeDtypeStruct((n_sc, d), jnp.float32),
        mesh=mesh,
        compiler_params=pltpu.CompilerParams(needs_layout_passes=False,
                                             use_tc_tiling_on_sc=True),
        scratch_types=[
            pltpu.VMEM((ch, c), jnp.float32),
            pltpu.VMEM((ch, c), jnp.float32),
            pltpu.VMEM((rw,), jnp.int32),
            pltpu.VMEM((128, d), jnp.float32),
            pltpu.SemaphoreType.DMA,
            pltpu.SemaphoreType.DMA,
            pltpu.SemaphoreType.DMA,
        ],
    )
    sc_out = sc(class_logits, embedding)
    return jnp.concatenate([tc_out, sc_out], axis=0)

# --- scband reference (transcript-rebuilt; emitter-appended) ---
"""Pipeline reference for scband-progression-embedding-89593017795091 (READ-ONLY COPY).

The authoritative reference and input builder live on the scoring server;
editing this copy changes nothing except your own understanding.
"""

import jax, jax.numpy as jnp
import numpy as np


def setup_inputs(seed: int = 0) -> dict:
    key = jax.random.key(seed)
    k1, k2 = jax.random.split(key)
    class_logits = jax.random.normal(k1, (16384, 1000), dtype=jnp.float32)
    embedding = jax.random.normal(k2, (1000, 128), dtype=jnp.float32)
    return {"class_logits": class_logits, "embedding": embedding}


def reference(class_logits, embedding):
    class_probs = jax.nn.softmax(class_logits, axis=1)
    pred_class = jnp.argmax(class_probs, axis=1)
    return jnp.take(embedding, pred_class, axis=0)

if __name__ == "__main__":
    import jax
    _d = setup_inputs()
    print(jax.jit(kernel)(*tuple(_d.values())))

</pallas_src>

<mosaic_0001>
#map = affine_map<(d0, d1) -> (0, 0)>
module attributes {stable_mosaic.version = 14 : i64} {
  func.func @_sc_body(%arg0: i32, %arg1: i32, %arg2: memref<16384x1000xf32, #tpu.memory_space<hbm>>, %arg3: memref<1000x128xf32, #tpu.memory_space<hbm>>, %arg4: memref<8192x128xf32, #tpu.memory_space<hbm>>, %arg5: memref<32x1000xf32, #tpu.memory_space<vmem>>, %arg6: memref<32x1000xf32, #tpu.memory_space<vmem>>, %arg7: memref<256xi32, #tpu.memory_space<vmem>>, %arg8: memref<128x128xf32, #tpu.memory_space<vmem>>, %arg9: memref<!tpu.dma_semaphore, #tpu.memory_space<semaphore_mem>>, %arg10: memref<!tpu.dma_semaphore, #tpu.memory_space<semaphore_mem>>, %arg11: memref<!tpu.dma_semaphore, #tpu.memory_space<semaphore_mem>>) attributes {dimension_semantics = [#tpu.dimension_semantics<core_parallel>, #tpu.dimension_semantics<subcore_parallel>], iteration_bounds = array<i64: 2, 16>, scalar_prefetch = 0 : i64, scratch_operands = 7 : i64, tpu.core_type = #tpu.core_type<sc_vector_subcore>, window_params = [{transform_indices = #map}, {transform_indices = #map}, {transform_indices = #map}]} {
    %mul3A = arith.constant 2 : i32
    %mul3A_0 = arith.muli %arg1, %mul3A : i32
    %add3A = arith.addi %mul3A_0, %arg0 : i32
    %mul3A_1 = arith.constant 256 : i32
    %mul3A_2 = arith.muli %add3A, %mul3A_1 : i32
    %iota3A = tpu.iota {dimensions = array<i32: 0>} : vector<16xi32>
    %broadcast_in_dim3A = arith.constant 0xFF800000 : f32
    %broadcast_in_dim3A_3 = vector.broadcast %broadcast_in_dim3A : f32 to vector<16xf32>
    %broadcast_in_dim3A_4 = arith.constant 1000 : i32
    %broadcast_in_dim3A_5 = vector.broadcast %broadcast_in_dim3A_4 : i32 to vector<16xi32>
    %add3A_6 = arith.constant 984 : i32
    %add3A_7 = vector.broadcast %add3A_6 : i32 to vector<16xi32>
    %add3A_8 = arith.addi %iota3A, %add3A_7 : vector<16xi32>
    %add3A_9 = arith.constant 8192 : i32
    %add3A_10 = arith.addi %add3A_9, %mul3A_2 : i32
    %add3A_11 = arith.constant 0 : i32
    %add3A_12 = arith.addi %add3A_10, %add3A_11 : i32
    %dma_start3A = arith.constant 0 : i32
    %dma_start3A_13 = tpu.memref_slice %arg2[%add3A_12, %dma_start3A] : memref<16384x1000xf32, #tpu.memory_space<hbm>> -> memref<32x1000xf32, #tpu.memory_space<hbm>>
    %dma_start3A_14 = arith.constant 0 : i32
    %dma_start3A_15 = tpu.memref_slice %arg2[%add3A_12, %dma_start3A_14] : memref<16384x1000xf32, #tpu.memory_space<hbm>> -> memref<32x1000xf32, #tpu.memory_space<hbm>>
    tpu.enqueue_dma source(%dma_start3A_15 : memref<32x1000xf32, #tpu.memory_space<hbm>>) target(%arg5 : memref<32x1000xf32, #tpu.memory_space<vmem>>) target_semaphore(%arg9 : memref<!tpu.dma_semaphore, #tpu.memory_space<semaphore_mem>>)
    %add3A_16 = arith.constant 8192 : i32
    %add3A_17 = arith.addi %add3A_16, %mul3A_2 : i32
    %add3A_18 = arith.constant 32 : i32
    %add3A_19 = arith.addi %add3A_17, %add3A_18 : i32
    %dma_start3A_20 = arith.constant 0 : i32
    %dma_start3A_21 = tpu.memref_slice %arg2[%add3A_19, %dma_start3A_20] : memref<16384x1000xf32, #tpu.memory_space<hbm>> -> memref<32x1000xf32, #tpu.memory_space<hbm>>
    %dma_start3A_22 = arith.constant 0 : i32
    %dma_start3A_23 = tpu.memref_slice %arg2[%add3A_19, %dma_start3A_22] : memref<16384x1000xf32, #tpu.memory_space<hbm>> -> memref<32x1000xf32, #tpu.memory_space<hbm>>
    tpu.enqueue_dma source(%dma_start3A_23 : memref<32x1000xf32, #tpu.memory_space<hbm>>) target(%arg6 : memref<32x1000xf32, #tpu.memory_space<vmem>>) target_semaphore(%arg10 : memref<!tpu.dma_semaphore, #tpu.memory_space<semaphore_mem>>)
    %scan3A = arith.constant 0 : i32
    %scan3A_24 = arith.constant 0 : i32
    %scan3A_25 = arith.constant 4 : i32
    %scan3A_26 = arith.addi %scan3A_24, %scan3A_25 : i32
    %scan3A_27 = arith.constant 1 : i32
    scf.for %scan3A_52 = %scan3A_24 to %scan3A_26 step %scan3A_27  : i32 {
      %mul3A_53 = arith.constant 2 : i32
      %mul3A_54 = arith.muli %scan3A_52, %mul3A_53 : i32
      %add3A_55 = arith.constant 0 : i32
      %add3A_56 = arith.addi %mul3A_54, %add3A_55 : i32
      %add3A_57 = arith.constant 8192 : i32
      %add3A_58 = arith.addi %add3A_57, %mul3A_2 : i32
      %mul3A_59 = arith.constant 32 : i32
      %mul3A_60 = arith.muli %add3A_56, %mul3A_59 : i32
      %add3A_61 = arith.addi %add3A_58, %mul3A_60 : i32
      %dma_wait3A_62 = arith.constant 0 : i32
      %dma_wait3A_63 = tpu.memref_slice %arg2[%add3A_61, %dma_wait3A_62] : memref<16384x1000xf32, #tpu.memory_space<hbm>> -> memref<32x1000xf32, #tpu.memory_space<hbm>>
      %dma_wait3A_64 = arith.constant 0 : i32
      %dma_wait3A_65 = tpu.memref_slice %arg2[%add3A_61, %dma_wait3A_64] : memref<16384x1000xf32, #tpu.memory_space<hbm>> -> memref<32x1000xf32, #tpu.memory_space<hbm>>
      tpu.wait_dma2 semaphore(%arg9 : memref<!tpu.dma_semaphore, #tpu.memory_space<semaphore_mem>>) src(%dma_wait3A_65 : memref<32x1000xf32, #tpu.memory_space<hbm>>) dst(%arg5 : memref<32x1000xf32, #tpu.memory_space<vmem>>)
      %broadcast_in_dim3A_66 = arith.constant 0 : i32
      %broadcast_in_dim3A_67 = vector.broadcast %broadcast_in_dim3A_66 : i32 to vector<16xi32>
      %broadcast_in_dim3A_68 = arith.constant 0 : i32
      %broadcast_in_dim3A_69 = vector.broadcast %broadcast_in_dim3A_68 : i32 to vector<16xi32>
      %broadcast_in_dim3A_70 = arith.constant 0 : i32
      %broadcast_in_dim3A_71 = vector.broadcast %broadcast_in_dim3A_70 : i32 to vector<16xi32>
      %broadcast_in_dim3A_72 = arith.constant 0 : i32
      %broadcast_in_dim3A_73 = vector.broadcast %broadcast_in_dim3A_72 : i32 to vector<16xi32>
      %broadcast_in_dim3A_74 = arith.constant 0 : i32
      %broadcast_in_dim3A_75 = vector.broadcast %broadcast_in_dim3A_74 : i32 to vector<16xi32>
      %parallel_loop3A = arith.constant 0 : i32
      %parallel_loop3A_76 = arith.constant 62 : i32
      %parallel_loop3A_77 = arith.constant 1 : i32
      %parallel_loop3A_78:9 = scf.for %parallel_loop3A_2034 = %parallel_loop3A to %parallel_loop3A_76 step %parallel_loop3A_77 iter_args(%parallel_loop3A_2035 = %iota3A, %parallel_loop3A_2036 = %broadcast_in_dim3A_3, %parallel_loop3A_2037 = %broadcast_in_dim3A_69, %parallel_loop3A_2038 = %broadcast_in_dim3A_3, %parallel_loop3A_2039 = %broadcast_in_dim3A_71, %parallel_loop3A_2040 = %broadcast_in_dim3A_3, %parallel_loop3A_2041 = %broadcast_in_dim3A_73, %parallel_loop3A_2042 = %broadcast_in_dim3A_3, %parallel_loop3A_2043 = %broadcast_in_dim3A_75) -> (vector<16xi32>, vector<16xf32>, vector<16xi32>, vector<16xf32>, vector<16xi32>, vector<16xf32>, vector<16xi32>, vector<16xf32>, vector<16xi32>)  : i32 {
        %parallel_loop3A_2044 = arith.constant 16 : i32
        %parallel_loop3A_2045 = arith.muli %parallel_loop3A_2034, %parallel_loop3A_2044 : i32
        %parallel_loop3A_2046 = arith.constant 0 : i32
        %parallel_loop3A_2047 = arith.index_cast %parallel_loop3A_2046 : i32 to index
        %parallel_loop3A_2048 = arith.index_cast %parallel_loop3A_2045 : i32 to index
        %parallel_loop3A_2049 = tpu.vector_load %arg5[%parallel_loop3A_2047, %parallel_loop3A_2048] {strides = array<i32>} : memref<32x1000xf32, #tpu.memory_space<vmem>>, vector<16xf32>,
        %parallel_loop3A_2050 = arith.cmpf ogt, %parallel_loop3A_2049, %parallel_loop3A_2036 : vector<16xf32>
        %parallel_loop3A_2051 = arith.select %parallel_loop3A_2050, %parallel_loop3A_2049, %parallel_loop3A_2036 : vector<16xi1>, vector<16xf32>
        %parallel_loop3A_2052 = arith.select %parallel_loop3A_2050, %parallel_loop3A_2035, %parallel_loop3A_2037 : vector<16xi1>, vector<16xi32>
        %parallel_loop3A_2053 = arith.constant 16 : i32
        %parallel_loop3A_2054 = arith.muli %parallel_loop3A_2034, %parallel_loop3A_2053 : i32
        %parallel_loop3A_2055 = arith.constant 1 : i32
        %parallel_loop3A_2056 = arith.index_cast %parallel_loop3A_2055 : i32 to index
        %parallel_loop3A_2057 = arith.index_cast %parallel_loop3A_2054 : i32 to index
        %parallel_loop3A_2058 = tpu.vector_load %arg5[%parallel_loop3A_2056, %parallel_loop3A_2057] {strides = array<i32>} : memref<32x1000xf32, #tpu.memory_space<vmem>>, vector<16xf32>,
        %parallel_loop3A_2059 = arith.cmpf ogt, %parallel_loop3A_2058, %parallel_loop3A_2038 : vector<16xf32>
        %parallel_loop3A_2060 = arith.select %parallel_loop3A_2059, %parallel_loop3A_2058, %parallel_loop3A_2038 : vector<16xi1>, vector<16xf32>
        %parallel_loop3A_2061 = arith.select %parallel_loop3A_2059, %parallel_loop3A_2035, %parallel_loop3A_2039 : vector<16xi1>, vector<16xi32>
        %parallel_loop3A_2062 = arith.constant 16 : i32
        %parallel_loop3A_2063 = arith.muli %parallel_loop3A_2034, %parallel_loop3A_2062 : i32
        %parallel_loop3A_2064 = arith.constant 2 : i32
        %parallel_loop3A_2065 = arith.index_cast %parallel_loop3A_2064 : i32 to index
        %parallel_loop3A_2066 = arith.index_cast %parallel_loop3A_2063 : i32 to index
        %parallel_loop3A_2067 = tpu.vector_load %arg5[%parallel_loop3A_2065, %parallel_loop3A_2066] {strides = array<i32>} : memref<32x1000xf32, #tpu.memory_space<vmem>>, vector<16xf32>,
        %parallel_loop3A_2068 = arith.cmpf ogt, %parallel_loop3A_2067, %parallel_loop3A_2040 : vector<16xf32>
        %parallel_loop3A_2069 = arith.select %parallel_loop3A_2068, %parallel_loop3A_2067, %parallel_loop3A_2040 : vector<16xi1>, vector<16xf32>
        %parallel_loop3A_2070 = arith.select %parallel_loop3A_2068, %parallel_loop3A_2035, %parallel_loop3A_2041 : vector<16xi1>, vector<16xi32>
        %parallel_loop3A_2071 = arith.constant 16 : i32
        %parallel_loop3A_2072 = arith.muli %parallel_loop3A_2034, %parallel_loop3A_2071 : i32
        %parallel_loop3A_2073 = arith.constant 3 : i32
        %parallel_loop3A_2074 = arith.index_cast %parallel_loop3A_2073 : i32 to index
        %parallel_loop3A_2075 = arith.index_cast %parallel_loop3A_2072 : i32 to index
        %parallel_loop3A_2076 = tpu.vector_load %arg5[%parallel_loop3A_2074, %parallel_loop3A_2075] {strides = array<i32>} : memref<32x1000xf32, #tpu.memory_space<vmem>>, vector<16xf32>,
        %parallel_loop3A_2077 = arith.cmpf ogt, %parallel_loop3A_2076, %parallel_loop3A_2042 : vector<16xf32>
        %parallel_loop3A_2078 = arith.select %parallel_loop3A_2077, %parallel_loop3A_2076, %parallel_loop3A_2042 : vector<16xi1>, vector<16xf32>
        %parallel_loop3A_2079 = arith.select %parallel_loop3A_2077, %parallel_loop3A_2035, %parallel_loop3A_2043 : vector<16xi1>, vector<16xi32>
        %parallel_loop3A_2080 = arith.constant 16 : i32
        %parallel_loop3A_2081 = vector.broadcast %parallel_loop3A_2080 : i32 to vector<16xi32>
        %parallel_loop3A_2082 = arith.addi %parallel_loop3A_2035, %parallel_loop3A_2081 : vector<16xi32>
        scf.yield %parallel_loop3A_2082, %parallel_loop3A_2051, %parallel_loop3A_2052, %parallel_loop3A_2060, %parallel_loop3A_2061, %parallel_loop3A_2069, %parallel_loop3A_2070, %parallel_loop3A_2078, %parallel_loop3A_2079 : vector<16xi32>, vector<16xf32>, vector<16xi32>, vector<16xf32>, vector<16xi32>, vector<16xf32>, vector<16xi32>, vector<16xf32>, vector<16xi32>
      } {sc.loop_unroll_factor = 2 : i64, sc.parallel_access}
      %get3A = arith.constant 0 : i32
      %get3A_79 = arith.index_cast %get3A : i32 to index
      %get3A_80 = arith.constant 984 : index
      %get3A_81 = tpu.vector_load %arg5[%get3A_79, %get3A_80] {strides = array<i32>} : memref<32x1000xf32, #tpu.memory_space<vmem>>, vector<16xf32>,
      %gt3A = arith.cmpf ogt, %get3A_81, %parallel_loop3A_78#1 : vector<16xf32>
      %select_n3A = arith.select %gt3A, %get3A_81, %parallel_loop3A_78#1 : vector<16xi1>, vector<16xf32>
      %select_n3A_82 = arith.select %gt3A, %add3A_8, %parallel_loop3A_78#2 : vector<16xi1>, vector<16xi32>
      %reduce_max3A = arith.constant true
      %reduce_max3A_83 = vector.broadcast %reduce_max3A : i1 to vector<16xi1>
      %reduce_max3A_84 = tpu.scan <max>, %select_n3A masked %reduce_max3A_83 : vector<16xf32>, vector<16xi1> -> vector<16xf32>
      %reduce_max3A_85 = vector.extract %reduce_max3A_84[15] : f32 from vector<16xf32>
      %eq3A = vector.broadcast %reduce_max3A_85 : f32 to vector<16xf32>
      %eq3A_86 = arith.cmpf oeq, %select_n3A, %eq3A : vector<16xf32>
      %select_n3A_87 = arith.select %eq3A_86, %select_n3A_82, %broadcast_in_dim3A_5 : vector<16xi1>, vector<16xi32>
      %reduce_min3A = arith.constant true
      %reduce_min3A_88 = vector.broadcast %reduce_min3A : i1 to vector<16xi1>
      %reduce_min3A_89 = arith.constant -2147483648 : i32
      %reduce_min3A_90 = vector.broadcast %reduce_min3A_89 : i32 to vector<16xi32>
      %reduce_min3A_91 = arith.xori %select_n3A_87, %reduce_min3A_90 : vector<16xi32>
      %reduce_min3A_92 = tpu.scan <min>, %reduce_min3A_91 masked %reduce_min3A_88 : vector<16xi32>, vector<16xi1> -> vector<16xi32>
      %reduce_min3A_93 = arith.xori %reduce_min3A_92, %reduce_min3A_90 : vector<16xi32>
      %reduce_min3A_94 = vector.extract %reduce_min3A_93[15] : i32 from vector<16xi32>
      %eq3A_95 = arith.constant 0 : i32
      %eq3A_96 = vector.broadcast %eq3A_95 : i32 to vector<16xi32>
      %eq3A_97 = arith.cmpi eq, %iota3A, %eq3A_96 : vector<16xi32>
      %broadcast_in_dim3A_98 = vector.broadcast %reduce_min3A_94 : i32 to vector<16xi32>
      %select_n3A_99 = arith.select %eq3A_97, %broadcast_in_dim3A_98, %broadcast_in_dim3A_67 : vector<16xi1>, vector<16xi32>
      %get3A_100 = arith.constant 1 : i32
      %get3A_101 = arith.index_cast %get3A_100 : i32 to index
      %get3A_102 = arith.constant 984 : index
      %get3A_103 = tpu.vector_load %arg5[%get3A_101, %get3A_102] {strides = array<i32>} : memref<32x1000xf32, #tpu.memory_space<vmem>>, vector<16xf32>,
      %gt3A_104 = arith.cmpf ogt, %get3A_103, %parallel_loop3A_78#3 : vector<16xf32>
      %select_n3A_105 = arith.select %gt3A_104, %get3A_103, %parallel_loop3A_78#3 : vector<16xi1>, vector<16xf32>
      %select_n3A_106 = arith.select %gt3A_104, %add3A_8, %parallel_loop3A_78#4 : vector<16xi1>, vector<16xi32>
      %reduce_max3A_107 = arith.constant true
      %reduce_max3A_108 = vector.broadcast %reduce_max3A_107 : i1 to vector<16xi1>
      %reduce_max3A_109 = tpu.scan <max>, %select_n3A_105 masked %reduce_max3A_108 : vector<16xf32>, vector<16xi1> -> vector<16xf32>
      %reduce_max3A_110 = vector.extract %reduce_max3A_109[15] : f32 from vector<16xf32>
      %eq3A_111 = vector.broadcast %reduce_max3A_110 : f32 to vector<16xf32>
      %eq3A_112 = arith.cmpf oeq, %select_n3A_105, %eq3A_111 : vector<16xf32>
      %select_n3A_113 = arith.select %eq3A_112, %select_n3A_106, %broadcast_in_dim3A_5 : vector<16xi1>, vector<16xi32>
      %reduce_min3A_114 = arith.constant true
      %reduce_min3A_115 = vector.broadcast %reduce_min3A_114 : i1 to vector<16xi1>
      %reduce_min3A_116 = arith.constant -2147483648 : i32
      %reduce_min3A_117 = vector.broadcast %reduce_min3A_116 : i32 to vector<16xi32>
      %reduce_min3A_118 = arith.xori %select_n3A_113, %reduce_min3A_117 : vector<16xi32>
      %reduce_min3A_119 = tpu.scan <min>, %reduce_min3A_118 masked %reduce_min3A_115 : vector<16xi32>, vector<16xi1> -> vector<16xi32>
      %reduce_min3A_120 = arith.xori %reduce_min3A_119, %reduce_min3A_117 : vector<16xi32>
      %reduce_min3A_121 = vector.extract %reduce_min3A_120[15] : i32 from vector<16xi32>
      %eq3A_122 = arith.constant 1 : i32
      %eq3A_123 = vector.broadcast %eq3A_122 : i32 to vector<16xi32>
      %eq3A_124 = arith.cmpi eq, %iota3A, %eq3A_123 : vector<16xi32>
      %broadcast_in_dim3A_125 = vector.broadcast %reduce_min3A_121 : i32 to vector<16xi32>
      %select_n3A_126 = arith.select %eq3A_124, %broadcast_in_dim3A_125, %select_n3A_99 : vector<16xi1>, vector<16xi32>
      %get3A_127 = arith.constant 2 : i32
      %get3A_128 = arith.index_cast %get3A_127 : i32 to index
      %get3A_129 = arith.constant 984 : index
      %get3A_130 = tpu.vector_load %arg5[%get3A_128, %get3A_129] {strides = array<i32>} : memref<32x1000xf32, #tpu.memory_space<vmem>>, vector<16xf32>,
      %gt3A_131 = arith.cmpf ogt, %get3A_130, %parallel_loop3A_78#5 : vector<16xf32>
      %select_n3A_132 = arith.select %gt3A_131, %get3A_130, %parallel_loop3A_78#5 : vector<16xi1>, vector<16xf32>
      %select_n3A_133 = arith.select %gt3A_131, %add3A_8, %parallel_loop3A_78#6 : vector<16xi1>, vector<16xi32>
      %reduce_max3A_134 = arith.constant true
      %reduce_max3A_135 = vector.broadcast %reduce_max3A_134 : i1 to vector<16xi1>
      %reduce_max3A_136 = tpu.scan <max>, %select_n3A_132 masked %reduce_max3A_135 : vector<16xf32>, vector<16xi1> -> vector<16xf32>
      %reduce_max3A_137 = vector.extract %reduce_max3A_136[15] : f32 from vector<16xf32>
      %eq3A_138 = vector.broadcast %reduce_max3A_137 : f32 to vector<16xf32>
      %eq3A_139 = arith.cmpf oeq, %select_n3A_132, %eq3A_138 : vector<16xf32>
      %select_n3A_140 = arith.select %eq3A_139, %select_n3A_133, %broadcast_in_dim3A_5 : vector<16xi1>, vector<16xi32>
      %reduce_min3A_141 = arith.constant true
      %reduce_min3A_142 = vector.broadcast %reduce_min3A_141 : i1 to vector<16xi1>
      %reduce_min3A_143 = arith.constant -2147483648 : i32
      %reduce_min3A_144 = vector.broadcast %reduce_min3A_143 : i32 to vector<16xi32>
      %reduce_min3A_145 = arith.xori %select_n3A_140, %reduce_min3A_144 : vector<16xi32>
      %reduce_min3A_146 = tpu.scan <min>, %reduce_min3A_145 masked %reduce_min3A_142 : vector<16xi32>, vector<16xi1> -> vector<16xi32>
      %reduce_min3A_147 = arith.xori %reduce_min3A_146, %reduce_min3A_144 : vector<16xi32>
      %reduce_min3A_148 = vector.extract %reduce_min3A_147[15] : i32 from vector<16xi32>
      %eq3A_149 = arith.constant 2 : i32
      %eq3A_150 = vector.broadcast %eq3A_149 : i32 to vector<16xi32>
      %eq3A_151 = arith.cmpi eq, %iota3A, %eq3A_150 : vector<16xi32>
      %broadcast_in_dim3A_152 = vector.broadcast %reduce_min3A_148 : i32 to vector<16xi32>
      %select_n3A_153 = arith.select %eq3A_151, %broadcast_in_dim3A_152, %select_n3A_126 : vector<16xi1>, vector<16xi32>
      %get3A_154 = arith.constant 3 : i32
      %get3A_155 = arith.index_cast %get3A_154 : i32 to index
      %get3A_156 = arith.constant 984 : index
      %get3A_157 = tpu.vector_load %arg5[%get3A_155, %get3A_156] {strides = array<i32>} : memref<32x1000xf32, #tpu.memory_space<vmem>>, vector<16xf32>,
      %gt3A_158 = arith.cmpf ogt, %get3A_157, %parallel_loop3A_78#7 : vector<16xf32>
      %select_n3A_159 = arith.select %gt3A_158, %get3A_157, %parallel_loop3A_78#7 : vector<16xi1>, vector<16xf32>
      %select_n3A_160 = arith.select %gt3A_158, %add3A_8, %parallel_loop3A_78#8 : vector<16xi1>, vector<16xi32>
      %reduce_max3A_161 = arith.constant true
      %reduce_max3A_162 = vector.broadcast %reduce_max3A_161 : i1 to vector<16xi1>
      %reduce_max3A_163 = tpu.scan <max>, %select_n3A_159 masked %reduce_max3A_162 : vector<16xf32>, vector<16xi1> -> vector<16xf32>
      %reduce_max3A_164 = vector.extract %reduce_max3A_163[15] : f32 from vector<16xf32>
      %eq3A_165 = vector.broadcast %reduce_max3A_164 : f32 to vector<16xf32>
      %eq3A_166 = arith.cmpf oeq, %select_n3A_159, %eq3A_165 : vector<16xf32>
      %select_n3A_167 = arith.select %eq3A_166, %select_n3A_160, %broadcast_in_dim3A_5 : vector<16xi1>, vector<16xi32>
      %reduce_min3A_168 = arith.constant true
      %reduce_min3A_169 = vector.broadcast %reduce_min3A_168 : i1 to vector<16xi1>
      %reduce_min3A_170 = arith.constant -2147483648 : i32
      %reduce_min3A_171 = vector.broadcast %reduce_min3A_170 : i32 to vector<16xi32>
      %reduce_min3A_172 = arith.xori %select_n3A_167, %reduce_min3A_171 : vector<16xi32>
      %reduce_min3A_173 = tpu.scan <min>, %reduce_min3A_172 masked %reduce_min3A_169 : vector<16xi32>, vector<16xi1> -> vector<16xi32>
      %reduce_min3A_174 = arith.xori %reduce_min3A_173, %reduce_min3A_171 : vector<16xi32>
      %reduce_min3A_175 = vector.extract %reduce_min3A_174[15] : i32 from vector<16xi32>
      %eq3A_176 = arith.constant 3 : i32
      %eq3A_177 = vector.broadcast %eq3A_176 : i32 to vector<16xi32>
      %eq3A_178 = arith.cmpi eq, %iota3A, %eq3A_177 : vector<16xi32>
      %broadcast_in_dim3A_179 = vector.broadcast %reduce_min3A_175 : i32 to vector<16xi32>
      %select_n3A_180 = arith.select %eq3A_178, %broadcast_in_dim3A_179, %select_n3A_153 : vector<16xi1>, vector<16xi32>
      %broadcast_in_dim3A_181 = arith.constant 0 : i32
      %broadcast_in_dim3A_182 = vector.broadcast %broadcast_in_dim3A_181 : i32 to vector<16xi32>
      %broadcast_in_dim3A_183 = arith.constant 0 : i32
      %broadcast_in_dim3A_184 = vector.broadcast %broadcast_in_dim3A_183 : i32 to vector<16xi32>
      %broadcast_in_dim3A_185 = arith.constant 0 : i32
      %broadcast_in_dim3A_186 = vector.broadcast %broadcast_in_dim3A_185 : i32 to vector<16xi32>
      %broadcast_in_dim3A_187 = arith.constant 0 : i32
      %broadcast_in_dim3A_188 = vector.broadcast %broadcast_in_dim3A_187 : i32 to vector<16xi32>
      %parallel_loop3A_189 = arith.constant 0 : i32
      %parallel_loop3A_190 = arith.constant 62 : i32
      %parallel_loop3A_191 = arith.constant 1 : i32
      %parallel_loop3A_192:9 = scf.for %parallel_loop3A_2034 = %parallel_loop3A_189 to %parallel_loop3A_190 step %parallel_loop3A_191 iter_args(%parallel_loop3A_2035 = %iota3A, %parallel_loop3A_2036 = %broadcast_in_dim3A_3, %parallel_loop3A_2037 = %broadcast_in_dim3A_182, %parallel_loop3A_2038 = %broadcast_in_dim3A_3, %parallel_loop3A_2039 = %broadcast_in_dim3A_184, %parallel_loop3A_2040 = %broadcast_in_dim3A_3, %parallel_loop3A_2041 = %broadcast_in_dim3A_186, %parallel_loop3A_2042 = %broadcast_in_dim3A_3, %parallel_loop3A_2043 = %broadcast_in_dim3A_188) -> (vector<16xi32>, vector<16xf32>, vector<16xi32>, vector<16xf32>, vector<16xi32>, vector<16xf32>, vector<16xi32>, vector<16xf32>, vector<16xi32>)  : i32 {
        %parallel_loop3A_2044 = arith.constant 16 : i32
        %parallel_loop3A_2045 = arith.muli %parallel_loop3A_2034, %parallel_loop3A_2044 : i32
        %parallel_loop3A_2046 = arith.constant 4 : i32
        %parallel_loop3A_2047 = arith.index_cast %parallel_loop3A_2046 : i32 to index
        %parallel_loop3A_2048 = arith.index_cast %parallel_loop3A_2045 : i32 to index
        %parallel_loop3A_2049 = tpu.vector_load %arg5[%parallel_loop3A_2047, %parallel_loop3A_2048] {strides = array<i32>} : memref<32x1000xf32, #tpu.memory_space<vmem>>, vector<16xf32>,
        %parallel_loop3A_2050 = arith.cmpf ogt, %parallel_loop3A_2049, %parallel_loop3A_2036 : vector<16xf32>
        %parallel_loop3A_2051 = arith.select %parallel_loop3A_2050, %parallel_loop3A_2049, %parallel_loop3A_2036 : vector<16xi1>, vector<16xf32>
        %parallel_loop3A_2052 = arith.select %parallel_loop3A_2050, %parallel_loop3A_2035, %parallel_loop3A_2037 : vector<16xi1>, vector<16xi32>
        %parallel_loop3A_2053 = arith.constant 16 : i32
        %parallel_loop3A_2054 = arith.muli %parallel_loop3A_2034, %parallel_loop3A_2053 : i32
        %parallel_loop3A_2055 = arith.constant 5 : i32
        %parallel_loop3A_2056 = arith.index_cast %parallel_loop3A_2055 : i32 to index
        %parallel_loop3A_2057 = arith.index_cast %parallel_loop3A_2054 : i32 to index
        %parallel_loop3A_2058 = tpu.vector_load %arg5[%parallel_loop3A_2056, %parallel_loop3A_2057] {strides = array<i32>} : memref<32x1000xf32, #tpu.memory_space<vmem>>, vector<16xf32>,
        %parallel_loop3A_2059 = arith.cmpf ogt, %parallel_loop3A_2058, %parallel_loop3A_2038 : vector<16xf32>
        %parallel_loop3A_2060 = arith.select %parallel_loop3A_2059, %parallel_loop3A_2058, %parallel_loop3A_2038 : vector<16xi1>, vector<16xf32>
        %parallel_loop3A_2061 = arith.select %parallel_loop3A_2059, %parallel_loop3A_2035, %parallel_loop3A_2039 : vector<16xi1>, vector<16xi32>
        %parallel_loop3A_2062 = arith.constant 16 : i32
        %parallel_loop3A_2063 = arith.muli %parallel_loop3A_2034, %parallel_loop3A_2062 : i32
        %parallel_loop3A_2064 = arith.constant 6 : i32
        %parallel_loop3A_2065 = arith.index_cast %parallel_loop3A_2064 : i32 to index
        %parallel_loop3A_2066 = arith.index_cast %parallel_loop3A_2063 : i32 to index
        %parallel_loop3A_2067 = tpu.vector_load %arg5[%parallel_loop3A_2065, %parallel_loop3A_2066] {strides = array<i32>} : memref<32x1000xf32, #tpu.memory_space<vmem>>, vector<16xf32>,
        %parallel_loop3A_2068 = arith.cmpf ogt, %parallel_loop3A_2067, %parallel_loop3A_2040 : vector<16xf32>
        %parallel_loop3A_2069 = arith.select %parallel_loop3A_2068, %parallel_loop3A_2067, %parallel_loop3A_2040 : vector<16xi1>, vector<16xf32>
        %parallel_loop3A_2070 = arith.select %parallel_loop3A_2068, %parallel_loop3A_2035, %parallel_loop3A_2041 : vector<16xi1>, vector<16xi32>
        %parallel_loop3A_2071 = arith.constant 16 : i32
        %parallel_loop3A_2072 = arith.muli %parallel_loop3A_2034, %parallel_loop3A_2071 : i32
        %parallel_loop3A_2073 = arith.constant 7 : i32
        %parallel_loop3A_2074 = arith.index_cast %parallel_loop3A_2073 : i32 to index
        %parallel_loop3A_2075 = arith.index_cast %parallel_loop3A_2072 : i32 to index
        %parallel_loop3A_2076 = tpu.vector_load %arg5[%parallel_loop3A_2074, %parallel_loop3A_2075] {strides = array<i32>} : memref<32x1000xf32, #tpu.memory_space<vmem>>, vector<16xf32>,
        %parallel_loop3A_2077 = arith.cmpf ogt, %parallel_loop3A_2076, %parallel_loop3A_2042 : vector<16xf32>
        %parallel_loop3A_2078 = arith.select %parallel_loop3A_2077, %parallel_loop3A_2076, %parallel_loop3A_2042 : vector<16xi1>, vector<16xf32>
        %parallel_loop3A_2079 = arith.select %parallel_loop3A_2077, %parallel_loop3A_2035, %parallel_loop3A_2043 : vector<16xi1>, vector<16xi32>
        %parallel_loop3A_2080 = arith.constant 16 : i32
        %parallel_loop3A_2081 = vector.broadcast %parallel_loop3A_2080 : i32 to vector<16xi32>
        %parallel_loop3A_2082 = arith.addi %parallel_loop3A_2035, %parallel_loop3A_2081 : vector<16xi32>
        scf.yield %parallel_loop3A_2082, %parallel_loop3A_2051, %parallel_loop3A_2052, %parallel_loop3A_2060, %parallel_loop3A_2061, %parallel_loop3A_2069, %parallel_loop3A_2070, %parallel_loop3A_2078, %parallel_loop3A_2079 : vector<16xi32>, vector<16xf32>, vector<16xi32>, vector<16xf32>, vector<16xi32>, vector<16xf32>, vector<16xi32>, vector<16xf32>, vector<16xi32>
      } {sc.loop_unroll_factor = 2 : i64, sc.parallel_access}
      %get3A_193 = arith.constant 4 : i32
      %get3A_194 = arith.index_cast %get3A_193 : i32 to index
      %get3A_195 = arith.constant 984 : index
      %get3A_196 = tpu.vector_load %arg5[%get3A_194, %get3A_195] {strides = array<i32>} : memref<32x1000xf32, #tpu.memory_space<vmem>>, vector<16xf32>,
      %gt3A_197 = arith.cmpf ogt, %get3A_196, %parallel_loop3A_192#1 : vector<16xf32>
      %select_n3A_198 = arith.select %gt3A_197, %get3A_196, %parallel_loop3A_192#1 : vector<16xi1>, vector<16xf32>
      %select_n3A_199 = arith.select %gt3A_197, %add3A_8, %parallel_loop3A_192#2 : vector<16xi1>, vector<16xi32>
      %reduce_max3A_200 = arith.constant true
      %reduce_max3A_201 = vector.broadcast %reduce_max3A_200 : i1 to vector<16xi1>
      %reduce_max3A_202 = tpu.scan <max>, %select_n3A_198 masked %reduce_max3A_201 : vector<16xf32>, vector<16xi1> -> vector<16xf32>
      %reduce_max3A_203 = vector.extract %reduce_max3A_202[15] : f32 from vector<16xf32>
      %eq3A_204 = vector.broadcast %reduce_max3A_203 : f32 to vector<16xf32>
      %eq3A_205 = arith.cmpf oeq, %select_n3A_198, %eq3A_204 : vector<16xf32>
      %select_n3A_206 = arith.select %eq3A_205, %select_n3A_199, %broadcast_in_dim3A_5 : vector<16xi1>, vector<16xi32>
      %reduce_min3A_207 = arith.constant true
      %reduce_min3A_208 = vector.broadcast %reduce_min3A_207 : i1 to vector<16xi1>
      %reduce_min3A_209 = arith.constant -2147483648 : i32
      %reduce_min3A_210 = vector.broadcast %reduce_min3A_209 : i32 to vector<16xi32>
      %reduce_min3A_211 = arith.xori %select_n3A_206, %reduce_min3A_210 : vector<16xi32>
      %reduce_min3A_212 = tpu.scan <min>, %reduce_min3A_211 masked %reduce_min3A_208 : vector<16xi32>, vector<16xi1> -> vector<16xi32>
      %reduce_min3A_213 = arith.xori %reduce_min3A_212, %reduce_min3A_210 : vector<16xi32>
      %reduce_min3A_214 = vector.extract %reduce_min3A_213[15] : i32 from vector<16xi32>
      %eq3A_215 = arith.constant 4 : i32
      %eq3A_216 = vector.broadcast %eq3A_215 : i32 to vector<16xi32>
      %eq3A_217 = arith.cmpi eq, %iota3A, %eq3A_216 : vector<16xi32>
      %broadcast_in_dim3A_218 = vector.broadcast %reduce_min3A_214 : i32 to vector<16xi32>
      %select_n3A_219 = arith.select %eq3A_217, %broadcast_in_dim3A_218, %select_n3A_180 : vector<16xi1>, vector<16xi32>
      %get3A_220 = arith.constant 5 : i32
      %get3A_221 = arith.index_cast %get3A_220 : i32 to index
      %get3A_222 = arith.constant 984 : index
      %get3A_223 = tpu.vector_load %arg5[%get3A_221, %get3A_222] {strides = array<i32>} : memref<32x1000xf32, #tpu.memory_space<vmem>>, vector<16xf32>,
      %gt3A_224 = arith.cmpf ogt, %get3A_223, %parallel_loop3A_192#3 : vector<16xf32>
      %select_n3A_225 = arith.select %gt3A_224, %get3A_223, %parallel_loop3A_192#3 : vector<16xi1>, vector<16xf32>
      %select_n3A_226 = arith.select %gt3A_224, %add3A_8, %parallel_loop3A_192#4 : vector<16xi1>, vector<16xi32>
      %reduce_max3A_227 = arith.constant true
      %reduce_max3A_228 = vector.broadcast %reduce_max3A_227 : i1 to vector<16xi1>
      %reduce_max3A_229 = tpu.scan <max>, %select_n3A_225 masked %reduce_max3A_228 : vector<16xf32>, vector<16xi1> -> vector<16xf32>
      %reduce_max3A_230 = vector.extract %reduce_max3A_229[15] : f32 from vector<16xf32>
      %eq3A_231 = vector.broadcast %reduce_max3A_230 : f32 to vector<16xf32>
      %eq3A_232 = arith.cmpf oeq, %select_n3A_225, %eq3A_231 : vector<16xf32>
      %select_n3A_233 = arith.select %eq3A_232, %select_n3A_226, %broadcast_in_dim3A_5 : vector<16xi1>, vector<16xi32>
      %reduce_min3A_234 = arith.constant true
      %reduce_min3A_235 = vector.broadcast %reduce_min3A_234 : i1 to vector<16xi1>
      %reduce_min3A_236 = arith.constant -2147483648 : i32
      %reduce_min3A_237 = vector.broadcast %reduce_min3A_236 : i32 to vector<16xi32>
      %reduce_min3A_238 = arith.xori %select_n3A_233, %reduce_min3A_237 : vector<16xi32>
      %reduce_min3A_239 = tpu.scan <min>, %reduce_min3A_238 masked %reduce_min3A_235 : vector<16xi32>, vector<16xi1> -> vector<16xi32>
      %reduce_min3A_240 = arith.xori %reduce_min3A_239, %reduce_min3A_237 : vector<16xi32>
      %reduce_min3A_241 = vector.extract %reduce_min3A_240[15] : i32 from vector<16xi32>
      %eq3A_242 = arith.constant 5 : i32
      %eq3A_243 = vector.broadcast %eq3A_242 : i32 to vector<16xi32>
      %eq3A_244 = arith.cmpi eq, %iota3A, %eq3A_243 : vector<16xi32>
      %broadcast_in_dim3A_245 = vector.broadcast %reduce_min3A_241 : i32 to vector<16xi32>
      %select_n3A_246 = arith.select %eq3A_244, %broadcast_in_dim3A_245, %select_n3A_219 : vector<16xi1>, vector<16xi32>
      %get3A_247 = arith.constant 6 : i32
      %get3A_248 = arith.index_cast %get3A_247 : i32 to index
      %get3A_249 = arith.constant 984 : index
      %get3A_250 = tpu.vector_load %arg5[%get3A_248, %get3A_249] {strides = array<i32>} : memref<32x1000xf32, #tpu.memory_space<vmem>>, vector<16xf32>,
      %gt3A_251 = arith.cmpf ogt, %get3A_250, %parallel_loop3A_192#5 : vector<16xf32>
      %select_n3A_252 = arith.select %gt3A_251, %get3A_250, %parallel_loop3A_192#5 : vector<16xi1>, vector<16xf32>
      %select_n3A_253 = arith.select %gt3A_251, %add3A_8, %parallel_loop3A_192#6 : vector<16xi1>, vector<16xi32>
      %reduce_max3A_254 = arith.constant true
      %reduce_max3A_255 = vector.broadcast %reduce_max3A_254 : i1 to vector<16xi1>
      %reduce_max3A_256 = tpu.scan <max>, %select_n3A_252 masked %reduce_max3A_255 : vector<16xf32>, vector<16xi1> -> vector<16xf32>
      %reduce_max3A_257 = vector.extract %reduce_max3A_256[15] : f32 from vector<16xf32>
      %eq3A_258 = vector.broadcast %reduce_max3A_257 : f32 to vector<16xf32>
      %eq3A_259 = arith.cmpf oeq, %select_n3A_252, %eq3A_258 : vector<16xf32>
      %select_n3A_260 = arith.select %eq3A_259, %select_n3A_253, %broadcast_in_dim3A_5 : vector<16xi1>, vector<16xi32>
      %reduce_min3A_261 = arith.constant true
      %reduce_min3A_262 = vector.broadcast %reduce_min3A_261 : i1 to vector<16xi1>
      %reduce_min3A_263 = arith.constant -2147483648 : i32
      %reduce_min3A_264 = vector.broadcast %reduce_min3A_263 : i32 to vector<16xi32>
      %reduce_min3A_265 = arith.xori %select_n3A_260, %reduce_min3A_264 : vector<16xi32>
      %reduce_min3A_266 = tpu.scan <min>, %reduce_min3A_265 masked %reduce_min3A_262 : vector<16xi32>, vector<16xi1> -> vector<16xi32>
      %reduce_min3A_267 = arith.xori %reduce_min3A_266, %reduce_min3A_264 : vector<16xi32>
      %reduce_min3A_268 = vector.extract %reduce_min3A_267[15] : i32 from vector<16xi32>
      %eq3A_269 = arith.constant 6 : i32
      %eq3A_270 = vector.broadcast %eq3A_269 : i32 to vector<16xi32>
      %eq3A_271 = arith.cmpi eq, %iota3A, %eq3A_270 : vector<16xi32>
      %broadcast_in_dim3A_272 = vector.broadcast %reduce_min3A_268 : i32 to vector<16xi32>
      %select_n3A_273 = arith.select %eq3A_271, %broadcast_in_dim3A_272, %select_n3A_246 : vector<16xi1>, vector<16xi32>
      %get3A_274 = arith.constant 7 : i32
      %get3A_275 = arith.index_cast %get3A_274 : i32 to index
      %get3A_276 = arith.constant 984 : index
      %get3A_277 = tpu.vector_load %arg5[%get3A_275, %get3A_276] {strides = array<i32>} : memref<32x1000xf32, #tpu.memory_space<vmem>>, vector<16xf32>,
      %gt3A_278 = arith.cmpf ogt, %get3A_277, %parallel_loop3A_192#7 : vector<16xf32>
      %select_n3A_279 = arith.select %gt3A_278, %get3A_277, %parallel_loop3A_192#7 : vector<16xi1>, vector<16xf32>
      %select_n3A_280 = arith.select %gt3A_278, %add3A_8, %parallel_loop3A_192#8 : vector<16xi1>, vector<16xi32>
      %reduce_max3A_281 = arith.constant true
      %reduce_max3A_282 = vector.broadcast %reduce_max3A_281 : i1 to vector<16xi1>
      %reduce_max3A_283 = tpu.scan <max>, %select_n3A_279 masked %reduce_max3A_282 : vector<16xf32>, vector<16xi1> -> vector<16xf32>
      %reduce_max3A_284 = vector.extract %reduce_max3A_283[15] : f32 from vector<16xf32>
      %eq3A_285 = vector.broadcast %reduce_max3A_284 : f32 to vector<16xf32>
      %eq3A_286 = arith.cmpf oeq, %select_n3A_279, %eq3A_285 : vector<16xf32>
      %select_n3A_287 = arith.select %eq3A_286, %select_n3A_280, %broadcast_in_dim3A_5 : vector<16xi1>, vector<16xi32>
      %reduce_min3A_288 = arith.constant true
      %reduce_min3A_289 = vector.broadcast %reduce_min3A_288 : i1 to vector<16xi1>
      %reduce_min3A_290 = arith.constant -2147483648 : i32
      %reduce_min3A_291 = vector.broadcast %reduce_min3A_290 : i32 to vector<16xi32>
      %reduce_min3A_292 = arith.xori %select_n3A_287, %reduce_min3A_291 : vector<16xi32>
      %reduce_min3A_293 = tpu.scan <min>, %reduce_min3A_292 masked %reduce_min3A_289 : vector<16xi32>, vector<16xi1> -> vector<16xi32>
      %reduce_min3A_294 = arith.xori %reduce_min3A_293, %reduce_min3A_291 : vector<16xi32>
      %reduce_min3A_295 = vector.extract %reduce_min3A_294[15] : i32 from vector<16xi32>
      %eq3A_296 = arith.constant 7 : i32
      %eq3A_297 = vector.broadcast %eq3A_296 : i32 to vector<16xi32>
      %eq3A_298 = arith.cmpi eq, %iota3A, %eq3A_297 : vector<16xi32>
      %broadcast_in_dim3A_299 = vector.broadcast %reduce_min3A_295 : i32 to vector<16xi32>
      %select_n3A_300 = arith.select %eq3A_298, %broadcast_in_dim3A_299, %select_n3A_273 : vector<16xi1>, vector<16xi32>
      %broadcast_in_dim3A_301 = arith.constant 0 : i32
      %broadcast_in_dim3A_302 = vector.broadcast %broadcast_in_dim3A_301 : i32 to vector<16xi32>
      %broadcast_in_dim3A_303 = arith.constant 0 : i32
      %broadcast_in_dim3A_304 = vector.broadcast %broadcast_in_dim3A_303 : i32 to vector<16xi32>
      %broadcast_in_dim3A_305 = arith.constant 0 : i32
      %broadcast_in_dim3A_306 = vector.broadcast %broadcast_in_dim3A_305 : i32 to vector<16xi32>
      %broadcast_in_dim3A_307 = arith.constant 0 : i32
      %broadcast_in_dim3A_308 = vector.broadcast %broadcast_in_dim3A_307 : i32 to vector<16xi32>
      %parallel_loop3A_309 = arith.constant 0 : i32
      %parallel_loop3A_310 = arith.constant 62 : i32
      %parallel_loop3A_311 = arith.constant 1 : i32
      %parallel_loop3A_312:9 = scf.for %parallel_loop3A_2034 = %parallel_loop3A_309 to %parallel_loop3A_310 step %parallel_loop3A_311 iter_args(%parallel_loop3A_2035 = %iota3A, %parallel_loop3A_2036 = %broadcast_in_dim3A_3, %parallel_loop3A_2037 = %broadcast_in_dim3A_302, %parallel_loop3A_2038 = %broadcast_in_dim3A_3, %parallel_loop3A_2039 = %broadcast_in_dim3A_304, %parallel_loop3A_2040 = %broadcast_in_dim3A_3, %parallel_loop3A_2041 = %broadcast_in_dim3A_306, %parallel_loop3A_2042 = %broadcast_in_dim3A_3, %parallel_loop3A_2043 = %broadcast_in_dim3A_308) -> (vector<16xi32>, vector<16xf32>, vector<16xi32>, vector<16xf32>, vector<16xi32>, vector<16xf32>, vector<16xi32>, vector<16xf32>, vector<16xi32>)  : i32 {
        %parallel_loop3A_2044 = arith.constant 16 : i32
        %parallel_loop3A_2045 = arith.muli %parallel_loop3A_2034, %parallel_loop3A_2044 : i32
        %parallel_loop3A_2046 = arith.constant 8 : i32
        %parallel_loop3A_2047 = arith.index_cast %parallel_loop3A_2046 : i32 to index
        %parallel_loop3A_2048 = arith.index_cast %parallel_loop3A_2045 : i32 to index
        %parallel_loop3A_2049 = tpu.vector_load %arg5[%parallel_loop3A_2047, %parallel_loop3A_2048] {strides = array<i32>} : memref<32x1000xf32, #tpu.memory_space<vmem>>, vector<16xf32>,
        %parallel_loop3A_2050 = arith.cmpf ogt, %parallel_loop3A_2049, %parallel_loop3A_2036 : vector<16xf32>
        %parallel_loop3A_2051 = arith.select %parallel_loop3A_2050, %parallel_loop3A_2049, %parallel_loop3A_2036 : vector<16xi1>, vector<16xf32>
        %parallel_loop3A_2052 = arith.select %parallel_loop3A_2050, %parallel_loop3A_2035, %parallel_loop3A_2037 : vector<16xi1>, vector<16xi32>
        %parallel_loop3A_2053 = arith.constant 16 : i32
        %parallel_loop3A_2054 = arith.muli %parallel_loop3A_2034, %parallel_loop3A_2053 : i32
        %parallel_loop3A_2055 = arith.constant 9 : i32
        %parallel_loop3A_2056 = arith.index_cast %parallel_loop3A_2055 : i32 to index
        %parallel_loop3A_2057 = arith.index_cast %parallel_loop3A_2054 : i32 to index
        %parallel_loop3A_2058 = tpu.vector_load %arg5[%parallel_loop3A_2056, %parallel_loop3A_2057] {strides = array<i32>} : memref<32x1000xf32, #tpu.memory_space<vmem>>, vector<16xf32>,
        %parallel_loop3A_2059 = arith.cmpf ogt, %parallel_loop3A_2058, %parallel_loop3A_2038 : vector<16xf32>
        %parallel_loop3A_2060 = arith.select %parallel_loop3A_2059, %parallel_loop3A_2058, %parallel_loop3A_2038 : vector<16xi1>, vector<16xf32>
        %parallel_loop3A_2061 = arith.select %parallel_loop3A_2059, %parallel_loop3A_2035, %parallel_loop3A_2039 : vector<16xi1>, vector<16xi32>
        %parallel_loop3A_2062 = arith.constant 16 : i32
        %parallel_loop3A_2063 = arith.muli %parallel_loop3A_2034, %parallel_loop3A_2062 : i32
        %parallel_loop3A_2064 = arith.constant 10 : i32
        %parallel_loop3A_2065 = arith.index_cast %parallel_loop3A_2064 : i32 to index
        %parallel_loop3A_2066 = arith.index_cast %parallel_loop3A_2063 : i32 to index
        %parallel_loop3A_2067 = tpu.vector_load %arg5[%parallel_loop3A_2065, %parallel_loop3A_2066] {strides = array<i32>} : memref<32x1000xf32, #tpu.memory_space<vmem>>, vector<16xf32>,
        %parallel_loop3A_2068 = arith.cmpf ogt, %parallel_loop3A_2067, %parallel_loop3A_2040 : vector<16xf32>
        %parallel_loop3A_2069 = arith.select %parallel_loop3A_2068, %parallel_loop3A_2067, %parallel_loop3A_2040 : vector<16xi1>, vector<16xf32>
        %parallel_loop3A_2070 = arith.select %parallel_loop3A_2068, %parallel_loop3A_2035, %parallel_loop3A_2041 : vector<16xi1>, vector<16xi32>
        %parallel_loop3A_2071 = arith.constant 16 : i32
        %parallel_loop3A_2072 = arith.muli %parallel_loop3A_2034, %parallel_loop3A_2071 : i32
        %parallel_loop3A_2073 = arith.constant 11 : i32
        %parallel_loop3A_2074 = arith.index_cast %parallel_loop3A_2073 : i32 to index
        %parallel_loop3A_2075 = arith.index_cast %parallel_loop3A_2072 : i32 to index
        %parallel_loop3A_2076 = tpu.vector_load %arg5[%parallel_loop3A_2074, %parallel_loop3A_2075] {strides = array<i32>} : memref<32x1000xf32, #tpu.memory_space<vmem>>, vector<16xf32>,
        %parallel_loop3A_2077 = arith.cmpf ogt, %parallel_loop3A_2076, %parallel_loop3A_2042 : vector<16xf32>
        %parallel_loop3A_2078 = arith.select %parallel_loop3A_2077, %parallel_loop3A_2076, %parallel_loop3A_2042 : vector<16xi1>, vector<16xf32>
        %parallel_loop3A_2079 = arith.select %parallel_loop3A_2077, %parallel_loop3A_2035, %parallel_loop3A_2043 : vector<16xi1>, vector<16xi32>
        %parallel_loop3A_2080 = arith.constant 16 : i32
        %parallel_loop3A_2081 = vector.broadcast %parallel_loop3A_2080 : i32 to vector<16xi32>
        %parallel_loop3A_2082 = arith.addi %parallel_loop3A_2035, %parallel_loop3A_2081 : vector<16xi32>
        scf.yield %parallel_loop3A_2082, %parallel_loop3A_2051, %parallel_loop3A_2052, %parallel_loop3A_2060, %parallel_loop3A_2061, %parallel_loop3A_2069, %parallel_loop3A_2070, %parallel_loop3A_2078, %parallel_loop3A_2079 : vector<16xi32>, vector<16xf32>, vector<16xi32>, vector<16xf32>, vector<16xi32>, vector<16xf32>, vector<16xi32>, vector<16xf32>, vector<16xi32>
      } {sc.loop_unroll_factor = 2 : i64, sc.parallel_access}
      %get3A_313 = arith.constant 8 : i32
      %get3A_314 = arith.index_cast %get3A_313 : i32 to index
      %get3A_315 = arith.constant 984 : index
      %get3A_316 = tpu.vector_load %arg5[%get3A_314, %get3A_315] {strides = array<i32>} : memref<32x1000xf32, #tpu.memory_space<vmem>>, vector<16xf32>,
      %gt3A_317 = arith.cmpf ogt, %get3A_316, %parallel_loop3A_312#1 : vector<16xf32>
      %select_n3A_318 = arith.select %gt3A_317, %get3A_316, %parallel_loop3A_312#1 : vector<16xi1>, vector<16xf32>
      %select_n3A_319 = arith.select %gt3A_317, %add3A_8, %parallel_loop3A_312#2 : vector<16xi1>, vector<16xi32>
      %reduce_max3A_320 = arith.constant true
      %reduce_max3A_321 = vector.broadcast %reduce_max3A_320 : i1 to vector<16xi1>
      %reduce_max3A_322 = tpu.scan <max>, %select_n3A_318 masked %reduce_max3A_321 : vector<16xf32>, vector<16xi1> -> vector<16xf32>
      %reduce_max3A_323 = vector.extract %reduce_max3A_322[15] : f32 from vector<16xf32>
      %eq3A_324 = vector.broadcast %reduce_max3A_323 : f32 to vector<16xf32>
      %eq3A_325 = arith.cmpf oeq, %select_n3A_318, %eq3A_324 : vector<16xf32>
      %select_n3A_326 = arith.select %eq3A_325, %select_n3A_319, %broadcast_in_dim3A_5 : vector<16xi1>, vector<16xi32>
      %reduce_min3A_327 = arith.constant true
      %reduce_min3A_328 = vector.broadcast %reduce_min3A_327 : i1 to vector<16xi1>
      %reduce_min3A_329 = arith.constant -2147483648 : i32
      %reduce_min3A_330 = vector.broadcast %reduce_min3A_329 : i32 to vector<16xi32>
      %reduce_min3A_331 = arith.xori %select_n3A_326, %reduce_min3A_330 : vector<16xi32>
      %reduce_min3A_332 = tpu.scan <min>, %reduce_min3A_331 masked %reduce_min3A_328 : vector<16xi32>, vector<16xi1> -> vector<16xi32>
      %reduce_min3A_333 = arith.xori %reduce_min3A_332, %reduce_min3A_330 : vector<16xi32>
      %reduce_min3A_334 = vector.extract %reduce_min3A_333[15] : i32 from vector<16xi32>
      %eq3A_335 = arith.constant 8 : i32
      %eq3A_336 = vector.broadcast %eq3A_335 : i32 to vector<16xi32>
      %eq3A_337 = arith.cmpi eq, %iota3A, %eq3A_336 : vector<16xi32>
      %broadcast_in_dim3A_338 = vector.broadcast %reduce_min3A_334 : i32 to vector<16xi32>
      %select_n3A_339 = arith.select %eq3A_337, %broadcast_in_dim3A_338, %select_n3A_300 : vector<16xi1>, vector<16xi32>
      %get3A_340 = arith.constant 9 : i32
      %get3A_341 = arith.index_cast %get3A_340 : i32 to index
      %get3A_342 = arith.constant 984 : index
      %get3A_343 = tpu.vector_load %arg5[%get3A_341, %get3A_342] {strides = array<i32>} : memref<32x1000xf32, #tpu.memory_space<vmem>>, vector<16xf32>,
      %gt3A_344 = arith.cmpf ogt, %get3A_343, %parallel_loop3A_312#3 : vector<16xf32>
      %select_n3A_345 = arith.select %gt3A_344, %get3A_343, %parallel_loop3A_312#3 : vector<16xi1>, vector<16xf32>
      %select_n3A_346 = arith.select %gt3A_344, %add3A_8, %parallel_loop3A_312#4 : vector<16xi1>, vector<16xi32>
      %reduce_max3A_347 = arith.constant true
      %reduce_max3A_348 = vector.broadcast %reduce_max3A_347 : i1 to vector<16xi1>
      %reduce_max3A_349 = tpu.scan <max>, %select_n3A_345 masked %reduce_max3A_348 : vector<16xf32>, vector<16xi1> -> vector<16xf32>
      %reduce_max3A_350 = vector.extract %reduce_max3A_349[15] : f32 from vector<16xf32>
      %eq3A_351 = vector.broadcast %reduce_max3A_350 : f32 to vector<16xf32>
      %eq3A_352 = arith.cmpf oeq, %select_n3A_345, %eq3A_351 : vector<16xf32>
      %select_n3A_353 = arith.select %eq3A_352, %select_n3A_346, %broadcast_in_dim3A_5 : vector<16xi1>, vector<16xi32>
      %reduce_min3A_354 = arith.constant true
      %reduce_min3A_355 = vector.broadcast %reduce_min3A_354 : i1 to vector<16xi1>
      %reduce_min3A_356 = arith.constant -2147483648 : i32
      %reduce_min3A_357 = vector.broadcast %reduce_min3A_356 : i32 to vector<16xi32>
      %reduce_min3A_358 = arith.xori %select_n3A_353, %reduce_min3A_357 : vector<16xi32>
      %reduce_min3A_359 = tpu.scan <min>, %reduce_min3A_358 masked %reduce_min3A_355 : vector<16xi32>, vector<16xi1> -> vector<16xi32>
      %reduce_min3A_360 = arith.xori %reduce_min3A_359, %reduce_min3A_357 : vector<16xi32>
      %reduce_min3A_361 = vector.extract %reduce_min3A_360[15] : i32 from vector<16xi32>
      %eq3A_362 = arith.constant 9 : i32
      %eq3A_363 = vector.broadcast %eq3A_362 : i32 to vector<16xi32>
      %eq3A_364 = arith.cmpi eq, %iota3A, %eq3A_363 : vector<16xi32>
      %broadcast_in_dim3A_365 = vector.broadcast %reduce_min3A_361 : i32 to vector<16xi32>
      %select_n3A_366 = arith.select %eq3A_364, %broadcast_in_dim3A_365, %select_n3A_339 : vector<16xi1>, vector<16xi32>
      %get3A_367 = arith.constant 10 : i32
      %get3A_368 = arith.index_cast %get3A_367 : i32 to index
      %get3A_369 = arith.constant 984 : index
      %get3A_370 = tpu.vector_load %arg5[%get3A_368, %get3A_369] {strides = array<i32>} : memref<32x1000xf32, #tpu.memory_space<vmem>>, vector<16xf32>,
      %gt3A_371 = arith.cmpf ogt, %get3A_370, %parallel_loop3A_312#5 : vector<16xf32>
      %select_n3A_372 = arith.select %gt3A_371, %get3A_370, %parallel_loop3A_312#5 : vector<16xi1>, vector<16xf32>
      %select_n3A_373 = arith.select %gt3A_371, %add3A_8, %parallel_loop3A_312#6 : vector<16xi1>, vector<16xi32>
      %reduce_max3A_374 = arith.constant true
      %reduce_max3A_375 = vector.broadcast %reduce_max3A_374 : i1 to vector<16xi1>
      %reduce_max3A_376 = tpu.scan <max>, %select_n3A_372 masked %reduce_max3A_375 : vector<16xf32>, vector<16xi1> -> vector<16xf32>
      %reduce_max3A_377 = vector.extract %reduce_max3A_376[15] : f32 from vector<16xf32>
      %eq3A_378 = vector.broadcast %reduce_max3A_377 : f32 to vector<16xf32>
      %eq3A_379 = arith.cmpf oeq, %select_n3A_372, %eq3A_378 : vector<16xf32>
      %select_n3A_380 = arith.select %eq3A_379, %select_n3A_373, %broadcast_in_dim3A_5 : vector<16xi1>, vector<16xi32>
      %reduce_min3A_381 = arith.constant true
      %reduce_min3A_382 = vector.broadcast %reduce_min3A_381 : i1 to vector<16xi1>
      %reduce_min3A_383 = arith.constant -2147483648 : i32
      %reduce_min3A_384 = vector.broadcast %reduce_min3A_383 : i32 to vector<16xi32>
      %reduce_min3A_385 = arith.xori %select_n3A_380, %reduce_min3A_384 : vector<16xi32>
      %reduce_min3A_386 = tpu.scan <min>, %reduce_min3A_385 masked %reduce_min3A_382 : vector<16xi32>, vector<16xi1> -> vector<16xi32>
      %reduce_min3A_387 = arith.xori %reduce_min3A_386, %reduce_min3A_384 : vector<16xi32>
      %reduce_min3A_388 = vector.extract %reduce_min3A_387[15] : i32 from vector<16xi32>
      %eq3A_389 = arith.constant 10 : i32
      %eq3A_390 = vector.broadcast %eq3A_389 : i32 to vector<16xi32>
      %eq3A_391 = arith.cmpi eq, %iota3A, %eq3A_390 : vector<16xi32>
      %broadcast_in_dim3A_392 = vector.broadcast %reduce_min3A_388 : i32 to vector<16xi32>
      %select_n3A_393 = arith.select %eq3A_391, %broadcast_in_dim3A_392, %select_n3A_366 : vector<16xi1>, vector<16xi32>
      %get3A_394 = arith.constant 11 : i32
      %get3A_395 = arith.index_cast %get3A_394 : i32 to index
      %get3A_396 = arith.constant 984 : index
      %get3A_397 = tpu.vector_load %arg5[%get3A_395, %get3A_396] {strides = array<i32>} : memref<32x1000xf32, #tpu.memory_space<vmem>>, vector<16xf32>,
      %gt3A_398 = arith.cmpf ogt, %get3A_397, %parallel_loop3A_312#7 : vector<16xf32>
      %select_n3A_399 = arith.select %gt3A_398, %get3A_397, %parallel_loop3A_312#7 : vector<16xi1>, vector<16xf32>
      %select_n3A_400 = arith.select %gt3A_398, %add3A_8, %parallel_loop3A_312#8 : vector<16xi1>, vector<16xi32>
      %reduce_max3A_401 = arith.constant true
      %reduce_max3A_402 = vector.broadcast %reduce_max3A_401 : i1 to vector<16xi1>
      %reduce_max3A_403 = tpu.scan <max>, %select_n3A_399 masked %reduce_max3A_402 : vector<16xf32>, vector<16xi1> -> vector<16xf32>
      %reduce_max3A_404 = vector.extract %reduce_max3A_403[15] : f32 from vector<16xf32>
      %eq3A_405 = vector.broadcast %reduce_max3A_404 : f32 to vector<16xf32>
      %eq3A_406 = arith.cmpf oeq, %select_n3A_399, %eq3A_405 : vector<16xf32>
      %select_n3A_407 = arith.select %eq3A_406, %select_n3A_400, %broadcast_in_dim3A_5 : vector<16xi1>, vector<16xi32>
      %reduce_min3A_408 = arith.constant true
      %reduce_min3A_409 = vector.broadcast %reduce_min3A_408 : i1 to vector<16xi1>
      %reduce_min3A_410 = arith.constant -2147483648 : i32
      %reduce_min3A_411 = vector.broadcast %reduce_min3A_410 : i32 to vector<16xi32>
      %reduce_min3A_412 = arith.xori %select_n3A_407, %reduce_min3A_411 : vector<16xi32>
      %reduce_min3A_413 = tpu.scan <min>, %reduce_min3A_412 masked %reduce_min3A_409 : vector<16xi32>, vector<16xi1> -> vector<16xi32>
      %reduce_min3A_414 = arith.xori %reduce_min3A_413, %reduce_min3A_411 : vector<16xi32>
      %reduce_min3A_415 = vector.extract %reduce_min3A_414[15] : i32 from vector<16xi32>
      %eq3A_416 = arith.constant 11 : i32
      %eq3A_417 = vector.broadcast %eq3A_416 : i32 to vector<16xi32>
      %eq3A_418 = arith.cmpi eq, %iota3A, %eq3A_417 : vector<16xi32>
      %broadcast_in_dim3A_419 = vector.broadcast %reduce_min3A_415 : i32 to vector<16xi32>
      %select_n3A_420 = arith.select %eq3A_418, %broadcast_in_dim3A_419, %select_n3A_393 : vector<16xi1>, vector<16xi32>
      %broadcast_in_dim3A_421 = arith.constant 0 : i32
      %broadcast_in_dim3A_422 = vector.broadcast %broadcast_in_dim3A_421 : i32 to vector<16xi32>
      %broadcast_in_dim3A_423 = arith.constant 0 : i32
      %broadcast_in_dim3A_424 = vector.broadcast %broadcast_in_dim3A_423 : i32 to vector<16xi32>
      %broadcast_in_dim3A_425 = arith.constant 0 : i32
      %broadcast_in_dim3A_426 = vector.broadcast %broadcast_in_dim3A_425 : i32 to vector<16xi32>
      %broadcast_in_dim3A_427 = arith.constant 0 : i32
      %broadcast_in_dim3A_428 = vector.broadcast %broadcast_in_dim3A_427 : i32 to vector<16xi32>
      %parallel_loop3A_429 = arith.constant 0 : i32
      %parallel_loop3A_430 = arith.constant 62 : i32
      %parallel_loop3A_431 = arith.constant 1 : i32
      %parallel_loop3A_432:9 = scf.for %parallel_loop3A_2034 = %parallel_loop3A_429 to %parallel_loop3A_430 step %parallel_loop3A_431 iter_args(%parallel_loop3A_2035 = %iota3A, %parallel_loop3A_2036 = %broadcast_in_dim3A_3, %parallel_loop3A_2037 = %broadcast_in_dim3A_422, %parallel_loop3A_2038 = %broadcast_in_dim3A_3, %parallel_loop3A_2039 = %broadcast_in_dim3A_424, %parallel_loop3A_2040 = %broadcast_in_dim3A_3, %parallel_loop3A_2041 = %broadcast_in_dim3A_426, %parallel_loop3A_2042 = %broadcast_in_dim3A_3, %parallel_loop3A_2043 = %broadcast_in_dim3A_428) -> (vector<16xi32>, vector<16xf32>, vector<16xi32>, vector<16xf32>, vector<16xi32>, vector<16xf32>, vector<16xi32>, vector<16xf32>, vector<16xi32>)  : i32 {
        %parallel_loop3A_2044 = arith.constant 16 : i32
        %parallel_loop3A_2045 = arith.muli %parallel_loop3A_2034, %parallel_loop3A_2044 : i32
        %parallel_loop3A_2046 = arith.constant 12 : i32
        %parallel_loop3A_2047 = arith.index_cast %parallel_loop3A_2046 : i32 to index
        %parallel_loop3A_2048 = arith.index_cast %parallel_loop3A_2045 : i32 to index
        %parallel_loop3A_2049 = tpu.vector_load %arg5[%parallel_loop3A_2047, %parallel_loop3A_2048] {strides = array<i32>} : memref<32x1000xf32, #tpu.memory_space<vmem>>, vector<16xf32>,
        %parallel_loop3A_2050 = arith.cmpf ogt, %parallel_loop3A_2049, %parallel_loop3A_2036 : vector<16xf32>
        %parallel_loop3A_2051 = arith.select %parallel_loop3A_2050, %parallel_loop3A_2049, %parallel_loop3A_2036 : vector<16xi1>, vector<16xf32>
        %parallel_loop3A_2052 = arith.select %parallel_loop3A_2050, %parallel_loop3A_2035, %parallel_loop3A_2037 : vector<16xi1>, vector<16xi32>
        %parallel_loop3A_2053 = arith.constant 16 : i32
        %parallel_loop3A_2054 = arith.muli %parallel_loop3A_2034, %parallel_loop3A_2053 : i32
        %parallel_loop3A_2055 = arith.constant 13 : i32
        %parallel_loop3A_2056 = arith.index_cast %parallel_loop3A_2055 : i32 to index
        %parallel_loop3A_2057 = arith.index_cast %parallel_loop3A_2054 : i32 to index
        %parallel_loop3A_2058 = tpu.vector_load %arg5[%parallel_loop3A_2056, %parallel_loop3A_2057] {strides = array<i32>} : memref<32x1000xf32, #tpu.memory_space<vmem>>, vector<16xf32>,
        %parallel_loop3A_2059 = arith.cmpf ogt, %parallel_loop3A_2058, %parallel_loop3A_2038 : vector<16xf32>
        %parallel_loop3A_2060 = arith.select %parallel_loop3A_2059, %parallel_loop3A_2058, %parallel_loop3A_2038 : vector<16xi1>, vector<16xf32>
        %parallel_loop3A_2061 = arith.select %parallel_loop3A_2059, %parallel_loop3A_2035, %parallel_loop3A_2039 : vector<16xi1>, vector<16xi32>
        %parallel_loop3A_2062 = arith.constant 16 : i32
        %parallel_loop3A_2063 = arith.muli %parallel_loop3A_2034, %parallel_loop3A_2062 : i32
        %parallel_loop3A_2064 = arith.constant 14 : i32
        %parallel_loop3A_2065 = arith.index_cast %parallel_loop3A_2064 : i32 to index
        %parallel_loop3A_2066 = arith.index_cast %parallel_loop3A_2063 : i32 to index
        %parallel_loop3A_2067 = tpu.vector_load %arg5[%parallel_loop3A_2065, %parallel_loop3A_2066] {strides = array<i32>} : memref<32x1000xf32, #tpu.memory_space<vmem>>, vector<16xf32>,
        %parallel_loop3A_2068 = arith.cmpf ogt, %parallel_loop3A_2067, %parallel_loop3A_2040 : vector<16xf32>
        %parallel_loop3A_2069 = arith.select %parallel_loop3A_2068, %parallel_loop3A_2067, %parallel_loop3A_2040 : vector<16xi1>, vector<16xf32>
        %parallel_loop3A_2070 = arith.select %parallel_loop3A_2068, %parallel_loop3A_2035, %parallel_loop3A_2041 : vector<16xi1>, vector<16xi32>
        %parallel_loop3A_2071 = arith.constant 16 : i32
        %parallel_loop3A_2072 = arith.muli %parallel_loop3A_2034, %parallel_loop3A_2071 : i32
        %parallel_loop3A_2073 = arith.constant 15 : i32
        %parallel_loop3A_2074 = arith.index_cast %parallel_loop3A_2073 : i32 to index
        %parallel_loop3A_2075 = arith.index_cast %parallel_loop3A_2072 : i32 to index
        %parallel_loop3A_2076 = tpu.vector_load %arg5[%parallel_loop3A_2074, %parallel_loop3A_2075] {strides = array<i32>} : memref<32x1000xf32, #tpu.memory_space<vmem>>, vector<16xf32>,
        %parallel_loop3A_2077 = arith.cmpf ogt, %parallel_loop3A_2076, %parallel_loop3A_2042 : vector<16xf32>
        %parallel_loop3A_2078 = arith.select %parallel_loop3A_2077, %parallel_loop3A_2076, %parallel_loop3A_2042 : vector<16xi1>, vector<16xf32>
        %parallel_loop3A_2079 = arith.select %parallel_loop3A_2077, %parallel_loop3A_2035, %parallel_loop3A_2043 : vector<16xi1>, vector<16xi32>
        %parallel_loop3A_2080 = arith.constant 16 : i32
        %parallel_loop3A_2081 = vector.broadcast %parallel_loop3A_2080 : i32 to vector<16xi32>
        %parallel_loop3A_2082 = arith.addi %parallel_loop3A_2035, %parallel_loop3A_2081 : vector<16xi32>
        scf.yield %parallel_loop3A_2082, %parallel_loop3A_2051, %parallel_loop3A_2052, %parallel_loop3A_2060, %parallel_loop3A_2061, %parallel_loop3A_2069, %parallel_loop3A_2070, %parallel_loop3A_2078, %parallel_loop3A_2079 : vector<16xi32>, vector<16xf32>, vector<16xi32>, vector<16xf32>, vector<16xi32>, vector<16xf32>, vector<16xi32>, vector<16xf32>, vector<16xi32>
      } {sc.loop_unroll_factor = 2 : i64, sc.parallel_access}
      %get3A_433 = arith.constant 12 : i32
      %get3A_434 = arith.index_cast %get3A_433 : i32 to index
      %get3A_435 = arith.constant 984 : index
      %get3A_436 = tpu.vector_load %arg5[%get3A_434, %get3A_435] {strides = array<i32>} : memref<32x1000xf32, #tpu.memory_space<vmem>>, vector<16xf32>,
      %gt3A_437 = arith.cmpf ogt, %get3A_436, %parallel_loop3A_432#1 : vector<16xf32>
      %select_n3A_438 = arith.select %gt3A_437, %get3A_436, %parallel_loop3A_432#1 : vector<16xi1>, vector<16xf32>
      %select_n3A_439 = arith.select %gt3A_437, %add3A_8, %parallel_loop3A_432#2 : vector<16xi1>, vector<16xi32>
      %reduce_max3A_440 = arith.constant true
      %reduce_max3A_441 = vector.broadcast %reduce_max3A_440 : i1 to vector<16xi1>
      %reduce_max3A_442 = tpu.scan <max>, %select_n3A_438 masked %reduce_max3A_441 : vector<16xf32>, vector<16xi1> -> vector<16xf32>
      %reduce_max3A_443 = vector.extract %reduce_max3A_442[15] : f32 from vector<16xf32>
      %eq3A_444 = vector.broadcast %reduce_max3A_443 : f32 to vector<16xf32>
      %eq3A_445 = arith.cmpf oeq, %select_n3A_438, %eq3A_444 : vector<16xf32>
      %select_n3A_446 = arith.select %eq3A_445, %select_n3A_439, %broadcast_in_dim3A_5 : vector<16xi1>, vector<16xi32>
      %reduce_min3A_447 = arith.constant true
      %reduce_min3A_448 = vector.broadcast %reduce_min3A_447 : i1 to vector<16xi1>
      %reduce_min3A_449 = arith.constant -2147483648 : i32
      %reduce_min3A_450 = vector.broadcast %reduce_min3A_449 : i32 to vector<16xi32>
      %reduce_min3A_451 = arith.xori %select_n3A_446, %reduce_min3A_450 : vector<16xi32>
      %reduce_min3A_452 = tpu.scan <min>, %reduce_min3A_451 masked %reduce_min3A_448 : vector<16xi32>, vector<16xi1> -> vector<16xi32>
      %reduce_min3A_453 = arith.xori %reduce_min3A_452, %reduce_min3A_450 : vector<16xi32>
      %reduce_min3A_454 = vector.extract %reduce_min3A_453[15] : i32 from vector<16xi32>
      %eq3A_455 = arith.constant 12 : i32
      %eq3A_456 = vector.broadcast %eq3A_455 : i32 to vector<16xi32>
      %eq3A_457 = arith.cmpi eq, %iota3A, %eq3A_456 : vector<16xi32>
      %broadcast_in_dim3A_458 = vector.broadcast %reduce_min3A_454 : i32 to vector<16xi32>
      %select_n3A_459 = arith.select %eq3A_457, %broadcast_in_dim3A_458, %select_n3A_420 : vector<16xi1>, vector<16xi32>
      %get3A_460 = arith.constant 13 : i32
      %get3A_461 = arith.index_cast %get3A_460 : i32 to index
      %get3A_462 = arith.constant 984 : index
      %get3A_463 = tpu.vector_load %arg5[%get3A_461, %get3A_462] {strides = array<i32>} : memref<32x1000xf32, #tpu.memory_space<vmem>>, vector<16xf32>,
      %gt3A_464 = arith.cmpf ogt, %get3A_463, %parallel_loop3A_432#3 : vector<16xf32>
      %select_n3A_465 = arith.select %gt3A_464, %get3A_463, %parallel_loop3A_432#3 : vector<16xi1>, vector<16xf32>
      %select_n3A_466 = arith.select %gt3A_464, %add3A_8, %parallel_loop3A_432#4 : vector<16xi1>, vector<16xi32>
      %reduce_max3A_467 = arith.constant true
      %reduce_max3A_468 = vector.broadcast %reduce_max3A_467 : i1 to vector<16xi1>
      %reduce_max3A_469 = tpu.scan <max>, %select_n3A_465 masked %reduce_max3A_468 : vector<16xf32>, vector<16xi1> -> vector<16xf32>
      %reduce_max3A_470 = vector.extract %reduce_max3A_469[15] : f32 from vector<16xf32>
      %eq3A_471 = vector.broadcast %reduce_max3A_470 : f32 to vector<16xf32>
      %eq3A_472 = arith.cmpf oeq, %select_n3A_465, %eq3A_471 : vector<16xf32>
      %select_n3A_473 = arith.select %eq3A_472, %select_n3A_466, %broadcast_in_dim3A_5 : vector<16xi1>, vector<16xi32>
      %reduce_min3A_474 = arith.constant true
      %reduce_min3A_475 = vector.broadcast %reduce_min3A_474 : i1 to vector<16xi1>
      %reduce_min3A_476 = arith.constant -2147483648 : i32
      %reduce_min3A_477 = vector.broadcast %reduce_min3A_476 : i32 to vector<16xi32>
      %reduce_min3A_478 = arith.xori %select_n3A_473, %reduce_min3A_477 : vector<16xi32>
      %reduce_min3A_479 = tpu.scan <min>, %reduce_min3A_478 masked %reduce_min3A_475 : vector<16xi32>, vector<16xi1> -> vector<16xi32>
      %reduce_min3A_480 = arith.xori %reduce_min3A_479, %reduce_min3A_477 : vector<16xi32>
      %reduce_min3A_481 = vector.extract %reduce_min3A_480[15] : i32 from vector<16xi32>
      %eq3A_482 = arith.constant 13 : i32
      %eq3A_483 = vector.broadcast %eq3A_482 : i32 to vector<16xi32>
      %eq3A_484 = arith.cmpi eq, %iota3A, %eq3A_483 : vector<16xi32>
      %broadcast_in_dim3A_485 = vector.broadcast %reduce_min3A_481 : i32 to vector<16xi32>
      %select_n3A_486 = arith.select %eq3A_484, %broadcast_in_dim3A_485, %select_n3A_459 : vector<16xi1>, vector<16xi32>
      %get3A_487 = arith.constant 14 : i32
      %get3A_488 = arith.index_cast %get3A_487 : i32 to index
      %get3A_489 = arith.constant 984 : index
      %get3A_490 = tpu.vector_load %arg5[%get3A_488, %get3A_489] {strides = array<i32>} : memref<32x1000xf32, #tpu.memory_space<vmem>>, vector<16xf32>,
      %gt3A_491 = arith.cmpf ogt, %get3A_490, %parallel_loop3A_432#5 : vector<16xf32>
      %select_n3A_492 = arith.select %gt3A_491, %get3A_490, %parallel_loop3A_432#5 : vector<16xi1>, vector<16xf32>
      %select_n3A_493 = arith.select %gt3A_491, %add3A_8, %parallel_loop3A_432#6 : vector<16xi1>, vector<16xi32>
      %reduce_max3A_494 = arith.constant true
      %reduce_max3A_495 = vector.broadcast %reduce_max3A_494 : i1 to vector<16xi1>
      %reduce_max3A_496 = tpu.scan <max>, %select_n3A_492 masked %reduce_max3A_495 : vector<16xf32>, vector<16xi1> -> vector<16xf32>
      %reduce_max3A_497 = vector.extract %reduce_max3A_496[15] : f32 from vector<16xf32>
      %eq3A_498 = vector.broadcast %reduce_max3A_497 : f32 to vector<16xf32>
      %eq3A_499 = arith.cmpf oeq, %select_n3A_492, %eq3A_498 : vector<16xf32>
      %select_n3A_500 = arith.select %eq3A_499, %select_n3A_493, %broadcast_in_dim3A_5 : vector<16xi1>, vector<16xi32>
      %reduce_min3A_501 = arith.constant true
      %reduce_min3A_502 = vector.broadcast %reduce_min3A_501 : i1 to vector<16xi1>
      %reduce_min3A_503 = arith.constant -2147483648 : i32
      %reduce_min3A_504 = vector.broadcast %reduce_min3A_503 : i32 to vector<16xi32>
      %reduce_min3A_505 = arith.xori %select_n3A_500, %reduce_min3A_504 : vector<16xi32>
      %reduce_min3A_506 = tpu.scan <min>, %reduce_min3A_505 masked %reduce_min3A_502 : vector<16xi32>, vector<16xi1> -> vector<16xi32>
      %reduce_min3A_507 = arith.xori %reduce_min3A_506, %reduce_min3A_504 : vector<16xi32>
      %reduce_min3A_508 = vector.extract %reduce_min3A_507[15] : i32 from vector<16xi32>
      %eq3A_509 = arith.constant 14 : i32
      %eq3A_510 = vector.broadcast %eq3A_509 : i32 to vector<16xi32>
      %eq3A_511 = arith.cmpi eq, %iota3A, %eq3A_510 : vector<16xi32>
      %broadcast_in_dim3A_512 = vector.broadcast %reduce_min3A_508 : i32 to vector<16xi32>
      %select_n3A_513 = arith.select %eq3A_511, %broadcast_in_dim3A_512, %select_n3A_486 : vector<16xi1>, vector<16xi32>
      %get3A_514 = arith.constant 15 : i32
      %get3A_515 = arith.index_cast %get3A_514 : i32 to index
      %get3A_516 = arith.constant 984 : index
      %get3A_517 = tpu.vector_load %arg5[%get3A_515, %get3A_516] {strides = array<i32>} : memref<32x1000xf32, #tpu.memory_space<vmem>>, vector<16xf32>,
      %gt3A_518 = arith.cmpf ogt, %get3A_517, %parallel_loop3A_432#7 : vector<16xf32>
      %select_n3A_519 = arith.select %gt3A_518, %get3A_517, %parallel_loop3A_432#7 : vector<16xi1>, vector<16xf32>
      %select_n3A_520 = arith.select %gt3A_518, %add3A_8, %parallel_loop3A_432#8 : vector<16xi1>, vector<16xi32>
      %reduce_max3A_521 = arith.constant true
      %reduce_max3A_522 = vector.broadcast %reduce_max3A_521 : i1 to vector<16xi1>
      %reduce_max3A_523 = tpu.scan <max>, %select_n3A_519 masked %reduce_max3A_522 : vector<16xf32>, vector<16xi1> -> vector<16xf32>
      %reduce_max3A_524 = vector.extract %reduce_max3A_523[15] : f32 from vector<16xf32>
      %eq3A_525 = vector.broadcast %reduce_max3A_524 : f32 to vector<16xf32>
      %eq3A_526 = arith.cmpf oeq, %select_n3A_519, %eq3A_525 : vector<16xf32>
      %select_n3A_527 = arith.select %eq3A_526, %select_n3A_520, %broadcast_in_dim3A_5 : vector<16xi1>, vector<16xi32>
      %reduce_min3A_528 = arith.constant true
      %reduce_min3A_529 = vector.broadcast %reduce_min3A_528 : i1 to vector<16xi1>
      %reduce_min3A_530 = arith.constant -2147483648 : i32
      %reduce_min3A_531 = vector.broadcast %reduce_min3A_530 : i32 to vector<16xi32>
      %reduce_min3A_532 = arith.xori %select_n3A_527, %reduce_min3A_531 : vector<16xi32>
      %reduce_min3A_533 = tpu.scan <min>, %reduce_min3A_532 masked %reduce_min3A_529 : vector<16xi32>, vector<16xi1> -> vector<16xi32>
      %reduce_min3A_534 = arith.xori %reduce_min3A_533, %reduce_min3A_531 : vector<16xi32>
      %reduce_min3A_535 = vector.extract %reduce_min3A_534[15] : i32 from vector<16xi32>
      %eq3A_536 = arith.constant 15 : i32
      %eq3A_537 = vector.broadcast %eq3A_536 : i32 to vector<16xi32>
      %eq3A_538 = arith.cmpi eq, %iota3A, %eq3A_537 : vector<16xi32>
      %broadcast_in_dim3A_539 = vector.broadcast %reduce_min3A_535 : i32 to vector<16xi32>
      %select_n3A_540 = arith.select %eq3A_538, %broadcast_in_dim3A_539, %select_n3A_513 : vector<16xi1>, vector<16xi32>
      %mul3A_541 = arith.constant 32 : i32
      %mul3A_542 = arith.muli %add3A_56, %mul3A_541 : i32
      %add3A_543 = arith.constant 0 : i32
      %add3A_544 = arith.addi %mul3A_542, %add3A_543 : i32
      %swap3A = arith.index_cast %add3A_544 : i32 to index
      %swap3A_545 = tpu.vector_load %arg7[%swap3A] {strides = array<i32>} : memref<256xi32, #tpu.memory_space<vmem>>, vector<16xi32>,
      tpu.vector_store %arg7[%swap3A], %select_n3A_540 {strides = array<i32>} : memref<256xi32, #tpu.memory_space<vmem>>, vector<16xi32>,
      %broadcast_in_dim3A_546 = arith.constant 0 : i32
      %broadcast_in_dim3A_547 = vector.broadcast %broadcast_in_dim3A_546 : i32 to vector<16xi32>
      %broadcast_in_dim3A_548 = arith.constant 0 : i32
      %broadcast_in_dim3A_549 = vector.broadcast %broadcast_in_dim3A_548 : i32 to vector<16xi32>
      %broadcast_in_dim3A_550 = arith.constant 0 : i32
      %broadcast_in_dim3A_551 = vector.broadcast %broadcast_in_dim3A_550 : i32 to vector<16xi32>
      %broadcast_in_dim3A_552 = arith.constant 0 : i32
      %broadcast_in_dim3A_553 = vector.broadcast %broadcast_in_dim3A_552 : i32 to vector<16xi32>
      %broadcast_in_dim3A_554 = arith.constant 0 : i32
      %broadcast_in_dim3A_555 = vector.broadcast %broadcast_in_dim3A_554 : i32 to vector<16xi32>
      %parallel_loop3A_556 = arith.constant 0 : i32
      %parallel_loop3A_557 = arith.constant 62 : i32
      %parallel_loop3A_558 = arith.constant 1 : i32
      %parallel_loop3A_559:9 = scf.for %parallel_loop3A_2034 = %parallel_loop3A_556 to %parallel_loop3A_557 step %parallel_loop3A_558 iter_args(%parallel_loop3A_2035 = %iota3A, %parallel_loop3A_2036 = %broadcast_in_dim3A_3, %parallel_loop3A_2037 = %broadcast_in_dim3A_549, %parallel_loop3A_2038 = %broadcast_in_dim3A_3, %parallel_loop3A_2039 = %broadcast_in_dim3A_551, %parallel_loop3A_2040 = %broadcast_in_dim3A_3, %parallel_loop3A_2041 = %broadcast_in_dim3A_553, %parallel_loop3A_2042 = %broadcast_in_dim3A_3, %parallel_loop3A_2043 = %broadcast_in_dim3A_555) -> (vector<16xi32>, vector<16xf32>, vector<16xi32>, vector<16xf32>, vector<16xi32>, vector<16xf32>, vector<16xi32>, vector<16xf32>, vector<16xi32>)  : i32 {
        %parallel_loop3A_2044 = arith.constant 16 : i32
        %parallel_loop3A_2045 = arith.muli %parallel_loop3A_2034, %parallel_loop3A_2044 : i32
        %parallel_loop3A_2046 = arith.constant 16 : i32
        %parallel_loop3A_2047 = arith.index_cast %parallel_loop3A_2046 : i32 to index
        %parallel_loop3A_2048 = arith.index_cast %parallel_loop3A_2045 : i32 to index
        %parallel_loop3A_2049 = tpu.vector_load %arg5[%parallel_loop3A_2047, %parallel_loop3A_2048] {strides = array<i32>} : memref<32x1000xf32, #tpu.memory_space<vmem>>, vector<16xf32>,
        %parallel_loop3A_2050 = arith.cmpf ogt, %parallel_loop3A_2049, %parallel_loop3A_2036 : vector<16xf32>
        %parallel_loop3A_2051 = arith.select %parallel_loop3A_2050, %parallel_loop3A_2049, %parallel_loop3A_2036 : vector<16xi1>, vector<16xf32>
        %parallel_loop3A_2052 = arith.select %parallel_loop3A_2050, %parallel_loop3A_2035, %parallel_loop3A_2037 : vector<16xi1>, vector<16xi32>
        %parallel_loop3A_2053 = arith.constant 16 : i32
        %parallel_loop3A_2054 = arith.muli %parallel_loop3A_2034, %parallel_loop3A_2053 : i32
        %parallel_loop3A_2055 = arith.constant 17 : i32
        %parallel_loop3A_2056 = arith.index_cast %parallel_loop3A_2055 : i32 to index
        %parallel_loop3A_2057 = arith.index_cast %parallel_loop3A_2054 : i32 to index
        %parallel_loop3A_2058 = tpu.vector_load %arg5[%parallel_loop3A_2056, %parallel_loop3A_2057] {strides = array<i32>} : memref<32x1000xf32, #tpu.memory_space<vmem>>, vector<16xf32>,
        %parallel_loop3A_2059 = arith.cmpf ogt, %parallel_loop3A_2058, %parallel_loop3A_2038 : vector<16xf32>
        %parallel_loop3A_2060 = arith.select %parallel_loop3A_2059, %parallel_loop3A_2058, %parallel_loop3A_2038 : vector<16xi1>, vector<16xf32>
        %parallel_loop3A_2061 = arith.select %parallel_loop3A_2059, %parallel_loop3A_2035, %parallel_loop3A_2039 : vector<16xi1>, vector<16xi32>
        %parallel_loop3A_2062 = arith.constant 16 : i32
        %parallel_loop3A_2063 = arith.muli %parallel_loop3A_2034, %parallel_loop3A_2062 : i32
        %parallel_loop3A_2064 = arith.constant 18 : i32
        %parallel_loop3A_2065 = arith.index_cast %parallel_loop3A_2064 : i32 to index
        %parallel_loop3A_2066 = arith.index_cast %parallel_loop3A_2063 : i32 to index
        %parallel_loop3A_2067 = tpu.vector_load %arg5[%parallel_loop3A_2065, %parallel_loop3A_2066] {strides = array<i32>} : memref<32x1000xf32, #tpu.memory_space<vmem>>, vector<16xf32>,
        %parallel_loop3A_2068 = arith.cmpf ogt, %parallel_loop3A_2067, %parallel_loop3A_2040 : vector<16xf32>
        %parallel_loop3A_2069 = arith.select %parallel_loop3A_2068, %parallel_loop3A_2067, %parallel_loop3A_2040 : vector<16xi1>, vector<16xf32>
        %parallel_loop3A_2070 = arith.select %parallel_loop3A_2068, %parallel_loop3A_2035, %parallel_loop3A_2041 : vector<16xi1>, vector<16xi32>
        %parallel_loop3A_2071 = arith.constant 16 : i32
        %parallel_loop3A_2072 = arith.muli %parallel_loop3A_2034, %parallel_loop3A_2071 : i32
        %parallel_loop3A_2073 = arith.constant 19 : i32
        %parallel_loop3A_2074 = arith.index_cast %parallel_loop3A_2073 : i32 to index
        %parallel_loop3A_2075 = arith.index_cast %parallel_loop3A_2072 : i32 to index
        %parallel_loop3A_2076 = tpu.vector_load %arg5[%parallel_loop3A_2074, %parallel_loop3A_2075] {strides = array<i32>} : memref<32x1000xf32, #tpu.memory_space<vmem>>, vector<16xf32>,
        %parallel_loop3A_2077 = arith.cmpf ogt, %parallel_loop3A_2076, %parallel_loop3A_2042 : vector<16xf32>
        %parallel_loop3A_2078 = arith.select %parallel_loop3A_2077, %parallel_loop3A_2076, %parallel_loop3A_2042 : vector<16xi1>, vector<16xf32>
        %parallel_loop3A_2079 = arith.select %parallel_loop3A_2077, %parallel_loop3A_2035, %parallel_loop3A_2043 : vector<16xi1>, vector<16xi32>
        %parallel_loop3A_2080 = arith.constant 16 : i32
        %parallel_loop3A_2081 = vector.broadcast %parallel_loop3A_2080 : i32 to vector<16xi32>
        %parallel_loop3A_2082 = arith.addi %parallel_loop3A_2035, %parallel_loop3A_2081 : vector<16xi32>
        scf.yield %parallel_loop3A_2082, %parallel_loop3A_2051, %parallel_loop3A_2052, %parallel_loop3A_2060, %parallel_loop3A_2061, %parallel_loop3A_2069, %parallel_loop3A_2070, %parallel_loop3A_2078, %parallel_loop3A_2079 : vector<16xi32>, vector<16xf32>, vector<16xi32>, vector<16xf32>, vector<16xi32>, vector<16xf32>, vector<16xi32>, vector<16xf32>, vector<16xi32>
      } {sc.loop_unroll_factor = 2 : i64, sc.parallel_access}
      %get3A_560 = arith.constant 16 : i32
      %get3A_561 = arith.index_cast %get3A_560 : i32 to index
      %get3A_562 = arith.constant 984 : index
      %get3A_563 = tpu.vector_load %arg5[%get3A_561, %get3A_562] {strides = array<i32>} : memref<32x1000xf32, #tpu.memory_space<vmem>>, vector<16xf32>,
      %gt3A_564 = arith.cmpf ogt, %get3A_563, %parallel_loop3A_559#1 : vector<16xf32>
      %select_n3A_565 = arith.select %gt3A_564, %get3A_563, %parallel_loop3A_559#1 : vector<16xi1>, vector<16xf32>
      %select_n3A_566 = arith.select %gt3A_564, %add3A_8, %parallel_loop3A_559#2 : vector<16xi1>, vector<16xi32>
      %reduce_max3A_567 = arith.constant true
      %reduce_max3A_568 = vector.broadcast %reduce_max3A_567 : i1 to vector<16xi1>
      %reduce_max3A_569 = tpu.scan <max>, %select_n3A_565 masked %reduce_max3A_568 : vector<16xf32>, vector<16xi1> -> vector<16xf32>
      %reduce_max3A_570 = vector.extract %reduce_max3A_569[15] : f32 from vector<16xf32>
      %eq3A_571 = vector.broadcast %reduce_max3A_570 : f32 to vector<16xf32>
      %eq3A_572 = arith.cmpf oeq, %select_n3A_565, %eq3A_571 : vector<16xf32>
      %select_n3A_573 = arith.select %eq3A_572, %select_n3A_566, %broadcast_in_dim3A_5 : vector<16xi1>, vector<16xi32>
      %reduce_min3A_574 = arith.constant true
      %reduce_min3A_575 = vector.broadcast %reduce_min3A_574 : i1 to vector<16xi1>
      %reduce_min3A_576 = arith.constant -2147483648 : i32
      %reduce_min3A_577 = vector.broadcast %reduce_min3A_576 : i32 to vector<16xi32>
      %reduce_min3A_578 = arith.xori %select_n3A_573, %reduce_min3A_577 : vector<16xi32>
      %reduce_min3A_579 = tpu.scan <min>, %reduce_min3A_578 masked %reduce_min3A_575 : vector<16xi32>, vector<16xi1> -> vector<16xi32>
      %reduce_min3A_580 = arith.xori %reduce_min3A_579, %reduce_min3A_577 : vector<16xi32>
      %reduce_min3A_581 = vector.extract %reduce_min3A_580[15] : i32 from vector<16xi32>
      %eq3A_582 = arith.constant 0 : i32
      %eq3A_583 = vector.broadcast %eq3A_582 : i32 to vector<16xi32>
      %eq3A_584 = arith.cmpi eq, %iota3A, %eq3A_583 : vector<16xi32>
      %broadcast_in_dim3A_585 = vector.broadcast %reduce_min3A_581 : i32 to vector<16xi32>
      %select_n3A_586 = arith.select %eq3A_584, %broadcast_in_dim3A_585, %broadcast_in_dim3A_547 : vector<16xi1>, vector<16xi32>
      %get3A_587 = arith.constant 17 : i32
      %get3A_588 = arith.index_cast %get3A_587 : i32 to index
      %get3A_589 = arith.constant 984 : index
      %get3A_590 = tpu.vector_load %arg5[%get3A_588, %get3A_589] {strides = array<i32>} : memref<32x1000xf32, #tpu.memory_space<vmem>>, vector<16xf32>,
      %gt3A_591 = arith.cmpf ogt, %get3A_590, %parallel_loop3A_559#3 : vector<16xf32>
      %select_n3A_592 = arith.select %gt3A_591, %get3A_590, %parallel_loop3A_559#3 : vector<16xi1>, vector<16xf32>
      %select_n3A_593 = arith.select %gt3A_591, %add3A_8, %parallel_loop3A_559#4 : vector<16xi1>, vector<16xi32>
      %reduce_max3A_594 = arith.constant true
      %reduce_max3A_595 = vector.broadcast %reduce_max3A_594 : i1 to vector<16xi1>
      %reduce_max3A_596 = tpu.scan <max>, %select_n3A_592 masked %reduce_max3A_595 : vector<16xf32>, vector<16xi1> -> vector<16xf32>
      %reduce_max3A_597 = vector.extract %reduce_max3A_596[15] : f32 from vector<16xf32>
      %eq3A_598 = vector.broadcast %reduce_max3A_597 : f32 to vector<16xf32>
      %eq3A_599 = arith.cmpf oeq, %select_n3A_592, %eq3A_598 : vector<16xf32>
      %select_n3A_600 = arith.select %eq3A_599, %select_n3A_593, %broadcast_in_dim3A_5 : vector<16xi1>, vector<16xi32>
      %reduce_min3A_601 = arith.constant true
      %reduce_min3A_602 = vector.broadcast %reduce_min3A_601 : i1 to vector<16xi1>
      %reduce_min3A_603 = arith.constant -2147483648 : i32
      %reduce_min3A_604 = vector.broadcast %reduce_min3A_603 : i32 to vector<16xi32>
      %reduce_min3A_605 = arith.xori %select_n3A_600, %reduce_min3A_604 : vector<16xi32>
      %reduce_min3A_606 = tpu.scan <min>, %reduce_min3A_605 masked %reduce_min3A_602 : vector<16xi32>, vector<16xi1> -> vector<16xi32>
      %reduce_min3A_607 = arith.xori %reduce_min3A_606, %reduce_min3A_604 : vector<16xi32>
      %reduce_min3A_608 = vector.extract %reduce_min3A_607[15] : i32 from vector<16xi32>
      %eq3A_609 = arith.constant 1 : i32
      %eq3A_610 = vector.broadcast %eq3A_609 : i32 to vector<16xi32>
      %eq3A_611 = arith.cmpi eq, %iota3A, %eq3A_610 : vector<16xi32>
      %broadcast_in_dim3A_612 = vector.broadcast %reduce_min3A_608 : i32 to vector<16xi32>
      %select_n3A_613 = arith.select %eq3A_611, %broadcast_in_dim3A_612, %select_n3A_586 : vector<16xi1>, vector<16xi32>
      %get3A_614 = arith.constant 18 : i32
      %get3A_615 = arith.index_cast %get3A_614 : i32 to index
      %get3A_616 = arith.constant 984 : index
      %get3A_617 = tpu.vector_load %arg5[%get3A_615, %get3A_616] {strides = array<i32>} : memref<32x1000xf32, #tpu.memory_space<vmem>>, vector<16xf32>,
      %gt3A_618 = arith.cmpf ogt, %get3A_617, %parallel_loop3A_559#5 : vector<16xf32>
      %select_n3A_619 = arith.select %gt3A_618, %get3A_617, %parallel_loop3A_559#5 : vector<16xi1>, vector<16xf32>
      %select_n3A_620 = arith.select %gt3A_618, %add3A_8, %parallel_loop3A_559#6 : vector<16xi1>, vector<16xi32>
      %reduce_max3A_621 = arith.constant true
      %reduce_max3A_622 = vector.broadcast %reduce_max3A_621 : i1 to vector<16xi1>
      %reduce_max3A_623 = tpu.scan <max>, %select_n3A_619 masked %reduce_max3A_622 : vector<16xf32>, vector<16xi1> -> vector<16xf32>
      %reduce_max3A_624 = vector.extract %reduce_max3A_623[15] : f32 from vector<16xf32>
      %eq3A_625 = vector.broadcast %reduce_max3A_624 : f32 to vector<16xf32>
      %eq3A_626 = arith.cmpf oeq, %select_n3A_619, %eq3A_625 : vector<16xf32>
      %select_n3A_627 = arith.select %eq3A_626, %select_n3A_620, %broadcast_in_dim3A_5 : vector<16xi1>, vector<16xi32>
      %reduce_min3A_628 = arith.constant true
      %reduce_min3A_629 = vector.broadcast %reduce_min3A_628 : i1 to vector<16xi1>
      %reduce_min3A_630 = arith.constant -2147483648 : i32
      %reduce_min3A_631 = vector.broadcast %reduce_min3A_630 : i32 to vector<16xi32>
      %reduce_min3A_632 = arith.xori %select_n3A_627, %reduce_min3A_631 : vector<16xi32>
      %reduce_min3A_633 = tpu.scan <min>, %reduce_min3A_632 masked %reduce_min3A_629 : vector<16xi32>, vector<16xi1> -> vector<16xi32>
      %reduce_min3A_634 = arith.xori %reduce_min3A_633, %reduce_min3A_631 : vector<16xi32>
      %reduce_min3A_635 = vector.extract %reduce_min3A_634[15] : i32 from vector<16xi32>
      %eq3A_636 = arith.constant 2 : i32
      %eq3A_637 = vector.broadcast %eq3A_636 : i32 to vector<16xi32>
      %eq3A_638 = arith.cmpi eq, %iota3A, %eq3A_637 : vector<16xi32>
      %broadcast_in_dim3A_639 = vector.broadcast %reduce_min3A_635 : i32 to vector<16xi32>
      %select_n3A_640 = arith.select %eq3A_638, %broadcast_in_dim3A_639, %select_n3A_613 : vector<16xi1>, vector<16xi32>
      %get3A_641 = arith.constant 19 : i32
      %get3A_642 = arith.index_cast %get3A_641 : i32 to index
      %get3A_643 = arith.constant 984 : index
      %get3A_644 = tpu.vector_load %arg5[%get3A_642, %get3A_643] {strides = array<i32>} : memref<32x1000xf32, #tpu.memory_space<vmem>>, vector<16xf32>,
      %gt3A_645 = arith.cmpf ogt, %get3A_644, %parallel_loop3A_559#7 : vector<16xf32>
      %select_n3A_646 = arith.select %gt3A_645, %get3A_644, %parallel_loop3A_559#7 : vector<16xi1>, vector<16xf32>
      %select_n3A_647 = arith.select %gt3A_645, %add3A_8, %parallel_loop3A_559#8 : vector<16xi1>, vector<16xi32>
      %reduce_max3A_648 = arith.constant true
      %reduce_max3A_649 = vector.broadcast %reduce_max3A_648 : i1 to vector<16xi1>
      %reduce_max3A_650 = tpu.scan <max>, %select_n3A_646 masked %reduce_max3A_649 : vector<16xf32>, vector<16xi1> -> vector<16xf32>
      %reduce_max3A_651 = vector.extract %reduce_max3A_650[15] : f32 from vector<16xf32>
      %eq3A_652 = vector.broadcast %reduce_max3A_651 : f32 to vector<16xf32>
      %eq3A_653 = arith.cmpf oeq, %select_n3A_646, %eq3A_652 : vector<16xf32>
      %select_n3A_654 = arith.select %eq3A_653, %select_n3A_647, %broadcast_in_dim3A_5 : vector<16xi1>, vector<16xi32>
      %reduce_min3A_655 = arith.constant true
      %reduce_min3A_656 = vector.broadcast %reduce_min3A_655 : i1 to vector<16xi1>
      %reduce_min3A_657 = arith.constant -2147483648 : i32
      %reduce_min3A_658 = vector.broadcast %reduce_min3A_657 : i32 to vector<16xi32>
      %reduce_min3A_659 = arith.xori %select_n3A_654, %reduce_min3A_658 : vector<16xi32>
      %reduce_min3A_660 = tpu.scan <min>, %reduce_min3A_659 masked %reduce_min3A_656 : vector<16xi32>, vector<16xi1> -> vector<16xi32>
      %reduce_min3A_661 = arith.xori %reduce_min3A_660, %reduce_min3A_658 : vector<16xi32>
      %reduce_min3A_662 = vector.extract %reduce_min3A_661[15] : i32 from vector<16xi32>
      %eq3A_663 = arith.constant 3 : i32
      %eq3A_664 = vector.broadcast %eq3A_663 : i32 to vector<16xi32>
      %eq3A_665 = arith.cmpi eq, %iota3A, %eq3A_664 : vector<16xi32>
      %broadcast_in_dim3A_666 = vector.broadcast %reduce_min3A_662 : i32 to vector<16xi32>
      %select_n3A_667 = arith.select %eq3A_665, %broadcast_in_dim3A_666, %select_n3A_640 : vector<16xi1>, vector<16xi32>
      %broadcast_in_dim3A_668 = arith.constant 0 : i32
      %broadcast_in_dim3A_669 = vector.broadcast %broadcast_in_dim3A_668 : i32 to vector<16xi32>
      %broadcast_in_dim3A_670 = arith.constant 0 : i32
      %broadcast_in_dim3A_671 = vector.broadcast %broadcast_in_dim3A_670 : i32 to vector<16xi32>
      %broadcast_in_dim3A_672 = arith.constant 0 : i32
      %broadcast_in_dim3A_673 = vector.broadcast %broadcast_in_dim3A_672 : i32 to vector<16xi32>
      %broadcast_in_dim3A_674 = arith.constant 0 : i32
      %broadcast_in_dim3A_675 = vector.broadcast %broadcast_in_dim3A_674 : i32 to vector<16xi32>
      %parallel_loop3A_676 = arith.constant 0 : i32
      %parallel_loop3A_677 = arith.constant 62 : i32
      %parallel_loop3A_678 = arith.constant 1 : i32
      %parallel_loop3A_679:9 = scf.for %parallel_loop3A_2034 = %parallel_loop3A_676 to %parallel_loop3A_677 step %parallel_loop3A_678 iter_args(%parallel_loop3A_2035 = %iota3A, %parallel_loop3A_2036 = %broadcast_in_dim3A_3, %parallel_loop3A_2037 = %broadcast_in_dim3A_669, %parallel_loop3A_2038 = %broadcast_in_dim3A_3, %parallel_loop3A_2039 = %broadcast_in_dim3A_671, %parallel_loop3A_2040 = %broadcast_in_dim3A_3, %parallel_loop3A_2041 = %broadcast_in_dim3A_673, %parallel_loop3A_2042 = %broadcast_in_dim3A_3, %parallel_loop3A_2043 = %broadcast_in_dim3A_675) -> (vector<16xi32>, vector<16xf32>, vector<16xi32>, vector<16xf32>, vector<16xi32>, vector<16xf32>, vector<16xi32>, vector<16xf32>, vector<16xi32>)  : i32 {
        %parallel_loop3A_2044 = arith.constant 16 : i32
        %parallel_loop3A_2045 = arith.muli %parallel_loop3A_2034, %parallel_loop3A_2044 : i32
        %parallel_loop3A_2046 = arith.constant 20 : i32
        %parallel_loop3A_2047 = arith.index_cast %parallel_loop3A_2046 : i32 to index
        %parallel_loop3A_2048 = arith.index_cast %parallel_loop3A_2045 : i32 to index
        %parallel_loop3A_2049 = tpu.vector_load %arg5[%parallel_loop3A_2047, %parallel_loop3A_2048] {strides = array<i32>} : memref<32x1000xf32, #tpu.memory_space<vmem>>, vector<16xf32>,
        %parallel_loop3A_2050 = arith.cmpf ogt, %parallel_loop3A_2049, %parallel_loop3A_2036 : vector<16xf32>
        %parallel_loop3A_2051 = arith.select %parallel_loop3A_2050, %parallel_loop3A_2049, %parallel_loop3A_2036 : vector<16xi1>, vector<16xf32>
        %parallel_loop3A_2052 = arith.select %parallel_loop3A_2050, %parallel_loop3A_2035, %parallel_loop3A_2037 : vector<16xi1>, vector<16xi32>
        %parallel_loop3A_2053 = arith.constant 16 : i32
        %parallel_loop3A_2054 = arith.muli %parallel_loop3A_2034, %parallel_loop3A_2053 : i32
        %parallel_loop3A_2055 = arith.constant 21 : i32
        %parallel_loop3A_2056 = arith.index_cast %parallel_loop3A_2055 : i32 to index
        %parallel_loop3A_2057 = arith.index_cast %parallel_loop3A_2054 : i32 to index
        %parallel_loop3A_2058 = tpu.vector_load %arg5[%parallel_loop3A_2056, %parallel_loop3A_2057] {strides = array<i32>} : memref<32x1000xf32, #tpu.memory_space<vmem>>, vector<16xf32>,
        %parallel_loop3A_2059 = arith.cmpf ogt, %parallel_loop3A_2058, %parallel_loop3A_2038 : vector<16xf32>
        %parallel_loop3A_2060 = arith.select %parallel_loop3A_2059, %parallel_loop3A_2058, %parallel_loop3A_2038 : vector<16xi1>, vector<16xf32>
        %parallel_loop3A_2061 = arith.select %parallel_loop3A_2059, %parallel_loop3A_2035, %parallel_loop3A_2039 : vector<16xi1>, vector<16xi32>
        %parallel_loop3A_2062 = arith.constant 16 : i32
        %parallel_loop3A_2063 = arith.muli %parallel_loop3A_2034, %parallel_loop3A_2062 : i32
        %parallel_loop3A_2064 = arith.constant 22 : i32
        %parallel_loop3A_2065 = arith.index_cast %parallel_loop3A_2064 : i32 to index
        %parallel_loop3A_2066 = arith.index_cast %parallel_loop3A_2063 : i32 to index
        %parallel_loop3A_2067 = tpu.vector_load %arg5[%parallel_loop3A_2065, %parallel_loop3A_2066] {strides = array<i32>} : memref<32x1000xf32, #tpu.memory_space<vmem>>, vector<16xf32>,
        %parallel_loop3A_2068 = arith.cmpf ogt, %parallel_loop3A_2067, %parallel_loop3A_2040 : vector<16xf32>
        %parallel_loop3A_2069 = arith.select %parallel_loop3A_2068, %parallel_loop3A_2067, %parallel_loop3A_2040 : vector<16xi1>, vector<16xf32>
        %parallel_loop3A_2070 = arith.select %parallel_loop3A_2068, %parallel_loop3A_2035, %parallel_loop3A_2041 : vector<16xi1>, vector<16xi32>
        %parallel_loop3A_2071 = arith.constant 16 : i32
        %parallel_loop3A_2072 = arith.muli %parallel_loop3A_2034, %parallel_loop3A_2071 : i32
        %parallel_loop3A_2073 = arith.constant 23 : i32
        %parallel_loop3A_2074 = arith.index_cast %parallel_loop3A_2073 : i32 to index
        %parallel_loop3A_2075 = arith.index_cast %parallel_loop3A_2072 : i32 to index
        %parallel_loop3A_2076 = tpu.vector_load %arg5[%parallel_loop3A_2074, %parallel_loop3A_2075] {strides = array<i32>} : memref<32x1000xf32, #tpu.memory_space<vmem>>, vector<16xf32>,
        %parallel_loop3A_2077 = arith.cmpf ogt, %parallel_loop3A_2076, %parallel_loop3A_2042 : vector<16xf32>
        %parallel_loop3A_2078 = arith.select %parallel_loop3A_2077, %parallel_loop3A_2076, %parallel_loop3A_2042 : vector<16xi1>, vector<16xf32>
        %parallel_loop3A_2079 = arith.select %parallel_loop3A_2077, %parallel_loop3A_2035, %parallel_loop3A_2043 : vector<16xi1>, vector<16xi32>
        %parallel_loop3A_2080 = arith.constant 16 : i32
        %parallel_loop3A_2081 = vector.broadcast %parallel_loop3A_2080 : i32 to vector<16xi32>
        %parallel_loop3A_2082 = arith.addi %parallel_loop3A_2035, %parallel_loop3A_2081 : vector<16xi32>
        scf.yield %parallel_loop3A_2082, %parallel_loop3A_2051, %parallel_loop3A_2052, %parallel_loop3A_2060, %parallel_loop3A_2061, %parallel_loop3A_2069, %parallel_loop3A_2070, %parallel_loop3A_2078, %parallel_loop3A_2079 : vector<16xi32>, vector<16xf32>, vector<16xi32>, vector<16xf32>, vector<16xi32>, vector<16xf32>, vector<16xi32>, vector<16xf32>, vector<16xi32>
      } {sc.loop_unroll_factor = 2 : i64, sc.parallel_access}
      %get3A_680 = arith.constant 20 : i32
      %get3A_681 = arith.index_cast %get3A_680 : i32 to index
      %get3A_682 = arith.constant 984 : index
      %get3A_683 = tpu.vector_load %arg5[%get3A_681, %get3A_682] {strides = array<i32>} : memref<32x1000xf32, #tpu.memory_space<vmem>>, vector<16xf32>,
      %gt3A_684 = arith.cmpf ogt, %get3A_683, %parallel_loop3A_679#1 : vector<16xf32>
      %select_n3A_685 = arith.select %gt3A_684, %get3A_683, %parallel_loop3A_679#1 : vector<16xi1>, vector<16xf32>
      %select_n3A_686 = arith.select %gt3A_684, %add3A_8, %parallel_loop3A_679#2 : vector<16xi1>, vector<16xi32>
      %reduce_max3A_687 = arith.constant true
      %reduce_max3A_688 = vector.broadcast %reduce_max3A_687 : i1 to vector<16xi1>
      %reduce_max3A_689 = tpu.scan <max>, %select_n3A_685 masked %reduce_max3A_688 : vector<16xf32>, vector<16xi1> -> vector<16xf32>
      %reduce_max3A_690 = vector.extract %reduce_max3A_689[15] : f32 from vector<16xf32>
      %eq3A_691 = vector.broadcast %reduce_max3A_690 : f32 to vector<16xf32>
      %eq3A_692 = arith.cmpf oeq, %select_n3A_685, %eq3A_691 : vector<16xf32>
      %select_n3A_693 = arith.select %eq3A_692, %select_n3A_686, %broadcast_in_dim3A_5 : vector<16xi1>, vector<16xi32>
      %reduce_min3A_694 = arith.constant true
      %reduce_min3A_695 = vector.broadcast %reduce_min3A_694 : i1 to vector<16xi1>
      %reduce_min3A_696 = arith.constant -2147483648 : i32
      %reduce_min3A_697 = vector.broadcast %reduce_min3A_696 : i32 to vector<16xi32>
      %reduce_min3A_698 = arith.xori %select_n3A_693, %reduce_min3A_697 : vector<16xi32>
      %reduce_min3A_699 = tpu.scan <min>, %reduce_min3A_698 masked %reduce_min3A_695 : vector<16xi32>, vector<16xi1> -> vector<16xi32>
      %reduce_min3A_700 = arith.xori %reduce_min3A_699, %reduce_min3A_697 : vector<16xi32>
      %reduce_min3A_701 = vector.extract %reduce_min3A_700[15] : i32 from vector<16xi32>
      %eq3A_702 = arith.constant 4 : i32
      %eq3A_703 = vector.broadcast %eq3A_702 : i32 to vector<16xi32>
      %eq3A_704 = arith.cmpi eq, %iota3A, %eq3A_703 : vector<16xi32>
      %broadcast_in_dim3A_705 = vector.broadcast %reduce_min3A_701 : i32 to vector<16xi32>
      %select_n3A_706 = arith.select %eq3A_704, %broadcast_in_dim3A_705, %select_n3A_667 : vector<16xi1>, vector<16xi32>
      %get3A_707 = arith.constant 21 : i32
      %get3A_708 = arith.index_cast %get3A_707 : i32 to index
      %get3A_709 = arith.constant 984 : index
      %get3A_710 = tpu.vector_load %arg5[%get3A_708, %get3A_709] {strides = array<i32>} : memref<32x1000xf32, #tpu.memory_space<vmem>>, vector<16xf32>,
      %gt3A_711 = arith.cmpf ogt, %get3A_710, %parallel_loop3A_679#3 : vector<16xf32>
      %select_n3A_712 = arith.select %gt3A_711, %get3A_710, %parallel_loop3A_679#3 : vector<16xi1>, vector<16xf32>
      %select_n3A_713 = arith.select %gt3A_711, %add3A_8, %parallel_loop3A_679#4 : vector<16xi1>, vector<16xi32>
      %reduce_max3A_714 = arith.constant true
      %reduce_max3A_715 = vector.broadcast %reduce_max3A_714 : i1 to vector<16xi1>
      %reduce_max3A_716 = tpu.scan <max>, %select_n3A_712 masked %reduce_max3A_715 : vector<16xf32>, vector<16xi1> -> vector<16xf32>
      %reduce_max3A_717 = vector.extract %reduce_max3A_716[15] : f32 from vector<16xf32>
      %eq3A_718 = vector.broadcast %reduce_max3A_717 : f32 to vector<16xf32>
      %eq3A_719 = arith.cmpf oeq, %select_n3A_712, %eq3A_718 : vector<16xf32>
      %select_n3A_720 = arith.select %eq3A_719, %select_n3A_713, %broadcast_in_dim3A_5 : vector<16xi1>, vector<16xi32>
      %reduce_min3A_721 = arith.constant true
      %reduce_min3A_722 = vector.broadcast %reduce_min3A_721 : i1 to vector<16xi1>
      %reduce_min3A_723 = arith.constant -2147483648 : i32
      %reduce_min3A_724 = vector.broadcast %reduce_min3A_723 : i32 to vector<16xi32>
      %reduce_min3A_725 = arith.xori %select_n3A_720, %reduce_min3A_724 : vector<16xi32>
      %reduce_min3A_726 = tpu.scan <min>, %reduce_min3A_725 masked %reduce_min3A_722 : vector<16xi32>, vector<16xi1> -> vector<16xi32>
      %reduce_min3A_727 = arith.xori %reduce_min3A_726, %reduce_min3A_724 : vector<16xi32>
      %reduce_min3A_728 = vector.extract %reduce_min3A_727[15] : i32 from vector<16xi32>
      %eq3A_729 = arith.constant 5 : i32
      %eq3A_730 = vector.broadcast %eq3A_729 : i32 to vector<16xi32>
      %eq3A_731 = arith.cmpi eq, %iota3A, %eq3A_730 : vector<16xi32>
      %broadcast_in_dim3A_732 = vector.broadcast %reduce_min3A_728 : i32 to vector<16xi32>
      %select_n3A_733 = arith.select %eq3A_731, %broadcast_in_dim3A_732, %select_n3A_706 : vector<16xi1>, vector<16xi32>
      %get3A_734 = arith.constant 22 : i32
      %get3A_735 = arith.index_cast %get3A_734 : i32 to index
      %get3A_736 = arith.constant 984 : index
      %get3A_737 = tpu.vector_load %arg5[%get3A_735, %get3A_736] {strides = array<i32>} : memref<32x1000xf32, #tpu.memory_space<vmem>>, vector<16xf32>,
      %gt3A_738 = arith.cmpf ogt, %get3A_737, %parallel_loop3A_679#5 : vector<16xf32>
      %select_n3A_739 = arith.select %gt3A_738, %get3A_737, %parallel_loop3A_679#5 : vector<16xi1>, vector<16xf32>
      %select_n3A_740 = arith.select %gt3A_738, %add3A_8, %parallel_loop3A_679#6 : vector<16xi1>, vector<16xi32>
      %reduce_max3A_741 = arith.constant true
      %reduce_max3A_742 = vector.broadcast %reduce_max3A_741 : i1 to vector<16xi1>
      %reduce_max3A_743 = tpu.scan <max>, %select_n3A_739 masked %reduce_max3A_742 : vector<16xf32>, vector<16xi1> -> vector<16xf32>
      %reduce_max3A_744 = vector.extract %reduce_max3A_743[15] : f32 from vector<16xf32>
      %eq3A_745 = vector.broadcast %reduce_max3A_744 : f32 to vector<16xf32>
      %eq3A_746 = arith.cmpf oeq, %select_n3A_739, %eq3A_745 : vector<16xf32>
      %select_n3A_747 = arith.select %eq3A_746, %select_n3A_740, %broadcast_in_dim3A_5 : vector<16xi1>, vector<16xi32>
      %reduce_min3A_748 = arith.constant true
      %reduce_min3A_749 = vector.broadcast %reduce_min3A_748 : i1 to vector<16xi1>
      %reduce_min3A_750 = arith.constant -2147483648 : i32
      %reduce_min3A_751 = vector.broadcast %reduce_min3A_750 : i32 to vector<16xi32>
      %reduce_min3A_752 = arith.xori %select_n3A_747, %reduce_min3A_751 : vector<16xi32>
      %reduce_min3A_753 = tpu.scan <min>, %reduce_min3A_752 masked %reduce_min3A_749 : vector<16xi32>, vector<16xi1> -> vector<16xi32>
      %reduce_min3A_754 = arith.xori %reduce_min3A_753, %reduce_min3A_751 : vector<16xi32>
      %reduce_min3A_755 = vector.extract %reduce_min3A_754[15] : i32 from vector<16xi32>
      %eq3A_756 = arith.constant 6 : i32
      %eq3A_757 = vector.broadcast %eq3A_756 : i32 to vector<16xi32>
      %eq3A_758 = arith.cmpi eq, %iota3A, %eq3A_757 : vector<16xi32>
      %broadcast_in_dim3A_759 = vector.broadcast %reduce_min3A_755 : i32 to vector<16xi32>
      %select_n3A_760 = arith.select %eq3A_758, %broadcast_in_dim3A_759, %select_n3A_733 : vector<16xi1>, vector<16xi32>
      %get3A_761 = arith.constant 23 : i32
      %get3A_762 = arith.index_cast %get3A_761 : i32 to index
      %get3A_763 = arith.constant 984 : index
      %get3A_764 = tpu.vector_load %arg5[%get3A_762, %get3A_763] {strides = array<i32>} : memref<32x1000xf32, #tpu.memory_space<vmem>>, vector<16xf32>,
      %gt3A_765 = arith.cmpf ogt, %get3A_764, %parallel_loop3A_679#7 : vector<16xf32>
      %select_n3A_766 = arith.select %gt3A_765, %get3A_764, %parallel_loop3A_679#7 : vector<16xi1>, vector<16xf32>
      %select_n3A_767 = arith.select %gt3A_765, %add3A_8, %parallel_loop3A_679#8 : vector<16xi1>, vector<16xi32>
      %reduce_max3A_768 = arith.constant true
      %reduce_max3A_769 = vector.broadcast %reduce_max3A_768 : i1 to vector<16xi1>
      %reduce_max3A_770 = tpu.scan <max>, %select_n3A_766 masked %reduce_max3A_769 : vector<16xf32>, vector<16xi1> -> vector<16xf32>
      %reduce_max3A_771 = vector.extract %reduce_max3A_770[15] : f32 from vector<16xf32>
      %eq3A_772 = vector.broadcast %reduce_max3A_771 : f32 to vector<16xf32>
      %eq3A_773 = arith.cmpf oeq, %select_n3A_766, %eq3A_772 : vector<16xf32>
      %select_n3A_774 = arith.select %eq3A_773, %select_n3A_767, %broadcast_in_dim3A_5 : vector<16xi1>, vector<16xi32>
      %reduce_min3A_775 = arith.constant true
      %reduce_min3A_776 = vector.broadcast %reduce_min3A_775 : i1 to vector<16xi1>
      %reduce_min3A_777 = arith.constant -2147483648 : i32
      %reduce_min3A_778 = vector.broadcast %reduce_min3A_777 : i32 to vector<16xi32>
      %reduce_min3A_779 = arith.xori %select_n3A_774, %reduce_min3A_778 : vector<16xi32>
      %reduce_min3A_780 = tpu.scan <min>, %reduce_min3A_779 masked %reduce_min3A_776 : vector<16xi32>, vector<16xi1> -> vector<16xi32>
      %reduce_min3A_781 = arith.xori %reduce_min3A_780, %reduce_min3A_778 : vector<16xi32>
      %reduce_min3A_782 = vector.extract %reduce_min3A_781[15] : i32 from vector<16xi32>
      %eq3A_783 = arith.constant 7 : i32
      %eq3A_784 = vector.broadcast %eq3A_783 : i32 to vector<16xi32>
      %eq3A_785 = arith.cmpi eq, %iota3A, %eq3A_784 : vector<16xi32>
      %broadcast_in_dim3A_786 = vector.broadcast %reduce_min3A_782 : i32 to vector<16xi32>
      %select_n3A_787 = arith.select %eq3A_785, %broadcast_in_dim3A_786, %select_n3A_760 : vector<16xi1>, vector<16xi32>
      %broadcast_in_dim3A_788 = arith.constant 0 : i32
      %broadcast_in_dim3A_789 = vector.broadcast %broadcast_in_dim3A_788 : i32 to vector<16xi32>
      %broadcast_in_dim3A_790 = arith.constant 0 : i32
      %broadcast_in_dim3A_791 = vector.broadcast %broadcast_in_dim3A_790 : i32 to vector<16xi32>
      %broadcast_in_dim3A_792 = arith.constant 0 : i32
      %broadcast_in_dim3A_793 = vector.broadcast %broadcast_in_dim3A_792 : i32 to vector<16xi32>
      %broadcast_in_dim3A_794 = arith.constant 0 : i32
      %broadcast_in_dim3A_795 = vector.broadcast %broadcast_in_dim3A_794 : i32 to vector<16xi32>
      %parallel_loop3A_796 = arith.constant 0 : i32
      %parallel_loop3A_797 = arith.constant 62 : i32
      %parallel_loop3A_798 = arith.constant 1 : i32
      %parallel_loop3A_799:9 = scf.for %parallel_loop3A_2034 = %parallel_loop3A_796 to %parallel_loop3A_797 step %parallel_loop3A_798 iter_args(%parallel_loop3A_2035 = %iota3A, %parallel_loop3A_2036 = %broadcast_in_dim3A_3, %parallel_loop3A_2037 = %broadcast_in_dim3A_789, %parallel_loop3A_2038 = %broadcast_in_dim3A_3, %parallel_loop3A_2039 = %broadcast_in_dim3A_791, %parallel_loop3A_2040 = %broadcast_in_dim3A_3, %parallel_loop3A_2041 = %broadcast_in_dim3A_793, %parallel_loop3A_2042 = %broadcast_in_dim3A_3, %parallel_loop3A_2043 = %broadcast_in_dim3A_795) -> (vector<16xi32>, vector<16xf32>, vector<16xi32>, vector<16xf32>, vector<16xi32>, vector<16xf32>, vector<16xi32>, vector<16xf32>, vector<16xi32>)  : i32 {
        %parallel_loop3A_2044 = arith.constant 16 : i32
        %parallel_loop3A_2045 = arith.muli %parallel_loop3A_2034, %parallel_loop3A_2044 : i32
        %parallel_loop3A_2046 = arith.constant 24 : i32
        %parallel_loop3A_2047 = arith.index_cast %parallel_loop3A_2046 : i32 to index
        %parallel_loop3A_2048 = arith.index_cast %parallel_loop3A_2045 : i32 to index
        %parallel_loop3A_2049 = tpu.vector_load %arg5[%parallel_loop3A_2047, %parallel_loop3A_2048] {strides = array<i32>} : memref<32x1000xf32, #tpu.memory_space<vmem>>, vector<16xf32>,
        %parallel_loop3A_2050 = arith.cmpf ogt, %parallel_loop3A_2049, %parallel_loop3A_2036 : vector<16xf32>
        %parallel_loop3A_2051 = arith.select %parallel_loop3A_2050, %parallel_loop3A_2049, %parallel_loop3A_2036 : vector<16xi1>, vector<16xf32>
        %parallel_loop3A_2052 = arith.select %parallel_loop3A_2050, %parallel_loop3A_2035, %parallel_loop3A_2037 : vector<16xi1>, vector<16xi32>
        %parallel_loop3A_2053 = arith.constant 16 : i32
        %parallel_loop3A_2054 = arith.muli %parallel_loop3A_2034, %parallel_loop3A_2053 : i32
        %parallel_loop3A_2055 = arith.constant 25 : i32
        %parallel_loop3A_2056 = arith.index_cast %parallel_loop3A_2055 : i32 to index
        %parallel_loop3A_2057 = arith.index_cast %parallel_loop3A_2054 : i32 to index
        %parallel_loop3A_2058 = tpu.vector_load %arg5[%parallel_loop3A_2056, %parallel_loop3A_2057] {strides = array<i32>} : memref<32x1000xf32, #tpu.memory_space<vmem>>, vector<16xf32>,
        %parallel_loop3A_2059 = arith.cmpf ogt, %parallel_loop3A_2058, %parallel_loop3A_2038 : vector<16xf32>
        %parallel_loop3A_2060 = arith.select %parallel_loop3A_2059, %parallel_loop3A_2058, %parallel_loop3A_2038 : vector<16xi1>, vector<16xf32>
        %parallel_loop3A_2061 = arith.select %parallel_loop3A_2059, %parallel_loop3A_2035, %parallel_loop3A_2039 : vector<16xi1>, vector<16xi32>
        %parallel_loop3A_2062 = arith.constant 16 : i32
        %parallel_loop3A_2063 = arith.muli %parallel_loop3A_2034, %parallel_loop3A_2062 : i32
        %parallel_loop3A_2064 = arith.constant 26 : i32
        %parallel_loop3A_2065 = arith.index_cast %parallel_loop3A_2064 : i32 to index
        %parallel_loop3A_2066 = arith.index_cast %parallel_loop3A_2063 : i32 to index
        %parallel_loop3A_2067 = tpu.vector_load %arg5[%parallel_loop3A_2065, %parallel_loop3A_2066] {strides = array<i32>} : memref<32x1000xf32, #tpu.memory_space<vmem>>, vector<16xf32>,
        %parallel_loop3A_2068 = arith.cmpf ogt, %parallel_loop3A_2067, %parallel_loop3A_2040 : vector<16xf32>
        %parallel_loop3A_2069 = arith.select %parallel_loop3A_2068, %parallel_loop3A_2067, %parallel_loop3A_2040 : vector<16xi1>, vector<16xf32>
        %parallel_loop3A_2070 = arith.select %parallel_loop3A_2068, %parallel_loop3A_2035, %parallel_loop3A_2041 : vector<16xi1>, vector<16xi32>
        %parallel_loop3A_2071 = arith.constant 16 : i32
        %parallel_loop3A_2072 = arith.muli %parallel_loop3A_2034, %parallel_loop3A_2071 : i32
        %parallel_loop3A_2073 = arith.constant 27 : i32
        %parallel_loop3A_2074 = arith.index_cast %parallel_loop3A_2073 : i32 to index
        %parallel_loop3A_2075 = arith.index_cast %parallel_loop3A_2072 : i32 to index
        %parallel_loop3A_2076 = tpu.vector_load %arg5[%parallel_loop3A_2074, %parallel_loop3A_2075] {strides = array<i32>} : memref<32x1000xf32, #tpu.memory_space<vmem>>, vector<16xf32>,
        %parallel_loop3A_2077 = arith.cmpf ogt, %parallel_loop3A_2076, %parallel_loop3A_2042 : vector<16xf32>
        %parallel_loop3A_2078 = arith.select %parallel_loop3A_2077, %parallel_loop3A_2076, %parallel_loop3A_2042 : vector<16xi1>, vector<16xf32>
        %parallel_loop3A_2079 = arith.select %parallel_loop3A_2077, %parallel_loop3A_2035, %parallel_loop3A_2043 : vector<16xi1>, vector<16xi32>
        %parallel_loop3A_2080 = arith.constant 16 : i32
        %parallel_loop3A_2081 = vector.broadcast %parallel_loop3A_2080 : i32 to vector<16xi32>
        %parallel_loop3A_2082 = arith.addi %parallel_loop3A_2035, %parallel_loop3A_2081 : vector<16xi32>
        scf.yield %parallel_loop3A_2082, %parallel_loop3A_2051, %parallel_loop3A_2052, %parallel_loop3A_2060, %parallel_loop3A_2061, %parallel_loop3A_2069, %parallel_loop3A_2070, %parallel_loop3A_2078, %parallel_loop3A_2079 : vector<16xi32>, vector<16xf32>, vector<16xi32>, vector<16xf32>, vector<16xi32>, vector<16xf32>, vector<16xi32>, vector<16xf32>, vector<16xi32>
      } {sc.loop_unroll_factor = 2 : i64, sc.parallel_access}
      %get3A_800 = arith.constant 24 : i32
      %get3A_801 = arith.index_cast %get3A_800 : i32 to index
      %get3A_802 = arith.constant 984 : index
      %get3A_803 = tpu.vector_load %arg5[%get3A_801, %get3A_802] {strides = array<i32>} : memref<32x1000xf32, #tpu.memory_space<vmem>>, vector<16xf32>,
      %gt3A_804 = arith.cmpf ogt, %get3A_803, %parallel_loop3A_799#1 : vector<16xf32>
      %select_n3A_805 = arith.select %gt3A_804, %get3A_803, %parallel_loop3A_799#1 : vector<16xi1>, vector<16xf32>
      %select_n3A_806 = arith.select %gt3A_804, %add3A_8, %parallel_loop3A_799#2 : vector<16xi1>, vector<16xi32>
      %reduce_max3A_807 = arith.constant true
      %reduce_max3A_808 = vector.broadcast %reduce_max3A_807 : i1 to vector<16xi1>
      %reduce_max3A_809 = tpu.scan <max>, %select_n3A_805 masked %reduce_max3A_808 : vector<16xf32>, vector<16xi1> -> vector<16xf32>
      %reduce_max3A_810 = vector.extract %reduce_max3A_809[15] : f32 from vector<16xf32>
      %eq3A_811 = vector.broadcast %reduce_max3A_810 : f32 to vector<16xf32>
      %eq3A_812 = arith.cmpf oeq, %select_n3A_805, %eq3A_811 : vector<16xf32>
      %select_n3A_813 = arith.select %eq3A_812, %select_n3A_806, %broadcast_in_dim3A_5 : vector<16xi1>, vector<16xi32>
      %reduce_min3A_814 = arith.constant true
      %reduce_min3A_815 = vector.broadcast %reduce_min3A_814 : i1 to vector<16xi1>
      %reduce_min3A_816 = arith.constant -2147483648 : i32
      %reduce_min3A_817 = vector.broadcast %reduce_min3A_816 : i32 to vector<16xi32>
      %reduce_min3A_818 = arith.xori %select_n3A_813, %reduce_min3A_817 : vector<16xi32>
      %reduce_min3A_819 = tpu.scan <min>, %reduce_min3A_818 masked %reduce_min3A_815 : vector<16xi32>, vector<16xi1> -> vector<16xi32>
      %reduce_min3A_820 = arith.xori %reduce_min3A_819, %reduce_min3A_817 : vector<16xi32>
      %reduce_min3A_821 = vector.extract %reduce_min3A_820[15] : i32 from vector<16xi32>
      %eq3A_822 = arith.constant 8 : i32
      %eq3A_823 = vector.broadcast %eq3A_822 : i32 to vector<16xi32>
      %eq3A_824 = arith.cmpi eq, %iota3A, %eq3A_823 : vector<16xi32>
      %broadcast_in_dim3A_825 = vector.broadcast %reduce_min3A_821 : i32 to vector<16xi32>
      %select_n3A_826 = arith.select %eq3A_824, %broadcast_in_dim3A_825, %select_n3A_787 : vector<16xi1>, vector<16xi32>
      %get3A_827 = arith.constant 25 : i32
      %get3A_828 = arith.index_cast %get3A_827 : i32 to index
      %get3A_829 = arith.constant 984 : index
      %get3A_830 = tpu.vector_load %arg5[%get3A_828, %get3A_829] {strides = array<i32>} : memref<32x1000xf32, #tpu.memory_space<vmem>>, vector<16xf32>,
      %gt3A_831 = arith.cmpf ogt, %get3A_830, %parallel_loop3A_799#3 : vector<16xf32>
      %select_n3A_832 = arith.select %gt3A_831, %get3A_830, %parallel_loop3A_799#3 : vector<16xi1>, vector<16xf32>
      %select_n3A_833 = arith.select %gt3A_831, %add3A_8, %parallel_loop3A_799#4 : vector<16xi1>, vector<16xi32>
      %reduce_max3A_834 = arith.constant true
      %reduce_max3A_835 = vector.broadcast %reduce_max3A_834 : i1 to vector<16xi1>
      %reduce_max3A_836 = tpu.scan <max>, %select_n3A_832 masked %reduce_max3A_835 : vector<16xf32>, vector<16xi1> -> vector<16xf32>
      %reduce_max3A_837 = vector.extract %reduce_max3A_836[15] : f32 from vector<16xf32>
      %eq3A_838 = vector.broadcast %reduce_max3A_837 : f32 to vector<16xf32>
      %eq3A_839 = arith.cmpf oeq, %select_n3A_832, %eq3A_838 : vector<16xf32>
      %select_n3A_840 = arith.select %eq3A_839, %select_n3A_833, %broadcast_in_dim3A_5 : vector<16xi1>, vector<16xi32>
      %reduce_min3A_841 = arith.constant true
      %reduce_min3A_842 = vector.broadcast %reduce_min3A_841 : i1 to vector<16xi1>
      %reduce_min3A_843 = arith.constant -2147483648 : i32
      %reduce_min3A_844 = vector.broadcast %reduce_min3A_843 : i32 to vector<16xi32>
      %reduce_min3A_845 = arith.xori %select_n3A_840, %reduce_min3A_844 : vector<16xi32>
      %reduce_min3A_846 = tpu.scan <min>, %reduce_min3A_845 masked %reduce_min3A_842 : vector<16xi32>, vector<16xi1> -> vector<16xi32>
      %reduce_min3A_847 = arith.xori %reduce_min3A_846, %reduce_min3A_844 : vector<16xi32>
      %reduce_min3A_848 = vector.extract %reduce_min3A_847[15] : i32 from vector<16xi32>
      %eq3A_849 = arith.constant 9 : i32
      %eq3A_850 = vector.broadcast %eq3A_849 : i32 to vector<16xi32>
      %eq3A_851 = arith.cmpi eq, %iota3A, %eq3A_850 : vector<16xi32>
      %broadcast_in_dim3A_852 = vector.broadcast %reduce_min3A_848 : i32 to vector<16xi32>
      %select_n3A_853 = arith.select %eq3A_851, %broadcast_in_dim3A_852, %select_n3A_826 : vector<16xi1>, vector<16xi32>
      %get3A_854 = arith.constant 26 : i32
      %get3A_855 = arith.index_cast %get3A_854 : i32 to index
      %get3A_856 = arith.constant 984 : index
      %get3A_857 = tpu.vector_load %arg5[%get3A_855, %get3A_856] {strides = array<i32>} : memref<32x1000xf32, #tpu.memory_space<vmem>>, vector<16xf32>,
      %gt3A_858 = arith.cmpf ogt, %get3A_857, %parallel_loop3A_799#5 : vector<16xf32>
      %select_n3A_859 = arith.select %gt3A_858, %get3A_857, %parallel_loop3A_799#5 : vector<16xi1>, vector<16xf32>
      %select_n3A_860 = arith.select %gt3A_858, %add3A_8, %parallel_loop3A_799#6 : vector<16xi1>, vector<16xi32>
      %reduce_max3A_861 = arith.constant true
      %reduce_max3A_862 = vector.broadcast %reduce_max3A_861 : i1 to vector<16xi1>
      %reduce_max3A_863 = tpu.scan <max>, %select_n3A_859 masked %reduce_max3A_862 : vector<16xf32>, vector<16xi1> -> vector<16xf32>
      %reduce_max3A_864 = vector.extract %reduce_max3A_863[15] : f32 from vector<16xf32>
      %eq3A_865 = vector.broadcast %reduce_max3A_864 : f32 to vector<16xf32>
      %eq3A_866 = arith.cmpf oeq, %select_n3A_859, %eq3A_865 : vector<16xf32>
      %select_n3A_867 = arith.select %eq3A_866, %select_n3A_860, %broadcast_in_dim3A_5 : vector<16xi1>, vector<16xi32>
      %reduce_min3A_868 = arith.constant true
      %reduce_min3A_869 = vector.broadcast %reduce_min3A_868 : i1 to vector<16xi1>
      %reduce_min3A_870 = arith.constant -2147483648 : i32
      %reduce_min3A_871 = vector.broadcast %reduce_min3A_870 : i32 to vector<16xi32>
      %reduce_min3A_872 = arith.xori %select_n3A_867, %reduce_min3A_871 : vector<16xi32>
      %reduce_min3A_873 = tpu.scan <min>, %reduce_min3A_872 masked %reduce_min3A_869 : vector<16xi32>, vector<16xi1> -> vector<16xi32>
      %reduce_min3A_874 = arith.xori %reduce_min3A_873, %reduce_min3A_871 : vector<16xi32>
      %reduce_min3A_875 = vector.extract %reduce_min3A_874[15] : i32 from vector<16xi32>
      %eq3A_876 = arith.constant 10 : i32
      %eq3A_877 = vector.broadcast %eq3A_876 : i32 to vector<16xi32>
      %eq3A_878 = arith.cmpi eq, %iota3A, %eq3A_877 : vector<16xi32>
      %broadcast_in_dim3A_879 = vector.broadcast %reduce_min3A_875 : i32 to vector<16xi32>
      %select_n3A_880 = arith.select %eq3A_878, %broadcast_in_dim3A_879, %select_n3A_853 : vector<16xi1>, vector<16xi32>
      %get3A_881 = arith.constant 27 : i32
      %get3A_882 = arith.index_cast %get3A_881 : i32 to index
      %get3A_883 = arith.constant 984 : index
      %get3A_884 = tpu.vector_load %arg5[%get3A_882, %get3A_883] {strides = array<i32>} : memref<32x1000xf32, #tpu.memory_space<vmem>>, vector<16xf32>,
      %gt3A_885 = arith.cmpf ogt, %get3A_884, %parallel_loop3A_799#7 : vector<16xf32>
      %select_n3A_886 = arith.select %gt3A_885, %get3A_884, %parallel_loop3A_799#7 : vector<16xi1>, vector<16xf32>
      %select_n3A_887 = arith.select %gt3A_885, %add3A_8, %parallel_loop3A_799#8 : vector<16xi1>, vector<16xi32>
      %reduce_max3A_888 = arith.constant true
      %reduce_max3A_889 = vector.broadcast %reduce_max3A_888 : i1 to vector<16xi1>
      %reduce_max3A_890 = tpu.scan <max>, %select_n3A_886 masked %reduce_max3A_889 : vector<16xf32>, vector<16xi1> -> vector<16xf32>
      %reduce_max3A_891 = vector.extract %reduce_max3A_890[15] : f32 from vector<16xf32>
      %eq3A_892 = vector.broadcast %reduce_max3A_891 : f32 to vector<16xf32>
      %eq3A_893 = arith.cmpf oeq, %select_n3A_886, %eq3A_892 : vector<16xf32>
      %select_n3A_894 = arith.select %eq3A_893, %select_n3A_887, %broadcast_in_dim3A_5 : vector<16xi1>, vector<16xi32>
      %reduce_min3A_895 = arith.constant true
      %reduce_min3A_896 = vector.broadcast %reduce_min3A_895 : i1 to vector<16xi1>
      %reduce_min3A_897 = arith.constant -2147483648 : i32
      %reduce_min3A_898 = vector.broadcast %reduce_min3A_897 : i32 to vector<16xi32>
      %reduce_min3A_899 = arith.xori %select_n3A_894, %reduce_min3A_898 : vector<16xi32>
      %reduce_min3A_900 = tpu.scan <min>, %reduce_min3A_899 masked %reduce_min3A_896 : vector<16xi32>, vector<16xi1> -> vector<16xi32>
      %reduce_min3A_901 = arith.xori %reduce_min3A_900, %reduce_min3A_898 : vector<16xi32>
      %reduce_min3A_902 = vector.extract %reduce_min3A_901[15] : i32 from vector<16xi32>
      %eq3A_903 = arith.constant 11 : i32
      %eq3A_904 = vector.broadcast %eq3A_903 : i32 to vector<16xi32>
      %eq3A_905 = arith.cmpi eq, %iota3A, %eq3A_904 : vector<16xi32>
      %broadcast_in_dim3A_906 = vector.broadcast %reduce_min3A_902 : i32 to vector<16xi32>
      %select_n3A_907 = arith.select %eq3A_905, %broadcast_in_dim3A_906, %select_n3A_880 : vector<16xi1>, vector<16xi32>
      %broadcast_in_dim3A_908 = arith.constant 0 : i32
      %broadcast_in_dim3A_909 = vector.broadcast %broadcast_in_dim3A_908 : i32 to vector<16xi32>
      %broadcast_in_dim3A_910 = arith.constant 0 : i32
      %broadcast_in_dim3A_911 = vector.broadcast %broadcast_in_dim3A_910 : i32 to vector<16xi32>
      %broadcast_in_dim3A_912 = arith.constant 0 : i32
      %broadcast_in_dim3A_913 = vector.broadcast %broadcast_in_dim3A_912 : i32 to vector<16xi32>
      %broadcast_in_dim3A_914 = arith.constant 0 : i32
      %broadcast_in_dim3A_915 = vector.broadcast %broadcast_in_dim3A_914 : i32 to vector<16xi32>
      %parallel_loop3A_916 = arith.constant 0 : i32
      %parallel_loop3A_917 = arith.constant 62 : i32
      %parallel_loop3A_918 = arith.constant 1 : i32
      %parallel_loop3A_919:9 = scf.for %parallel_loop3A_2034 = %parallel_loop3A_916 to %parallel_loop3A_917 step %parallel_loop3A_918 iter_args(%parallel_loop3A_2035 = %iota3A, %parallel_loop3A_2036 = %broadcast_in_dim3A_3, %parallel_loop3A_2037 = %broadcast_in_dim3A_909, %parallel_loop3A_2038 = %broadcast_in_dim3A_3, %parallel_loop3A_2039 = %broadcast_in_dim3A_911, %parallel_loop3A_2040 = %broadcast_in_dim3A_3, %parallel_loop3A_2041 = %broadcast_in_dim3A_913, %parallel_loop3A_2042 = %broadcast_in_dim3A_3, %parallel_loop3A_2043 = %broadcast_in_dim3A_915) -> (vector<16xi32>, vector<16xf32>, vector<16xi32>, vector<16xf32>, vector<16xi32>, vector<16xf32>, vector<16xi32>, vector<16xf32>, vector<16xi32>)  : i32 {
        %parallel_loop3A_2044 = arith.constant 16 : i32
        %parallel_loop3A_2045 = arith.muli %parallel_loop3A_2034, %parallel_loop3A_2044 : i32
        %parallel_loop3A_2046 = arith.constant 28 : i32
        %parallel_loop3A_2047 = arith.index_cast %parallel_loop3A_2046 : i32 to index
        %parallel_loop3A_2048 = arith.index_cast %parallel_loop3A_2045 : i32 to index
        %parallel_loop3A_2049 = tpu.vector_load %arg5[%parallel_loop3A_2047, %parallel_loop3A_2048] {strides = array<i32>} : memref<32x1000xf32, #tpu.memory_space<vmem>>, vector<16xf32>,
        %parallel_loop3A_2050 = arith.cmpf ogt, %parallel_loop3A_2049, %parallel_loop3A_2036 : vector<16xf32>
        %parallel_loop3A_2051 = arith.select %parallel_loop3A_2050, %parallel_loop3A_2049, %parallel_loop3A_2036 : vector<16xi1>, vector<16xf32>
        %parallel_loop3A_2052 = arith.select %parallel_loop3A_2050, %parallel_loop3A_2035, %parallel_loop3A_2037 : vector<16xi1>, vector<16xi32>
        %parallel_loop3A_2053 = arith.constant 16 : i32
        %parallel_loop3A_2054 = arith.muli %parallel_loop3A_2034, %parallel_loop3A_2053 : i32
        %parallel_loop3A_2055 = arith.constant 29 : i32
        %parallel_loop3A_2056 = arith.index_cast %parallel_loop3A_2055 : i32 to index
        %parallel_loop3A_2057 = arith.index_cast %parallel_loop3A_2054 : i32 to index
        %parallel_loop3A_2058 = tpu.vector_load %arg5[%parallel_loop3A_2056, %parallel_loop3A_2057] {strides = array<i32>} : memref<32x1000xf32, #tpu.memory_space<vmem>>, vector<16xf32>,
        %parallel_loop3A_2059 = arith.cmpf ogt, %parallel_loop3A_2058, %parallel_loop3A_2038 : vector<16xf32>
        %parallel_loop3A_2060 = arith.select %parallel_loop3A_2059, %parallel_loop3A_2058, %parallel_loop3A_2038 : vector<16xi1>, vector<16xf32>
        %parallel_loop3A_2061 = arith.select %parallel_loop3A_2059, %parallel_loop3A_2035, %parallel_loop3A_2039 : vector<16xi1>, vector<16xi32>
        %parallel_loop3A_2062 = arith.constant 16 : i32
        %parallel_loop3A_2063 = arith.muli %parallel_loop3A_2034, %parallel_loop3A_2062 : i32
        %parallel_loop3A_2064 = arith.constant 30 : i32
        %parallel_loop3A_2065 = arith.index_cast %parallel_loop3A_2064 : i32 to index
        %parallel_loop3A_2066 = arith.index_cast %parallel_loop3A_2063 : i32 to index
        %parallel_loop3A_2067 = tpu.vector_load %arg5[%parallel_loop3A_2065, %parallel_loop3A_2066] {strides = array<i32>} : memref<32x1000xf32, #tpu.memory_space<vmem>>, vector<16xf32>,
        %parallel_loop3A_2068 = arith.cmpf ogt, %parallel_loop3A_2067, %parallel_loop3A_2040 : vector<16xf32>
        %parallel_loop3A_2069 = arith.select %parallel_loop3A_2068, %parallel_loop3A_2067, %parallel_loop3A_2040 : vector<16xi1>, vector<16xf32>
        %parallel_loop3A_2070 = arith.select %parallel_loop3A_2068, %parallel_loop3A_2035, %parallel_loop3A_2041 : vector<16xi1>, vector<16xi32>
        %parallel_loop3A_2071 = arith.constant 16 : i32
        %parallel_loop3A_2072 = arith.muli %parallel_loop3A_2034, %parallel_loop3A_2071 : i32
        %parallel_loop3A_2073 = arith.constant 31 : i32
        %parallel_loop3A_2074 = arith.index_cast %parallel_loop3A_2073 : i32 to index
        %parallel_loop3A_2075 = arith.index_cast %parallel_loop3A_2072 : i32 to index
        %parallel_loop3A_2076 = tpu.vector_load %arg5[%parallel_loop3A_2074, %parallel_loop3A_2075] {strides = array<i32>} : memref<32x1000xf32, #tpu.memory_space<vmem>>, vector<16xf32>,
        %parallel_loop3A_2077 = arith.cmpf ogt, %parallel_loop3A_2076, %parallel_loop3A_2042 : vector<16xf32>
        %parallel_loop3A_2078 = arith.select %parallel_loop3A_2077, %parallel_loop3A_2076, %parallel_loop3A_2042 : vector<16xi1>, vector<16xf32>
        %parallel_loop3A_2079 = arith.select %parallel_loop3A_2077, %parallel_loop3A_2035, %parallel_loop3A_2043 : vector<16xi1>, vector<16xi32>
        %parallel_loop3A_2080 = arith.constant 16 : i32
        %parallel_loop3A_2081 = vector.broadcast %parallel_loop3A_2080 : i32 to vector<16xi32>
        %parallel_loop3A_2082 = arith.addi %parallel_loop3A_2035, %parallel_loop3A_2081 : vector<16xi32>
        scf.yield %parallel_loop3A_2082, %parallel_loop3A_2051, %parallel_loop3A_2052, %parallel_loop3A_2060, %parallel_loop3A_2061, %parallel_loop3A_2069, %parallel_loop3A_2070, %parallel_loop3A_2078, %parallel_loop3A_2079 : vector<16xi32>, vector<16xf32>, vector<16xi32>, vector<16xf32>, vector<16xi32>, vector<16xf32>, vector<16xi32>, vector<16xf32>, vector<16xi32>
      } {sc.loop_unroll_factor = 2 : i64, sc.parallel_access}
      %get3A_920 = arith.constant 28 : i32
      %get3A_921 = arith.index_cast %get3A_920 : i32 to index
      %get3A_922 = arith.constant 984 : index
      %get3A_923 = tpu.vector_load %arg5[%get3A_921, %get3A_922] {strides = array<i32>} : memref<32x1000xf32, #tpu.memory_space<vmem>>, vector<16xf32>,
      %gt3A_924 = arith.cmpf ogt, %get3A_923, %parallel_loop3A_919#1 : vector<16xf32>
      %select_n3A_925 = arith.select %gt3A_924, %get3A_923, %parallel_loop3A_919#1 : vector<16xi1>, vector<16xf32>
      %select_n3A_926 = arith.select %gt3A_924, %add3A_8, %parallel_loop3A_919#2 : vector<16xi1>, vector<16xi32>
      %reduce_max3A_927 = arith.constant true
      %reduce_max3A_928 = vector.broadcast %reduce_max3A_927 : i1 to vector<16xi1>
      %reduce_max3A_929 = tpu.scan <max>, %select_n3A_925 masked %reduce_max3A_928 : vector<16xf32>, vector<16xi1> -> vector<16xf32>
      %reduce_max3A_930 = vector.extract %reduce_max3A_929[15] : f32 from vector<16xf32>
      %eq3A_931 = vector.broadcast %reduce_max3A_930 : f32 to vector<16xf32>
      %eq3A_932 = arith.cmpf oeq, %select_n3A_925, %eq3A_931 : vector<16xf32>
      %select_n3A_933 = arith.select %eq3A_932, %select_n3A_926, %broadcast_in_dim3A_5 : vector<16xi1>, vector<16xi32>
      %reduce_min3A_934 = arith.constant true
      %reduce_min3A_935 = vector.broadcast %reduce_min3A_934 : i1 to vector<16xi1>
      %reduce_min3A_936 = arith.constant -2147483648 : i32
      %reduce_min3A_937 = vector.broadcast %reduce_min3A_936 : i32 to vector<16xi32>
      %reduce_min3A_938 = arith.xori %select_n3A_933, %reduce_min3A_937 : vector<16xi32>
      %reduce_min3A_939 = tpu.scan <min>, %reduce_min3A_938 masked %reduce_min3A_935 : vector<16xi32>, vector<16xi1> -> vector<16xi32>
      %reduce_min3A_940 = arith.xori %reduce_min3A_939, %reduce_min3A_937 : vector<16xi32>
      %reduce_min3A_941 = vector.extract %reduce_min3A_940[15] : i32 from vector<16xi32>
      %eq3A_942 = arith.constant 12 : i32
      %eq3A_943 = vector.broadcast %eq3A_942 : i32 to vector<16xi32>
      %eq3A_944 = arith.cmpi eq, %iota3A, %eq3A_943 : vector<16xi32>
      %broadcast_in_dim3A_945 = vector.broadcast %reduce_min3A_941 : i32 to vector<16xi32>
      %select_n3A_946 = arith.select %eq3A_944, %broadcast_in_dim3A_945, %select_n3A_907 : vector<16xi1>, vector<16xi32>
      %get3A_947 = arith.constant 29 : i32
      %get3A_948 = arith.index_cast %get3A_947 : i32 to index
      %get3A_949 = arith.constant 984 : index
      %get3A_950 = tpu.vector_load %arg5[%get3A_948, %get3A_949] {strides = array<i32>} : memref<32x1000xf32, #tpu.memory_space<vmem>>, vector<16xf32>,
      %gt3A_951 = arith.cmpf ogt, %get3A_950, %parallel_loop3A_919#3 : vector<16xf32>
      %select_n3A_952 = arith.select %gt3A_951, %get3A_950, %parallel_loop3A_919#3 : vector<16xi1>, vector<16xf32>
      %select_n3A_953 = arith.select %gt3A_951, %add3A_8, %parallel_loop3A_919#4 : vector<16xi1>, vector<16xi32>
      %reduce_max3A_954 = arith.constant true
      %reduce_max3A_955 = vector.broadcast %reduce_max3A_954 : i1 to vector<16xi1>
      %reduce_max3A_956 = tpu.scan <max>, %select_n3A_952 masked %reduce_max3A_955 : vector<16xf32>, vector<16xi1> -> vector<16xf32>
      %reduce_max3A_957 = vector.extract %reduce_max3A_956[15] : f32 from vector<16xf32>
      %eq3A_958 = vector.broadcast %reduce_max3A_957 : f32 to vector<16xf32>
      %eq3A_959 = arith.cmpf oeq, %select_n3A_952, %eq3A_958 : vector<16xf32>
      %select_n3A_960 = arith.select %eq3A_959, %select_n3A_953, %broadcast_in_dim3A_5 : vector<16xi1>, vector<16xi32>
      %reduce_min3A_961 = arith.constant true
      %reduce_min3A_962 = vector.broadcast %reduce_min3A_961 : i1 to vector<16xi1>
      %reduce_min3A_963 = arith.constant -2147483648 : i32
      %reduce_min3A_964 = vector.broadcast %reduce_min3A_963 : i32 to vector<16xi32>
      %reduce_min3A_965 = arith.xori %select_n3A_960, %reduce_min3A_964 : vector<16xi32>
      %reduce_min3A_966 = tpu.scan <min>, %reduce_min3A_965 masked %reduce_min3A_962 : vector<16xi32>, vector<16xi1> -> vector<16xi32>
      %reduce_min3A_967 = arith.xori %reduce_min3A_966, %reduce_min3A_964 : vector<16xi32>
      %reduce_min3A_968 = vector.extract %reduce_min3A_967[15] : i32 from vector<16xi32>
      %eq3A_969 = arith.constant 13 : i32
      %eq3A_970 = vector.broadcast %eq3A_969 : i32 to vector<16xi32>
      %eq3A_971 = arith.cmpi eq, %iota3A, %eq3A_970 : vector<16xi32>
      %broadcast_in_dim3A_972 = vector.broadcast %reduce_min3A_968 : i32 to vector<16xi32>
      %select_n3A_973 = arith.select %eq3A_971, %broadcast_in_dim3A_972, %select_n3A_946 : vector<16xi1>, vector<16xi32>
      %get3A_974 = arith.constant 30 : i32
      %get3A_975 = arith.index_cast %get3A_974 : i32 to index
      %get3A_976 = arith.constant 984 : index
      %get3A_977 = tpu.vector_load %arg5[%get3A_975, %get3A_976] {strides = array<i32>} : memref<32x1000xf32, #tpu.memory_space<vmem>>, vector<16xf32>,
      %gt3A_978 = arith.cmpf ogt, %get3A_977, %parallel_loop3A_919#5 : vector<16xf32>
      %select_n3A_979 = arith.select %gt3A_978, %get3A_977, %parallel_loop3A_919#5 : vector<16xi1>, vector<16xf32>
      %select_n3A_980 = arith.select %gt3A_978, %add3A_8, %parallel_loop3A_919#6 : vector<16xi1>, vector<16xi32>
      %reduce_max3A_981 = arith.constant true
      %reduce_max3A_982 = vector.broadcast %reduce_max3A_981 : i1 to vector<16xi1>
      %reduce_max3A_983 = tpu.scan <max>, %select_n3A_979 masked %reduce_max3A_982 : vector<16xf32>, vector<16xi1> -> vector<16xf32>
      %reduce_max3A_984 = vector.extract %reduce_max3A_983[15] : f32 from vector<16xf32>
      %eq3A_985 = vector.broadcast %reduce_max3A_984 : f32 to vector<16xf32>
      %eq3A_986 = arith.cmpf oeq, %select_n3A_979, %eq3A_985 : vector<16xf32>
      %select_n3A_987 = arith.select %eq3A_986, %select_n3A_980, %broadcast_in_dim3A_5 : vector<16xi1>, vector<16xi32>
      %reduce_min3A_988 = arith.constant true
      %reduce_min3A_989 = vector.broadcast %reduce_min3A_988 : i1 to vector<16xi1>
      %reduce_min3A_990 = arith.constant -2147483648 : i32
      %reduce_min3A_991 = vector.broadcast %reduce_min3A_990 : i32 to vector<16xi32>
      %reduce_min3A_992 = arith.xori %select_n3A_987, %reduce_min3A_991 : vector<16xi32>
      %reduce_min3A_993 = tpu.scan <min>, %reduce_min3A_992 masked %reduce_min3A_989 : vector<16xi32>, vector<16xi1> -> vector<16xi32>
      %reduce_min3A_994 = arith.xori %reduce_min3A_993, %reduce_min3A_991 : vector<16xi32>
      %reduce_min3A_995 = vector.extract %reduce_min3A_994[15] : i32 from vector<16xi32>
      %eq3A_996 = arith.constant 14 : i32
      %eq3A_997 = vector.broadcast %eq3A_996 : i32 to vector<16xi32>
      %eq3A_998 = arith.cmpi eq, %iota3A, %eq3A_997 : vector<16xi32>
      %broadcast_in_dim3A_999 = vector.broadcast %reduce_min3A_995 : i32 to vector<16xi32>
      %select_n3A_1000 = arith.select %eq3A_998, %broadcast_in_dim3A_999, %select_n3A_973 : vector<16xi1>, vector<16xi32>
      %get3A_1001 = arith.constant 31 : i32
      %get3A_1002 = arith.index_cast %get3A_1001 : i32 to index
      %get3A_1003 = arith.constant 984 : index
      %get3A_1004 = tpu.vector_load %arg5[%get3A_1002, %get3A_1003] {strides = array<i32>} : memref<32x1000xf32, #tpu.memory_space<vmem>>, vector<16xf32>,
      %gt3A_1005 = arith.cmpf ogt, %get3A_1004, %parallel_loop3A_919#7 : vector<16xf32>
      %select_n3A_1006 = arith.select %gt3A_1005, %get3A_1004, %parallel_loop3A_919#7 : vector<16xi1>, vector<16xf32>
      %select_n3A_1007 = arith.select %gt3A_1005, %add3A_8, %parallel_loop3A_919#8 : vector<16xi1>, vector<16xi32>
      %reduce_max3A_1008 = arith.constant true
      %reduce_max3A_1009 = vector.broadcast %reduce_max3A_1008 : i1 to vector<16xi1>
      %reduce_max3A_1010 = tpu.scan <max>, %select_n3A_1006 masked %reduce_max3A_1009 : vector<16xf32>, vector<16xi1> -> vector<16xf32>
      %reduce_max3A_1011 = vector.extract %reduce_max3A_1010[15] : f32 from vector<16xf32>
      %eq3A_1012 = vector.broadcast %reduce_max3A_1011 : f32 to vector<16xf32>
      %eq3A_1013 = arith.cmpf oeq, %select_n3A_1006, %eq3A_1012 : vector<16xf32>
      %select_n3A_1014 = arith.select %eq3A_1013, %select_n3A_1007, %broadcast_in_dim3A_5 : vector<16xi1>, vector<16xi32>
      %reduce_min3A_1015 = arith.constant true
      %reduce_min3A_1016 = vector.broadcast %reduce_min3A_1015 : i1 to vector<16xi1>
      %reduce_min3A_1017 = arith.constant -2147483648 : i32
      %reduce_min3A_1018 = vector.broadcast %reduce_min3A_1017 : i32 to vector<16xi32>
      %reduce_min3A_1019 = arith.xori %select_n3A_1014, %reduce_min3A_1018 : vector<16xi32>
      %reduce_min3A_1020 = tpu.scan <min>, %reduce_min3A_1019 masked %reduce_min3A_1016 : vector<16xi32>, vector<16xi1> -> vector<16xi32>
      %reduce_min3A_1021 = arith.xori %reduce_min3A_1020, %reduce_min3A_1018 : vector<16xi32>
      %reduce_min3A_1022 = vector.extract %reduce_min3A_1021[15] : i32 from vector<16xi32>
      %eq3A_1023 = arith.constant 15 : i32
      %eq3A_1024 = vector.broadcast %eq3A_1023 : i32 to vector<16xi32>
      %eq3A_1025 = arith.cmpi eq, %iota3A, %eq3A_1024 : vector<16xi32>
      %broadcast_in_dim3A_1026 = vector.broadcast %reduce_min3A_1022 : i32 to vector<16xi32>
      %select_n3A_1027 = arith.select %eq3A_1025, %broadcast_in_dim3A_1026, %select_n3A_1000 : vector<16xi1>, vector<16xi32>
      %mul3A_1028 = arith.constant 32 : i32
      %mul3A_1029 = arith.muli %add3A_56, %mul3A_1028 : i32
      %add3A_1030 = arith.constant 16 : i32
      %add3A_1031 = arith.addi %mul3A_1029, %add3A_1030 : i32
      %swap3A_1032 = arith.index_cast %add3A_1031 : i32 to index
      %swap3A_1033 = tpu.vector_load %arg7[%swap3A_1032] {strides = array<i32>} : memref<256xi32, #tpu.memory_space<vmem>>, vector<16xi32>,
      tpu.vector_store %arg7[%swap3A_1032], %select_n3A_1027 {strides = array<i32>} : memref<256xi32, #tpu.memory_space<vmem>>, vector<16xi32>,
      %add3A_1034 = arith.constant 2 : i32
      %add3A_1035 = arith.addi %add3A_56, %add3A_1034 : i32
      %lt3A = arith.constant 8 : i32
      %lt3A_1036 = arith.cmpi slt, %add3A_1035, %lt3A : i32
      %convert_element_type3A = arith.extui %lt3A_1036 : i1 to i32
      %cond3A = arith.constant 0 : i32
      %cond3A_1037 = arith.cmpi ne, %convert_element_type3A, %cond3A : i32
      scf.if %cond3A_1037 {
        %add3A_2034 = arith.constant 2 : i32
        %add3A_2035 = arith.addi %add3A_56, %add3A_2034 : i32
        %add3A_2036 = arith.constant 8192 : i32
        %add3A_2037 = arith.addi %add3A_2036, %mul3A_2 : i32
        %mul3A_2038 = arith.constant 32 : i32
        %mul3A_2039 = arith.muli %add3A_2035, %mul3A_2038 : i32
        %add3A_2040 = arith.addi %add3A_2037, %mul3A_2039 : i32
        %dma_start3A_2041 = arith.constant 0 : i32
        %dma_start3A_2042 = tpu.memref_slice %arg2[%add3A_2040, %dma_start3A_2041] : memref<16384x1000xf32, #tpu.memory_space<hbm>> -> memref<32x1000xf32, #tpu.memory_space<hbm>>
        %dma_start3A_2043 = arith.constant 0 : i32
        %dma_start3A_2044 = tpu.memref_slice %arg2[%add3A_2040, %dma_start3A_2043] : memref<16384x1000xf32, #tpu.memory_space<hbm>> -> memref<32x1000xf32, #tpu.memory_space<hbm>>
        tpu.enqueue_dma source(%dma_start3A_2044 : memref<32x1000xf32, #tpu.memory_space<hbm>>) target(%arg5 : memref<32x1000xf32, #tpu.memory_space<vmem>>) target_semaphore(%arg9 : memref<!tpu.dma_semaphore, #tpu.memory_space<semaphore_mem>>)
      } else {
      }
      %mul3A_1038 = arith.constant 2 : i32
      %mul3A_1039 = arith.muli %scan3A_52, %mul3A_1038 : i32
      %add3A_1040 = arith.constant 1 : i32
      %add3A_1041 = arith.addi %mul3A_1039, %add3A_1040 : i32
      %add3A_1042 = arith.constant 8192 : i32
      %add3A_1043 = arith.addi %add3A_1042, %mul3A_2 : i32
      %mul3A_1044 = arith.constant 32 : i32
      %mul3A_1045 = arith.muli %add3A_1041, %mul3A_1044 : i32
      %add3A_1046 = arith.addi %add3A_1043, %mul3A_1045 : i32
      %dma_wait3A_1047 = arith.constant 0 : i32
      %dma_wait3A_1048 = tpu.memref_slice %arg2[%add3A_1046, %dma_wait3A_1047] : memref<16384x1000xf32, #tpu.memory_space<hbm>> -> memref<32x1000xf32, #tpu.memory_space<hbm>>
      %dma_wait3A_1049 = arith.constant 0 : i32
      %dma_wait3A_1050 = tpu.memref_slice %arg2[%add3A_1046, %dma_wait3A_1049] : memref<16384x1000xf32, #tpu.memory_space<hbm>> -> memref<32x1000xf32, #tpu.memory_space<hbm>>
      tpu.wait_dma2 semaphore(%arg10 : memref<!tpu.dma_semaphore, #tpu.memory_space<semaphore_mem>>) src(%dma_wait3A_1050 : memref<32x1000xf32, #tpu.memory_space<hbm>>) dst(%arg6 : memref<32x1000xf32, #tpu.memory_space<vmem>>)
      %broadcast_in_dim3A_1051 = arith.constant 0 : i32
      %broadcast_in_dim3A_1052 = vector.broadcast %broadcast_in_dim3A_1051 : i32 to vector<16xi32>
      %broadcast_in_dim3A_1053 = arith.constant 0 : i32
      %broadcast_in_dim3A_1054 = vector.broadcast %broadcast_in_dim3A_1053 : i32 to vector<16xi32>
      %broadcast_in_dim3A_1055 = arith.constant 0 : i32
      %broadcast_in_dim3A_1056 = vector.broadcast %broadcast_in_dim3A_1055 : i32 to vector<16xi32>
      %broadcast_in_dim3A_1057 = arith.constant 0 : i32
      %broadcast_in_dim3A_1058 = vector.broadcast %broadcast_in_dim3A_1057 : i32 to vector<16xi32>
      %broadcast_in_dim3A_1059 = arith.constant 0 : i32
      %broadcast_in_dim3A_1060 = vector.broadcast %broadcast_in_dim3A_1059 : i32 to vector<16xi32>
      %parallel_loop3A_1061 = arith.constant 0 : i32
      %parallel_loop3A_1062 = arith.constant 62 : i32
      %parallel_loop3A_1063 = arith.constant 1 : i32
      %parallel_loop3A_1064:9 = scf.for %parallel_loop3A_2034 = %parallel_loop3A_1061 to %parallel_loop3A_1062 step %parallel_loop3A_1063 iter_args(%parallel_loop3A_2035 = %iota3A, %parallel_loop3A_2036 = %broadcast_in_dim3A_3, %parallel_loop3A_2037 = %broadcast_in_dim3A_1054, %parallel_loop3A_2038 = %broadcast_in_dim3A_3, %parallel_loop3A_2039 = %broadcast_in_dim3A_1056, %parallel_loop3A_2040 = %broadcast_in_dim3A_3, %parallel_loop3A_2041 = %broadcast_in_dim3A_1058, %parallel_loop3A_2042 = %broadcast_in_dim3A_3, %parallel_loop3A_2043 = %broadcast_in_dim3A_1060) -> (vector<16xi32>, vector<16xf32>, vector<16xi32>, vector<16xf32>, vector<16xi32>, vector<16xf32>, vector<16xi32>, vector<16xf32>, vector<16xi32>)  : i32 {
        %parallel_loop3A_2044 = arith.constant 16 : i32
        %parallel_loop3A_2045 = arith.muli %parallel_loop3A_2034, %parallel_loop3A_2044 : i32
        %parallel_loop3A_2046 = arith.constant 0 : i32
        %parallel_loop3A_2047 = arith.index_cast %parallel_loop3A_2046 : i32 to index
        %parallel_loop3A_2048 = arith.index_cast %parallel_loop3A_2045 : i32 to index
        %parallel_loop3A_2049 = tpu.vector_load %arg6[%parallel_loop3A_2047, %parallel_loop3A_2048] {strides = array<i32>} : memref<32x1000xf32, #tpu.memory_space<vmem>>, vector<16xf32>,
        %parallel_loop3A_2050 = arith.cmpf ogt, %parallel_loop3A_2049, %parallel_loop3A_2036 : vector<16xf32>
        %parallel_loop3A_2051 = arith.select %parallel_loop3A_2050, %parallel_loop3A_2049, %parallel_loop3A_2036 : vector<16xi1>, vector<16xf32>
        %parallel_loop3A_2052 = arith.select %parallel_loop3A_2050, %parallel_loop3A_2035, %parallel_loop3A_2037 : vector<16xi1>, vector<16xi32>
        %parallel_loop3A_2053 = arith.constant 16 : i32
        %parallel_loop3A_2054 = arith.muli %parallel_loop3A_2034, %parallel_loop3A_2053 : i32
        %parallel_loop3A_2055 = arith.constant 1 : i32
        %parallel_loop3A_2056 = arith.index_cast %parallel_loop3A_2055 : i32 to index
        %parallel_loop3A_2057 = arith.index_cast %parallel_loop3A_2054 : i32 to index
        %parallel_loop3A_2058 = tpu.vector_load %arg6[%parallel_loop3A_2056, %parallel_loop3A_2057] {strides = array<i32>} : memref<32x1000xf32, #tpu.memory_space<vmem>>, vector<16xf32>,
        %parallel_loop3A_2059 = arith.cmpf ogt, %parallel_loop3A_2058, %parallel_loop3A_2038 : vector<16xf32>
        %parallel_loop3A_2060 = arith.select %parallel_loop3A_2059, %parallel_loop3A_2058, %parallel_loop3A_2038 : vector<16xi1>, vector<16xf32>
        %parallel_loop3A_2061 = arith.select %parallel_loop3A_2059, %parallel_loop3A_2035, %parallel_loop3A_2039 : vector<16xi1>, vector<16xi32>
        %parallel_loop3A_2062 = arith.constant 16 : i32
        %parallel_loop3A_2063 = arith.muli %parallel_loop3A_2034, %parallel_loop3A_2062 : i32
        %parallel_loop3A_2064 = arith.constant 2 : i32
        %parallel_loop3A_2065 = arith.index_cast %parallel_loop3A_2064 : i32 to index
        %parallel_loop3A_2066 = arith.index_cast %parallel_loop3A_2063 : i32 to index
        %parallel_loop3A_2067 = tpu.vector_load %arg6[%parallel_loop3A_2065, %parallel_loop3A_2066] {strides = array<i32>} : memref<32x1000xf32, #tpu.memory_space<vmem>>, vector<16xf32>,
        %parallel_loop3A_2068 = arith.cmpf ogt, %parallel_loop3A_2067, %parallel_loop3A_2040 : vector<16xf32>
        %parallel_loop3A_2069 = arith.select %parallel_loop3A_2068, %parallel_loop3A_2067, %parallel_loop3A_2040 : vector<16xi1>, vector<16xf32>
        %parallel_loop3A_2070 = arith.select %parallel_loop3A_2068, %parallel_loop3A_2035, %parallel_loop3A_2041 : vector<16xi1>, vector<16xi32>
        %parallel_loop3A_2071 = arith.constant 16 : i32
        %parallel_loop3A_2072 = arith.muli %parallel_loop3A_2034, %parallel_loop3A_2071 : i32
        %parallel_loop3A_2073 = arith.constant 3 : i32
        %parallel_loop3A_2074 = arith.index_cast %parallel_loop3A_2073 : i32 to index
        %parallel_loop3A_2075 = arith.index_cast %parallel_loop3A_2072 : i32 to index
        %parallel_loop3A_2076 = tpu.vector_load %arg6[%parallel_loop3A_2074, %parallel_loop3A_2075] {strides = array<i32>} : memref<32x1000xf32, #tpu.memory_space<vmem>>, vector<16xf32>,
        %parallel_loop3A_2077 = arith.cmpf ogt, %parallel_loop3A_2076, %parallel_loop3A_2042 : vector<16xf32>
        %parallel_loop3A_2078 = arith.select %parallel_loop3A_2077, %parallel_loop3A_2076, %parallel_loop3A_2042 : vector<16xi1>, vector<16xf32>
        %parallel_loop3A_2079 = arith.select %parallel_loop3A_2077, %parallel_loop3A_2035, %parallel_loop3A_2043 : vector<16xi1>, vector<16xi32>
        %parallel_loop3A_2080 = arith.constant 16 : i32
        %parallel_loop3A_2081 = vector.broadcast %parallel_loop3A_2080 : i32 to vector<16xi32>
        %parallel_loop3A_2082 = arith.addi %parallel_loop3A_2035, %parallel_loop3A_2081 : vector<16xi32>
        scf.yield %parallel_loop3A_2082, %parallel_loop3A_2051, %parallel_loop3A_2052, %parallel_loop3A_2060, %parallel_loop3A_2061, %parallel_loop3A_2069, %parallel_loop3A_2070, %parallel_loop3A_2078, %parallel_loop3A_2079 : vector<16xi32>, vector<16xf32>, vector<16xi32>, vector<16xf32>, vector<16xi32>, vector<16xf32>, vector<16xi32>, vector<16xf32>, vector<16xi32>
      } {sc.loop_unroll_factor = 2 : i64, sc.parallel_access}
      %get3A_1065 = arith.constant 0 : i32
      %get3A_1066 = arith.index_cast %get3A_1065 : i32 to index
      %get3A_1067 = arith.constant 984 : index
      %get3A_1068 = tpu.vector_load %arg6[%get3A_1066, %get3A_1067] {strides = array<i32>} : memref<32x1000xf32, #tpu.memory_space<vmem>>, vector<16xf32>,
      %gt3A_1069 = arith.cmpf ogt, %get3A_1068, %parallel_loop3A_1064#1 : vector<16xf32>
      %select_n3A_1070 = arith.select %gt3A_1069, %get3A_1068, %parallel_loop3A_1064#1 : vector<16xi1>, vector<16xf32>
      %select_n3A_1071 = arith.select %gt3A_1069, %add3A_8, %parallel_loop3A_1064#2 : vector<16xi1>, vector<16xi32>
      %reduce_max3A_1072 = arith.constant true
      %reduce_max3A_1073 = vector.broadcast %reduce_max3A_1072 : i1 to vector<16xi1>
      %reduce_max3A_1074 = tpu.scan <max>, %select_n3A_1070 masked %reduce_max3A_1073 : vector<16xf32>, vector<16xi1> -> vector<16xf32>
      %reduce_max3A_1075 = vector.extract %reduce_max3A_1074[15] : f32 from vector<16xf32>
      %eq3A_1076 = vector.broadcast %reduce_max3A_1075 : f32 to vector<16xf32>
      %eq3A_1077 = arith.cmpf oeq, %select_n3A_1070, %eq3A_1076 : vector<16xf32>
      %select_n3A_1078 = arith.select %eq3A_1077, %select_n3A_1071, %broadcast_in_dim3A_5 : vector<16xi1>, vector<16xi32>
      %reduce_min3A_1079 = arith.constant true
      %reduce_min3A_1080 = vector.broadcast %reduce_min3A_1079 : i1 to vector<16xi1>
      %reduce_min3A_1081 = arith.constant -2147483648 : i32
      %reduce_min3A_1082 = vector.broadcast %reduce_min3A_1081 : i32 to vector<16xi32>
      %reduce_min3A_1083 = arith.xori %select_n3A_1078, %reduce_min3A_1082 : vector<16xi32>
      %reduce_min3A_1084 = tpu.scan <min>, %reduce_min3A_1083 masked %reduce_min3A_1080 : vector<16xi32>, vector<16xi1> -> vector<16xi32>
      %reduce_min3A_1085 = arith.xori %reduce_min3A_1084, %reduce_min3A_1082 : vector<16xi32>
      %reduce_min3A_1086 = vector.extract %reduce_min3A_1085[15] : i32 from vector<16xi32>
      %eq3A_1087 = arith.constant 0 : i32
      %eq3A_1088 = vector.broadcast %eq3A_1087 : i32 to vector<16xi32>
      %eq3A_1089 = arith.cmpi eq, %iota3A, %eq3A_1088 : vector<16xi32>
      %broadcast_in_dim3A_1090 = vector.broadcast %reduce_min3A_1086 : i32 to vector<16xi32>
      %select_n3A_1091 = arith.select %eq3A_1089, %broadcast_in_dim3A_1090, %broadcast_in_dim3A_1052 : vector<16xi1>, vector<16xi32>
      %get3A_1092 = arith.constant 1 : i32
      %get3A_1093 = arith.index_cast %get3A_1092 : i32 to index
      %get3A_1094 = arith.constant 984 : index
      %get3A_1095 = tpu.vector_load %arg6[%get3A_1093, %get3A_1094] {strides = array<i32>} : memref<32x1000xf32, #tpu.memory_space<vmem>>, vector<16xf32>,
      %gt3A_1096 = arith.cmpf ogt, %get3A_1095, %parallel_loop3A_1064#3 : vector<16xf32>
      %select_n3A_1097 = arith.select %gt3A_1096, %get3A_1095, %parallel_loop3A_1064#3 : vector<16xi1>, vector<16xf32>
      %select_n3A_1098 = arith.select %gt3A_1096, %add3A_8, %parallel_loop3A_1064#4 : vector<16xi1>, vector<16xi32>
      %reduce_max3A_1099 = arith.constant true
      %reduce_max3A_1100 = vector.broadcast %reduce_max3A_1099 : i1 to vector<16xi1>
      %reduce_max3A_1101 = tpu.scan <max>, %select_n3A_1097 masked %reduce_max3A_1100 : vector<16xf32>, vector<16xi1> -> vector<16xf32>
      %reduce_max3A_1102 = vector.extract %reduce_max3A_1101[15] : f32 from vector<16xf32>
      %eq3A_1103 = vector.broadcast %reduce_max3A_1102 : f32 to vector<16xf32>
      %eq3A_1104 = arith.cmpf oeq, %select_n3A_1097, %eq3A_1103 : vector<16xf32>
      %select_n3A_1105 = arith.select %eq3A_1104, %select_n3A_1098, %broadcast_in_dim3A_5 : vector<16xi1>, vector<16xi32>
      %reduce_min3A_1106 = arith.constant true
      %reduce_min3A_1107 = vector.broadcast %reduce_min3A_1106 : i1 to vector<16xi1>
      %reduce_min3A_1108 = arith.constant -2147483648 : i32
      %reduce_min3A_1109 = vector.broadcast %reduce_min3A_1108 : i32 to vector<16xi32>
      %reduce_min3A_1110 = arith.xori %select_n3A_1105, %reduce_min3A_1109 : vector<16xi32>
      %reduce_min3A_1111 = tpu.scan <min>, %reduce_min3A_1110 masked %reduce_min3A_1107 : vector<16xi32>, vector<16xi1> -> vector<16xi32>
      %reduce_min3A_1112 = arith.xori %reduce_min3A_1111, %reduce_min3A_1109 : vector<16xi32>
      %reduce_min3A_1113 = vector.extract %reduce_min3A_1112[15] : i32 from vector<16xi32>
      %eq3A_1114 = arith.constant 1 : i32
      %eq3A_1115 = vector.broadcast %eq3A_1114 : i32 to vector<16xi32>
      %eq3A_1116 = arith.cmpi eq, %iota3A, %eq3A_1115 : vector<16xi32>
      %broadcast_in_dim3A_1117 = vector.broadcast %reduce_min3A_1113 : i32 to vector<16xi32>
      %select_n3A_1118 = arith.select %eq3A_1116, %broadcast_in_dim3A_1117, %select_n3A_1091 : vector<16xi1>, vector<16xi32>
      %get3A_1119 = arith.constant 2 : i32
      %get3A_1120 = arith.index_cast %get3A_1119 : i32 to index
      %get3A_1121 = arith.constant 984 : index
      %get3A_1122 = tpu.vector_load %arg6[%get3A_1120, %get3A_1121] {strides = array<i32>} : memref<32x1000xf32, #tpu.memory_space<vmem>>, vector<16xf32>,
      %gt3A_1123 = arith.cmpf ogt, %get3A_1122, %parallel_loop3A_1064#5 : vector<16xf32>
      %select_n3A_1124 = arith.select %gt3A_1123, %get3A_1122, %parallel_loop3A_1064#5 : vector<16xi1>, vector<16xf32>
      %select_n3A_1125 = arith.select %gt3A_1123, %add3A_8, %parallel_loop3A_1064#6 : vector<16xi1>, vector<16xi32>
      %reduce_max3A_1126 = arith.constant true
      %reduce_max3A_1127 = vector.broadcast %reduce_max3A_1126 : i1 to vector<16xi1>
      %reduce_max3A_1128 = tpu.scan <max>, %select_n3A_1124 masked %reduce_max3A_1127 : vector<16xf32>, vector<16xi1> -> vector<16xf32>
      %reduce_max3A_1129 = vector.extract %reduce_max3A_1128[15] : f32 from vector<16xf32>
      %eq3A_1130 = vector.broadcast %reduce_max3A_1129 : f32 to vector<16xf32>
      %eq3A_1131 = arith.cmpf oeq, %select_n3A_1124, %eq3A_1130 : vector<16xf32>
      %select_n3A_1132 = arith.select %eq3A_1131, %select_n3A_1125, %broadcast_in_dim3A_5 : vector<16xi1>, vector<16xi32>
      %reduce_min3A_1133 = arith.constant true
      %reduce_min3A_1134 = vector.broadcast %reduce_min3A_1133 : i1 to vector<16xi1>
      %reduce_min3A_1135 = arith.constant -2147483648 : i32
      %reduce_min3A_1136 = vector.broadcast %reduce_min3A_1135 : i32 to vector<16xi32>
      %reduce_min3A_1137 = arith.xori %select_n3A_1132, %reduce_min3A_1136 : vector<16xi32>
      %reduce_min3A_1138 = tpu.scan <min>, %reduce_min3A_1137 masked %reduce_min3A_1134 : vector<16xi32>, vector<16xi1> -> vector<16xi32>
      %reduce_min3A_1139 = arith.xori %reduce_min3A_1138, %reduce_min3A_1136 : vector<16xi32>
      %reduce_min3A_1140 = vector.extract %reduce_min3A_1139[15] : i32 from vector<16xi32>
      %eq3A_1141 = arith.constant 2 : i32
      %eq3A_1142 = vector.broadcast %eq3A_1141 : i32 to vector<16xi32>
      %eq3A_1143 = arith.cmpi eq, %iota3A, %eq3A_1142 : vector<16xi32>
      %broadcast_in_dim3A_1144 = vector.broadcast %reduce_min3A_1140 : i32 to vector<16xi32>
      %select_n3A_1145 = arith.select %eq3A_1143, %broadcast_in_dim3A_1144, %select_n3A_1118 : vector<16xi1>, vector<16xi32>
      %get3A_1146 = arith.constant 3 : i32
      %get3A_1147 = arith.index_cast %get3A_1146 : i32 to index
      %get3A_1148 = arith.constant 984 : index
      %get3A_1149 = tpu.vector_load %arg6[%get3A_1147, %get3A_1148] {strides = array<i32>} : memref<32x1000xf32, #tpu.memory_space<vmem>>, vector<16xf32>,
      %gt3A_1150 = arith.cmpf ogt, %get3A_1149, %parallel_loop3A_1064#7 : vector<16xf32>
      %select_n3A_1151 = arith.select %gt3A_1150, %get3A_1149, %parallel_loop3A_1064#7 : vector<16xi1>, vector<16xf32>
      %select_n3A_1152 = arith.select %gt3A_1150, %add3A_8, %parallel_loop3A_1064#8 : vector<16xi1>, vector<16xi32>
      %reduce_max3A_1153 = arith.constant true
      %reduce_max3A_1154 = vector.broadcast %reduce_max3A_1153 : i1 to vector<16xi1>
      %reduce_max3A_1155 = tpu.scan <max>, %select_n3A_1151 masked %reduce_max3A_1154 : vector<16xf32>, vector<16xi1> -> vector<16xf32>
      %reduce_max3A_1156 = vector.extract %reduce_max3A_1155[15] : f32 from vector<16xf32>
      %eq3A_1157 = vector.broadcast %reduce_max3A_1156 : f32 to vector<16xf32>
      %eq3A_1158 = arith.cmpf oeq, %select_n3A_1151, %eq3A_1157 : vector<16xf32>
      %select_n3A_1159 = arith.select %eq3A_1158, %select_n3A_1152, %broadcast_in_dim3A_5 : vector<16xi1>, vector<16xi32>
      %reduce_min3A_1160 = arith.constant true
      %reduce_min3A_1161 = vector.broadcast %reduce_min3A_1160 : i1 to vector<16xi1>
      %reduce_min3A_1162 = arith.constant -2147483648 : i32
      %reduce_min3A_1163 = vector.broadcast %reduce_min3A_1162 : i32 to vector<16xi32>
      %reduce_min3A_1164 = arith.xori %select_n3A_1159, %reduce_min3A_1163 : vector<16xi32>
      %reduce_min3A_1165 = tpu.scan <min>, %reduce_min3A_1164 masked %reduce_min3A_1161 : vector<16xi32>, vector<16xi1> -> vector<16xi32>
      %reduce_min3A_1166 = arith.xori %reduce_min3A_1165, %reduce_min3A_1163 : vector<16xi32>
      %reduce_min3A_1167 = vector.extract %reduce_min3A_1166[15] : i32 from vector<16xi32>
      %eq3A_1168 = arith.constant 3 : i32
      %eq3A_1169 = vector.broadcast %eq3A_1168 : i32 to vector<16xi32>
      %eq3A_1170 = arith.cmpi eq, %iota3A, %eq3A_1169 : vector<16xi32>
      %broadcast_in_dim3A_1171 = vector.broadcast %reduce_min3A_1167 : i32 to vector<16xi32>
      %select_n3A_1172 = arith.select %eq3A_1170, %broadcast_in_dim3A_1171, %select_n3A_1145 : vector<16xi1>, vector<16xi32>
      %broadcast_in_dim3A_1173 = arith.constant 0 : i32
      %broadcast_in_dim3A_1174 = vector.broadcast %broadcast_in_dim3A_1173 : i32 to vector<16xi32>
      %broadcast_in_dim3A_1175 = arith.constant 0 : i32
      %broadcast_in_dim3A_1176 = vector.broadcast %broadcast_in_dim3A_1175 : i32 to vector<16xi32>
      %broadcast_in_dim3A_1177 = arith.constant 0 : i32
      %broadcast_in_dim3A_1178 = vector.broadcast %broadcast_in_dim3A_1177 : i32 to vector<16xi32>
      %broadcast_in_dim3A_1179 = arith.constant 0 : i32
      %broadcast_in_dim3A_1180 = vector.broadcast %broadcast_in_dim3A_1179 : i32 to vector<16xi32>
      %parallel_loop3A_1181 = arith.constant 0 : i32
      %parallel_loop3A_1182 = arith.constant 62 : i32
      %parallel_loop3A_1183 = arith.constant 1 : i32
      %parallel_loop3A_1184:9 = scf.for %parallel_loop3A_2034 = %parallel_loop3A_1181 to %parallel_loop3A_1182 step %parallel_loop3A_1183 iter_args(%parallel_loop3A_2035 = %iota3A, %parallel_loop3A_2036 = %broadcast_in_dim3A_3, %parallel_loop3A_2037 = %broadcast_in_dim3A_1174, %parallel_loop3A_2038 = %broadcast_in_dim3A_3, %parallel_loop3A_2039 = %broadcast_in_dim3A_1176, %parallel_loop3A_2040 = %broadcast_in_dim3A_3, %parallel_loop3A_2041 = %broadcast_in_dim3A_1178, %parallel_loop3A_2042 = %broadcast_in_dim3A_3, %parallel_loop3A_2043 = %broadcast_in_dim3A_1180) -> (vector<16xi32>, vector<16xf32>, vector<16xi32>, vector<16xf32>, vector<16xi32>, vector<16xf32>, vector<16xi32>, vector<16xf32>, vector<16xi32>)  : i32 {
        %parallel_loop3A_2044 = arith.constant 16 : i32
        %parallel_loop3A_2045 = arith.muli %parallel_loop3A_2034, %parallel_loop3A_2044 : i32
        %parallel_loop3A_2046 = arith.constant 4 : i32
        %parallel_loop3A_2047 = arith.index_cast %parallel_loop3A_2046 : i32 to index
        %parallel_loop3A_2048 = arith.index_cast %parallel_loop3A_2045 : i32 to index
        %parallel_loop3A_2049 = tpu.vector_load %arg6[%parallel_loop3A_2047, %parallel_loop3A_2048] {strides = array<i32>} : memref<32x1000xf32, #tpu.memory_space<vmem>>, vector<16xf32>,
        %parallel_loop3A_2050 = arith.cmpf ogt, %parallel_loop3A_2049, %parallel_loop3A_2036 : vector<16xf32>
        %parallel_loop3A_2051 = arith.select %parallel_loop3A_2050, %parallel_loop3A_2049, %parallel_loop3A_2036 : vector<16xi1>, vector<16xf32>
        %parallel_loop3A_2052 = arith.select %parallel_loop3A_2050, %parallel_loop3A_2035, %parallel_loop3A_2037 : vector<16xi1>, vector<16xi32>
        %parallel_loop3A_2053 = arith.constant 16 : i32
        %parallel_loop3A_2054 = arith.muli %parallel_loop3A_2034, %parallel_loop3A_2053 : i32
        %parallel_loop3A_2055 = arith.constant 5 : i32
        %parallel_loop3A_2056 = arith.index_cast %parallel_loop3A_2055 : i32 to index
        %parallel_loop3A_2057 = arith.index_cast %parallel_loop3A_2054 : i32 to index
        %parallel_loop3A_2058 = tpu.vector_load %arg6[%parallel_loop3A_2056, %parallel_loop3A_2057] {strides = array<i32>} : memref<32x1000xf32, #tpu.memory_space<vmem>>, vector<16xf32>,
        %parallel_loop3A_2059 = arith.cmpf ogt, %parallel_loop3A_2058, %parallel_loop3A_2038 : vector<16xf32>
        %parallel_loop3A_2060 = arith.select %parallel_loop3A_2059, %parallel_loop3A_2058, %parallel_loop3A_2038 : vector<16xi1>, vector<16xf32>
        %parallel_loop3A_2061 = arith.select %parallel_loop3A_2059, %parallel_loop3A_2035, %parallel_loop3A_2039 : vector<16xi1>, vector<16xi32>
        %parallel_loop3A_2062 = arith.constant 16 : i32
        %parallel_loop3A_2063 = arith.muli %parallel_loop3A_2034, %parallel_loop3A_2062 : i32
        %parallel_loop3A_2064 = arith.constant 6 : i32
        %parallel_loop3A_2065 = arith.index_cast %parallel_loop3A_2064 : i32 to index
        %parallel_loop3A_2066 = arith.index_cast %parallel_loop3A_2063 : i32 to index
        %parallel_loop3A_2067 = tpu.vector_load %arg6[%parallel_loop3A_2065, %parallel_loop3A_2066] {strides = array<i32>} : memref<32x1000xf32, #tpu.memory_space<vmem>>, vector<16xf32>,
        %parallel_loop3A_2068 = arith.cmpf ogt, %parallel_loop3A_2067, %parallel_loop3A_2040 : vector<16xf32>
        %parallel_loop3A_2069 = arith.select %parallel_loop3A_2068, %parallel_loop3A_2067, %parallel_loop3A_2040 : vector<16xi1>, vector<16xf32>
        %parallel_loop3A_2070 = arith.select %parallel_loop3A_2068, %parallel_loop3A_2035, %parallel_loop3A_2041 : vector<16xi1>, vector<16xi32>
        %parallel_loop3A_2071 = arith.constant 16 : i32
        %parallel_loop3A_2072 = arith.muli %parallel_loop3A_2034, %parallel_loop3A_2071 : i32
        %parallel_loop3A_2073 = arith.constant 7 : i32
        %parallel_loop3A_2074 = arith.index_cast %parallel_loop3A_2073 : i32 to index
        %parallel_loop3A_2075 = arith.index_cast %parallel_loop3A_2072 : i32 to index
        %parallel_loop3A_2076 = tpu.vector_load %arg6[%parallel_loop3A_2074, %parallel_loop3A_2075] {strides = array<i32>} : memref<32x1000xf32, #tpu.memory_space<vmem>>, vector<16xf32>,
        %parallel_loop3A_2077 = arith.cmpf ogt, %parallel_loop3A_2076, %parallel_loop3A_2042 : vector<16xf32>
        %parallel_loop3A_2078 = arith.select %parallel_loop3A_2077, %parallel_loop3A_2076, %parallel_loop3A_2042 : vector<16xi1>, vector<16xf32>
        %parallel_loop3A_2079 = arith.select %parallel_loop3A_2077, %parallel_loop3A_2035, %parallel_loop3A_2043 : vector<16xi1>, vector<16xi32>
        %parallel_loop3A_2080 = arith.constant 16 : i32
        %parallel_loop3A_2081 = vector.broadcast %parallel_loop3A_2080 : i32 to vector<16xi32>
        %parallel_loop3A_2082 = arith.addi %parallel_loop3A_2035, %parallel_loop3A_2081 : vector<16xi32>
        scf.yield %parallel_loop3A_2082, %parallel_loop3A_2051, %parallel_loop3A_2052, %parallel_loop3A_2060, %parallel_loop3A_2061, %parallel_loop3A_2069, %parallel_loop3A_2070, %parallel_loop3A_2078, %parallel_loop3A_2079 : vector<16xi32>, vector<16xf32>, vector<16xi32>, vector<16xf32>, vector<16xi32>, vector<16xf32>, vector<16xi32>, vector<16xf32>, vector<16xi32>
      } {sc.loop_unroll_factor = 2 : i64, sc.parallel_access}
      %get3A_1185 = arith.constant 4 : i32
      %get3A_1186 = arith.index_cast %get3A_1185 : i32 to index
      %get3A_1187 = arith.constant 984 : index
      %get3A_1188 = tpu.vector_load %arg6[%get3A_1186, %get3A_1187] {strides = array<i32>} : memref<32x1000xf32, #tpu.memory_space<vmem>>, vector<16xf32>,
      %gt3A_1189 = arith.cmpf ogt, %get3A_1188, %parallel_loop3A_1184#1 : vector<16xf32>
      %select_n3A_1190 = arith.select %gt3A_1189, %get3A_1188, %parallel_loop3A_1184#1 : vector<16xi1>, vector<16xf32>
      %select_n3A_1191 = arith.select %gt3A_1189, %add3A_8, %parallel_loop3A_1184#2 : vector<16xi1>, vector<16xi32>
      %reduce_max3A_1192 = arith.constant true
      %reduce_max3A_1193 = vector.broadcast %reduce_max3A_1192 : i1 to vector<16xi1>
      %reduce_max3A_1194 = tpu.scan <max>, %select_n3A_1190 masked %reduce_max3A_1193 : vector<16xf32>, vector<16xi1> -> vector<16xf32>
      %reduce_max3A_1195 = vector.extract %reduce_max3A_1194[15] : f32 from vector<16xf32>
      %eq3A_1196 = vector.broadcast %reduce_max3A_1195 : f32 to vector<16xf32>
      %eq3A_1197 = arith.cmpf oeq, %select_n3A_1190, %eq3A_1196 : vector<16xf32>
      %select_n3A_1198 = arith.select %eq3A_1197, %select_n3A_1191, %broadcast_in_dim3A_5 : vector<16xi1>, vector<16xi32>
      %reduce_min3A_1199 = arith.constant true
      %reduce_min3A_1200 = vector.broadcast %reduce_min3A_1199 : i1 to vector<16xi1>
      %reduce_min3A_1201 = arith.constant -2147483648 : i32
      %reduce_min3A_1202 = vector.broadcast %reduce_min3A_1201 : i32 to vector<16xi32>
      %reduce_min3A_1203 = arith.xori %select_n3A_1198, %reduce_min3A_1202 : vector<16xi32>
      %reduce_min3A_1204 = tpu.scan <min>, %reduce_min3A_1203 masked %reduce_min3A_1200 : vector<16xi32>, vector<16xi1> -> vector<16xi32>
      %reduce_min3A_1205 = arith.xori %reduce_min3A_1204, %reduce_min3A_1202 : vector<16xi32>
      %reduce_min3A_1206 = vector.extract %reduce_min3A_1205[15] : i32 from vector<16xi32>
      %eq3A_1207 = arith.constant 4 : i32
      %eq3A_1208 = vector.broadcast %eq3A_1207 : i32 to vector<16xi32>
      %eq3A_1209 = arith.cmpi eq, %iota3A, %eq3A_1208 : vector<16xi32>
      %broadcast_in_dim3A_1210 = vector.broadcast %reduce_min3A_1206 : i32 to vector<16xi32>
      %select_n3A_1211 = arith.select %eq3A_1209, %broadcast_in_dim3A_1210, %select_n3A_1172 : vector<16xi1>, vector<16xi32>
      %get3A_1212 = arith.constant 5 : i32
      %get3A_1213 = arith.index_cast %get3A_1212 : i32 to index
      %get3A_1214 = arith.constant 984 : index
      %get3A_1215 = tpu.vector_load %arg6[%get3A_1213, %get3A_1214] {strides = array<i32>} : memref<32x1000xf32, #tpu.memory_space<vmem>>, vector<16xf32>,
      %gt3A_1216 = arith.cmpf ogt, %get3A_1215, %parallel_loop3A_1184#3 : vector<16xf32>
      %select_n3A_1217 = arith.select %gt3A_1216, %get3A_1215, %parallel_loop3A_1184#3 : vector<16xi1>, vector<16xf32>
      %select_n3A_1218 = arith.select %gt3A_1216, %add3A_8, %parallel_loop3A_1184#4 : vector<16xi1>, vector<16xi32>
      %reduce_max3A_1219 = arith.constant true
      %reduce_max3A_1220 = vector.broadcast %reduce_max3A_1219 : i1 to vector<16xi1>
      %reduce_max3A_1221 = tpu.scan <max>, %select_n3A_1217 masked %reduce_max3A_1220 : vector<16xf32>, vector<16xi1> -> vector<16xf32>
      %reduce_max3A_1222 = vector.extract %reduce_max3A_1221[15] : f32 from vector<16xf32>
      %eq3A_1223 = vector.broadcast %reduce_max3A_1222 : f32 to vector<16xf32>
      %eq3A_1224 = arith.cmpf oeq, %select_n3A_1217, %eq3A_1223 : vector<16xf32>
      %select_n3A_1225 = arith.select %eq3A_1224, %select_n3A_1218, %broadcast_in_dim3A_5 : vector<16xi1>, vector<16xi32>
      %reduce_min3A_1226 = arith.constant true
      %reduce_min3A_1227 = vector.broadcast %reduce_min3A_1226 : i1 to vector<16xi1>
      %reduce_min3A_1228 = arith.constant -2147483648 : i32
      %reduce_min3A_1229 = vector.broadcast %reduce_min3A_1228 : i32 to vector<16xi32>
      %reduce_min3A_1230 = arith.xori %select_n3A_1225, %reduce_min3A_1229 : vector<16xi32>
      %reduce_min3A_1231 = tpu.scan <min>, %reduce_min3A_1230 masked %reduce_min3A_1227 : vector<16xi32>, vector<16xi1> -> vector<16xi32>
      %reduce_min3A_1232 = arith.xori %reduce_min3A_1231, %reduce_min3A_1229 : vector<16xi32>
      %reduce_min3A_1233 = vector.extract %reduce_min3A_1232[15] : i32 from vector<16xi32>
      %eq3A_1234 = arith.constant 5 : i32
      %eq3A_1235 = vector.broadcast %eq3A_1234 : i32 to vector<16xi32>
      %eq3A_1236 = arith.cmpi eq, %iota3A, %eq3A_1235 : vector<16xi32>
      %broadcast_in_dim3A_1237 = vector.broadcast %reduce_min3A_1233 : i32 to vector<16xi32>
      %select_n3A_1238 = arith.select %eq3A_1236, %broadcast_in_dim3A_1237, %select_n3A_1211 : vector<16xi1>, vector<16xi32>
      %get3A_1239 = arith.constant 6 : i32
      %get3A_1240 = arith.index_cast %get3A_1239 : i32 to index
      %get3A_1241 = arith.constant 984 : index
      %get3A_1242 = tpu.vector_load %arg6[%get3A_1240, %get3A_1241] {strides = array<i32>} : memref<32x1000xf32, #tpu.memory_space<vmem>>, vector<16xf32>,
      %gt3A_1243 = arith.cmpf ogt, %get3A_1242, %parallel_loop3A_1184#5 : vector<16xf32>
      %select_n3A_1244 = arith.select %gt3A_1243, %get3A_1242, %parallel_loop3A_1184#5 : vector<16xi1>, vector<16xf32>
      %select_n3A_1245 = arith.select %gt3A_1243, %add3A_8, %parallel_loop3A_1184#6 : vector<16xi1>, vector<16xi32>
      %reduce_max3A_1246 = arith.constant true
      %reduce_max3A_1247 = vector.broadcast %reduce_max3A_1246 : i1 to vector<16xi1>
      %reduce_max3A_1248 = tpu.scan <max>, %select_n3A_1244 masked %reduce_max3A_1247 : vector<16xf32>, vector<16xi1> -> vector<16xf32>
      %reduce_max3A_1249 = vector.extract %reduce_max3A_1248[15] : f32 from vector<16xf32>
      %eq3A_1250 = vector.broadcast %reduce_max3A_1249 : f32 to vector<16xf32>
      %eq3A_1251 = arith.cmpf oeq, %select_n3A_1244, %eq3A_1250 : vector<16xf32>
      %select_n3A_1252 = arith.select %eq3A_1251, %select_n3A_1245, %broadcast_in_dim3A_5 : vector<16xi1>, vector<16xi32>
      %reduce_min3A_1253 = arith.constant true
      %reduce_min3A_1254 = vector.broadcast %reduce_min3A_1253 : i1 to vector<16xi1>
      %reduce_min3A_1255 = arith.constant -2147483648 : i32
      %reduce_min3A_1256 = vector.broadcast %reduce_min3A_1255 : i32 to vector<16xi32>
      %reduce_min3A_1257 = arith.xori %select_n3A_1252, %reduce_min3A_1256 : vector<16xi32>
      %reduce_min3A_1258 = tpu.scan <min>, %reduce_min3A_1257 masked %reduce_min3A_1254 : vector<16xi32>, vector<16xi1> -> vector<16xi32>
      %reduce_min3A_1259 = arith.xori %reduce_min3A_1258, %reduce_min3A_1256 : vector<16xi32>
      %reduce_min3A_1260 = vector.extract %reduce_min3A_1259[15] : i32 from vector<16xi32>
      %eq3A_1261 = arith.constant 6 : i32
      %eq3A_1262 = vector.broadcast %eq3A_1261 : i32 to vector<16xi32>
      %eq3A_1263 = arith.cmpi eq, %iota3A, %eq3A_1262 : vector<16xi32>
      %broadcast_in_dim3A_1264 = vector.broadcast %reduce_min3A_1260 : i32 to vector<16xi32>
      %select_n3A_1265 = arith.select %eq3A_1263, %broadcast_in_dim3A_1264, %select_n3A_1238 : vector<16xi1>, vector<16xi32>
      %get3A_1266 = arith.constant 7 : i32
      %get3A_1267 = arith.index_cast %get3A_1266 : i32 to index
      %get3A_1268 = arith.constant 984 : index
      %get3A_1269 = tpu.vector_load %arg6[%get3A_1267, %get3A_1268] {strides = array<i32>} : memref<32x1000xf32, #tpu.memory_space<vmem>>, vector<16xf32>,
      %gt3A_1270 = arith.cmpf ogt, %get3A_1269, %parallel_loop3A_1184#7 : vector<16xf32>
      %select_n3A_1271 = arith.select %gt3A_1270, %get3A_1269, %parallel_loop3A_1184#7 : vector<16xi1>, vector<16xf32>
      %select_n3A_1272 = arith.select %gt3A_1270, %add3A_8, %parallel_loop3A_1184#8 : vector<16xi1>, vector<16xi32>
      %reduce_max3A_1273 = arith.constant true
      %reduce_max3A_1274 = vector.broadcast %reduce_max3A_1273 : i1 to vector<16xi1>
      %reduce_max3A_1275 = tpu.scan <max>, %select_n3A_1271 masked %reduce_max3A_1274 : vector<16xf32>, vector<16xi1> -> vector<16xf32>
      %reduce_max3A_1276 = vector.extract %reduce_max3A_1275[15] : f32 from vector<16xf32>
      %eq3A_1277 = vector.broadcast %reduce_max3A_1276 : f32 to vector<16xf32>
      %eq3A_1278 = arith.cmpf oeq, %select_n3A_1271, %eq3A_1277 : vector<16xf32>
      %select_n3A_1279 = arith.select %eq3A_1278, %select_n3A_1272, %broadcast_in_dim3A_5 : vector<16xi1>, vector<16xi32>
      %reduce_min3A_1280 = arith.constant true
      %reduce_min3A_1281 = vector.broadcast %reduce_min3A_1280 : i1 to vector<16xi1>
      %reduce_min3A_1282 = arith.constant -2147483648 : i32
      %reduce_min3A_1283 = vector.broadcast %reduce_min3A_1282 : i32 to vector<16xi32>
      %reduce_min3A_1284 = arith.xori %select_n3A_1279, %reduce_min3A_1283 : vector<16xi32>
      %reduce_min3A_1285 = tpu.scan <min>, %reduce_min3A_1284 masked %reduce_min3A_1281 : vector<16xi32>, vector<16xi1> -> vector<16xi32>
      %reduce_min3A_1286 = arith.xori %reduce_min3A_1285, %reduce_min3A_1283 : vector<16xi32>
      %reduce_min3A_1287 = vector.extract %reduce_min3A_1286[15] : i32 from vector<16xi32>
      %eq3A_1288 = arith.constant 7 : i32
      %eq3A_1289 = vector.broadcast %eq3A_1288 : i32 to vector<16xi32>
      %eq3A_1290 = arith.cmpi eq, %iota3A, %eq3A_1289 : vector<16xi32>
      %broadcast_in_dim3A_1291 = vector.broadcast %reduce_min3A_1287 : i32 to vector<16xi32>
      %select_n3A_1292 = arith.select %eq3A_1290, %broadcast_in_dim3A_1291, %select_n3A_1265 : vector<16xi1>, vector<16xi32>
      %broadcast_in_dim3A_1293 = arith.constant 0 : i32
      %broadcast_in_dim3A_1294 = vector.broadcast %broadcast_in_dim3A_1293 : i32 to vector<16xi32>
      %broadcast_in_dim3A_1295 = arith.constant 0 : i32
      %broadcast_in_dim3A_1296 = vector.broadcast %broadcast_in_dim3A_1295 : i32 to vector<16xi32>
      %broadcast_in_dim3A_1297 = arith.constant 0 : i32
      %broadcast_in_dim3A_1298 = vector.broadcast %broadcast_in_dim3A_1297 : i32 to vector<16xi32>
      %broadcast_in_dim3A_1299 = arith.constant 0 : i32
      %broadcast_in_dim3A_1300 = vector.broadcast %broadcast_in_dim3A_1299 : i32 to vector<16xi32>
      %parallel_loop3A_1301 = arith.constant 0 : i32
      %parallel_loop3A_1302 = arith.constant 62 : i32
      %parallel_loop3A_1303 = arith.constant 1 : i32
      %parallel_loop3A_1304:9 = scf.for %parallel_loop3A_2034 = %parallel_loop3A_1301 to %parallel_loop3A_1302 step %parallel_loop3A_1303 iter_args(%parallel_loop3A_2035 = %iota3A, %parallel_loop3A_2036 = %broadcast_in_dim3A_3, %parallel_loop3A_2037 = %broadcast_in_dim3A_1294, %parallel_loop3A_2038 = %broadcast_in_dim3A_3, %parallel_loop3A_2039 = %broadcast_in_dim3A_1296, %parallel_loop3A_2040 = %broadcast_in_dim3A_3, %parallel_loop3A_2041 = %broadcast_in_dim3A_1298, %parallel_loop3A_2042 = %broadcast_in_dim3A_3, %parallel_loop3A_2043 = %broadcast_in_dim3A_1300) -> (vector<16xi32>, vector<16xf32>, vector<16xi32>, vector<16xf32>, vector<16xi32>, vector<16xf32>, vector<16xi32>, vector<16xf32>, vector<16xi32>)  : i32 {
        %parallel_loop3A_2044 = arith.constant 16 : i32
        %parallel_loop3A_2045 = arith.muli %parallel_loop3A_2034, %parallel_loop3A_2044 : i32
        %parallel_loop3A_2046 = arith.constant 8 : i32
        %parallel_loop3A_2047 = arith.index_cast %parallel_loop3A_2046 : i32 to index
        %parallel_loop3A_2048 = arith.index_cast %parallel_loop3A_2045 : i32 to index
        %parallel_loop3A_2049 = tpu.vector_load %arg6[%parallel_loop3A_2047, %parallel_loop3A_2048] {strides = array<i32>} : memref<32x1000xf32, #tpu.memory_space<vmem>>, vector<16xf32>,
        %parallel_loop3A_2050 = arith.cmpf ogt, %parallel_loop3A_2049, %parallel_loop3A_2036 : vector<16xf32>
        %parallel_loop3A_2051 = arith.select %parallel_loop3A_2050, %parallel_loop3A_2049, %parallel_loop3A_2036 : vector<16xi1>, vector<16xf32>
        %parallel_loop3A_2052 = arith.select %parallel_loop3A_2050, %parallel_loop3A_2035, %parallel_loop3A_2037 : vector<16xi1>, vector<16xi32>
        %parallel_loop3A_2053 = arith.constant 16 : i32
        %parallel_loop3A_2054 = arith.muli %parallel_loop3A_2034, %parallel_loop3A_2053 : i32
        %parallel_loop3A_2055 = arith.constant 9 : i32
        %parallel_loop3A_2056 = arith.index_cast %parallel_loop3A_2055 : i32 to index
        %parallel_loop3A_2057 = arith.index_cast %parallel_loop3A_2054 : i32 to index
        %parallel_loop3A_2058 = tpu.vector_load %arg6[%parallel_loop3A_2056, %parallel_loop3A_2057] {strides = array<i32>} : memref<32x1000xf32, #tpu.memory_space<vmem>>, vector<16xf32>,
        %parallel_loop3A_2059 = arith.cmpf ogt, %parallel_loop3A_2058, %parallel_loop3A_2038 : vector<16xf32>
        %parallel_loop3A_2060 = arith.select %parallel_loop3A_2059, %parallel_loop3A_2058, %parallel_loop3A_2038 : vector<16xi1>, vector<16xf32>
        %parallel_loop3A_2061 = arith.select %parallel_loop3A_2059, %parallel_loop3A_2035, %parallel_loop3A_2039 : vector<16xi1>, vector<16xi32>
        %parallel_loop3A_2062 = arith.constant 16 : i32
        %parallel_loop3A_2063 = arith.muli %parallel_loop3A_2034, %parallel_loop3A_2062 : i32
        %parallel_loop3A_2064 = arith.constant 10 : i32
        %parallel_loop3A_2065 = arith.index_cast %parallel_loop3A_2064 : i32 to index
        %parallel_loop3A_2066 = arith.index_cast %parallel_loop3A_2063 : i32 to index
        %parallel_loop3A_2067 = tpu.vector_load %arg6[%parallel_loop3A_2065, %parallel_loop3A_2066] {strides = array<i32>} : memref<32x1000xf32, #tpu.memory_space<vmem>>, vector<16xf32>,
        %parallel_loop3A_2068 = arith.cmpf ogt, %parallel_loop3A_2067, %parallel_loop3A_2040 : vector<16xf32>
        %parallel_loop3A_2069 = arith.select %parallel_loop3A_2068, %parallel_loop3A_2067, %parallel_loop3A_2040 : vector<16xi1>, vector<16xf32>
        %parallel_loop3A_2070 = arith.select %parallel_loop3A_2068, %parallel_loop3A_2035, %parallel_loop3A_2041 : vector<16xi1>, vector<16xi32>
        %parallel_loop3A_2071 = arith.constant 16 : i32
        %parallel_loop3A_2072 = arith.muli %parallel_loop3A_2034, %parallel_loop3A_2071 : i32
        %parallel_loop3A_2073 = arith.constant 11 : i32
        %parallel_loop3A_2074 = arith.index_cast %parallel_loop3A_2073 : i32 to index
        %parallel_loop3A_2075 = arith.index_cast %parallel_loop3A_2072 : i32 to index
        %parallel_loop3A_2076 = tpu.vector_load %arg6[%parallel_loop3A_2074, %parallel_loop3A_2075] {strides = array<i32>} : memref<32x1000xf32, #tpu.memory_space<vmem>>, vector<16xf32>,
        %parallel_loop3A_2077 = arith.cmpf ogt, %parallel_loop3A_2076, %parallel_loop3A_2042 : vector<16xf32>
        %parallel_loop3A_2078 = arith.select %parallel_loop3A_2077, %parallel_loop3A_2076, %parallel_loop3A_2042 : vector<16xi1>, vector<16xf32>
        %parallel_loop3A_2079 = arith.select %parallel_loop3A_2077, %parallel_loop3A_2035, %parallel_loop3A_2043 : vector<16xi1>, vector<16xi32>
        %parallel_loop3A_2080 = arith.constant 16 : i32
        %parallel_loop3A_2081 = vector.broadcast %parallel_loop3A_2080 : i32 to vector<16xi32>
        %parallel_loop3A_2082 = arith.addi %parallel_loop3A_2035, %parallel_loop3A_2081 : vector<16xi32>
        scf.yield %parallel_loop3A_2082, %parallel_loop3A_2051, %parallel_loop3A_2052, %parallel_loop3A_2060, %parallel_loop3A_2061, %parallel_loop3A_2069, %parallel_loop3A_2070, %parallel_loop3A_2078, %parallel_loop3A_2079 : vector<16xi32>, vector<16xf32>, vector<16xi32>, vector<16xf32>, vector<16xi32>, vector<16xf32>, vector<16xi32>, vector<16xf32>, vector<16xi32>
      } {sc.loop_unroll_factor = 2 : i64, sc.parallel_access}
      %get3A_1305 = arith.constant 8 : i32
      %get3A_1306 = arith.index_cast %get3A_1305 : i32 to index
      %get3A_1307 = arith.constant 984 : index
      %get3A_1308 = tpu.vector_load %arg6[%get3A_1306, %get3A_1307] {strides = array<i32>} : memref<32x1000xf32, #tpu.memory_space<vmem>>, vector<16xf32>,
      %gt3A_1309 = arith.cmpf ogt, %get3A_1308, %parallel_loop3A_1304#1 : vector<16xf32>
      %select_n3A_1310 = arith.select %gt3A_1309, %get3A_1308, %parallel_loop3A_1304#1 : vector<16xi1>, vector<16xf32>
      %select_n3A_1311 = arith.select %gt3A_1309, %add3A_8, %parallel_loop3A_1304#2 : vector<16xi1>, vector<16xi32>
      %reduce_max3A_1312 = arith.constant true
      %reduce_max3A_1313 = vector.broadcast %reduce_max3A_1312 : i1 to vector<16xi1>
      %reduce_max3A_1314 = tpu.scan <max>, %select_n3A_1310 masked %reduce_max3A_1313 : vector<16xf32>, vector<16xi1> -> vector<16xf32>
      %reduce_max3A_1315 = vector.extract %reduce_max3A_1314[15] : f32 from vector<16xf32>
      %eq3A_1316 = vector.broadcast %reduce_max3A_1315 : f32 to vector<16xf32>
      %eq3A_1317 = arith.cmpf oeq, %select_n3A_1310, %eq3A_1316 : vector<16xf32>
      %select_n3A_1318 = arith.select %eq3A_1317, %select_n3A_1311, %broadcast_in_dim3A_5 : vector<16xi1>, vector<16xi32>
      %reduce_min3A_1319 = arith.constant true
      %reduce_min3A_1320 = vector.broadcast %reduce_min3A_1319 : i1 to vector<16xi1>
      %reduce_min3A_1321 = arith.constant -2147483648 : i32
      %reduce_min3A_1322 = vector.broadcast %reduce_min3A_1321 : i32 to vector<16xi32>
      %reduce_min3A_1323 = arith.xori %select_n3A_1318, %reduce_min3A_1322 : vector<16xi32>
      %reduce_min3A_1324 = tpu.scan <min>, %reduce_min3A_1323 masked %reduce_min3A_1320 : vector<16xi32>, vector<16xi1> -> vector<16xi32>
      %reduce_min3A_1325 = arith.xori %reduce_min3A_1324, %reduce_min3A_1322 : vector<16xi32>
      %reduce_min3A_1326 = vector.extract %reduce_min3A_1325[15] : i32 from vector<16xi32>
      %eq3A_1327 = arith.constant 8 : i32
      %eq3A_1328 = vector.broadcast %eq3A_1327 : i32 to vector<16xi32>
      %eq3A_1329 = arith.cmpi eq, %iota3A, %eq3A_1328 : vector<16xi32>
      %broadcast_in_dim3A_1330 = vector.broadcast %reduce_min3A_1326 : i32 to vector<16xi32>
      %select_n3A_1331 = arith.select %eq3A_1329, %broadcast_in_dim3A_1330, %select_n3A_1292 : vector<16xi1>, vector<16xi32>
      %get3A_1332 = arith.constant 9 : i32
      %get3A_1333 = arith.index_cast %get3A_1332 : i32 to index
      %get3A_1334 = arith.constant 984 : index
      %get3A_1335 = tpu.vector_load %arg6[%get3A_1333, %get3A_1334] {strides = array<i32>} : memref<32x1000xf32, #tpu.memory_space<vmem>>, vector<16xf32>,
      %gt3A_1336 = arith.cmpf ogt, %get3A_1335, %parallel_loop3A_1304#3 : vector<16xf32>
      %select_n3A_1337 = arith.select %gt3A_1336, %get3A_1335, %parallel_loop3A_1304#3 : vector<16xi1>, vector<16xf32>
      %select_n3A_1338 = arith.select %gt3A_1336, %add3A_8, %parallel_loop3A_1304#4 : vector<16xi1>, vector<16xi32>
      %reduce_max3A_1339 = arith.constant true
      %reduce_max3A_1340 = vector.broadcast %reduce_max3A_1339 : i1 to vector<16xi1>
      %reduce_max3A_1341 = tpu.scan <max>, %select_n3A_1337 masked %reduce_max3A_1340 : vector<16xf32>, vector<16xi1> -> vector<16xf32>
      %reduce_max3A_1342 = vector.extract %reduce_max3A_1341[15] : f32 from vector<16xf32>
      %eq3A_1343 = vector.broadcast %reduce_max3A_1342 : f32 to vector<16xf32>
      %eq3A_1344 = arith.cmpf oeq, %select_n3A_1337, %eq3A_1343 : vector<16xf32>
      %select_n3A_1345 = arith.select %eq3A_1344, %select_n3A_1338, %broadcast_in_dim3A_5 : vector<16xi1>, vector<16xi32>
      %reduce_min3A_1346 = arith.constant true
      %reduce_min3A_1347 = vector.broadcast %reduce_min3A_1346 : i1 to vector<16xi1>
      %reduce_min3A_1348 = arith.constant -2147483648 : i32
      %reduce_min3A_1349 = vector.broadcast %reduce_min3A_1348 : i32 to vector<16xi32>
      %reduce_min3A_1350 = arith.xori %select_n3A_1345, %reduce_min3A_1349 : vector<16xi32>
      %reduce_min3A_1351 = tpu.scan <min>, %reduce_min3A_1350 masked %reduce_min3A_1347 : vector<16xi32>, vector<16xi1> -> vector<16xi32>
      %reduce_min3A_1352 = arith.xori %reduce_min3A_1351, %reduce_min3A_1349 : vector<16xi32>
      %reduce_min3A_1353 = vector.extract %reduce_min3A_1352[15] : i32 from vector<16xi32>
      %eq3A_1354 = arith.constant 9 : i32
      %eq3A_1355 = vector.broadcast %eq3A_1354 : i32 to vector<16xi32>
      %eq3A_1356 = arith.cmpi eq, %iota3A, %eq3A_1355 : vector<16xi32>
      %broadcast_in_dim3A_1357 = vector.broadcast %reduce_min3A_1353 : i32 to vector<16xi32>
      %select_n3A_1358 = arith.select %eq3A_1356, %broadcast_in_dim3A_1357, %select_n3A_1331 : vector<16xi1>, vector<16xi32>
      %get3A_1359 = arith.constant 10 : i32
      %get3A_1360 = arith.index_cast %get3A_1359 : i32 to index
      %get3A_1361 = arith.constant 984 : index
      %get3A_1362 = tpu.vector_load %arg6[%get3A_1360, %get3A_1361] {strides = array<i32>} : memref<32x1000xf32, #tpu.memory_space<vmem>>, vector<16xf32>,
      %gt3A_1363 = arith.cmpf ogt, %get3A_1362, %parallel_loop3A_1304#5 : vector<16xf32>
      %select_n3A_1364 = arith.select %gt3A_1363, %get3A_1362, %parallel_loop3A_1304#5 : vector<16xi1>, vector<16xf32>
      %select_n3A_1365 = arith.select %gt3A_1363, %add3A_8, %parallel_loop3A_1304#6 : vector<16xi1>, vector<16xi32>
      %reduce_max3A_1366 = arith.constant true
      %reduce_max3A_1367 = vector.broadcast %reduce_max3A_1366 : i1 to vector<16xi1>
      %reduce_max3A_1368 = tpu.scan <max>, %select_n3A_1364 masked %reduce_max3A_1367 : vector<16xf32>, vector<16xi1> -> vector<16xf32>
      %reduce_max3A_1369 = vector.extract %reduce_max3A_1368[15] : f32 from vector<16xf32>
      %eq3A_1370 = vector.broadcast %reduce_max3A_1369 : f32 to vector<16xf32>
      %eq3A_1371 = arith.cmpf oeq, %select_n3A_1364, %eq3A_1370 : vector<16xf32>
      %select_n3A_1372 = arith.select %eq3A_1371, %select_n3A_1365, %broadcast_in_dim3A_5 : vector<16xi1>, vector<16xi32>
      %reduce_min3A_1373 = arith.constant true
      %reduce_min3A_1374 = vector.broadcast %reduce_min3A_1373 : i1 to vector<16xi1>
      %reduce_min3A_1375 = arith.constant -2147483648 : i32
      %reduce_min3A_1376 = vector.broadcast %reduce_min3A_1375 : i32 to vector<16xi32>
      %reduce_min3A_1377 = arith.xori %select_n3A_1372, %reduce_min3A_1376 : vector<16xi32>
      %reduce_min3A_1378 = tpu.scan <min>, %reduce_min3A_1377 masked %reduce_min3A_1374 : vector<16xi32>, vector<16xi1> -> vector<16xi32>
      %reduce_min3A_1379 = arith.xori %reduce_min3A_1378, %reduce_min3A_1376 : vector<16xi32>
      %reduce_min3A_1380 = vector.extract %reduce_min3A_1379[15] : i32 from vector<16xi32>
      %eq3A_1381 = arith.constant 10 : i32
      %eq3A_1382 = vector.broadcast %eq3A_1381 : i32 to vector<16xi32>
      %eq3A_1383 = arith.cmpi eq, %iota3A, %eq3A_1382 : vector<16xi32>
      %broadcast_in_dim3A_1384 = vector.broadcast %reduce_min3A_1380 : i32 to vector<16xi32>
      %select_n3A_1385 = arith.select %eq3A_1383, %broadcast_in_dim3A_1384, %select_n3A_1358 : vector<16xi1>, vector<16xi32>
      %get3A_1386 = arith.constant 11 : i32
      %get3A_1387 = arith.index_cast %get3A_1386 : i32 to index
      %get3A_1388 = arith.constant 984 : index
      %get3A_1389 = tpu.vector_load %arg6[%get3A_1387, %get3A_1388] {strides = array<i32>} : memref<32x1000xf32, #tpu.memory_space<vmem>>, vector<16xf32>,
      %gt3A_1390 = arith.cmpf ogt, %get3A_1389, %parallel_loop3A_1304#7 : vector<16xf32>
      %select_n3A_1391 = arith.select %gt3A_1390, %get3A_1389, %parallel_loop3A_1304#7 : vector<16xi1>, vector<16xf32>
      %select_n3A_1392 = arith.select %gt3A_1390, %add3A_8, %parallel_loop3A_1304#8 : vector<16xi1>, vector<16xi32>
      %reduce_max3A_1393 = arith.constant true
      %reduce_max3A_1394 = vector.broadcast %reduce_max3A_1393 : i1 to vector<16xi1>
      %reduce_max3A_1395 = tpu.scan <max>, %select_n3A_1391 masked %reduce_max3A_1394 : vector<16xf32>, vector<16xi1> -> vector<16xf32>
      %reduce_max3A_1396 = vector.extract %reduce_max3A_1395[15] : f32 from vector<16xf32>
      %eq3A_1397 = vector.broadcast %reduce_max3A_1396 : f32 to vector<16xf32>
      %eq3A_1398 = arith.cmpf oeq, %select_n3A_1391, %eq3A_1397 : vector<16xf32>
      %select_n3A_1399 = arith.select %eq3A_1398, %select_n3A_1392, %broadcast_in_dim3A_5 : vector<16xi1>, vector<16xi32>
      %reduce_min3A_1400 = arith.constant true
      %reduce_min3A_1401 = vector.broadcast %reduce_min3A_1400 : i1 to vector<16xi1>
      %reduce_min3A_1402 = arith.constant -2147483648 : i32
      %reduce_min3A_1403 = vector.broadcast %reduce_min3A_1402 : i32 to vector<16xi32>
      %reduce_min3A_1404 = arith.xori %select_n3A_1399, %reduce_min3A_1403 : vector<16xi32>
      %reduce_min3A_1405 = tpu.scan <min>, %reduce_min3A_1404 masked %reduce_min3A_1401 : vector<16xi32>, vector<16xi1> -> vector<16xi32>
      %reduce_min3A_1406 = arith.xori %reduce_min3A_1405, %reduce_min3A_1403 : vector<16xi32>
      %reduce_min3A_1407 = vector.extract %reduce_min3A_1406[15] : i32 from vector<16xi32>
      %eq3A_1408 = arith.constant 11 : i32
      %eq3A_1409 = vector.broadcast %eq3A_1408 : i32 to vector<16xi32>
      %eq3A_1410 = arith.cmpi eq, %iota3A, %eq3A_1409 : vector<16xi32>
      %broadcast_in_dim3A_1411 = vector.broadcast %reduce_min3A_1407 : i32 to vector<16xi32>
      %select_n3A_1412 = arith.select %eq3A_1410, %broadcast_in_dim3A_1411, %select_n3A_1385 : vector<16xi1>, vector<16xi32>
      %broadcast_in_dim3A_1413 = arith.constant 0 : i32
      %broadcast_in_dim3A_1414 = vector.broadcast %broadcast_in_dim3A_1413 : i32 to vector<16xi32>
      %broadcast_in_dim3A_1415 = arith.constant 0 : i32
      %broadcast_in_dim3A_1416 = vector.broadcast %broadcast_in_dim3A_1415 : i32 to vector<16xi32>
      %broadcast_in_dim3A_1417 = arith.constant 0 : i32
      %broadcast_in_dim3A_1418 = vector.broadcast %broadcast_in_dim3A_1417 : i32 to vector<16xi32>
      %broadcast_in_dim3A_1419 = arith.constant 0 : i32
      %broadcast_in_dim3A_1420 = vector.broadcast %broadcast_in_dim3A_1419 : i32 to vector<16xi32>
      %parallel_loop3A_1421 = arith.constant 0 : i32
      %parallel_loop3A_1422 = arith.constant 62 : i32
      %parallel_loop3A_1423 = arith.constant 1 : i32
      %parallel_loop3A_1424:9 = scf.for %parallel_loop3A_2034 = %parallel_loop3A_1421 to %parallel_loop3A_1422 step %parallel_loop3A_1423 iter_args(%parallel_loop3A_2035 = %iota3A, %parallel_loop3A_2036 = %broadcast_in_dim3A_3, %parallel_loop3A_2037 = %broadcast_in_dim3A_1414, %parallel_loop3A_2038 = %broadcast_in_dim3A_3, %parallel_loop3A_2039 = %broadcast_in_dim3A_1416, %parallel_loop3A_2040 = %broadcast_in_dim3A_3, %parallel_loop3A_2041 = %broadcast_in_dim3A_1418, %parallel_loop3A_2042 = %broadcast_in_dim3A_3, %parallel_loop3A_2043 = %broadcast_in_dim3A_1420) -> (vector<16xi32>, vector<16xf32>, vector<16xi32>, vector<16xf32>, vector<16xi32>, vector<16xf32>, vector<16xi32>, vector<16xf32>, vector<16xi32>)  : i32 {
        %parallel_loop3A_2044 = arith.constant 16 : i32
        %parallel_loop3A_2045 = arith.muli %parallel_loop3A_2034, %parallel_loop3A_2044 : i32
        %parallel_loop3A_2046 = arith.constant 12 : i32
        %parallel_loop3A_2047 = arith.index_cast %parallel_loop3A_2046 : i32 to index
        %parallel_loop3A_2048 = arith.index_cast %parallel_loop3A_2045 : i32 to index
        %parallel_loop3A_2049 = tpu.vector_load %arg6[%parallel_loop3A_2047, %parallel_loop3A_2048] {strides = array<i32>} : memref<32x1000xf32, #tpu.memory_space<vmem>>, vector<16xf32>,
        %parallel_loop3A_2050 = arith.cmpf ogt, %parallel_loop3A_2049, %parallel_loop3A_2036 : vector<16xf32>
        %parallel_loop3A_2051 = arith.select %parallel_loop3A_2050, %parallel_loop3A_2049, %parallel_loop3A_2036 : vector<16xi1>, vector<16xf32>
        %parallel_loop3A_2052 = arith.select %parallel_loop3A_2050, %parallel_loop3A_2035, %parallel_loop3A_2037 : vector<16xi1>, vector<16xi32>
        %parallel_loop3A_2053 = arith.constant 16 : i32
        %parallel_loop3A_2054 = arith.muli %parallel_loop3A_2034, %parallel_loop3A_2053 : i32
        %parallel_loop3A_2055 = arith.constant 13 : i32
        %parallel_loop3A_2056 = arith.index_cast %parallel_loop3A_2055 : i32 to index
        %parallel_loop3A_2057 = arith.index_cast %parallel_loop3A_2054 : i32 to index
        %parallel_loop3A_2058 = tpu.vector_load %arg6[%parallel_loop3A_2056, %parallel_loop3A_2057] {strides = array<i32>} : memref<32x1000xf32, #tpu.memory_space<vmem>>, vector<16xf32>,
        %parallel_loop3A_2059 = arith.cmpf ogt, %parallel_loop3A_2058, %parallel_loop3A_2038 : vector<16xf32>
        %parallel_loop3A_2060 = arith.select %parallel_loop3A_2059, %parallel_loop3A_2058, %parallel_loop3A_2038 : vector<16xi1>, vector<16xf32>
        %parallel_loop3A_2061 = arith.select %parallel_loop3A_2059, %parallel_loop3A_2035, %parallel_loop3A_2039 : vector<16xi1>, vector<16xi32>
        %parallel_loop3A_2062 = arith.constant 16 : i32
        %parallel_loop3A_2063 = arith.muli %parallel_loop3A_2034, %parallel_loop3A_2062 : i32
        %parallel_loop3A_2064 = arith.constant 14 : i32
        %parallel_loop3A_2065 = arith.index_cast %parallel_loop3A_2064 : i32 to index
        %parallel_loop3A_2066 = arith.index_cast %parallel_loop3A_2063 : i32 to index
        %parallel_loop3A_2067 = tpu.vector_load %arg6[%parallel_loop3A_2065, %parallel_loop3A_2066] {strides = array<i32>} : memref<32x1000xf32, #tpu.memory_space<vmem>>, vector<16xf32>,
        %parallel_loop3A_2068 = arith.cmpf ogt, %parallel_loop3A_2067, %parallel_loop3A_2040 : vector<16xf32>
        %parallel_loop3A_2069 = arith.select %parallel_loop3A_2068, %parallel_loop3A_2067, %parallel_loop3A_2040 : vector<16xi1>, vector<16xf32>
        %parallel_loop3A_2070 = arith.select %parallel_loop3A_2068, %parallel_loop3A_2035, %parallel_loop3A_2041 : vector<16xi1>, vector<16xi32>
        %parallel_loop3A_2071 = arith.constant 16 : i32
        %parallel_loop3A_2072 = arith.muli %parallel_loop3A_2034, %parallel_loop3A_2071 : i32
        %parallel_loop3A_2073 = arith.constant 15 : i32
        %parallel_loop3A_2074 = arith.index_cast %parallel_loop3A_2073 : i32 to index
        %parallel_loop3A_2075 = arith.index_cast %parallel_loop3A_2072 : i32 to index
        %parallel_loop3A_2076 = tpu.vector_load %arg6[%parallel_loop3A_2074, %parallel_loop3A_2075] {strides = array<i32>} : memref<32x1000xf32, #tpu.memory_space<vmem>>, vector<16xf32>,
        %parallel_loop3A_2077 = arith.cmpf ogt, %parallel_loop3A_2076, %parallel_loop3A_2042 : vector<16xf32>
        %parallel_loop3A_2078 = arith.select %parallel_loop3A_2077, %parallel_loop3A_2076, %parallel_loop3A_2042 : vector<16xi1>, vector<16xf32>
        %parallel_loop3A_2079 = arith.select %parallel_loop3A_2077, %parallel_loop3A_2035, %parallel_loop3A_2043 : vector<16xi1>, vector<16xi32>
        %parallel_loop3A_2080 = arith.constant 16 : i32
        %parallel_loop3A_2081 = vector.broadcast %parallel_loop3A_2080 : i32 to vector<16xi32>
        %parallel_loop3A_2082 = arith.addi %parallel_loop3A_2035, %parallel_loop3A_2081 : vector<16xi32>
        scf.yield %parallel_loop3A_2082, %parallel_loop3A_2051, %parallel_loop3A_2052, %parallel_loop3A_2060, %parallel_loop3A_2061, %parallel_loop3A_2069, %parallel_loop3A_2070, %parallel_loop3A_2078, %parallel_loop3A_2079 : vector<16xi32>, vector<16xf32>, vector<16xi32>, vector<16xf32>, vector<16xi32>, vector<16xf32>, vector<16xi32>, vector<16xf32>, vector<16xi32>
      } {sc.loop_unroll_factor = 2 : i64, sc.parallel_access}
      %get3A_1425 = arith.constant 12 : i32
      %get3A_1426 = arith.index_cast %get3A_1425 : i32 to index
      %get3A_1427 = arith.constant 984 : index
      %get3A_1428 = tpu.vector_load %arg6[%get3A_1426, %get3A_1427] {strides = array<i32>} : memref<32x1000xf32, #tpu.memory_space<vmem>>, vector<16xf32>,
      %gt3A_1429 = arith.cmpf ogt, %get3A_1428, %parallel_loop3A_1424#1 : vector<16xf32>
      %select_n3A_1430 = arith.select %gt3A_1429, %get3A_1428, %parallel_loop3A_1424#1 : vector<16xi1>, vector<16xf32>
      %select_n3A_1431 = arith.select %gt3A_1429, %add3A_8, %parallel_loop3A_1424#2 : vector<16xi1>, vector<16xi32>
      %reduce_max3A_1432 = arith.constant true
      %reduce_max3A_1433 = vector.broadcast %reduce_max3A_1432 : i1 to vector<16xi1>
      %reduce_max3A_1434 = tpu.scan <max>, %select_n3A_1430 masked %reduce_max3A_1433 : vector<16xf32>, vector<16xi1> -> vector<16xf32>
      %reduce_max3A_1435 = vector.extract %reduce_max3A_1434[15] : f32 from vector<16xf32>
      %eq3A_1436 = vector.broadcast %reduce_max3A_1435 : f32 to vector<16xf32>
      %eq3A_1437 = arith.cmpf oeq, %select_n3A_1430, %eq3A_1436 : vector<16xf32>
      %select_n3A_1438 = arith.select %eq3A_1437, %select_n3A_1431, %broadcast_in_dim3A_5 : vector<16xi1>, vector<16xi32>
      %reduce_min3A_1439 = arith.constant true
      %reduce_min3A_1440 = vector.broadcast %reduce_min3A_1439 : i1 to vector<16xi1>
      %reduce_min3A_1441 = arith.constant -2147483648 : i32
      %reduce_min3A_1442 = vector.broadcast %reduce_min3A_1441 : i32 to vector<16xi32>
      %reduce_min3A_1443 = arith.xori %select_n3A_1438, %reduce_min3A_1442 : vector<16xi32>
      %reduce_min3A_1444 = tpu.scan <min>, %reduce_min3A_1443 masked %reduce_min3A_1440 : vector<16xi32>, vector<16xi1> -> vector<16xi32>
      %reduce_min3A_1445 = arith.xori %reduce_min3A_1444, %reduce_min3A_1442 : vector<16xi32>
      %reduce_min3A_1446 = vector.extract %reduce_min3A_1445[15] : i32 from vector<16xi32>
      %eq3A_1447 = arith.constant 12 : i32
      %eq3A_1448 = vector.broadcast %eq3A_1447 : i32 to vector<16xi32>
      %eq3A_1449 = arith.cmpi eq, %iota3A, %eq3A_1448 : vector<16xi32>
      %broadcast_in_dim3A_1450 = vector.broadcast %reduce_min3A_1446 : i32 to vector<16xi32>
      %select_n3A_1451 = arith.select %eq3A_1449, %broadcast_in_dim3A_1450, %select_n3A_1412 : vector<16xi1>, vector<16xi32>
      %get3A_1452 = arith.constant 13 : i32
      %get3A_1453 = arith.index_cast %get3A_1452 : i32 to index
      %get3A_1454 = arith.constant 984 : index
      %get3A_1455 = tpu.vector_load %arg6[%get3A_1453, %get3A_1454] {strides = array<i32>} : memref<32x1000xf32, #tpu.memory_space<vmem>>, vector<16xf32>,
      %gt3A_1456 = arith.cmpf ogt, %get3A_1455, %parallel_loop3A_1424#3 : vector<16xf32>
      %select_n3A_1457 = arith.select %gt3A_1456, %get3A_1455, %parallel_loop3A_1424#3 : vector<16xi1>, vector<16xf32>
      %select_n3A_1458 = arith.select %gt3A_1456, %add3A_8, %parallel_loop3A_1424#4 : vector<16xi1>, vector<16xi32>
      %reduce_max3A_1459 = arith.constant true
      %reduce_max3A_1460 = vector.broadcast %reduce_max3A_1459 : i1 to vector<16xi1>
      %reduce_max3A_1461 = tpu.scan <max>, %select_n3A_1457 masked %reduce_max3A_1460 : vector<16xf32>, vector<16xi1> -> vector<16xf32>
      %reduce_max3A_1462 = vector.extract %reduce_max3A_1461[15] : f32 from vector<16xf32>
      %eq3A_1463 = vector.broadcast %reduce_max3A_1462 : f32 to vector<16xf32>
      %eq3A_1464 = arith.cmpf oeq, %select_n3A_1457, %eq3A_1463 : vector<16xf32>
      %select_n3A_1465 = arith.select %eq3A_1464, %select_n3A_1458, %broadcast_in_dim3A_5 : vector<16xi1>, vector<16xi32>
      %reduce_min3A_1466 = arith.constant true
      %reduce_min3A_1467 = vector.broadcast %reduce_min3A_1466 : i1 to vector<16xi1>
      %reduce_min3A_1468 = arith.constant -2147483648 : i32
      %reduce_min3A_1469 = vector.broadcast %reduce_min3A_1468 : i32 to vector<16xi32>
      %reduce_min3A_1470 = arith.xori %select_n3A_1465, %reduce_min3A_1469 : vector<16xi32>
      %reduce_min3A_1471 = tpu.scan <min>, %reduce_min3A_1470 masked %reduce_min3A_1467 : vector<16xi32>, vector<16xi1> -> vector<16xi32>
      %reduce_min3A_1472 = arith.xori %reduce_min3A_1471, %reduce_min3A_1469 : vector<16xi32>
      %reduce_min3A_1473 = vector.extract %reduce_min3A_1472[15] : i32 from vector<16xi32>
      %eq3A_1474 = arith.constant 13 : i32
      %eq3A_1475 = vector.broadcast %eq3A_1474 : i32 to vector<16xi32>
      %eq3A_1476 = arith.cmpi eq, %iota3A, %eq3A_1475 : vector<16xi32>
      %broadcast_in_dim3A_1477 = vector.broadcast %reduce_min3A_1473 : i32 to vector<16xi32>
      %select_n3A_1478 = arith.select %eq3A_1476, %broadcast_in_dim3A_1477, %select_n3A_1451 : vector<16xi1>, vector<16xi32>
      %get3A_1479 = arith.constant 14 : i32
      %get3A_1480 = arith.index_cast %get3A_1479 : i32 to index
      %get3A_1481 = arith.constant 984 : index
      %get3A_1482 = tpu.vector_load %arg6[%get3A_1480, %get3A_1481] {strides = array<i32>} : memref<32x1000xf32, #tpu.memory_space<vmem>>, vector<16xf32>,
      %gt3A_1483 = arith.cmpf ogt, %get3A_1482, %parallel_loop3A_1424#5 : vector<16xf32>
      %select_n3A_1484 = arith.select %gt3A_1483, %get3A_1482, %parallel_loop3A_1424#5 : vector<16xi1>, vector<16xf32>
      %select_n3A_1485 = arith.select %gt3A_1483, %add3A_8, %parallel_loop3A_1424#6 : vector<16xi1>, vector<16xi32>
      %reduce_max3A_1486 = arith.constant true
      %reduce_max3A_1487 = vector.broadcast %reduce_max3A_1486 : i1 to vector<16xi1>
      %reduce_max3A_1488 = tpu.scan <max>, %select_n3A_1484 masked %reduce_max3A_1487 : vector<16xf32>, vector<16xi1> -> vector<16xf32>
      %reduce_max3A_1489 = vector.extract %reduce_max3A_1488[15] : f32 from vector<16xf32>
      %eq3A_1490 = vector.broadcast %reduce_max3A_1489 : f32 to vector<16xf32>
      %eq3A_1491 = arith.cmpf oeq, %select_n3A_1484, %eq3A_1490 : vector<16xf32>
      %select_n3A_1492 = arith.select %eq3A_1491, %select_n3A_1485, %broadcast_in_dim3A_5 : vector<16xi1>, vector<16xi32>
      %reduce_min3A_1493 = arith.constant true
      %reduce_min3A_1494 = vector.broadcast %reduce_min3A_1493 : i1 to vector<16xi1>
      %reduce_min3A_1495 = arith.constant -2147483648 : i32
      %reduce_min3A_1496 = vector.broadcast %reduce_min3A_1495 : i32 to vector<16xi32>
      %reduce_min3A_1497 = arith.xori %select_n3A_1492, %reduce_min3A_1496 : vector<16xi32>
      %reduce_min3A_1498 = tpu.scan <min>, %reduce_min3A_1497 masked %reduce_min3A_1494 : vector<16xi32>, vector<16xi1> -> vector<16xi32>
      %reduce_min3A_1499 = arith.xori %reduce_min3A_1498, %reduce_min3A_1496 : vector<16xi32>
      %reduce_min3A_1500 = vector.extract %reduce_min3A_1499[15] : i32 from vector<16xi32>
      %eq3A_1501 = arith.constant 14 : i32
      %eq3A_1502 = vector.broadcast %eq3A_1501 : i32 to vector<16xi32>
      %eq3A_1503 = arith.cmpi eq, %iota3A, %eq3A_1502 : vector<16xi32>
      %broadcast_in_dim3A_1504 = vector.broadcast %reduce_min3A_1500 : i32 to vector<16xi32>
      %select_n3A_1505 = arith.select %eq3A_1503, %broadcast_in_dim3A_1504, %select_n3A_1478 : vector<16xi1>, vector<16xi32>
      %get3A_1506 = arith.constant 15 : i32
      %get3A_1507 = arith.index_cast %get3A_1506 : i32 to index
      %get3A_1508 = arith.constant 984 : index
      %get3A_1509 = tpu.vector_load %arg6[%get3A_1507, %get3A_1508] {strides = array<i32>} : memref<32x1000xf32, #tpu.memory_space<vmem>>, vector<16xf32>,
      %gt3A_1510 = arith.cmpf ogt, %get3A_1509, %parallel_loop3A_1424#7 : vector<16xf32>
      %select_n3A_1511 = arith.select %gt3A_1510, %get3A_1509, %parallel_loop3A_1424#7 : vector<16xi1>, vector<16xf32>
      %select_n3A_1512 = arith.select %gt3A_1510, %add3A_8, %parallel_loop3A_1424#8 : vector<16xi1>, vector<16xi32>
      %reduce_max3A_1513 = arith.constant true
      %reduce_max3A_1514 = vector.broadcast %reduce_max3A_1513 : i1 to vector<16xi1>
      %reduce_max3A_1515 = tpu.scan <max>, %select_n3A_1511 masked %reduce_max3A_1514 : vector<16xf32>, vector<16xi1> -> vector<16xf32>
      %reduce_max3A_1516 = vector.extract %reduce_max3A_1515[15] : f32 from vector<16xf32>
      %eq3A_1517 = vector.broadcast %reduce_max3A_1516 : f32 to vector<16xf32>
      %eq3A_1518 = arith.cmpf oeq, %select_n3A_1511, %eq3A_1517 : vector<16xf32>
      %select_n3A_1519 = arith.select %eq3A_1518, %select_n3A_1512, %broadcast_in_dim3A_5 : vector<16xi1>, vector<16xi32>
      %reduce_min3A_1520 = arith.constant true
      %reduce_min3A_1521 = vector.broadcast %reduce_min3A_1520 : i1 to vector<16xi1>
      %reduce_min3A_1522 = arith.constant -2147483648 : i32
      %reduce_min3A_1523 = vector.broadcast %reduce_min3A_1522 : i32 to vector<16xi32>
      %reduce_min3A_1524 = arith.xori %select_n3A_1519, %reduce_min3A_1523 : vector<16xi32>
      %reduce_min3A_1525 = tpu.scan <min>, %reduce_min3A_1524 masked %reduce_min3A_1521 : vector<16xi32>, vector<16xi1> -> vector<16xi32>
      %reduce_min3A_1526 = arith.xori %reduce_min3A_1525, %reduce_min3A_1523 : vector<16xi32>
      %reduce_min3A_1527 = vector.extract %reduce_min3A_1526[15] : i32 from vector<16xi32>
      %eq3A_1528 = arith.constant 15 : i32
      %eq3A_1529 = vector.broadcast %eq3A_1528 : i32 to vector<16xi32>
      %eq3A_1530 = arith.cmpi eq, %iota3A, %eq3A_1529 : vector<16xi32>
      %broadcast_in_dim3A_1531 = vector.broadcast %reduce_min3A_1527 : i32 to vector<16xi32>
      %select_n3A_1532 = arith.select %eq3A_1530, %broadcast_in_dim3A_1531, %select_n3A_1505 : vector<16xi1>, vector<16xi32>
      %mul3A_1533 = arith.constant 32 : i32
      %mul3A_1534 = arith.muli %add3A_1041, %mul3A_1533 : i32
      %add3A_1535 = arith.constant 0 : i32
      %add3A_1536 = arith.addi %mul3A_1534, %add3A_1535 : i32
      %swap3A_1537 = arith.index_cast %add3A_1536 : i32 to index
      %swap3A_1538 = tpu.vector_load %arg7[%swap3A_1537] {strides = array<i32>} : memref<256xi32, #tpu.memory_space<vmem>>, vector<16xi32>,
      tpu.vector_store %arg7[%swap3A_1537], %select_n3A_1532 {strides = array<i32>} : memref<256xi32, #tpu.memory_space<vmem>>, vector<16xi32>,
      %broadcast_in_dim3A_1539 = arith.constant 0 : i32
      %broadcast_in_dim3A_1540 = vector.broadcast %broadcast_in_dim3A_1539 : i32 to vector<16xi32>
      %broadcast_in_dim3A_1541 = arith.constant 0 : i32
      %broadcast_in_dim3A_1542 = vector.broadcast %broadcast_in_dim3A_1541 : i32 to vector<16xi32>
      %broadcast_in_dim3A_1543 = arith.constant 0 : i32
      %broadcast_in_dim3A_1544 = vector.broadcast %broadcast_in_dim3A_1543 : i32 to vector<16xi32>
      %broadcast_in_dim3A_1545 = arith.constant 0 : i32
      %broadcast_in_dim3A_1546 = vector.broadcast %broadcast_in_dim3A_1545 : i32 to vector<16xi32>
      %broadcast_in_dim3A_1547 = arith.constant 0 : i32
      %broadcast_in_dim3A_1548 = vector.broadcast %broadcast_in_dim3A_1547 : i32 to vector<16xi32>
      %parallel_loop3A_1549 = arith.constant 0 : i32
      %parallel_loop3A_1550 = arith.constant 62 : i32
      %parallel_loop3A_1551 = arith.constant 1 : i32
      %parallel_loop3A_1552:9 = scf.for %parallel_loop3A_2034 = %parallel_loop3A_1549 to %parallel_loop3A_1550 step %parallel_loop3A_1551 iter_args(%parallel_loop3A_2035 = %iota3A, %parallel_loop3A_2036 = %broadcast_in_dim3A_3, %parallel_loop3A_2037 = %broadcast_in_dim3A_1542, %parallel_loop3A_2038 = %broadcast_in_dim3A_3, %parallel_loop3A_2039 = %broadcast_in_dim3A_1544, %parallel_loop3A_2040 = %broadcast_in_dim3A_3, %parallel_loop3A_2041 = %broadcast_in_dim3A_1546, %parallel_loop3A_2042 = %broadcast_in_dim3A_3, %parallel_loop3A_2043 = %broadcast_in_dim3A_1548) -> (vector<16xi32>, vector<16xf32>, vector<16xi32>, vector<16xf32>, vector<16xi32>, vector<16xf32>, vector<16xi32>, vector<16xf32>, vector<16xi32>)  : i32 {
        %parallel_loop3A_2044 = arith.constant 16 : i32
        %parallel_loop3A_2045 = arith.muli %parallel_loop3A_2034, %parallel_loop3A_2044 : i32
        %parallel_loop3A_2046 = arith.constant 16 : i32
        %parallel_loop3A_2047 = arith.index_cast %parallel_loop3A_2046 : i32 to index
        %parallel_loop3A_2048 = arith.index_cast %parallel_loop3A_2045 : i32 to index
        %parallel_loop3A_2049 = tpu.vector_load %arg6[%parallel_loop3A_2047, %parallel_loop3A_2048] {strides = array<i32>} : memref<32x1000xf32, #tpu.memory_space<vmem>>, vector<16xf32>,
        %parallel_loop3A_2050 = arith.cmpf ogt, %parallel_loop3A_2049, %parallel_loop3A_2036 : vector<16xf32>
        %parallel_loop3A_2051 = arith.select %parallel_loop3A_2050, %parallel_loop3A_2049, %parallel_loop3A_2036 : vector<16xi1>, vector<16xf32>
        %parallel_loop3A_2052 = arith.select %parallel_loop3A_2050, %parallel_loop3A_2035, %parallel_loop3A_2037 : vector<16xi1>, vector<16xi32>
        %parallel_loop3A_2053 = arith.constant 16 : i32
        %parallel_loop3A_2054 = arith.muli %parallel_loop3A_2034, %parallel_loop3A_2053 : i32
        %parallel_loop3A_2055 = arith.constant 17 : i32
        %parallel_loop3A_2056 = arith.index_cast %parallel_loop3A_2055 : i32 to index
        %parallel_loop3A_2057 = arith.index_cast %parallel_loop3A_2054 : i32 to index
        %parallel_loop3A_2058 = tpu.vector_load %arg6[%parallel_loop3A_2056, %parallel_loop3A_2057] {strides = array<i32>} : memref<32x1000xf32, #tpu.memory_space<vmem>>, vector<16xf32>,
        %parallel_loop3A_2059 = arith.cmpf ogt, %parallel_loop3A_2058, %parallel_loop3A_2038 : vector<16xf32>
        %parallel_loop3A_2060 = arith.select %parallel_loop3A_2059, %parallel_loop3A_2058, %parallel_loop3A_2038 : vector<16xi1>, vector<16xf32>
        %parallel_loop3A_2061 = arith.select %parallel_loop3A_2059, %parallel_loop3A_2035, %parallel_loop3A_2039 : vector<16xi1>, vector<16xi32>
        %parallel_loop3A_2062 = arith.constant 16 : i32
        %parallel_loop3A_2063 = arith.muli %parallel_loop3A_2034, %parallel_loop3A_2062 : i32
        %parallel_loop3A_2064 = arith.constant 18 : i32
        %parallel_loop3A_2065 = arith.index_cast %parallel_loop3A_2064 : i32 to index
        %parallel_loop3A_2066 = arith.index_cast %parallel_loop3A_2063 : i32 to index
        %parallel_loop3A_2067 = tpu.vector_load %arg6[%parallel_loop3A_2065, %parallel_loop3A_2066] {strides = array<i32>} : memref<32x1000xf32, #tpu.memory_space<vmem>>, vector<16xf32>,
        %parallel_loop3A_2068 = arith.cmpf ogt, %parallel_loop3A_2067, %parallel_loop3A_2040 : vector<16xf32>
        %parallel_loop3A_2069 = arith.select %parallel_loop3A_2068, %parallel_loop3A_2067, %parallel_loop3A_2040 : vector<16xi1>, vector<16xf32>
        %parallel_loop3A_2070 = arith.select %parallel_loop3A_2068, %parallel_loop3A_2035, %parallel_loop3A_2041 : vector<16xi1>, vector<16xi32>
        %parallel_loop3A_2071 = arith.constant 16 : i32
        %parallel_loop3A_2072 = arith.muli %parallel_loop3A_2034, %parallel_loop3A_2071 : i32
        %parallel_loop3A_2073 = arith.constant 19 : i32
        %parallel_loop3A_2074 = arith.index_cast %parallel_loop3A_2073 : i32 to index
        %parallel_loop3A_2075 = arith.index_cast %parallel_loop3A_2072 : i32 to index
        %parallel_loop3A_2076 = tpu.vector_load %arg6[%parallel_loop3A_2074, %parallel_loop3A_2075] {strides = array<i32>} : memref<32x1000xf32, #tpu.memory_space<vmem>>, vector<16xf32>,
        %parallel_loop3A_2077 = arith.cmpf ogt, %parallel_loop3A_2076, %parallel_loop3A_2042 : vector<16xf32>
        %parallel_loop3A_2078 = arith.select %parallel_loop3A_2077, %parallel_loop3A_2076, %parallel_loop3A_2042 : vector<16xi1>, vector<16xf32>
        %parallel_loop3A_2079 = arith.select %parallel_loop3A_2077, %parallel_loop3A_2035, %parallel_loop3A_2043 : vector<16xi1>, vector<16xi32>
        %parallel_loop3A_2080 = arith.constant 16 : i32
        %parallel_loop3A_2081 = vector.broadcast %parallel_loop3A_2080 : i32 to vector<16xi32>
        %parallel_loop3A_2082 = arith.addi %parallel_loop3A_2035, %parallel_loop3A_2081 : vector<16xi32>
        scf.yield %parallel_loop3A_2082, %parallel_loop3A_2051, %parallel_loop3A_2052, %parallel_loop3A_2060, %parallel_loop3A_2061, %parallel_loop3A_2069, %parallel_loop3A_2070, %parallel_loop3A_2078, %parallel_loop3A_2079 : vector<16xi32>, vector<16xf32>, vector<16xi32>, vector<16xf32>, vector<16xi32>, vector<16xf32>, vector<16xi32>, vector<16xf32>, vector<16xi32>
      } {sc.loop_unroll_factor = 2 : i64, sc.parallel_access}
      %get3A_1553 = arith.constant 16 : i32
      %get3A_1554 = arith.index_cast %get3A_1553 : i32 to index
      %get3A_1555 = arith.constant 984 : index
      %get3A_1556 = tpu.vector_load %arg6[%get3A_1554, %get3A_1555] {strides = array<i32>} : memref<32x1000xf32, #tpu.memory_space<vmem>>, vector<16xf32>,
      %gt3A_1557 = arith.cmpf ogt, %get3A_1556, %parallel_loop3A_1552#1 : vector<16xf32>
      %select_n3A_1558 = arith.select %gt3A_1557, %get3A_1556, %parallel_loop3A_1552#1 : vector<16xi1>, vector<16xf32>
      %select_n3A_1559 = arith.select %gt3A_1557, %add3A_8, %parallel_loop3A_1552#2 : vector<16xi1>, vector<16xi32>
      %reduce_max3A_1560 = arith.constant true
      %reduce_max3A_1561 = vector.broadcast %reduce_max3A_1560 : i1 to vector<16xi1>
      %reduce_max3A_1562 = tpu.scan <max>, %select_n3A_1558 masked %reduce_max3A_1561 : vector<16xf32>, vector<16xi1> -> vector<16xf32>
      %reduce_max3A_1563 = vector.extract %reduce_max3A_1562[15] : f32 from vector<16xf32>
      %eq3A_1564 = vector.broadcast %reduce_max3A_1563 : f32 to vector<16xf32>
      %eq3A_1565 = arith.cmpf oeq, %select_n3A_1558, %eq3A_1564 : vector<16xf32>
      %select_n3A_1566 = arith.select %eq3A_1565, %select_n3A_1559, %broadcast_in_dim3A_5 : vector<16xi1>, vector<16xi32>
      %reduce_min3A_1567 = arith.constant true
      %reduce_min3A_1568 = vector.broadcast %reduce_min3A_1567 : i1 to vector<16xi1>
      %reduce_min3A_1569 = arith.constant -2147483648 : i32
      %reduce_min3A_1570 = vector.broadcast %reduce_min3A_1569 : i32 to vector<16xi32>
      %reduce_min3A_1571 = arith.xori %select_n3A_1566, %reduce_min3A_1570 : vector<16xi32>
      %reduce_min3A_1572 = tpu.scan <min>, %reduce_min3A_1571 masked %reduce_min3A_1568 : vector<16xi32>, vector<16xi1> -> vector<16xi32>
      %reduce_min3A_1573 = arith.xori %reduce_min3A_1572, %reduce_min3A_1570 : vector<16xi32>
      %reduce_min3A_1574 = vector.extract %reduce_min3A_1573[15] : i32 from vector<16xi32>
      %eq3A_1575 = arith.constant 0 : i32
      %eq3A_1576 = vector.broadcast %eq3A_1575 : i32 to vector<16xi32>
      %eq3A_1577 = arith.cmpi eq, %iota3A, %eq3A_1576 : vector<16xi32>
      %broadcast_in_dim3A_1578 = vector.broadcast %reduce_min3A_1574 : i32 to vector<16xi32>
      %select_n3A_1579 = arith.select %eq3A_1577, %broadcast_in_dim3A_1578, %broadcast_in_dim3A_1540 : vector<16xi1>, vector<16xi32>
      %get3A_1580 = arith.constant 17 : i32
      %get3A_1581 = arith.index_cast %get3A_1580 : i32 to index
      %get3A_1582 = arith.constant 984 : index
      %get3A_1583 = tpu.vector_load %arg6[%get3A_1581, %get3A_1582] {strides = array<i32>} : memref<32x1000xf32, #tpu.memory_space<vmem>>, vector<16xf32>,
      %gt3A_1584 = arith.cmpf ogt, %get3A_1583, %parallel_loop3A_1552#3 : vector<16xf32>
      %select_n3A_1585 = arith.select %gt3A_1584, %get3A_1583, %parallel_loop3A_1552#3 : vector<16xi1>, vector<16xf32>
      %select_n3A_1586 = arith.select %gt3A_1584, %add3A_8, %parallel_loop3A_1552#4 : vector<16xi1>, vector<16xi32>
      %reduce_max3A_1587 = arith.constant true
      %reduce_max3A_1588 = vector.broadcast %reduce_max3A_1587 : i1 to vector<16xi1>
      %reduce_max3A_1589 = tpu.scan <max>, %select_n3A_1585 masked %reduce_max3A_1588 : vector<16xf32>, vector<16xi1> -> vector<16xf32>
      %reduce_max3A_1590 = vector.extract %reduce_max3A_1589[15] : f32 from vector<16xf32>
      %eq3A_1591 = vector.broadcast %reduce_max3A_1590 : f32 to vector<16xf32>
      %eq3A_1592 = arith.cmpf oeq, %select_n3A_1585, %eq3A_1591 : vector<16xf32>
      %select_n3A_1593 = arith.select %eq3A_1592, %select_n3A_1586, %broadcast_in_dim3A_5 : vector<16xi1>, vector<16xi32>
      %reduce_min3A_1594 = arith.constant true
      %reduce_min3A_1595 = vector.broadcast %reduce_min3A_1594 : i1 to vector<16xi1>
      %reduce_min3A_1596 = arith.constant -2147483648 : i32
      %reduce_min3A_1597 = vector.broadcast %reduce_min3A_1596 : i32 to vector<16xi32>
      %reduce_min3A_1598 = arith.xori %select_n3A_1593, %reduce_min3A_1597 : vector<16xi32>
      %reduce_min3A_1599 = tpu.scan <min>, %reduce_min3A_1598 masked %reduce_min3A_1595 : vector<16xi32>, vector<16xi1> -> vector<16xi32>
      %reduce_min3A_1600 = arith.xori %reduce_min3A_1599, %reduce_min3A_1597 : vector<16xi32>
      %reduce_min3A_1601 = vector.extract %reduce_min3A_1600[15] : i32 from vector<16xi32>
      %eq3A_1602 = arith.constant 1 : i32
      %eq3A_1603 = vector.broadcast %eq3A_1602 : i32 to vector<16xi32>
      %eq3A_1604 = arith.cmpi eq, %iota3A, %eq3A_1603 : vector<16xi32>
      %broadcast_in_dim3A_1605 = vector.broadcast %reduce_min3A_1601 : i32 to vector<16xi32>
      %select_n3A_1606 = arith.select %eq3A_1604, %broadcast_in_dim3A_1605, %select_n3A_1579 : vector<16xi1>, vector<16xi32>
      %get3A_1607 = arith.constant 18 : i32
      %get3A_1608 = arith.index_cast %get3A_1607 : i32 to index
      %get3A_1609 = arith.constant 984 : index
      %get3A_1610 = tpu.vector_load %arg6[%get3A_1608, %get3A_1609] {strides = array<i32>} : memref<32x1000xf32, #tpu.memory_space<vmem>>, vector<16xf32>,
      %gt3A_1611 = arith.cmpf ogt, %get3A_1610, %parallel_loop3A_1552#5 : vector<16xf32>
      %select_n3A_1612 = arith.select %gt3A_1611, %get3A_1610, %parallel_loop3A_1552#5 : vector<16xi1>, vector<16xf32>
      %select_n3A_1613 = arith.select %gt3A_1611, %add3A_8, %parallel_loop3A_1552#6 : vector<16xi1>, vector<16xi32>
      %reduce_max3A_1614 = arith.constant true
      %reduce_max3A_1615 = vector.broadcast %reduce_max3A_1614 : i1 to vector<16xi1>
      %reduce_max3A_1616 = tpu.scan <max>, %select_n3A_1612 masked %reduce_max3A_1615 : vector<16xf32>, vector<16xi1> -> vector<16xf32>
      %reduce_max3A_1617 = vector.extract %reduce_max3A_1616[15] : f32 from vector<16xf32>
      %eq3A_1618 = vector.broadcast %reduce_max3A_1617 : f32 to vector<16xf32>
      %eq3A_1619 = arith.cmpf oeq, %select_n3A_1612, %eq3A_1618 : vector<16xf32>
      %select_n3A_1620 = arith.select %eq3A_1619, %select_n3A_1613, %broadcast_in_dim3A_5 : vector<16xi1>, vector<16xi32>
      %reduce_min3A_1621 = arith.constant true
      %reduce_min3A_1622 = vector.broadcast %reduce_min3A_1621 : i1 to vector<16xi1>
      %reduce_min3A_1623 = arith.constant -2147483648 : i32
      %reduce_min3A_1624 = vector.broadcast %reduce_min3A_1623 : i32 to vector<16xi32>
      %reduce_min3A_1625 = arith.xori %select_n3A_1620, %reduce_min3A_1624 : vector<16xi32>
      %reduce_min3A_1626 = tpu.scan <min>, %reduce_min3A_1625 masked %reduce_min3A_1622 : vector<16xi32>, vector<16xi1> -> vector<16xi32>
      %reduce_min3A_1627 = arith.xori %reduce_min3A_1626, %reduce_min3A_1624 : vector<16xi32>
      %reduce_min3A_1628 = vector.extract %reduce_min3A_1627[15] : i32 from vector<16xi32>
      %eq3A_1629 = arith.constant 2 : i32
      %eq3A_1630 = vector.broadcast %eq3A_1629 : i32 to vector<16xi32>
      %eq3A_1631 = arith.cmpi eq, %iota3A, %eq3A_1630 : vector<16xi32>
      %broadcast_in_dim3A_1632 = vector.broadcast %reduce_min3A_1628 : i32 to vector<16xi32>
      %select_n3A_1633 = arith.select %eq3A_1631, %broadcast_in_dim3A_1632, %select_n3A_1606 : vector<16xi1>, vector<16xi32>
      %get3A_1634 = arith.constant 19 : i32
      %get3A_1635 = arith.index_cast %get3A_1634 : i32 to index
      %get3A_1636 = arith.constant 984 : index
      %get3A_1637 = tpu.vector_load %arg6[%get3A_1635, %get3A_1636] {strides = array<i32>} : memref<32x1000xf32, #tpu.memory_space<vmem>>, vector<16xf32>,
      %gt3A_1638 = arith.cmpf ogt, %get3A_1637, %parallel_loop3A_1552#7 : vector<16xf32>
      %select_n3A_1639 = arith.select %gt3A_1638, %get3A_1637, %parallel_loop3A_1552#7 : vector<16xi1>, vector<16xf32>
      %select_n3A_1640 = arith.select %gt3A_1638, %add3A_8, %parallel_loop3A_1552#8 : vector<16xi1>, vector<16xi32>
      %reduce_max3A_1641 = arith.constant true
      %reduce_max3A_1642 = vector.broadcast %reduce_max3A_1641 : i1 to vector<16xi1>
      %reduce_max3A_1643 = tpu.scan <max>, %select_n3A_1639 masked %reduce_max3A_1642 : vector<16xf32>, vector<16xi1> -> vector<16xf32>
      %reduce_max3A_1644 = vector.extract %reduce_max3A_1643[15] : f32 from vector<16xf32>
      %eq3A_1645 = vector.broadcast %reduce_max3A_1644 : f32 to vector<16xf32>
      %eq3A_1646 = arith.cmpf oeq, %select_n3A_1639, %eq3A_1645 : vector<16xf32>
      %select_n3A_1647 = arith.select %eq3A_1646, %select_n3A_1640, %broadcast_in_dim3A_5 : vector<16xi1>, vector<16xi32>
      %reduce_min3A_1648 = arith.constant true
      %reduce_min3A_1649 = vector.broadcast %reduce_min3A_1648 : i1 to vector<16xi1>
      %reduce_min3A_1650 = arith.constant -2147483648 : i32
      %reduce_min3A_1651 = vector.broadcast %reduce_min3A_1650 : i32 to vector<16xi32>
      %reduce_min3A_1652 = arith.xori %select_n3A_1647, %reduce_min3A_1651 : vector<16xi32>
      %reduce_min3A_1653 = tpu.scan <min>, %reduce_min3A_1652 masked %reduce_min3A_1649 : vector<16xi32>, vector<16xi1> -> vector<16xi32>
      %reduce_min3A_1654 = arith.xori %reduce_min3A_1653, %reduce_min3A_1651 : vector<16xi32>
      %reduce_min3A_1655 = vector.extract %reduce_min3A_1654[15] : i32 from vector<16xi32>
      %eq3A_1656 = arith.constant 3 : i32
      %eq3A_1657 = vector.broadcast %eq3A_1656 : i32 to vector<16xi32>
      %eq3A_1658 = arith.cmpi eq, %iota3A, %eq3A_1657 : vector<16xi32>
      %broadcast_in_dim3A_1659 = vector.broadcast %reduce_min3A_1655 : i32 to vector<16xi32>
      %select_n3A_1660 = arith.select %eq3A_1658, %broadcast_in_dim3A_1659, %select_n3A_1633 : vector<16xi1>, vector<16xi32>
      %broadcast_in_dim3A_1661 = arith.constant 0 : i32
      %broadcast_in_dim3A_1662 = vector.broadcast %broadcast_in_dim3A_1661 : i32 to vector<16xi32>
      %broadcast_in_dim3A_1663 = arith.constant 0 : i32
      %broadcast_in_dim3A_1664 = vector.broadcast %broadcast_in_dim3A_1663 : i32 to vector<16xi32>
      %broadcast_in_dim3A_1665 = arith.constant 0 : i32
      %broadcast_in_dim3A_1666 = vector.broadcast %broadcast_in_dim3A_1665 : i32 to vector<16xi32>
      %broadcast_in_dim3A_1667 = arith.constant 0 : i32
      %broadcast_in_dim3A_1668 = vector.broadcast %broadcast_in_dim3A_1667 : i32 to vector<16xi32>
      %parallel_loop3A_1669 = arith.constant 0 : i32
      %parallel_loop3A_1670 = arith.constant 62 : i32
      %parallel_loop3A_1671 = arith.constant 1 : i32
      %parallel_loop3A_1672:9 = scf.for %parallel_loop3A_2034 = %parallel_loop3A_1669 to %parallel_loop3A_1670 step %parallel_loop3A_1671 iter_args(%parallel_loop3A_2035 = %iota3A, %parallel_loop3A_2036 = %broadcast_in_dim3A_3, %parallel_loop3A_2037 = %broadcast_in_dim3A_1662, %parallel_loop3A_2038 = %broadcast_in_dim3A_3, %parallel_loop3A_2039 = %broadcast_in_dim3A_1664, %parallel_loop3A_2040 = %broadcast_in_dim3A_3, %parallel_loop3A_2041 = %broadcast_in_dim3A_1666, %parallel_loop3A_2042 = %broadcast_in_dim3A_3, %parallel_loop3A_2043 = %broadcast_in_dim3A_1668) -> (vector<16xi32>, vector<16xf32>, vector<16xi32>, vector<16xf32>, vector<16xi32>, vector<16xf32>, vector<16xi32>, vector<16xf32>, vector<16xi32>)  : i32 {
        %parallel_loop3A_2044 = arith.constant 16 : i32
        %parallel_loop3A_2045 = arith.muli %parallel_loop3A_2034, %parallel_loop3A_2044 : i32
        %parallel_loop3A_2046 = arith.constant 20 : i32
        %parallel_loop3A_2047 = arith.index_cast %parallel_loop3A_2046 : i32 to index
        %parallel_loop3A_2048 = arith.index_cast %parallel_loop3A_2045 : i32 to index
        %parallel_loop3A_2049 = tpu.vector_load %arg6[%parallel_loop3A_2047, %parallel_loop3A_2048] {strides = array<i32>} : memref<32x1000xf32, #tpu.memory_space<vmem>>, vector<16xf32>,
        %parallel_loop3A_2050 = arith.cmpf ogt, %parallel_loop3A_2049, %parallel_loop3A_2036 : vector<16xf32>
        %parallel_loop3A_2051 = arith.select %parallel_loop3A_2050, %parallel_loop3A_2049, %parallel_loop3A_2036 : vector<16xi1>, vector<16xf32>
        %parallel_loop3A_2052 = arith.select %parallel_loop3A_2050, %parallel_loop3A_2035, %parallel_loop3A_2037 : vector<16xi1>, vector<16xi32>
        %parallel_loop3A_2053 = arith.constant 16 : i32
        %parallel_loop3A_2054 = arith.muli %parallel_loop3A_2034, %parallel_loop3A_2053 : i32
        %parallel_loop3A_2055 = arith.constant 21 : i32
        %parallel_loop3A_2056 = arith.index_cast %parallel_loop3A_2055 : i32 to index
        %parallel_loop3A_2057 = arith.index_cast %parallel_loop3A_2054 : i32 to index
        %parallel_loop3A_2058 = tpu.vector_load %arg6[%parallel_loop3A_2056, %parallel_loop3A_2057] {strides = array<i32>} : memref<32x1000xf32, #tpu.memory_space<vmem>>, vector<16xf32>,
        %parallel_loop3A_2059 = arith.cmpf ogt, %parallel_loop3A_2058, %parallel_loop3A_2038 : vector<16xf32>
        %parallel_loop3A_2060 = arith.select %parallel_loop3A_2059, %parallel_loop3A_2058, %parallel_loop3A_2038 : vector<16xi1>, vector<16xf32>
        %parallel_loop3A_2061 = arith.select %parallel_loop3A_2059, %parallel_loop3A_2035, %parallel_loop3A_2039 : vector<16xi1>, vector<16xi32>
        %parallel_loop3A_2062 = arith.constant 16 : i32
        %parallel_loop3A_2063 = arith.muli %parallel_loop3A_2034, %parallel_loop3A_2062 : i32
        %parallel_loop3A_2064 = arith.constant 22 : i32
        %parallel_loop3A_2065 = arith.index_cast %parallel_loop3A_2064 : i32 to index
        %parallel_loop3A_2066 = arith.index_cast %parallel_loop3A_2063 : i32 to index
        %parallel_loop3A_2067 = tpu.vector_load %arg6[%parallel_loop3A_2065, %parallel_loop3A_2066] {strides = array<i32>} : memref<32x1000xf32, #tpu.memory_space<vmem>>, vector<16xf32>,
        %parallel_loop3A_2068 = arith.cmpf ogt, %parallel_loop3A_2067, %parallel_loop3A_2040 : vector<16xf32>
        %parallel_loop3A_2069 = arith.select %parallel_loop3A_2068, %parallel_loop3A_2067, %parallel_loop3A_2040 : vector<16xi1>, vector<16xf32>
        %parallel_loop3A_2070 = arith.select %parallel_loop3A_2068, %parallel_loop3A_2035, %parallel_loop3A_2041 : vector<16xi1>, vector<16xi32>
        %parallel_loop3A_2071 = arith.constant 16 : i32
        %parallel_loop3A_2072 = arith.muli %parallel_loop3A_2034, %parallel_loop3A_2071 : i32
        %parallel_loop3A_2073 = arith.constant 23 : i32
        %parallel_loop3A_2074 = arith.index_cast %parallel_loop3A_2073 : i32 to index
        %parallel_loop3A_2075 = arith.index_cast %parallel_loop3A_2072 : i32 to index
        %parallel_loop3A_2076 = tpu.vector_load %arg6[%parallel_loop3A_2074, %parallel_loop3A_2075] {strides = array<i32>} : memref<32x1000xf32, #tpu.memory_space<vmem>>, vector<16xf32>,
        %parallel_loop3A_2077 = arith.cmpf ogt, %parallel_loop3A_2076, %parallel_loop3A_2042 : vector<16xf32>
        %parallel_loop3A_2078 = arith.select %parallel_loop3A_2077, %parallel_loop3A_2076, %parallel_loop3A_2042 : vector<16xi1>, vector<16xf32>
        %parallel_loop3A_2079 = arith.select %parallel_loop3A_2077, %parallel_loop3A_2035, %parallel_loop3A_2043 : vector<16xi1>, vector<16xi32>
        %parallel_loop3A_2080 = arith.constant 16 : i32
        %parallel_loop3A_2081 = vector.broadcast %parallel_loop3A_2080 : i32 to vector<16xi32>
        %parallel_loop3A_2082 = arith.addi %parallel_loop3A_2035, %parallel_loop3A_2081 : vector<16xi32>
        scf.yield %parallel_loop3A_2082, %parallel_loop3A_2051, %parallel_loop3A_2052, %parallel_loop3A_2060, %parallel_loop3A_2061, %parallel_loop3A_2069, %parallel_loop3A_2070, %parallel_loop3A_2078, %parallel_loop3A_2079 : vector<16xi32>, vector<16xf32>, vector<16xi32>, vector<16xf32>, vector<16xi32>, vector<16xf32>, vector<16xi32>, vector<16xf32>, vector<16xi32>
      } {sc.loop_unroll_factor = 2 : i64, sc.parallel_access}
      %get3A_1673 = arith.constant 20 : i32
      %get3A_1674 = arith.index_cast %get3A_1673 : i32 to index
      %get3A_1675 = arith.constant 984 : index
      %get3A_1676 = tpu.vector_load %arg6[%get3A_1674, %get3A_1675] {strides = array<i32>} : memref<32x1000xf32, #tpu.memory_space<vmem>>, vector<16xf32>,
      %gt3A_1677 = arith.cmpf ogt, %get3A_1676, %parallel_loop3A_1672#1 : vector<16xf32>
      %select_n3A_1678 = arith.select %gt3A_1677, %get3A_1676, %parallel_loop3A_1672#1 : vector<16xi1>, vector<16xf32>
      %select_n3A_1679 = arith.select %gt3A_1677, %add3A_8, %parallel_loop3A_1672#2 : vector<16xi1>, vector<16xi32>
      %reduce_max3A_1680 = arith.constant true
      %reduce_max3A_1681 = vector.broadcast %reduce_max3A_1680 : i1 to vector<16xi1>
      %reduce_max3A_1682 = tpu.scan <max>, %select_n3A_1678 masked %reduce_max3A_1681 : vector<16xf32>, vector<16xi1> -> vector<16xf32>
      %reduce_max3A_1683 = vector.extract %reduce_max3A_1682[15] : f32 from vector<16xf32>
      %eq3A_1684 = vector.broadcast %reduce_max3A_1683 : f32 to vector<16xf32>
      %eq3A_1685 = arith.cmpf oeq, %select_n3A_1678, %eq3A_1684 : vector<16xf32>
      %select_n3A_1686 = arith.select %eq3A_1685, %select_n3A_1679, %broadcast_in_dim3A_5 : vector<16xi1>, vector<16xi32>
      %reduce_min3A_1687 = arith.constant true
      %reduce_min3A_1688 = vector.broadcast %reduce_min3A_1687 : i1 to vector<16xi1>
      %reduce_min3A_1689 = arith.constant -2147483648 : i32
      %reduce_min3A_1690 = vector.broadcast %reduce_min3A_1689 : i32 to vector<16xi32>
      %reduce_min3A_1691 = arith.xori %select_n3A_1686, %reduce_min3A_1690 : vector<16xi32>
      %reduce_min3A_1692 = tpu.scan <min>, %reduce_min3A_1691 masked %reduce_min3A_1688 : vector<16xi32>, vector<16xi1> -> vector<16xi32>
      %reduce_min3A_1693 = arith.xori %reduce_min3A_1692, %reduce_min3A_1690 : vector<16xi32>
      %reduce_min3A_1694 = vector.extract %reduce_min3A_1693[15] : i32 from vector<16xi32>
      %eq3A_1695 = arith.constant 4 : i32
      %eq3A_1696 = vector.broadcast %eq3A_1695 : i32 to vector<16xi32>
      %eq3A_1697 = arith.cmpi eq, %iota3A, %eq3A_1696 : vector<16xi32>
      %broadcast_in_dim3A_1698 = vector.broadcast %reduce_min3A_1694 : i32 to vector<16xi32>
      %select_n3A_1699 = arith.select %eq3A_1697, %broadcast_in_dim3A_1698, %select_n3A_1660 : vector<16xi1>, vector<16xi32>
      %get3A_1700 = arith.constant 21 : i32
      %get3A_1701 = arith.index_cast %get3A_1700 : i32 to index
      %get3A_1702 = arith.constant 984 : index
      %get3A_1703 = tpu.vector_load %arg6[%get3A_1701, %get3A_1702] {strides = array<i32>} : memref<32x1000xf32, #tpu.memory_space<vmem>>, vector<16xf32>,
      %gt3A_1704 = arith.cmpf ogt, %get3A_1703, %parallel_loop3A_1672#3 : vector<16xf32>
      %select_n3A_1705 = arith.select %gt3A_1704, %get3A_1703, %parallel_loop3A_1672#3 : vector<16xi1>, vector<16xf32>
      %select_n3A_1706 = arith.select %gt3A_1704, %add3A_8, %parallel_loop3A_1672#4 : vector<16xi1>, vector<16xi32>
      %reduce_max3A_1707 = arith.constant true
      %reduce_max3A_1708 = vector.broadcast %reduce_max3A_1707 : i1 to vector<16xi1>
      %reduce_max3A_1709 = tpu.scan <max>, %select_n3A_1705 masked %reduce_max3A_1708 : vector<16xf32>, vector<16xi1> -> vector<16xf32>
      %reduce_max3A_1710 = vector.extract %reduce_max3A_1709[15] : f32 from vector<16xf32>
      %eq3A_1711 = vector.broadcast %reduce_max3A_1710 : f32 to vector<16xf32>
      %eq3A_1712 = arith.cmpf oeq, %select_n3A_1705, %eq3A_1711 : vector<16xf32>
      %select_n3A_1713 = arith.select %eq3A_1712, %select_n3A_1706, %broadcast_in_dim3A_5 : vector<16xi1>, vector<16xi32>
      %reduce_min3A_1714 = arith.constant true
      %reduce_min3A_1715 = vector.broadcast %reduce_min3A_1714 : i1 to vector<16xi1>
      %reduce_min3A_1716 = arith.constant -2147483648 : i32
      %reduce_min3A_1717 = vector.broadcast %reduce_min3A_1716 : i32 to vector<16xi32>
      %reduce_min3A_1718 = arith.xori %select_n3A_1713, %reduce_min3A_1717 : vector<16xi32>
      %reduce_min3A_1719 = tpu.scan <min>, %reduce_min3A_1718 masked %reduce_min3A_1715 : vector<16xi32>, vector<16xi1> -> vector<16xi32>
      %reduce_min3A_1720 = arith.xori %reduce_min3A_1719, %reduce_min3A_1717 : vector<16xi32>
      %reduce_min3A_1721 = vector.extract %reduce_min3A_1720[15] : i32 from vector<16xi32>
      %eq3A_1722 = arith.constant 5 : i32
      %eq3A_1723 = vector.broadcast %eq3A_1722 : i32 to vector<16xi32>
      %eq3A_1724 = arith.cmpi eq, %iota3A, %eq3A_1723 : vector<16xi32>
      %broadcast_in_dim3A_1725 = vector.broadcast %reduce_min3A_1721 : i32 to vector<16xi32>
      %select_n3A_1726 = arith.select %eq3A_1724, %broadcast_in_dim3A_1725, %select_n3A_1699 : vector<16xi1>, vector<16xi32>
      %get3A_1727 = arith.constant 22 : i32
      %get3A_1728 = arith.index_cast %get3A_1727 : i32 to index
      %get3A_1729 = arith.constant 984 : index
      %get3A_1730 = tpu.vector_load %arg6[%get3A_1728, %get3A_1729] {strides = array<i32>} : memref<32x1000xf32, #tpu.memory_space<vmem>>, vector<16xf32>,
      %gt3A_1731 = arith.cmpf ogt, %get3A_1730, %parallel_loop3A_1672#5 : vector<16xf32>
      %select_n3A_1732 = arith.select %gt3A_1731, %get3A_1730, %parallel_loop3A_1672#5 : vector<16xi1>, vector<16xf32>
      %select_n3A_1733 = arith.select %gt3A_1731, %add3A_8, %parallel_loop3A_1672#6 : vector<16xi1>, vector<16xi32>
      %reduce_max3A_1734 = arith.constant true
      %reduce_max3A_1735 = vector.broadcast %reduce_max3A_1734 : i1 to vector<16xi1>
      %reduce_max3A_1736 = tpu.scan <max>, %select_n3A_1732 masked %reduce_max3A_1735 : vector<16xf32>, vector<16xi1> -> vector<16xf32>
      %reduce_max3A_1737 = vector.extract %reduce_max3A_1736[15] : f32 from vector<16xf32>
      %eq3A_1738 = vector.broadcast %reduce_max3A_1737 : f32 to vector<16xf32>
      %eq3A_1739 = arith.cmpf oeq, %select_n3A_1732, %eq3A_1738 : vector<16xf32>
      %select_n3A_1740 = arith.select %eq3A_1739, %select_n3A_1733, %broadcast_in_dim3A_5 : vector<16xi1>, vector<16xi32>
      %reduce_min3A_1741 = arith.constant true
      %reduce_min3A_1742 = vector.broadcast %reduce_min3A_1741 : i1 to vector<16xi1>
      %reduce_min3A_1743 = arith.constant -2147483648 : i32
      %reduce_min3A_1744 = vector.broadcast %reduce_min3A_1743 : i32 to vector<16xi32>
      %reduce_min3A_1745 = arith.xori %select_n3A_1740, %reduce_min3A_1744 : vector<16xi32>
      %reduce_min3A_1746 = tpu.scan <min>, %reduce_min3A_1745 masked %reduce_min3A_1742 : vector<16xi32>, vector<16xi1> -> vector<16xi32>
      %reduce_min3A_1747 = arith.xori %reduce_min3A_1746, %reduce_min3A_1744 : vector<16xi32>
      %reduce_min3A_1748 = vector.extract %reduce_min3A_1747[15] : i32 from vector<16xi32>
      %eq3A_1749 = arith.constant 6 : i32
      %eq3A_1750 = vector.broadcast %eq3A_1749 : i32 to vector<16xi32>
      %eq3A_1751 = arith.cmpi eq, %iota3A, %eq3A_1750 : vector<16xi32>
      %broadcast_in_dim3A_1752 = vector.broadcast %reduce_min3A_1748 : i32 to vector<16xi32>
      %select_n3A_1753 = arith.select %eq3A_1751, %broadcast_in_dim3A_1752, %select_n3A_1726 : vector<16xi1>, vector<16xi32>
      %get3A_1754 = arith.constant 23 : i32
      %get3A_1755 = arith.index_cast %get3A_1754 : i32 to index
      %get3A_1756 = arith.constant 984 : index
      %get3A_1757 = tpu.vector_load %arg6[%get3A_1755, %get3A_1756] {strides = array<i32>} : memref<32x1000xf32, #tpu.memory_space<vmem>>, vector<16xf32>,
      %gt3A_1758 = arith.cmpf ogt, %get3A_1757, %parallel_loop3A_1672#7 : vector<16xf32>
      %select_n3A_1759 = arith.select %gt3A_1758, %get3A_1757, %parallel_loop3A_1672#7 : vector<16xi1>, vector<16xf32>
      %select_n3A_1760 = arith.select %gt3A_1758, %add3A_8, %parallel_loop3A_1672#8 : vector<16xi1>, vector<16xi32>
      %reduce_max3A_1761 = arith.constant true
      %reduce_max3A_1762 = vector.broadcast %reduce_max3A_1761 : i1 to vector<16xi1>
      %reduce_max3A_1763 = tpu.scan <max>, %select_n3A_1759 masked %reduce_max3A_1762 : vector<16xf32>, vector<16xi1> -> vector<16xf32>
      %reduce_max3A_1764 = vector.extract %reduce_max3A_1763[15] : f32 from vector<16xf32>
      %eq3A_1765 = vector.broadcast %reduce_max3A_1764 : f32 to vector<16xf32>
      %eq3A_1766 = arith.cmpf oeq, %select_n3A_1759, %eq3A_1765 : vector<16xf32>
      %select_n3A_1767 = arith.select %eq3A_1766, %select_n3A_1760, %broadcast_in_dim3A_5 : vector<16xi1>, vector<16xi32>
      %reduce_min3A_1768 = arith.constant true
      %reduce_min3A_1769 = vector.broadcast %reduce_min3A_1768 : i1 to vector<16xi1>
      %reduce_min3A_1770 = arith.constant -2147483648 : i32
      %reduce_min3A_1771 = vector.broadcast %reduce_min3A_1770 : i32 to vector<16xi32>
      %reduce_min3A_1772 = arith.xori %select_n3A_1767, %reduce_min3A_1771 : vector<16xi32>
      %reduce_min3A_1773 = tpu.scan <min>, %reduce_min3A_1772 masked %reduce_min3A_1769 : vector<16xi32>, vector<16xi1> -> vector<16xi32>
      %reduce_min3A_1774 = arith.xori %reduce_min3A_1773, %reduce_min3A_1771 : vector<16xi32>
      %reduce_min3A_1775 = vector.extract %reduce_min3A_1774[15] : i32 from vector<16xi32>
      %eq3A_1776 = arith.constant 7 : i32
      %eq3A_1777 = vector.broadcast %eq3A_1776 : i32 to vector<16xi32>
      %eq3A_1778 = arith.cmpi eq, %iota3A, %eq3A_1777 : vector<16xi32>
      %broadcast_in_dim3A_1779 = vector.broadcast %reduce_min3A_1775 : i32 to vector<16xi32>
      %select_n3A_1780 = arith.select %eq3A_1778, %broadcast_in_dim3A_1779, %select_n3A_1753 : vector<16xi1>, vector<16xi32>
      %broadcast_in_dim3A_1781 = arith.constant 0 : i32
      %broadcast_in_dim3A_1782 = vector.broadcast %broadcast_in_dim3A_1781 : i32 to vector<16xi32>
      %broadcast_in_dim3A_1783 = arith.constant 0 : i32
      %broadcast_in_dim3A_1784 = vector.broadcast %broadcast_in_dim3A_1783 : i32 to vector<16xi32>
      %broadcast_in_dim3A_1785 = arith.constant 0 : i32
      %broadcast_in_dim3A_1786 = vector.broadcast %broadcast_in_dim3A_1785 : i32 to vector<16xi32>
      %broadcast_in_dim3A_1787 = arith.constant 0 : i32
      %broadcast_in_dim3A_1788 = vector.broadcast %broadcast_in_dim3A_1787 : i32 to vector<16xi32>
      %parallel_loop3A_1789 = arith.constant 0 : i32
      %parallel_loop3A_1790 = arith.constant 62 : i32
      %parallel_loop3A_1791 = arith.constant 1 : i32
      %parallel_loop3A_1792:9 = scf.for %parallel_loop3A_2034 = %parallel_loop3A_1789 to %parallel_loop3A_1790 step %parallel_loop3A_1791 iter_args(%parallel_loop3A_2035 = %iota3A, %parallel_loop3A_2036 = %broadcast_in_dim3A_3, %parallel_loop3A_2037 = %broadcast_in_dim3A_1782, %parallel_loop3A_2038 = %broadcast_in_dim3A_3, %parallel_loop3A_2039 = %broadcast_in_dim3A_1784, %parallel_loop3A_2040 = %broadcast_in_dim3A_3, %parallel_loop3A_2041 = %broadcast_in_dim3A_1786, %parallel_loop3A_2042 = %broadcast_in_dim3A_3, %parallel_loop3A_2043 = %broadcast_in_dim3A_1788) -> (vector<16xi32>, vector<16xf32>, vector<16xi32>, vector<16xf32>, vector<16xi32>, vector<16xf32>, vector<16xi32>, vector<16xf32>, vector<16xi32>)  : i32 {
        %parallel_loop3A_2044 = arith.constant 16 : i32
        %parallel_loop3A_2045 = arith.muli %parallel_loop3A_2034, %parallel_loop3A_2044 : i32
        %parallel_loop3A_2046 = arith.constant 24 : i32
        %parallel_loop3A_2047 = arith.index_cast %parallel_loop3A_2046 : i32 to index
        %parallel_loop3A_2048 = arith.index_cast %parallel_loop3A_2045 : i32 to index
        %parallel_loop3A_2049 = tpu.vector_load %arg6[%parallel_loop3A_2047, %parallel_loop3A_2048] {strides = array<i32>} : memref<32x1000xf32, #tpu.memory_space<vmem>>, vector<16xf32>,
        %parallel_loop3A_2050 = arith.cmpf ogt, %parallel_loop3A_2049, %parallel_loop3A_2036 : vector<16xf32>
        %parallel_loop3A_2051 = arith.select %parallel_loop3A_2050, %parallel_loop3A_2049, %parallel_loop3A_2036 : vector<16xi1>, vector<16xf32>
        %parallel_loop3A_2052 = arith.select %parallel_loop3A_2050, %parallel_loop3A_2035, %parallel_loop3A_2037 : vector<16xi1>, vector<16xi32>
        %parallel_loop3A_2053 = arith.constant 16 : i32
        %parallel_loop3A_2054 = arith.muli %parallel_loop3A_2034, %parallel_loop3A_2053 : i32
        %parallel_loop3A_2055 = arith.constant 25 : i32
        %parallel_loop3A_2056 = arith.index_cast %parallel_loop3A_2055 : i32 to index
        %parallel_loop3A_2057 = arith.index_cast %parallel_loop3A_2054 : i32 to index
        %parallel_loop3A_2058 = tpu.vector_load %arg6[%parallel_loop3A_2056, %parallel_loop3A_2057] {strides = array<i32>} : memref<32x1000xf32, #tpu.memory_space<vmem>>, vector<16xf32>,
        %parallel_loop3A_2059 = arith.cmpf ogt, %parallel_loop3A_2058, %parallel_loop3A_2038 : vector<16xf32>
        %parallel_loop3A_2060 = arith.select %parallel_loop3A_2059, %parallel_loop3A_2058, %parallel_loop3A_2038 : vector<16xi1>, vector<16xf32>
        %parallel_loop3A_2061 = arith.select %parallel_loop3A_2059, %parallel_loop3A_2035, %parallel_loop3A_2039 : vector<16xi1>, vector<16xi32>
        %parallel_loop3A_2062 = arith.constant 16 : i32
        %parallel_loop3A_2063 = arith.muli %parallel_loop3A_2034, %parallel_loop3A_2062 : i32
        %parallel_loop3A_2064 = arith.constant 26 : i32
        %parallel_loop3A_2065 = arith.index_cast %parallel_loop3A_2064 : i32 to index
        %parallel_loop3A_2066 = arith.index_cast %parallel_loop3A_2063 : i32 to index
        %parallel_loop3A_2067 = tpu.vector_load %arg6[%parallel_loop3A_2065, %parallel_loop3A_2066] {strides = array<i32>} : memref<32x1000xf32, #tpu.memory_space<vmem>>, vector<16xf32>,
        %parallel_loop3A_2068 = arith.cmpf ogt, %parallel_loop3A_2067, %parallel_loop3A_2040 : vector<16xf32>
        %parallel_loop3A_2069 = arith.select %parallel_loop3A_2068, %parallel_loop3A_2067, %parallel_loop3A_2040 : vector<16xi1>, vector<16xf32>
        %parallel_loop3A_2070 = arith.select %parallel_loop3A_2068, %parallel_loop3A_2035, %parallel_loop3A_2041 : vector<16xi1>, vector<16xi32>
        %parallel_loop3A_2071 = arith.constant 16 : i32
        %parallel_loop3A_2072 = arith.muli %parallel_loop3A_2034, %parallel_loop3A_2071 : i32
        %parallel_loop3A_2073 = arith.constant 27 : i32
        %parallel_loop3A_2074 = arith.index_cast %parallel_loop3A_2073 : i32 to index
        %parallel_loop3A_2075 = arith.index_cast %parallel_loop3A_2072 : i32 to index
        %parallel_loop3A_2076 = tpu.vector_load %arg6[%parallel_loop3A_2074, %parallel_loop3A_2075] {strides = array<i32>} : memref<32x1000xf32, #tpu.memory_space<vmem>>, vector<16xf32>,
        %parallel_loop3A_2077 = arith.cmpf ogt, %parallel_loop3A_2076, %parallel_loop3A_2042 : vector<16xf32>
        %parallel_loop3A_2078 = arith.select %parallel_loop3A_2077, %parallel_loop3A_2076, %parallel_loop3A_2042 : vector<16xi1>, vector<16xf32>
        %parallel_loop3A_2079 = arith.select %parallel_loop3A_2077, %parallel_loop3A_2035, %parallel_loop3A_2043 : vector<16xi1>, vector<16xi32>
        %parallel_loop3A_2080 = arith.constant 16 : i32
        %parallel_loop3A_2081 = vector.broadcast %parallel_loop3A_2080 : i32 to vector<16xi32>
        %parallel_loop3A_2082 = arith.addi %parallel_loop3A_2035, %parallel_loop3A_2081 : vector<16xi32>
        scf.yield %parallel_loop3A_2082, %parallel_loop3A_2051, %parallel_loop3A_2052, %parallel_loop3A_2060, %parallel_loop3A_2061, %parallel_loop3A_2069, %parallel_loop3A_2070, %parallel_loop3A_2078, %parallel_loop3A_2079 : vector<16xi32>, vector<16xf32>, vector<16xi32>, vector<16xf32>, vector<16xi32>, vector<16xf32>, vector<16xi32>, vector<16xf32>, vector<16xi32>
      } {sc.loop_unroll_factor = 2 : i64, sc.parallel_access}
      %get3A_1793 = arith.constant 24 : i32
      %get3A_1794 = arith.index_cast %get3A_1793 : i32 to index
      %get3A_1795 = arith.constant 984 : index
      %get3A_1796 = tpu.vector_load %arg6[%get3A_1794, %get3A_1795] {strides = array<i32>} : memref<32x1000xf32, #tpu.memory_space<vmem>>, vector<16xf32>,
      %gt3A_1797 = arith.cmpf ogt, %get3A_1796, %parallel_loop3A_1792#1 : vector<16xf32>
      %select_n3A_1798 = arith.select %gt3A_1797, %get3A_1796, %parallel_loop3A_1792#1 : vector<16xi1>, vector<16xf32>
      %select_n3A_1799 = arith.select %gt3A_1797, %add3A_8, %parallel_loop3A_1792#2 : vector<16xi1>, vector<16xi32>
      %reduce_max3A_1800 = arith.constant true
      %reduce_max3A_1801 = vector.broadcast %reduce_max3A_1800 : i1 to vector<16xi1>
      %reduce_max3A_1802 = tpu.scan <max>, %select_n3A_1798 masked %reduce_max3A_1801 : vector<16xf32>, vector<16xi1> -> vector<16xf32>
      %reduce_max3A_1803 = vector.extract %reduce_max3A_1802[15] : f32 from vector<16xf32>
      %eq3A_1804 = vector.broadcast %reduce_max3A_1803 : f32 to vector<16xf32>
      %eq3A_1805 = arith.cmpf oeq, %select_n3A_1798, %eq3A_1804 : vector<16xf32>
      %select_n3A_1806 = arith.select %eq3A_1805, %select_n3A_1799, %broadcast_in_dim3A_5 : vector<16xi1>, vector<16xi32>
      %reduce_min3A_1807 = arith.constant true
      %reduce_min3A_1808 = vector.broadcast %reduce_min3A_1807 : i1 to vector<16xi1>
      %reduce_min3A_1809 = arith.constant -2147483648 : i32
      %reduce_min3A_1810 = vector.broadcast %reduce_min3A_1809 : i32 to vector<16xi32>
      %reduce_min3A_1811 = arith.xori %select_n3A_1806, %reduce_min3A_1810 : vector<16xi32>
      %reduce_min3A_1812 = tpu.scan <min>, %reduce_min3A_1811 masked %reduce_min3A_1808 : vector<16xi32>, vector<16xi1> -> vector<16xi32>
      %reduce_min3A_1813 = arith.xori %reduce_min3A_1812, %reduce_min3A_1810 : vector<16xi32>
      %reduce_min3A_1814 = vector.extract %reduce_min3A_1813[15] : i32 from vector<16xi32>
      %eq3A_1815 = arith.constant 8 : i32
      %eq3A_1816 = vector.broadcast %eq3A_1815 : i32 to vector<16xi32>
      %eq3A_1817 = arith.cmpi eq, %iota3A, %eq3A_1816 : vector<16xi32>
      %broadcast_in_dim3A_1818 = vector.broadcast %reduce_min3A_1814 : i32 to vector<16xi32>
      %select_n3A_1819 = arith.select %eq3A_1817, %broadcast_in_dim3A_1818, %select_n3A_1780 : vector<16xi1>, vector<16xi32>
      %get3A_1820 = arith.constant 25 : i32
      %get3A_1821 = arith.index_cast %get3A_1820 : i32 to index
      %get3A_1822 = arith.constant 984 : index
      %get3A_1823 = tpu.vector_load %arg6[%get3A_1821, %get3A_1822] {strides = array<i32>} : memref<32x1000xf32, #tpu.memory_space<vmem>>, vector<16xf32>,
      %gt3A_1824 = arith.cmpf ogt, %get3A_1823, %parallel_loop3A_1792#3 : vector<16xf32>
      %select_n3A_1825 = arith.select %gt3A_1824, %get3A_1823, %parallel_loop3A_1792#3 : vector<16xi1>, vector<16xf32>
      %select_n3A_1826 = arith.select %gt3A_1824, %add3A_8, %parallel_loop3A_1792#4 : vector<16xi1>, vector<16xi32>
      %reduce_max3A_1827 = arith.constant true
      %reduce_max3A_1828 = vector.broadcast %reduce_max3A_1827 : i1 to vector<16xi1>
      %reduce_max3A_1829 = tpu.scan <max>, %select_n3A_1825 masked %reduce_max3A_1828 : vector<16xf32>, vector<16xi1> -> vector<16xf32>
      %reduce_max3A_1830 = vector.extract %reduce_max3A_1829[15] : f32 from vector<16xf32>
      %eq3A_1831 = vector.broadcast %reduce_max3A_1830 : f32 to vector<16xf32>
      %eq3A_1832 = arith.cmpf oeq, %select_n3A_1825, %eq3A_1831 : vector<16xf32>
      %select_n3A_1833 = arith.select %eq3A_1832, %select_n3A_1826, %broadcast_in_dim3A_5 : vector<16xi1>, vector<16xi32>
      %reduce_min3A_1834 = arith.constant true
      %reduce_min3A_1835 = vector.broadcast %reduce_min3A_1834 : i1 to vector<16xi1>
      %reduce_min3A_1836 = arith.constant -2147483648 : i32
      %reduce_min3A_1837 = vector.broadcast %reduce_min3A_1836 : i32 to vector<16xi32>
      %reduce_min3A_1838 = arith.xori %select_n3A_1833, %reduce_min3A_1837 : vector<16xi32>
      %reduce_min3A_1839 = tpu.scan <min>, %reduce_min3A_1838 masked %reduce_min3A_1835 : vector<16xi32>, vector<16xi1> -> vector<16xi32>
      %reduce_min3A_1840 = arith.xori %reduce_min3A_1839, %reduce_min3A_1837 : vector<16xi32>
      %reduce_min3A_1841 = vector.extract %reduce_min3A_1840[15] : i32 from vector<16xi32>
      %eq3A_1842 = arith.constant 9 : i32
      %eq3A_1843 = vector.broadcast %eq3A_1842 : i32 to vector<16xi32>
      %eq3A_1844 = arith.cmpi eq, %iota3A, %eq3A_1843 : vector<16xi32>
      %broadcast_in_dim3A_1845 = vector.broadcast %reduce_min3A_1841 : i32 to vector<16xi32>
      %select_n3A_1846 = arith.select %eq3A_1844, %broadcast_in_dim3A_1845, %select_n3A_1819 : vector<16xi1>, vector<16xi32>
      %get3A_1847 = arith.constant 26 : i32
      %get3A_1848 = arith.index_cast %get3A_1847 : i32 to index
      %get3A_1849 = arith.constant 984 : index
      %get3A_1850 = tpu.vector_load %arg6[%get3A_1848, %get3A_1849] {strides = array<i32>} : memref<32x1000xf32, #tpu.memory_space<vmem>>, vector<16xf32>,
      %gt3A_1851 = arith.cmpf ogt, %get3A_1850, %parallel_loop3A_1792#5 : vector<16xf32>
      %select_n3A_1852 = arith.select %gt3A_1851, %get3A_1850, %parallel_loop3A_1792#5 : vector<16xi1>, vector<16xf32>
      %select_n3A_1853 = arith.select %gt3A_1851, %add3A_8, %parallel_loop3A_1792#6 : vector<16xi1>, vector<16xi32>
      %reduce_max3A_1854 = arith.constant true
      %reduce_max3A_1855 = vector.broadcast %reduce_max3A_1854 : i1 to vector<16xi1>
      %reduce_max3A_1856 = tpu.scan <max>, %select_n3A_1852 masked %reduce_max3A_1855 : vector<16xf32>, vector<16xi1> -> vector<16xf32>
      %reduce_max3A_1857 = vector.extract %reduce_max3A_1856[15] : f32 from vector<16xf32>
      %eq3A_1858 = vector.broadcast %reduce_max3A_1857 : f32 to vector<16xf32>
      %eq3A_1859 = arith.cmpf oeq, %select_n3A_1852, %eq3A_1858 : vector<16xf32>
      %select_n3A_1860 = arith.select %eq3A_1859, %select_n3A_1853, %broadcast_in_dim3A_5 : vector<16xi1>, vector<16xi32>
      %reduce_min3A_1861 = arith.constant true
      %reduce_min3A_1862 = vector.broadcast %reduce_min3A_1861 : i1 to vector<16xi1>
      %reduce_min3A_1863 = arith.constant -2147483648 : i32
      %reduce_min3A_1864 = vector.broadcast %reduce_min3A_1863 : i32 to vector<16xi32>
      %reduce_min3A_1865 = arith.xori %select_n3A_1860, %reduce_min3A_1864 : vector<16xi32>
      %reduce_min3A_1866 = tpu.scan <min>, %reduce_min3A_1865 masked %reduce_min3A_1862 : vector<16xi32>, vector<16xi1> -> vector<16xi32>
      %reduce_min3A_1867 = arith.xori %reduce_min3A_1866, %reduce_min3A_1864 : vector<16xi32>
      %reduce_min3A_1868 = vector.extract %reduce_min3A_1867[15] : i32 from vector<16xi32>
      %eq3A_1869 = arith.constant 10 : i32
      %eq3A_1870 = vector.broadcast %eq3A_1869 : i32 to vector<16xi32>
      %eq3A_1871 = arith.cmpi eq, %iota3A, %eq3A_1870 : vector<16xi32>
      %broadcast_in_dim3A_1872 = vector.broadcast %reduce_min3A_1868 : i32 to vector<16xi32>
      %select_n3A_1873 = arith.select %eq3A_1871, %broadcast_in_dim3A_1872, %select_n3A_1846 : vector<16xi1>, vector<16xi32>
      %get3A_1874 = arith.constant 27 : i32
      %get3A_1875 = arith.index_cast %get3A_1874 : i32 to index
      %get3A_1876 = arith.constant 984 : index
      %get3A_1877 = tpu.vector_load %arg6[%get3A_1875, %get3A_1876] {strides = array<i32>} : memref<32x1000xf32, #tpu.memory_space<vmem>>, vector<16xf32>,
      %gt3A_1878 = arith.cmpf ogt, %get3A_1877, %parallel_loop3A_1792#7 : vector<16xf32>
      %select_n3A_1879 = arith.select %gt3A_1878, %get3A_1877, %parallel_loop3A_1792#7 : vector<16xi1>, vector<16xf32>
      %select_n3A_1880 = arith.select %gt3A_1878, %add3A_8, %parallel_loop3A_1792#8 : vector<16xi1>, vector<16xi32>
      %reduce_max3A_1881 = arith.constant true
      %reduce_max3A_1882 = vector.broadcast %reduce_max3A_1881 : i1 to vector<16xi1>
      %reduce_max3A_1883 = tpu.scan <max>, %select_n3A_1879 masked %reduce_max3A_1882 : vector<16xf32>, vector<16xi1> -> vector<16xf32>
      %reduce_max3A_1884 = vector.extract %reduce_max3A_1883[15] : f32 from vector<16xf32>
      %eq3A_1885 = vector.broadcast %reduce_max3A_1884 : f32 to vector<16xf32>
      %eq3A_1886 = arith.cmpf oeq, %select_n3A_1879, %eq3A_1885 : vector<16xf32>
      %select_n3A_1887 = arith.select %eq3A_1886, %select_n3A_1880, %broadcast_in_dim3A_5 : vector<16xi1>, vector<16xi32>
      %reduce_min3A_1888 = arith.constant true
      %reduce_min3A_1889 = vector.broadcast %reduce_min3A_1888 : i1 to vector<16xi1>
      %reduce_min3A_1890 = arith.constant -2147483648 : i32
      %reduce_min3A_1891 = vector.broadcast %reduce_min3A_1890 : i32 to vector<16xi32>
      %reduce_min3A_1892 = arith.xori %select_n3A_1887, %reduce_min3A_1891 : vector<16xi32>
      %reduce_min3A_1893 = tpu.scan <min>, %reduce_min3A_1892 masked %reduce_min3A_1889 : vector<16xi32>, vector<16xi1> -> vector<16xi32>
      %reduce_min3A_1894 = arith.xori %reduce_min3A_1893, %reduce_min3A_1891 : vector<16xi32>
      %reduce_min3A_1895 = vector.extract %reduce_min3A_1894[15] : i32 from vector<16xi32>
      %eq3A_1896 = arith.constant 11 : i32
      %eq3A_1897 = vector.broadcast %eq3A_1896 : i32 to vector<16xi32>
      %eq3A_1898 = arith.cmpi eq, %iota3A, %eq3A_1897 : vector<16xi32>
      %broadcast_in_dim3A_1899 = vector.broadcast %reduce_min3A_1895 : i32 to vector<16xi32>
      %select_n3A_1900 = arith.select %eq3A_1898, %broadcast_in_dim3A_1899, %select_n3A_1873 : vector<16xi1>, vector<16xi32>
      %broadcast_in_dim3A_1901 = arith.constant 0 : i32
      %broadcast_in_dim3A_1902 = vector.broadcast %broadcast_in_dim3A_1901 : i32 to vector<16xi32>
      %broadcast_in_dim3A_1903 = arith.constant 0 : i32
      %broadcast_in_dim3A_1904 = vector.broadcast %broadcast_in_dim3A_1903 : i32 to vector<16xi32>
      %broadcast_in_dim3A_1905 = arith.constant 0 : i32
      %broadcast_in_dim3A_1906 = vector.broadcast %broadcast_in_dim3A_1905 : i32 to vector<16xi32>
      %broadcast_in_dim3A_1907 = arith.constant 0 : i32
      %broadcast_in_dim3A_1908 = vector.broadcast %broadcast_in_dim3A_1907 : i32 to vector<16xi32>
      %parallel_loop3A_1909 = arith.constant 0 : i32
      %parallel_loop3A_1910 = arith.constant 62 : i32
      %parallel_loop3A_1911 = arith.constant 1 : i32
      %parallel_loop3A_1912:9 = scf.for %parallel_loop3A_2034 = %parallel_loop3A_1909 to %parallel_loop3A_1910 step %parallel_loop3A_1911 iter_args(%parallel_loop3A_2035 = %iota3A, %parallel_loop3A_2036 = %broadcast_in_dim3A_3, %parallel_loop3A_2037 = %broadcast_in_dim3A_1902, %parallel_loop3A_2038 = %broadcast_in_dim3A_3, %parallel_loop3A_2039 = %broadcast_in_dim3A_1904, %parallel_loop3A_2040 = %broadcast_in_dim3A_3, %parallel_loop3A_2041 = %broadcast_in_dim3A_1906, %parallel_loop3A_2042 = %broadcast_in_dim3A_3, %parallel_loop3A_2043 = %broadcast_in_dim3A_1908) -> (vector<16xi32>, vector<16xf32>, vector<16xi32>, vector<16xf32>, vector<16xi32>, vector<16xf32>, vector<16xi32>, vector<16xf32>, vector<16xi32>)  : i32 {
        %parallel_loop3A_2044 = arith.constant 16 : i32
        %parallel_loop3A_2045 = arith.muli %parallel_loop3A_2034, %parallel_loop3A_2044 : i32
        %parallel_loop3A_2046 = arith.constant 28 : i32
        %parallel_loop3A_2047 = arith.index_cast %parallel_loop3A_2046 : i32 to index
        %parallel_loop3A_2048 = arith.index_cast %parallel_loop3A_2045 : i32 to index
        %parallel_loop3A_2049 = tpu.vector_load %arg6[%parallel_loop3A_2047, %parallel_loop3A_2048] {strides = array<i32>} : memref<32x1000xf32, #tpu.memory_space<vmem>>, vector<16xf32>,
        %parallel_loop3A_2050 = arith.cmpf ogt, %parallel_loop3A_2049, %parallel_loop3A_2036 : vector<16xf32>
        %parallel_loop3A_2051 = arith.select %parallel_loop3A_2050, %parallel_loop3A_2049, %parallel_loop3A_2036 : vector<16xi1>, vector<16xf32>
        %parallel_loop3A_2052 = arith.select %parallel_loop3A_2050, %parallel_loop3A_2035, %parallel_loop3A_2037 : vector<16xi1>, vector<16xi32>
        %parallel_loop3A_2053 = arith.constant 16 : i32
        %parallel_loop3A_2054 = arith.muli %parallel_loop3A_2034, %parallel_loop3A_2053 : i32
        %parallel_loop3A_2055 = arith.constant 29 : i32
        %parallel_loop3A_2056 = arith.index_cast %parallel_loop3A_2055 : i32 to index
        %parallel_loop3A_2057 = arith.index_cast %parallel_loop3A_2054 : i32 to index
        %parallel_loop3A_2058 = tpu.vector_load %arg6[%parallel_loop3A_2056, %parallel_loop3A_2057] {strides = array<i32>} : memref<32x1000xf32, #tpu.memory_space<vmem>>, vector<16xf32>,
        %parallel_loop3A_2059 = arith.cmpf ogt, %parallel_loop3A_2058, %parallel_loop3A_2038 : vector<16xf32>
        %parallel_loop3A_2060 = arith.select %parallel_loop3A_2059, %parallel_loop3A_2058, %parallel_loop3A_2038 : vector<16xi1>, vector<16xf32>
        %parallel_loop3A_2061 = arith.select %parallel_loop3A_2059, %parallel_loop3A_2035, %parallel_loop3A_2039 : vector<16xi1>, vector<16xi32>
        %parallel_loop3A_2062 = arith.constant 16 : i32
        %parallel_loop3A_2063 = arith.muli %parallel_loop3A_2034, %parallel_loop3A_2062 : i32
        %parallel_loop3A_2064 = arith.constant 30 : i32
        %parallel_loop3A_2065 = arith.index_cast %parallel_loop3A_2064 : i32 to index
        %parallel_loop3A_2066 = arith.index_cast %parallel_loop3A_2063 : i32 to index
        %parallel_loop3A_2067 = tpu.vector_load %arg6[%parallel_loop3A_2065, %parallel_loop3A_2066] {strides = array<i32>} : memref<32x1000xf32, #tpu.memory_space<vmem>>, vector<16xf32>,
        %parallel_loop3A_2068 = arith.cmpf ogt, %parallel_loop3A_2067, %parallel_loop3A_2040 : vector<16xf32>
        %parallel_loop3A_2069 = arith.select %parallel_loop3A_2068, %parallel_loop3A_2067, %parallel_loop3A_2040 : vector<16xi1>, vector<16xf32>
        %parallel_loop3A_2070 = arith.select %parallel_loop3A_2068, %parallel_loop3A_2035, %parallel_loop3A_2041 : vector<16xi1>, vector<16xi32>
        %parallel_loop3A_2071 = arith.constant 16 : i32
        %parallel_loop3A_2072 = arith.muli %parallel_loop3A_2034, %parallel_loop3A_2071 : i32
        %parallel_loop3A_2073 = arith.constant 31 : i32
        %parallel_loop3A_2074 = arith.index_cast %parallel_loop3A_2073 : i32 to index
        %parallel_loop3A_2075 = arith.index_cast %parallel_loop3A_2072 : i32 to index
        %parallel_loop3A_2076 = tpu.vector_load %arg6[%parallel_loop3A_2074, %parallel_loop3A_2075] {strides = array<i32>} : memref<32x1000xf32, #tpu.memory_space<vmem>>, vector<16xf32>,
        %parallel_loop3A_2077 = arith.cmpf ogt, %parallel_loop3A_2076, %parallel_loop3A_2042 : vector<16xf32>
        %parallel_loop3A_2078 = arith.select %parallel_loop3A_2077, %parallel_loop3A_2076, %parallel_loop3A_2042 : vector<16xi1>, vector<16xf32>
        %parallel_loop3A_2079 = arith.select %parallel_loop3A_2077, %parallel_loop3A_2035, %parallel_loop3A_2043 : vector<16xi1>, vector<16xi32>
        %parallel_loop3A_2080 = arith.constant 16 : i32
        %parallel_loop3A_2081 = vector.broadcast %parallel_loop3A_2080 : i32 to vector<16xi32>
        %parallel_loop3A_2082 = arith.addi %parallel_loop3A_2035, %parallel_loop3A_2081 : vector<16xi32>
        scf.yield %parallel_loop3A_2082, %parallel_loop3A_2051, %parallel_loop3A_2052, %parallel_loop3A_2060, %parallel_loop3A_2061, %parallel_loop3A_2069, %parallel_loop3A_2070, %parallel_loop3A_2078, %parallel_loop3A_2079 : vector<16xi32>, vector<16xf32>, vector<16xi32>, vector<16xf32>, vector<16xi32>, vector<16xf32>, vector<16xi32>, vector<16xf32>, vector<16xi32>
      } {sc.loop_unroll_factor = 2 : i64, sc.parallel_access}
      %get3A_1913 = arith.constant 28 : i32
      %get3A_1914 = arith.index_cast %get3A_1913 : i32 to index
      %get3A_1915 = arith.constant 984 : index
      %get3A_1916 = tpu.vector_load %arg6[%get3A_1914, %get3A_1915] {strides = array<i32>} : memref<32x1000xf32, #tpu.memory_space<vmem>>, vector<16xf32>,
      %gt3A_1917 = arith.cmpf ogt, %get3A_1916, %parallel_loop3A_1912#1 : vector<16xf32>
      %select_n3A_1918 = arith.select %gt3A_1917, %get3A_1916, %parallel_loop3A_1912#1 : vector<16xi1>, vector<16xf32>
      %select_n3A_1919 = arith.select %gt3A_1917, %add3A_8, %parallel_loop3A_1912#2 : vector<16xi1>, vector<16xi32>
      %reduce_max3A_1920 = arith.constant true
      %reduce_max3A_1921 = vector.broadcast %reduce_max3A_1920 : i1 to vector<16xi1>
      %reduce_max3A_1922 = tpu.scan <max>, %select_n3A_1918 masked %reduce_max3A_1921 : vector<16xf32>, vector<16xi1> -> vector<16xf32>
      %reduce_max3A_1923 = vector.extract %reduce_max3A_1922[15] : f32 from vector<16xf32>
      %eq3A_1924 = vector.broadcast %reduce_max3A_1923 : f32 to vector<16xf32>
      %eq3A_1925 = arith.cmpf oeq, %select_n3A_1918, %eq3A_1924 : vector<16xf32>
      %select_n3A_1926 = arith.select %eq3A_1925, %select_n3A_1919, %broadcast_in_dim3A_5 : vector<16xi1>, vector<16xi32>
      %reduce_min3A_1927 = arith.constant true
      %reduce_min3A_1928 = vector.broadcast %reduce_min3A_1927 : i1 to vector<16xi1>
      %reduce_min3A_1929 = arith.constant -2147483648 : i32
      %reduce_min3A_1930 = vector.broadcast %reduce_min3A_1929 : i32 to vector<16xi32>
      %reduce_min3A_1931 = arith.xori %select_n3A_1926, %reduce_min3A_1930 : vector<16xi32>
      %reduce_min3A_1932 = tpu.scan <min>, %reduce_min3A_1931 masked %reduce_min3A_1928 : vector<16xi32>, vector<16xi1> -> vector<16xi32>
      %reduce_min3A_1933 = arith.xori %reduce_min3A_1932, %reduce_min3A_1930 : vector<16xi32>
      %reduce_min3A_1934 = vector.extract %reduce_min3A_1933[15] : i32 from vector<16xi32>
      %eq3A_1935 = arith.constant 12 : i32
      %eq3A_1936 = vector.broadcast %eq3A_1935 : i32 to vector<16xi32>
      %eq3A_1937 = arith.cmpi eq, %iota3A, %eq3A_1936 : vector<16xi32>
      %broadcast_in_dim3A_1938 = vector.broadcast %reduce_min3A_1934 : i32 to vector<16xi32>
      %select_n3A_1939 = arith.select %eq3A_1937, %broadcast_in_dim3A_1938, %select_n3A_1900 : vector<16xi1>, vector<16xi32>
      %get3A_1940 = arith.constant 29 : i32
      %get3A_1941 = arith.index_cast %get3A_1940 : i32 to index
      %get3A_1942 = arith.constant 984 : index
      %get3A_1943 = tpu.vector_load %arg6[%get3A_1941, %get3A_1942] {strides = array<i32>} : memref<32x1000xf32, #tpu.memory_space<vmem>>, vector<16xf32>,
      %gt3A_1944 = arith.cmpf ogt, %get3A_1943, %parallel_loop3A_1912#3 : vector<16xf32>
      %select_n3A_1945 = arith.select %gt3A_1944, %get3A_1943, %parallel_loop3A_1912#3 : vector<16xi1>, vector<16xf32>
      %select_n3A_1946 = arith.select %gt3A_1944, %add3A_8, %parallel_loop3A_1912#4 : vector<16xi1>, vector<16xi32>
      %reduce_max3A_1947 = arith.constant true
      %reduce_max3A_1948 = vector.broadcast %reduce_max3A_1947 : i1 to vector<16xi1>
      %reduce_max3A_1949 = tpu.scan <max>, %select_n3A_1945 masked %reduce_max3A_1948 : vector<16xf32>, vector<16xi1> -> vector<16xf32>
      %reduce_max3A_1950 = vector.extract %reduce_max3A_1949[15] : f32 from vector<16xf32>
      %eq3A_1951 = vector.broadcast %reduce_max3A_1950 : f32 to vector<16xf32>
      %eq3A_1952 = arith.cmpf oeq, %select_n3A_1945, %eq3A_1951 : vector<16xf32>
      %select_n3A_1953 = arith.select %eq3A_1952, %select_n3A_1946, %broadcast_in_dim3A_5 : vector<16xi1>, vector<16xi32>
      %reduce_min3A_1954 = arith.constant true
      %reduce_min3A_1955 = vector.broadcast %reduce_min3A_1954 : i1 to vector<16xi1>
      %reduce_min3A_1956 = arith.constant -2147483648 : i32
      %reduce_min3A_1957 = vector.broadcast %reduce_min3A_1956 : i32 to vector<16xi32>
      %reduce_min3A_1958 = arith.xori %select_n3A_1953, %reduce_min3A_1957 : vector<16xi32>
      %reduce_min3A_1959 = tpu.scan <min>, %reduce_min3A_1958 masked %reduce_min3A_1955 : vector<16xi32>, vector<16xi1> -> vector<16xi32>
      %reduce_min3A_1960 = arith.xori %reduce_min3A_1959, %reduce_min3A_1957 : vector<16xi32>
      %reduce_min3A_1961 = vector.extract %reduce_min3A_1960[15] : i32 from vector<16xi32>
      %eq3A_1962 = arith.constant 13 : i32
      %eq3A_1963 = vector.broadcast %eq3A_1962 : i32 to vector<16xi32>
      %eq3A_1964 = arith.cmpi eq, %iota3A, %eq3A_1963 : vector<16xi32>
      %broadcast_in_dim3A_1965 = vector.broadcast %reduce_min3A_1961 : i32 to vector<16xi32>
      %select_n3A_1966 = arith.select %eq3A_1964, %broadcast_in_dim3A_1965, %select_n3A_1939 : vector<16xi1>, vector<16xi32>
      %get3A_1967 = arith.constant 30 : i32
      %get3A_1968 = arith.index_cast %get3A_1967 : i32 to index
      %get3A_1969 = arith.constant 984 : index
      %get3A_1970 = tpu.vector_load %arg6[%get3A_1968, %get3A_1969] {strides = array<i32>} : memref<32x1000xf32, #tpu.memory_space<vmem>>, vector<16xf32>,
      %gt3A_1971 = arith.cmpf ogt, %get3A_1970, %parallel_loop3A_1912#5 : vector<16xf32>
      %select_n3A_1972 = arith.select %gt3A_1971, %get3A_1970, %parallel_loop3A_1912#5 : vector<16xi1>, vector<16xf32>
      %select_n3A_1973 = arith.select %gt3A_1971, %add3A_8, %parallel_loop3A_1912#6 : vector<16xi1>, vector<16xi32>
      %reduce_max3A_1974 = arith.constant true
      %reduce_max3A_1975 = vector.broadcast %reduce_max3A_1974 : i1 to vector<16xi1>
      %reduce_max3A_1976 = tpu.scan <max>, %select_n3A_1972 masked %reduce_max3A_1975 : vector<16xf32>, vector<16xi1> -> vector<16xf32>
      %reduce_max3A_1977 = vector.extract %reduce_max3A_1976[15] : f32 from vector<16xf32>
      %eq3A_1978 = vector.broadcast %reduce_max3A_1977 : f32 to vector<16xf32>
      %eq3A_1979 = arith.cmpf oeq, %select_n3A_1972, %eq3A_1978 : vector<16xf32>
      %select_n3A_1980 = arith.select %eq3A_1979, %select_n3A_1973, %broadcast_in_dim3A_5 : vector<16xi1>, vector<16xi32>
      %reduce_min3A_1981 = arith.constant true
      %reduce_min3A_1982 = vector.broadcast %reduce_min3A_1981 : i1 to vector<16xi1>
      %reduce_min3A_1983 = arith.constant -2147483648 : i32
      %reduce_min3A_1984 = vector.broadcast %reduce_min3A_1983 : i32 to vector<16xi32>
      %reduce_min3A_1985 = arith.xori %select_n3A_1980, %reduce_min3A_1984 : vector<16xi32>
      %reduce_min3A_1986 = tpu.scan <min>, %reduce_min3A_1985 masked %reduce_min3A_1982 : vector<16xi32>, vector<16xi1> -> vector<16xi32>
      %reduce_min3A_1987 = arith.xori %reduce_min3A_1986, %reduce_min3A_1984 : vector<16xi32>
      %reduce_min3A_1988 = vector.extract %reduce_min3A_1987[15] : i32 from vector<16xi32>
      %eq3A_1989 = arith.constant 14 : i32
      %eq3A_1990 = vector.broadcast %eq3A_1989 : i32 to vector<16xi32>
      %eq3A_1991 = arith.cmpi eq, %iota3A, %eq3A_1990 : vector<16xi32>
      %broadcast_in_dim3A_1992 = vector.broadcast %reduce_min3A_1988 : i32 to vector<16xi32>
      %select_n3A_1993 = arith.select %eq3A_1991, %broadcast_in_dim3A_1992, %select_n3A_1966 : vector<16xi1>, vector<16xi32>
      %get3A_1994 = arith.constant 31 : i32
      %get3A_1995 = arith.index_cast %get3A_1994 : i32 to index
      %get3A_1996 = arith.constant 984 : index
      %get3A_1997 = tpu.vector_load %arg6[%get3A_1995, %get3A_1996] {strides = array<i32>} : memref<32x1000xf32, #tpu.memory_space<vmem>>, vector<16xf32>,
      %gt3A_1998 = arith.cmpf ogt, %get3A_1997, %parallel_loop3A_1912#7 : vector<16xf32>
      %select_n3A_1999 = arith.select %gt3A_1998, %get3A_1997, %parallel_loop3A_1912#7 : vector<16xi1>, vector<16xf32>
      %select_n3A_2000 = arith.select %gt3A_1998, %add3A_8, %parallel_loop3A_1912#8 : vector<16xi1>, vector<16xi32>
      %reduce_max3A_2001 = arith.constant true
      %reduce_max3A_2002 = vector.broadcast %reduce_max3A_2001 : i1 to vector<16xi1>
      %reduce_max3A_2003 = tpu.scan <max>, %select_n3A_1999 masked %reduce_max3A_2002 : vector<16xf32>, vector<16xi1> -> vector<16xf32>
      %reduce_max3A_2004 = vector.extract %reduce_max3A_2003[15] : f32 from vector<16xf32>
      %eq3A_2005 = vector.broadcast %reduce_max3A_2004 : f32 to vector<16xf32>
      %eq3A_2006 = arith.cmpf oeq, %select_n3A_1999, %eq3A_2005 : vector<16xf32>
      %select_n3A_2007 = arith.select %eq3A_2006, %select_n3A_2000, %broadcast_in_dim3A_5 : vector<16xi1>, vector<16xi32>
      %reduce_min3A_2008 = arith.constant true
      %reduce_min3A_2009 = vector.broadcast %reduce_min3A_2008 : i1 to vector<16xi1>
      %reduce_min3A_2010 = arith.constant -2147483648 : i32
      %reduce_min3A_2011 = vector.broadcast %reduce_min3A_2010 : i32 to vector<16xi32>
      %reduce_min3A_2012 = arith.xori %select_n3A_2007, %reduce_min3A_2011 : vector<16xi32>
      %reduce_min3A_2013 = tpu.scan <min>, %reduce_min3A_2012 masked %reduce_min3A_2009 : vector<16xi32>, vector<16xi1> -> vector<16xi32>
      %reduce_min3A_2014 = arith.xori %reduce_min3A_2013, %reduce_min3A_2011 : vector<16xi32>
      %reduce_min3A_2015 = vector.extract %reduce_min3A_2014[15] : i32 from vector<16xi32>
      %eq3A_2016 = arith.constant 15 : i32
      %eq3A_2017 = vector.broadcast %eq3A_2016 : i32 to vector<16xi32>
      %eq3A_2018 = arith.cmpi eq, %iota3A, %eq3A_2017 : vector<16xi32>
      %broadcast_in_dim3A_2019 = vector.broadcast %reduce_min3A_2015 : i32 to vector<16xi32>
      %select_n3A_2020 = arith.select %eq3A_2018, %broadcast_in_dim3A_2019, %select_n3A_1993 : vector<16xi1>, vector<16xi32>
      %mul3A_2021 = arith.constant 32 : i32
      %mul3A_2022 = arith.muli %add3A_1041, %mul3A_2021 : i32
      %add3A_2023 = arith.constant 16 : i32
      %add3A_2024 = arith.addi %mul3A_2022, %add3A_2023 : i32
      %swap3A_2025 = arith.index_cast %add3A_2024 : i32 to index
      %swap3A_2026 = tpu.vector_load %arg7[%swap3A_2025] {strides = array<i32>} : memref<256xi32, #tpu.memory_space<vmem>>, vector<16xi32>,
      tpu.vector_store %arg7[%swap3A_2025], %select_n3A_2020 {strides = array<i32>} : memref<256xi32, #tpu.memory_space<vmem>>, vector<16xi32>,
      %add3A_2027 = arith.constant 2 : i32
      %add3A_2028 = arith.addi %add3A_1041, %add3A_2027 : i32
      %lt3A_2029 = arith.constant 8 : i32
      %lt3A_2030 = arith.cmpi slt, %add3A_2028, %lt3A_2029 : i32
      %convert_element_type3A_2031 = arith.extui %lt3A_2030 : i1 to i32
      %cond3A_2032 = arith.constant 0 : i32
      %cond3A_2033 = arith.cmpi ne, %convert_element_type3A_2031, %cond3A_2032 : i32
      scf.if %cond3A_2033 {
        %add3A_2034 = arith.constant 2 : i32
        %add3A_2035 = arith.addi %add3A_1041, %add3A_2034 : i32
        %add3A_2036 = arith.constant 8192 : i32
        %add3A_2037 = arith.addi %add3A_2036, %mul3A_2 : i32
        %mul3A_2038 = arith.constant 32 : i32
        %mul3A_2039 = arith.muli %add3A_2035, %mul3A_2038 : i32
        %add3A_2040 = arith.addi %add3A_2037, %mul3A_2039 : i32
        %dma_start3A_2041 = arith.constant 0 : i32
        %dma_start3A_2042 = tpu.memref_slice %arg2[%add3A_2040, %dma_start3A_2041] : memref<16384x1000xf32, #tpu.memory_space<hbm>> -> memref<32x1000xf32, #tpu.memory_space<hbm>>
        %dma_start3A_2043 = arith.constant 0 : i32
        %dma_start3A_2044 = tpu.memref_slice %arg2[%add3A_2040, %dma_start3A_2043] : memref<16384x1000xf32, #tpu.memory_space<hbm>> -> memref<32x1000xf32, #tpu.memory_space<hbm>>
        tpu.enqueue_dma source(%dma_start3A_2044 : memref<32x1000xf32, #tpu.memory_space<hbm>>) target(%arg6 : memref<32x1000xf32, #tpu.memory_space<vmem>>) target_semaphore(%arg10 : memref<!tpu.dma_semaphore, #tpu.memory_space<semaphore_mem>>)
      } else {
      }
    }
    %scan3A_28 = arith.constant 4 : i32
    %dma_start3A_29 = arith.constant 0 : i32
    %dma_start3A_30 = tpu.memref_slice %arg7[%dma_start3A_29] : memref<256xi32, #tpu.memory_space<vmem>> -> memref<128xi32, #tpu.memory_space<vmem>>
    %dma_start3A_31 = arith.constant 0 : i32
    %dma_start3A_32 = arith.constant 0 : i32
    %dma_start3A_33 = tpu.memref_slice %arg3[%dma_start3A_31, %dma_start3A_32] : memref<1000x128xf32, #tpu.memory_space<hbm>> -> memref<1000x128xf32, #tpu.memory_space<hbm>>
    tpu.enqueue_indirect_dma source(%dma_start3A_33 : memref<1000x128xf32, #tpu.memory_space<hbm>>) target(%arg8 : memref<128x128xf32, #tpu.memory_space<vmem>>) offsets(%dma_start3A_30 : memref<128xi32, #tpu.memory_space<vmem>>) semaphore(%arg11 : memref<!tpu.dma_semaphore, #tpu.memory_space<semaphore_mem>>)
    %dma_wait3A = arith.constant 0 : i32
    %dma_wait3A_34 = tpu.memref_slice %arg7[%dma_wait3A] : memref<256xi32, #tpu.memory_space<vmem>> -> memref<128xi32, #tpu.memory_space<vmem>>
    %dma_wait3A_35 = arith.constant 0 : i32
    %dma_wait3A_36 = arith.constant 0 : i32
    %dma_wait3A_37 = tpu.memref_slice %arg3[%dma_wait3A_35, %dma_wait3A_36] : memref<1000x128xf32, #tpu.memory_space<hbm>> -> memref<1000x128xf32, #tpu.memory_space<hbm>>
    tpu.wait_indirect_dma semaphore(%arg11 : memref<!tpu.dma_semaphore, #tpu.memory_space<semaphore_mem>>) src(%dma_wait3A_37 : memref<1000x128xf32, #tpu.memory_space<hbm>>) dst(%arg8 : memref<128x128xf32, #tpu.memory_space<vmem>>)
    %add3A_38 = arith.constant 0 : i32
    %add3A_39 = arith.addi %mul3A_2, %add3A_38 : i32
    "tpu.region"() ({
      %run_scoped3A = tpu.sem_alloc : memref<!tpu.dma_semaphore, #tpu.memory_space<semaphore_mem>>
      %dma_start3A_52 = arith.constant 0 : i32
      %dma_start3A_53 = tpu.memref_slice %arg4[%add3A_39, %dma_start3A_52] : memref<8192x128xf32, #tpu.memory_space<hbm>> -> memref<128x128xf32, #tpu.memory_space<hbm>>
      %dma_start3A_54 = arith.constant 0 : i32
      %dma_start3A_55 = tpu.memref_slice %arg4[%add3A_39, %dma_start3A_54] : memref<8192x128xf32, #tpu.memory_space<hbm>> -> memref<128x128xf32, #tpu.memory_space<hbm>>
      tpu.enqueue_dma source(%arg8 : memref<128x128xf32, #tpu.memory_space<vmem>>) target(%dma_start3A_55 : memref<128x128xf32, #tpu.memory_space<hbm>>) target_semaphore(%run_scoped3A : memref<!tpu.dma_semaphore, #tpu.memory_space<semaphore_mem>>)
      %dma_wait3A_56 = arith.constant 0 : i32
      %dma_wait3A_57 = tpu.memref_slice %arg4[%add3A_39, %dma_wait3A_56] : memref<8192x128xf32, #tpu.memory_space<hbm>> -> memref<128x128xf32, #tpu.memory_space<hbm>>
      %dma_wait3A_58 = arith.constant 0 : i32
      %dma_wait3A_59 = tpu.memref_slice %arg4[%add3A_39, %dma_wait3A_58] : memref<8192x128xf32, #tpu.memory_space<hbm>> -> memref<128x128xf32, #tpu.memory_space<hbm>>
      tpu.wait_dma2 semaphore(%run_scoped3A : memref<!tpu.dma_semaphore, #tpu.memory_space<semaphore_mem>>) src(%arg8 : memref<128x128xf32, #tpu.memory_space<vmem>>) dst(%dma_wait3A_59 : memref<128x128xf32, #tpu.memory_space<hbm>>)
      tpu.yield
    }) : () -> ()
    %dma_start3A_40 = arith.constant 128 : i32
    %dma_start3A_41 = tpu.memref_slice %arg7[%dma_start3A_40] : memref<256xi32, #tpu.memory_space<vmem>> -> memref<128xi32, #tpu.memory_space<vmem>>
    %dma_start3A_42 = arith.constant 0 : i32
    %dma_start3A_43 = arith.constant 0 : i32
    %dma_start3A_44 = tpu.memref_slice %arg3[%dma_start3A_42, %dma_start3A_43] : memref<1000x128xf32, #tpu.memory_space<hbm>> -> memref<1000x128xf32, #tpu.memory_space<hbm>>
    tpu.enqueue_indirect_dma source(%dma_start3A_44 : memref<1000x128xf32, #tpu.memory_space<hbm>>) target(%arg8 : memref<128x128xf32, #tpu.memory_space<vmem>>) offsets(%dma_start3A_41 : memref<128xi32, #tpu.memory_space<vmem>>) semaphore(%arg11 : memref<!tpu.dma_semaphore, #tpu.memory_space<semaphore_mem>>)
    %dma_wait3A_45 = arith.constant 128 : i32
    %dma_wait3A_46 = tpu.memref_slice %arg7[%dma_wait3A_45] : memref<256xi32, #tpu.memory_space<vmem>> -> memref<128xi32, #tpu.memory_space<vmem>>
    %dma_wait3A_47 = arith.constant 0 : i32
    %dma_wait3A_48 = arith.constant 0 : i32
    %dma_wait3A_49 = tpu.memref_slice %arg3[%dma_wait3A_47, %dma_wait3A_48] : memref<1000x128xf32, #tpu.memory_space<hbm>> -> memref<1000x128xf32, #tpu.memory_space<hbm>>
    tpu.wait_indirect_dma semaphore(%arg11 : memref<!tpu.dma_semaphore, #tpu.memory_space<semaphore_mem>>) src(%dma_wait3A_49 : memref<1000x128xf32, #tpu.memory_space<hbm>>) dst(%arg8 : memref<128x128xf32, #tpu.memory_space<vmem>>)
    %add3A_50 = arith.constant 128 : i32
    %add3A_51 = arith.addi %mul3A_2, %add3A_50 : i32
    "tpu.region"() ({
      %run_scoped3A = tpu.sem_alloc : memref<!tpu.dma_semaphore, #tpu.memory_space<semaphore_mem>>
      %dma_start3A_52 = arith.constant 0 : i32
      %dma_start3A_53 = tpu.memref_slice %arg4[%add3A_51, %dma_start3A_52] : memref<8192x128xf32, #tpu.memory_space<hbm>> -> memref<128x128xf32, #tpu.memory_space<hbm>>
      %dma_start3A_54 = arith.constant 0 : i32
      %dma_start3A_55 = tpu.memref_slice %arg4[%add3A_51, %dma_start3A_54] : memref<8192x128xf32, #tpu.memory_space<hbm>> -> memref<128x128xf32, #tpu.memory_space<hbm>>
      tpu.enqueue_dma source(%arg8 : memref<128x128xf32, #tpu.memory_space<vmem>>) target(%dma_start3A_55 : memref<128x128xf32, #tpu.memory_space<hbm>>) target_semaphore(%run_scoped3A : memref<!tpu.dma_semaphore, #tpu.memory_space<semaphore_mem>>)
      %dma_wait3A_56 = arith.constant 0 : i32
      %dma_wait3A_57 = tpu.memref_slice %arg4[%add3A_51, %dma_wait3A_56] : memref<8192x128xf32, #tpu.memory_space<hbm>> -> memref<128x128xf32, #tpu.memory_space<hbm>>
      %dma_wait3A_58 = arith.constant 0 : i32
      %dma_wait3A_59 = tpu.memref_slice %arg4[%add3A_51, %dma_wait3A_58] : memref<8192x128xf32, #tpu.memory_space<hbm>> -> memref<128x128xf32, #tpu.memory_space<hbm>>
      tpu.wait_dma2 semaphore(%run_scoped3A : memref<!tpu.dma_semaphore, #tpu.memory_space<semaphore_mem>>) src(%arg8 : memref<128x128xf32, #tpu.memory_space<vmem>>) dst(%dma_wait3A_59 : memref<128x128xf32, #tpu.memory_space<hbm>>)
      tpu.yield
    }) : () -> ()
    return
  }
}

module attributes {stable_mosaic.version = 14 : i64} {
  func.func @_tc_body(%arg0: i32, %arg1: memref<512x1000xf32, #tpu.memory_space<vmem>>, %arg2: memref<1000x128xf32, #tpu.memory_space<vmem>>, %arg3: memref<512x128xf32, #tpu.memory_space<vmem>>) attributes {dimension_semantics = [#tpu.dimension_semantics<arbitrary>], iteration_bounds = array<i64: 16>, scalar_prefetch = 0 : i64, scratch_operands = 0 : i64, tpu.core_type = #tpu.core_type<tc>, window_params = [{transform_indices = @transform_0, window_bounds = array<i64: 512, 1000>}, {pipeline_mode = #tpu.pipeline_mode<synchronous>, transform_indices = @transform_1, window_bounds = array<i64: 1000, 128>}, {transform_indices = @transform_2, window_bounds = array<i64: 512, 128>}]} {
    %get3A = arith.constant 0 : index
    %get3A_0 = arith.constant 0 : index
    %get3A_1 = vector.load %arg1[%get3A, %get3A_0] : memref<512x1000xf32, #tpu.memory_space<vmem>>, vector<512x1000xf32>
    %iota3A = tpu.iota {dimensions = array<i32: 1>} : vector<512x1000xi32>
    %lt3A = arith.constant 1000 : i32
    %lt3A_2 = vector.broadcast %lt3A : i32 to vector<512x1000xi32>
    %lt3A_3 = arith.cmpi slt, %iota3A, %lt3A_2 : vector<512x1000xi32>
    %jit3A = arith.constant 0xFF800000 : f32
    %broadcast_in_dim3A = vector.broadcast %jit3A : f32 to vector<512x1000xf32>
    %select_n3A = arith.select %lt3A_3, %get3A_1, %broadcast_in_dim3A : vector<512x1000xi1>, vector<512x1000xf32>
    %reduce_max3A = arith.constant dense<0xFF800000> : vector<512xf32>
    %reduce_max3A_4 = vector.multi_reduction <maximumf>, %select_n3A, %reduce_max3A [1] : vector<512x1000xf32> to vector<512xf32>
    %broadcast_in_dim3A_5 = vector.shape_cast %reduce_max3A_4 : vector<512xf32> to vector<512x1xf32>
    %eq3A = vector.broadcast %broadcast_in_dim3A_5 : vector<512x1xf32> to vector<512x1000xf32>
    %eq3A_6 = arith.cmpf oeq, %select_n3A, %eq3A : vector<512x1000xf32>
    %jit3A_7 = arith.constant 1000 : i32
    %broadcast_in_dim3A_8 = vector.broadcast %jit3A_7 : i32 to vector<512x1000xi32>
    %select_n3A_9 = arith.select %eq3A_6, %iota3A, %broadcast_in_dim3A_8 : vector<512x1000xi1>, vector<512x1000xi32>
    %reduce_min3A = arith.constant dense<2147483647> : vector<512xi32>
    %reduce_min3A_10 = vector.multi_reduction <minsi>, %select_n3A_9, %reduce_min3A [1] : vector<512x1000xi32> to vector<512xi32>
    %broadcast_in_dim3A_11 = vector.shape_cast %reduce_min3A_10 : vector<512xi32> to vector<512x1xi32>
    %eq3A_12 = vector.broadcast %broadcast_in_dim3A_11 : vector<512x1xi32> to vector<512x1000xi32>
    %eq3A_13 = arith.cmpi eq, %iota3A, %eq3A_12 : vector<512x1000xi32>
    %convert_element_type3A = arith.extui %eq3A_13 : vector<512x1000xi1> to vector<512x1000xi32>
    %convert_element_type3A_14 = arith.sitofp %convert_element_type3A : vector<512x1000xi32> to vector<512x1000xf32>
    %get3A_15 = arith.constant 0 : index
    %get3A_16 = arith.constant 0 : index
    %get3A_17 = vector.load %arg2[%get3A_15, %get3A_16] : memref<1000x128xf32, #tpu.memory_space<vmem>>, vector<1000x128xf32>
    %dot_general3A = arith.constant dense<0.000000e+00> : vector<512x128xf32>
    %dot_general3A_18 = tpu.matmul %convert_element_type3A_14, %get3A_17, %dot_general3A {dimension_numbers = #tpu.dot_dimension_numbers<[1], [0], [0], [1], [0, 0, 1, 1], [], []>, transpose_lhs_hint = false} : vector<512x1000xf32>, vector<1000x128xf32>, vector<512x128xf32> -> vector<512x128xf32>
    %swap3A = arith.constant 0 : index
    %swap3A_19 = arith.constant 0 : index
    %swap3A_20 = vector.load %arg3[%swap3A, %swap3A_19] : memref<512x128xf32, #tpu.memory_space<vmem>>, vector<512x128xf32>
    tpu.vector_store %arg3[%swap3A, %swap3A_19], %dot_general3A_18 {strides = array<i32>} : memref<512x128xf32, #tpu.memory_space<vmem>>, vector<512x128xf32>,
    return
  }
  func.func @transform_0(%arg0: i32) -> (i32, i32) {
    %c0_i32 = arith.constant 0 : i32
    %c0_i32_0 = arith.constant 0 : i32
    return %arg0, %c0_i32 : i32, i32
  }
  func.func @transform_1(%arg0: i32) -> (i32, i32) {
    %c0_i32 = arith.constant 0 : i32
    %c0_i32_0 = arith.constant 0 : i32
    %c0_i32_1 = arith.constant 0 : i32
    return %c0_i32, %c0_i32_0 : i32, i32
  }
  func.func @transform_2(%arg0: i32) -> (i32, i32) {
    %c0_i32 = arith.constant 0 : i32
    %c0_i32_0 = arith.constant 0 : i32
    return %arg0, %c0_i32 : i32, i32
  }
}

</mosaic_0001>

<sc_bundles>
// kernel: kernel.4.cloned.1.call-start
scs
__scs_entry_jumppad:
0x0: {  	(pc) =	sbr.rel $0x88, $3  }
0x1: {  	(tag) =	ssettag $0x0;
	lr =	simm.s32 $0x1  }
0x2: {  	[smem:$0x3F9F] =	sst lr;
	_ =	strace $0xD0000000  }
0x3: {  	_ = 	snop  }
0x4: {  	_ = 	snop  }
0x5: {  	_ = 	snop  }
0x6: {  	_ = 	snop  }
0x7: {  	_ = 	snop  }
__scs_overlays_trampoline_lowered:
0x8: {  	[smem:$0x3FAE] =	sst s0  }
0x9: {  	[smem:$0x3FAF] =	sst s1  }
0xa: {  	[smem:$0x3FB0] =	sst s2  }
0xb: {  	[smem:$0x3FB1] =	sst s3  }
0xc: {  	[smem:$0x3FB2] =	sst s4  }
0xd: {  	[smem:$0x3FB3] =	sst s5  }
0xe: {  	[smem:$0x3FB4] =	sst s6  }
0xf: {  	[smem:$0x3FB5] =	sst s7  }
0x10: {  	[smem:$0x3FB6] =	sst s8  }
0x11: {  	[smem:$0x3FB7] =	sst s9;
	s0 =	simm.s32 @!p0 $0x0  }
0x12: {  	s1 =	sld [smem:$0x3F9D];
	s0 =	simm.s32 @p0 $0x1  }
0x13: {  	[smem:$0x3FB8] =	sst s0;
	s0 =	simm.s32 @!p1 $0x0  }
0x14: {  	s2 =	sld [smem:$0x3F9C];
	s0 =	simm.s32 @p1 $0x1  }
0x15: {  	[smem:$0x3FB9] =	sst s0;
	s0 =	simm.s32 @!p2 $0x0  }
0x16: {  	s3 =	sld [smem:$0x3FDB];
	s0 =	simm.s32 @p2 $0x1  }
0x17: {  	s4 =	simm.s32 $0x1BF5;
	[smem:$0x3FBB] =	sst s0  }
0x18: {  	s0 =	sld [smem:$0x3F9E];
	_ =	swait.ge [sflag:s4], $0x0  }
0x19: {  	s7 =	sld [smem:$0x3F9F]  }
0x1a: {  	s8 =	sadd.s32 $0xFFFFE003, lr  }
0x1b: {  	s9 =	sadd.s32 $0xFFFFFEF7, lr;
	s5 =	simm.s32 $0xFFFFFFFF;
	p2 =	slt.u32 s8, $0xFFFFF086  }
0x1c: {  	p1 =	slt.u32 s9, $0xF7A;
	s5 =	simm.s32 @!p2 $0x0  }
0x1d: {  	s5 =	simm.s32 @p1 $0x1;
	p0 =	seq.s32 s7, s2  }
0x1e: {  	s7 =	smul.u32 @!p0 $0xF7A, s2;
	p2 =	seq.s32 @!p0 s5, $0x0  }
0x1f: {  	s9 =	smul.u32 $0xF7A, s1;
	s8 =	simm.s32 @!p0 $0x1BF5;
	p2 =	por !p2, p0  }
0x20: {  	[sflag:s8] =	ssyncset.s32 @!p0 $0xFFFFF086;
	s6 =	sadd.s32 @!p0 s3, s7;
	s7 =	simm.s32 @!p0 $0x108  }
0x21: {  	s3 =	sadd.s32 s3, s9;
	s6 =	sadd.s32 @!p0 $0x88, s6;
	s7 =	simm.s32 @p2 $0x1082  }
0x22: {  	[simem:s7], [sflag:s8] =	dma.local @!p0 [hbm:s6], $0xF7A  }
0x23: {  	s9 =	sor.u32 $0xD0000000, s2;
	s6 =	simm.s32 $0x108;
	_ =	swait.ge @!p0 [sflag:s8], $0x0  }
0x24: {  	s3 =	sadd.s32 $0x88, s3;
	s6 =	simm.s32 @!p1 $0x1082;
	[sflag:s4] =	ssyncset.s32 $0xFFFFF086  }
0x25: {  	[simem:s6], [sflag:s4] =	dma.local [hbm:s3], $0xF7A  }
0x26: {  	[smem:$0x3F9F] =	sst s1;
	(tag) =	ssettag s2;
	_ =	strace s9  }
0x27: {  	s1 =	sld [smem:$0x3FAF]  }
0x28: {  	s2 =	sld [smem:$0x3FB0]  }
0x29: {  	s4 =	sld [smem:$0x3FB2]  }
0x2a: {  	p0 =	seq.s32 s5, $0x0;
	s5 =	sld [smem:$0x3FB3]  }
0x2b: {  	s6 =	sld [smem:$0x3FB4]  }
0x2c: {  	s7 =	sld [smem:$0x3FB5]  }
0x2d: {  	s3 =	simm.s32 $0x108;
	s8 =	sld [smem:$0x3FB6]  }
0x2e: {  	s3 =	simm.s32 @!p0 $0x1082;
	s9 =	sld [smem:$0x3FB7]  }
0x2f: {  	lr =	sadd.s32 s0, s3;
	s0 =	sld [smem:$0x3FAE]  }
0x30: {  	s3 =	sld [smem:$0x3FB1]  }
0x31: {  	[smem:$0x3FBA] =	sst s10  }
0x32: {  	s10 =	sld [smem:$0x3FB8];
	_ =	sdelay $0x3  }
0x33: {  	p0 =	seq.s32 s10, $0x1;
	s10 =	sld [smem:$0x3FBA];
	_ =	sdelay $0x3  }
0x34: {  	[smem:$0x3FBA] =	sst s10  }
0x35: {  	s10 =	sld [smem:$0x3FB9];
	_ =	sdelay $0x3  }
0x36: {  	p1 =	seq.s32 s10, $0x1;
	s10 =	sld [smem:$0x3FBA];
	_ =	sdelay $0x3  }
0x37: {  	[smem:$0x3FBA] =	sst s10  }
0x38: {  	s10 =	sld [smem:$0x3FBB]  }
0x39: {  	_ = 	snop;
	(pc) =	sbr.ind lr, $3  }
0x3a: {  	_ = 	snop  }
0x3b: {  	_ = 	snop  }
0x3c: {  	p2 =	seq.s32 s10, $0x1;
	s10 =	sld [smem:$0x3FBA]  }
0x3d: {  	_ =	shalt  }
0x3e: {  	_ =	shalt  }
0x3f: {  	_ =	shalt  }
0x40: {  	_ =	shalt  }
0x41: {  	_ =	shalt  }
0x42: {  	_ =	shalt  }
0x43: {  	_ =	shalt  }
0x44: {  	_ =	shalt  }
0x45: {  	_ =	shalt  }
0x46: {  	_ =	shalt  }
0x47: {  	_ =	shalt  }
0x48: {  	_ =	shalt  }
0x49: {  	_ =	shalt  }
0x4a: {  	_ =	shalt  }
0x4b: {  	_ =	shalt  }
0x4c: {  	_ =	shalt  }
0x4d: {  	_ =	shalt  }
0x4e: {  	_ =	shalt  }
0x4f: {  	_ =	shalt  }
0x50: {  	_ =	shalt  }
0x51: {  	_ =	shalt  }
0x52: {  	_ =	shalt  }
0x53: {  	_ =	shalt  }
0x54: {  	_ =	shalt  }
0x55: {  	_ =	shalt  }
0x56: {  	_ =	shalt  }
0x57: {  	_ =	shalt  }
0x58: {  	_ =	shalt  }
0x59: {  	_ =	shalt  }
0x5a: {  	_ =	shalt  }
0x5b: {  	_ =	shalt  }
0x5c: {  	_ =	shalt  }
0x5d: {  	_ =	shalt  }
0x5e: {  	_ =	shalt  }
0x5f: {  	_ =	shalt  }
0x60: {  	_ =	shalt  }
0x61: {  	_ =	shalt  }
0x62: {  	_ =	shalt  }
0x63: {  	_ =	shalt  }
0x64: {  	_ =	shalt  }
0x65: {  	_ =	shalt  }
0x66: {  	_ =	shalt  }
0x67: {  	_ =	shalt  }
0x68: {  	_ =	shalt  }
0x69: {  	_ =	shalt  }
0x6a: {  	_ =	shalt  }
0x6b: {  	_ =	shalt  }
0x6c: {  	_ =	shalt  }
0x6d: {  	_ =	shalt  }
0x6e: {  	_ =	shalt  }
0x6f: {  	_ =	shalt  }
0x70: {  	_ =	shalt  }
0x71: {  	_ =	shalt  }
0x72: {  	_ =	shalt  }
0x73: {  	_ =	shalt  }
0x74: {  	_ =	shalt  }
0x75: {  	_ =	shalt  }
0x76: {  	_ =	shalt  }
0x77: {  	_ =	shalt  }
0x78: {  	_ =	shalt  }
0x79: {  	_ =	shalt  }
0x7a: {  	_ =	shalt  }
0x7b: {  	_ =	shalt  }
0x7c: {  	_ =	shalt  }
0x7d: {  	_ =	shalt  }
0x7e: {  	_ =	shalt  }
0x7f: {  	_ =	shalt  }
0x80: {  	_ =	shalt  }
0x81: {  	_ =	shalt  }
0x82: {  	_ =	shalt  }
0x83: {  	_ =	shalt  }
0x84: {  	_ =	shalt  }
0x85: {  	_ =	shalt  }
0x86: {  	_ =	shalt  }
0x87: {  	_ =	shalt  }
.Lfunc_end0:
.L_simem_size_0:
called_computation_lowered:
.L_overlay_start_0:
0x88: {  	s2 =	sld [smem:$0x3FD9]  }
0x89: {  	s3 =	sld [smem:$0x3FFE];
	_ =	sdelay $0x1  }
0x8a: {  	s1 =	srdreg.scid  }
0x8b: {  	s0 =	sand.u32 $0x1, s1  }
0x8c: {  	s17 =	sshll.u32 s0, $0xA;
	s2 =	sadd.s32 s3, s2  }
0x8d: {  	s2 =	sadd.s32 s2, s17  }
0x8e: {  	[smem:$0x3FC6] =	sst s2  }
0x8f: {  	_ = 	snop  }
0x90: {  	s2 =	sld [smem:$0x3FC8];
	(tm) =	ssettm $0x1  }
0x91: {  	s18 =	sld [smem:$0x3FFB];
	_ =	sdelay $0x3  }
0x92: {  	_ =	strace s18  }
0x93: {  	s3 =	sld [smem:$0x3FFC];
	_ =	sdelay $0x3  }
0x94: {  	_ =	strace s3  }
0x95: {  	s3 =	sld [smem:$0x3FFD];
	_ =	sdelay $0x3  }
0x96: {  	_ =	strace s3  }
0x97: {  	_ =	strace $0x8FFFFFFF  }
0x98: {  	s19 =	sld [smem:$0x3FDB];
	_ =	sdelay $0x1  }
0x99: {  	s4 =	simm.s32 $_scs_section_size  }
0x9a: {  	s5 =	simm.s32 $_size__tile_overlayer_lowered;
	s6 =	simm.s32 $_tile_overlayer_lowered  }
0x9b: {  	s22 =	simm.s32 $0x1BFF;
	s21 =	sshll.u32 s6, $0x1;
	s3 =	sadd.s32 s4, s19  }
0x9c: {  	s7 =	simm.s32 $0x0;
	s20 =	sshll.u32 s5, $0x1;
	s5 =	sadd.s32 s21, s3  }
0x9d: {  	[timem:s7], [sflag:s22] =	dma.local [hbm:s5], s20  }
0x9e: {  	_ =	swait.ge [sflag:s22], s20  }
0x9f: {  	s4 =	ssub.s32 $0x0, s20;
	[sflag:s22] =	ssyncset.done $0x0  }
0xa0: {  	[sflag:s22] =	ssyncadd.s32 s4;
	_ =	sdelay $0x1  }
0xa1: {  	s23 =	simm.s32 $0x1B8B  }
0xa2: {  	_ =	swait.ge [sflag:s23], $0x1  }
0xa3: {  	[sflag:s23] =	ssyncset.done $0x0  }
0xa4: {  	s25 =	simm.s32 $0x1B8E;
	s24 =	sld [smem:$0x3FFE];
	[sflag:s23] =	ssyncadd.s32 $0xFFFFFFFF  }
0xa5: {  	s26 =	simm.s32 $execute0_lowered;
	[smem:$0x3FD2] =	sst s25  }
0xa6: {  	s5 =	sshll.u32 s26, $0x1;
	_ =	strace $0x80000046;
	[dreg:$0x1] =	wrdreg $0xFFFFFFFF  }
0xa7: {  	s28 =	simm.s32 $_size_execute0_lowered;
	s3 =	sadd.s32 s3, s5;
	[dreg:$0x0] =	wrdreg $0x0  }
0xa8: {  	s5 =	sshll.u32 s28, $0x1;
	[dreg:$0x2] =	wrdreg s3  }
0xa9: {  	[dreg:$0x3] =	wrdreg s5  }
0xaa: {  	[dreg:$0x4] =	wrdreg $0xC0  }
0xab: {  	_ =	task [dreg:s7], $0x5FFFF  }
0xac: {  	[dreg:$0x1] =	wrdreg $0xFFFFFFFF  }
0xad: {  	[dreg:$0x0] =	wrdreg $0x60  }
0xae: {  	[dreg:$0x2] =	wrdreg s24  }
0xaf: {  	[dreg:$0x3] =	wrdreg s2  }
0xb0: {  	[dreg:$0x4] =	wrdreg $0x9  }
0xb1: {  	_ =	task.clear_ibuf [dreg:s7], $0x5FFFF;
	_ =	strace $0x90000046  }
0xb2: {  	s29 =	simm.s32 $0x9;
	_ =	strace $0x80000048  }
0xb3: {  	_ =	swait.ge [sflag:s29], $0x1  }
0xb4: {  	[sflag:s29] =	ssyncadd.s32 $0xFFFFFFFF  }
0xb5: {  	_ =	strace $0x90000048  }
0xb6: {  	_ =	sfence  }
0xb7: {  	s30 =	sld [smem:$0x0];
	_ =	sdelay $0x2  }
0xb8: {  	s31 =	sshll.u32 s1, $0xD;
	s1 =	sshrl.u32 s1, $0x2  }
0xb9: {  	s3 =	sand.u32 $0x4000, s31;
	s1 =	sadd.s32 s1, s30  }
0xba: {  	s0 =	sor.u32 s3, s0;
	s1 =	sshll.u32 s1, $0x11  }
0xbb: {  	s0 =	sor.u32 s1, s0  }
0xbc: {  	s0 =	sadd.s32 $0x8F2B, s0  }
0xbd: {  	[sflag:s0] =	ssyncadd.remote.s32 $0x1  }
0xbe: {  	_ =	sfence.sel $0xFFFF  }
0xbf: {  	[dreg:$0x0] =	wrdreg $0xFFFFFFFF;
	(pc) =	sbr.abs _section_cstart, $3  }
0xc0: {  	[dreg:$0x1] =	wrdreg $0xFFFFFFFF  }
0xc1: {  	_ =	task.clear_ibuf [dreg:s7], $0x2FFFF;
	_ =	strace $0x9FFFFFFF  }
0xc2: {  	(tm) =	ssettm $0x7FFFFFFF  }
0xc3: {  	_ =	shalt  }
tec
execute0_lowered:
.L_overlay_start_1:
0x0: {  	(tag) =	ssettag $0x1  }
0x1: {  	s1 =	srdreg.scid;
	s4 =	rddreg [dreg:$0x0]  }
0x2: {  	s0 =	stileid.u32;
	s3 =	simm.s32 $0x0;
	s11 =	simm.s32 $0x8000  }
0x3: {  	s12 =	simm.s32 $0x1;
	s13 =	simm.s32 $0x2;
	s16 =	simm.s32 $0x10100  }
0x4: {  	s17 =	simm.s32 $0x3;
	s18 =	simm.s32 $0x4;
	s5 =	sand.u32 $0x1, s1  }
0x5: {  	s20 =	simm.s32 $0x0;
	s6 =	sshll.u32 s0, $0x9;
	s7 =	sshll.u32 s5, $0x8  }
0x6: {  	[smem:$0x7FF] =	sst s3;
	s8 =	ssub.s32 $0x2, s5;
	s6 =	sor.u32 s7, s6  }
0x7: {  	_ =	strace $0x80000047;
	s10 =	sshrl.u32 s8, $0x1;
	s7 =	sshll.u32 s6, $0x7  }
.Ltmp0:
0x8: {  	vm5 =	vcmask $0x1714;
	vm6 =	vcmask $0x1B18;
	s6 =	sshll.u32 s6, $0x4;
	s7 =	sadd.s32 s7, s4;
	(pc) =	sbr.rel .LBB2_1-.Ltmp0, $4  }
0x9: {  	vm7 =	vcmask $0x1F1C;
	vm8 =	vcmask $0x2320;
	vm9 =	vcmask $0x2724;
	s10 =	ssub.s32 s8, s10;
	s9 =	sadd.s32 s6, s4;
	s29 =	sadd.s32 $0x100600, s7  }
0xa: {  	vm10 =	vcmask $0x2B28;
	vm11 =	vcmask $0x2F2C;
	vm12 =	vcmask $0x3330;
	s10 =	smax.u32 s10, $0x1;
	s30 =	sadd.s32 $0x101600, s7;
	[dreg:$0x3] =	wrdreg s29  }
0xb: {  	v0 =	vlaneseq.u32;
	vm13 =	vcmask $0x3734;
	vm14 =	vcmask $0x3B38;
	s6 =	sadd.s32 $0x102600, s7;
	s31 =	sadd.s32 $0x200600, s9;
	[dreg:$0x4] =	wrdreg s30  }
0xc: {  	v0 =	vadd.s32 $0x800003D8, v0;
	s7 =	sadd.s32 $0x103600, s7;
	s9 =	sadd.s32 $0x200E00, s9;
	[dreg:$0x5] =	wrdreg s31  }
.LBB2_36:
0xd: {  	s0 =	rddreg [dreg:$0x1];
	s2 =	simm.s32 $0x80;
	s1 =	simm.s32 $0x10000  }
0xe: {  	[tilespmem:s16], [sflag:$0x3] =	stream.indirect.gather [hbm4b:s0+s2], $0x80, s1, s2, $0xb8;
	[tilespmem:$0x14100] =	vst v63  }
0xf: {  	_ =	swait.ge [sflag:s17], $0x4000  }
0x10: {  	[sflag:s17] =	ssyncset.done $0x0  }
0x11: {  	s30 =	rddreg [dreg:$0x5];
	[sflag:s17] =	ssyncadd.s32 $0xFFFFC000  }
0x12: {  	[hbm4b:s30+s3] =	stream.linear.scatter [tilespmem:s16], [sflag:$0x4], $0x4000, $0x38;
	[tilespmem:$0x14100] =	vst v63  }
0x13: {  	_ =	swait.ge [sflag:s18], $0x4000  }
0x14: {  	[sflag:s18] =	ssyncset.done $0x0  }
0x15: {  	s31 =	simm.s32 $0x10080;
	[sflag:s18] =	ssyncadd.s32 $0xFFFFC000  }
0x16: {  	[tilespmem:s16], [sflag:$0x3] =	stream.indirect.gather [hbm4b:s0+s2], $0x80, s31, s2, $0xb8;
	[tilespmem:$0x14100] =	vst v63  }
0x17: {  	s20 =	sadd.s32 $0x1, s20;
	_ =	swait.ge [sflag:s17], $0x4000  }
0x18: {  	p0 =	sne.s32 s20, s10;
	[sflag:s17] =	ssyncset.done $0x0  }
.Ltmp1:
0x19: {  	[sflag:s17] =	ssyncadd.s32 $0xFFFFC000;
	(pc) =	sbr.rel @!p0 .LBB2_37-.Ltmp1, $4  }
0x1a: {  	[hbm4b:s9+s3] =	stream.linear.scatter [tilespmem:s16], [sflag:$0x4], $0x4000, $0x38;
	[tilespmem:$0x14100] =	vst v63  }
0x1b: {  	_ =	swait.ge [sflag:s18], $0x4000  }
0x1c: {  	[sflag:s18] =	ssyncset.done $0x0  }
0x1d: {  	[sflag:s18] =	ssyncadd.s32 $0xFFFFC000  }
.LBB2_1:
0x1e: {  	s0 =	rddreg [dreg:$0x3]  }
0x1f: {  	[tilespmem:s3], [sflag:$0x1] =	stream.linear.gather [hbm4b:s0+s3], $0x8000, $0x38;
	[tilespmem:$0x14100] =	vst v63  }
0x20: {  	s31 =	rddreg [dreg:$0x4];
	s21 =	simm.s32 $0x0  }
0x21: {  	[tilespmem:s11], [sflag:$0x2] =	stream.linear.gather [hbm4b:s31+s3], $0x8000, $0x38;
	[tilespmem:$0x14100] =	vst v63  }
.LBB2_2:
0x22: {  	_ =	swait.ge [sflag:s12], $0x8000;
	s22 =	simm.s32 $0x0  }
0x23: {  	[sflag:s12] =	ssyncset.done $0x0;
	s23 =	sand.u32 $0x60, s22;
	s22 =	sand.u32 $0x1C00, s22  }
0x24: {  	[sflag:s12] =	ssyncadd.s32 $0xFFFF8000;
	s22 =	sor.u32 s23, s22  }
0x25: {  	v2 =	vld [tilespmem:s22+$0x10]  }
0x26: {  	v1 =	vld [tilespmem:s22+$0x0]  }
0x27: {  	v8 =	vld [tilespmem:s22+$0x80]  }
0x28: {  	v10 =	vld [tilespmem:s22+$0x100]  }
0x29: {  	v12 =	vld [tilespmem:s22+$0x180];
	_ =	sdelay $0x1  }
0x2a: {  	v11 =	vimm.f32 $-Inf;
	s31 =	simm.s32 $0x100;
	s24 =	simm.s32 $0x20;
	v19 =	vlaneseq.u32;
	v5 =	vld [tilespmem:s22+$0x90]  }
0x2b: {  	v20 =	vimm.s32 $0x0;
	s24 =	sand.u32 $0x60, s24;
	v6 =	vadd.s32 $0x10, v19;
	s23 =	sand.u32 $0x1C00, s31;
	v14 =	vld [tilespmem:s22+$0x110];
	vm0 =	vgt.f32 v1, v11  }
0x2c: {  	v15 =	vld [tilespmem:s22+$0x190];
	s22 =	sor.u32 s24, s23;
	vm1 =	vgt.f32 v8, v11;
	vm15 =	vgt.f32 v10, v11;
	v3 =	vsel vm0, v1, v11  }
0x2d: {  	v9 =	vld [tilespmem:s22+$0x90];
	vm2 =	vgt.f32 v12, v11;
	v7 =	vsel vm0, v19, v20;
	vm0 =	vgt.f32 v2, v3  }
0x2e: {  	v8 =	vsel vm1, v8, v11;
	v4 =	vsel vm0, v2, v3;
	v2 =	vsel vm0, v6, v7;
	v7 =	vld [tilespmem:s22+$0x0]  }
0x2f: {  	v13 =	vld [tilespmem:s22+$0x100];
	v17 =	vsel vm15, v10, v11;
	v11 =	vsel vm2, v12, v11;
	vm0 =	vgt.f32 v5, v8  }
0x30: {  	v1 =	vld [tilespmem:s22+$0x10];
	vm3 =	vgt.f32 v14, v17;
	v16 =	vsel vm0, v5, v8;
	v5 =	vsel vm15, v19, v20  }
0x31: {  	v18 =	vld [tilespmem:s22+$0x180];
	vm4 =	vgt.f32 v15, v11;
	v3 =	vadd.s32 $0x20, v19;
	v17 =	vsel vm3, v14, v17  }
0x32: {  	v10 =	vld [tilespmem:s22+$0x80];
	v15 =	vsel vm4, v15, v11;
	v11 =	vsel vm2, v19, v20;
	v8 =	vsel vm1, v19, v20  }
0x33: {  	s25 =	simm.s32 $0x40;
	s23 =	simm.s32 $0x2;
	s24 =	simm.s32 $0x200;
	v14 =	vld [tilespmem:s22+$0x110];
	v11 =	vsel vm4, v6, v11;
	v12 =	vsel vm3, v6, v5;
	v5 =	vmovc v3;
	vm1 =	vgt.f32 v7, v4  }
.LBB2_3:
0x34: {  	s26 =	sand.u32 $0x60, s25;
	s28 =	sand.u32 $0x1C00, s24;
	v4 =	vsel vm1, v7, v4;
	v2 =	vsel vm1, v3, v2;
	v19 =	vld [tilespmem:s22+$0x190];
	v8 =	vsel vm0, v6, v8;
	v20 =	vmovc v9  }
0x35: {  	v6 =	vadd.s32 $0x10, v3;
	s22 =	sor.u32 s26, s28;
	vm0 =	vgt.f32 v1, v4  }
0x36: {  	v3 =	vadd.s32 $0x20, v3;
	s23 =	sadd.s32 $0x2, s23;
	v4 =	vsel vm0, v1, v4;
	v1 =	vld [tilespmem:s22+$0x10];
	v2 =	vsel vm0, v6, v2  }
0x37: {  	vm1 =	vgt.f32 v10, v16;
	p0 =	slt.u32 s23, $0x3C;
	vm2 =	vgt.f32 v13, v17;
	v7 =	vld [tilespmem:s22+$0x0];
	vm3 =	vgt.f32 v18, v15  }
.Ltmp2:
0x38: {  	v16 =	vsel vm1, v10, v16;
	v17 =	vsel vm2, v13, v17;
	v9 =	vld [tilespmem:s22+$0x90];
	v15 =	vsel vm3, v18, v15;
	(pc) =	sbr.rel @p0 .LBB2_3-.Ltmp2, $4  }
0x39: {  	vm0 =	vgt.f32 v20, v16;
	vm4 =	vgt.f32 v14, v17;
	v10 =	vld [tilespmem:s22+$0x80];
	vm15 =	vgt.f32 v19, v15  }
0x3a: {  	v16 =	vsel vm0, v20, v16;
	v17 =	vsel vm4, v14, v17;
	v13 =	vld [tilespmem:s22+$0x100];
	v15 =	vsel vm15, v19, v15  }
0x3b: {  	v8 =	vsel vm1, v5, v8;
	v12 =	vsel vm2, v5, v12;
	v11 =	vsel vm3, v5, v11;
	v5 =	vmovc v3;
	v18 =	vld [tilespmem:s22+$0x180]  }
0x3c: {  	s24 =	sadd.s32 $0x100, s24;
	s25 =	sadd.s32 $0x20, s25;
	v12 =	vsel vm4, v6, v12;
	v11 =	vsel vm15, v6, v11;
	vm1 =	vgt.f32 v7, v4;
	v14 =	vld [tilespmem:s22+$0x110]  }
0x3d: {  	v19 =	vld [tilespmem:s22+$0x190]  }
0x3e: {  	v7 =	vsel vm1, v7, v4;
	v4 =	vld [tilespmem:$0x1C58];
	s4 =	simm.s32 $0x0  }
0x3f: {  	v20 =	vsel vm1, v3, v2;
	v2 =	vld [tilespmem:$0x1CD8];
	vm1 =	vgt.f32 v1, v7;
	s23 =	sand.u32 $0x60, s4;
	s24 =	sand.u32 $0x1C00, s4  }
0x40: {  	v21 =	vsel vm0, v6, v8;
	v22 =	vadd.s32 $0x10, v3;
	v8 =	vsel vm1, v1, v7;
	v1 =	vld [tilespmem:$0x1D58];
	s23 =	sor.u32 s23, s24  }
0x41: {  	v25 =	vimm.f32 $-Inf;
	s5 =	sand.u32 $0x3, s4;
	v7 =	vsel vm1, v22, v20;
	vm1 =	vgt.f32 v13, v17;
	v20 =	vld [tilespmem:s23+$0x210]  }
0x42: {  	v31 =	vlaneseq.u32;
	vm0 =	vgt.f32 v10, v16;
	s24 =	sshll.u32 s5, $0x5;
	v6 =	vsel vm1, v13, v17;
	v13 =	vld [tilespmem:s23+$0x200]  }
0x43: {  	s15 =	simm.s32 $0x100;
	s19 =	simm.s32 $0x20;
	v32 =	vimm.s32 $0x0;
	v3 =	vsel vm0, v10, v16;
	vm2 =	vgt.f32 v18, v15;
	v23 =	vld [tilespmem:s23+$0x290];
	s8 =	sadd.s32 $0x0, s24  }
0x44: {  	s25 =	sand.u32 $0x60, s19;
	s26 =	sand.u32 $0x1C00, s15;
	vm3 =	vgt.f32 v9, v3;
	v24 =	vld [tilespmem:s23+$0x280];
	v17 =	vadd.s32 $0x10, v31;
	v15 =	vsel vm2, v18, v15;
	s24 =	sor.u32 $0x300, s8  }
0x45: {  	s22 =	sor.u32 s4, s4;
	s25 =	sor.u32 s25, s26;
	vm4 =	vgt.f32 v14, v6;
	v10 =	vsel vm3, v9, v3;
	v9 =	vsel vm1, v5, v12;
	v26 =	vld [tilespmem:s24+$0x0]  }
0x46: {  	s22 =	sor.u32 $0x380, s22;
	s14 =	sadd.s32 $0x10, s8;
	v18 =	vld [tilespmem:s25+$0x200];
	vm15 =	vgt.f32 v19, v15;
	v6 =	vsel vm4, v14, v6;
	v14 =	vsel vm0, v5, v21  }
0x47: {  	v5 =	vsel vm2, v5, v11;
	v9 =	vsel vm4, v22, v9;
	s23 =	sor.u32 $0x300, s14;
	v3 =	vsel vm15, v19, v15;
	v19 =	vld [tilespmem:s22+$0x0]  }
0x48: {  	v5 =	vsel vm15, v22, v5;
	v12 =	vsel vm3, v22, v14;
	v28 =	vld [tilespmem:s23+$0x0];
	s22 =	sor.u32 $0x380, s14;
	vm0 =	vgt.f32 v13, v25  }
0x49: {  	v29 =	vld [tilespmem:s22+$0x0];
	vm1 =	vgt.f32 v24, v25;
	v14 =	vsel vm0, v13, v25;
	v16 =	vsel vm0, v31, v32  }
0x4a: {  	v11 =	vld [tilespmem:$0x1DD8];
	s23 =	sor.u32 s15, s19;
	s22 =	simm.s32 $0x1;
	v30 =	vsel vm1, v31, v32;
	vm0 =	vgt.f32 v20, v14;
	vm2 =	vgt.f32 v26, v25  }
0x4b: {  	v21 =	vld [tilespmem:s25+$0x290];
	s23 =	sor.u32 $0x380, s23;
	s28 =	sand.u32 $0x3, s22;
	v15 =	vsel vm0, v20, v14;
	v14 =	vsel vm0, v17, v16;
	v20 =	vsel vm1, v24, v25  }
0x4c: {  	v22 =	vld [tilespmem:s23+$0x0];
	s26 =	sshll.u32 s28, $0x5;
	vm3 =	vgt.f32 v19, v25;
	v24 =	vsel vm2, v26, v25;
	vm0 =	vgt.f32 v23, v20  }
0x4d: {  	v13 =	vld [tilespmem:s25+$0x210];
	s29 =	sadd.s32 $0x100, s26;
	v25 =	vsel vm3, v19, v25;
	v27 =	vsel vm0, v23, v20;
	v20 =	vsel vm2, v31, v32  }
0x4e: {  	v16 =	vadd.s32 $0x20, v31;
	s30 =	sor.u32 $0x300, s29;
	s24 =	sadd.s32 $0x10, s29;
	v19 =	vld [tilespmem:s25+$0x280];
	vm4 =	vgt.f32 v28, v24;
	vm15 =	vgt.f32 v29, v25  }
0x4f: {  	s23 =	simm.s32 $0x2;
	s31 =	sor.u32 $0x300, s24;
	vm1 =	vgt.f32 v18, v15;
	v23 =	vsel vm3, v31, v32;
	v26 =	vsel vm15, v29, v25;
	v29 =	vld [tilespmem:s30+$0x0]  }
0x50: {  	s26 =	sor.u32 $0x380, s24;
	s24 =	simm.s32 $0x200;
	s25 =	simm.s32 $0x40;
	v28 =	vsel vm4, v28, v24;
	v25 =	vld [tilespmem:s31+$0x0];
	v24 =	vsel vm4, v17, v20;
	v23 =	vsel vm15, v17, v23;
	v20 =	vmovc v16  }
.LBB2_5:
0x51: {  	s28 =	sand.u32 $0x60, s25;
	s29 =	sand.u32 $0x1C00, s24;
	v15 =	vsel vm1, v18, v15;
	v14 =	vsel vm1, v16, v14;
	v31 =	vld [tilespmem:s26+$0x0];
	v30 =	vsel vm0, v17, v30;
	v32 =	vmovc v21  }
0x52: {  	v17 =	vadd.s32 $0x10, v16;
	s26 =	sor.u32 s28, s29;
	vm0 =	vgt.f32 v13, v15  }
0x53: {  	v16 =	vadd.s32 $0x20, v16;
	s22 =	sadd.s32 $0x1, s22;
	s23 =	sadd.s32 $0x2, s23;
	v15 =	vsel vm0, v13, v15;
	v13 =	vld [tilespmem:s26+$0x210];
	v14 =	vsel vm0, v17, v14  }
0x54: {  	s28 =	sand.u32 $0x3, s22;
	vm1 =	vgt.f32 v19, v27;
	p0 =	slt.u32 s23, $0x3C;
	vm3 =	vgt.f32 v22, v26;
	v18 =	vld [tilespmem:s26+$0x200];
	vm2 =	vgt.f32 v29, v28  }
.Ltmp3:
0x55: {  	s29 =	sor.u32 s24, s25;
	s28 =	sshll.u32 s28, $0x5;
	v27 =	vsel vm1, v19, v27;
	v26 =	vsel vm3, v22, v26;
	v21 =	vld [tilespmem:s26+$0x290];
	v28 =	vsel vm2, v29, v28;
	(pc) =	sbr.rel @p0 .LBB2_5-.Ltmp3, $4  }
0x56: {  	vm0 =	vgt.f32 v32, v27;
	v19 =	vld [tilespmem:s26+$0x280];
	s26 =	sadd.s32 s28, s24;
	s28 =	sor.u32 $0x380, s29;
	vm4 =	vgt.f32 v25, v28;
	vm15 =	vgt.f32 v31, v26  }
0x57: {  	v27 =	vsel vm0, v32, v27;
	s29 =	sor.u32 $0x300, s26;
	v22 =	vld [tilespmem:s28+$0x0];
	s26 =	sadd.s32 $0x10, s26;
	v28 =	vsel vm4, v25, v28;
	v26 =	vsel vm15, v31, v26  }
0x58: {  	v30 =	vsel vm1, v20, v30;
	v23 =	vsel vm3, v20, v23;
	v24 =	vsel vm2, v20, v24;
	v20 =	vmovc v16;
	v29 =	vld [tilespmem:s29+$0x0];
	s28 =	sor.u32 $0x300, s26  }
0x59: {  	s25 =	sadd.s32 $0x20, s25;
	s24 =	sadd.s32 $0x100, s24;
	v24 =	vsel vm4, v17, v24;
	v23 =	vsel vm15, v17, v23;
	s26 =	sor.u32 $0x380, s26;
	vm1 =	vgt.f32 v18, v15;
	v25 =	vld [tilespmem:s28+$0x0]  }
0x5a: {  	v31 =	vld [tilespmem:s26+$0x0];
	s22 =	simm.s32 $0x0  }
0x5b: {  	v18 =	vsel vm1, v18, v15;
	v15 =	vld [tilespmem:$0x1E58];
	s23 =	sand.u32 $0x60, s22;
	s22 =	sand.u32 $0x1C00, s22  }
0x5c: {  	v32 =	vsel vm1, v16, v14;
	v14 =	vld [tilespmem:$0x1ED8];
	vm1 =	vgt.f32 v13, v18;
	s24 =	sor.u32 $0x2000, s22;
	s25 =	sor.u32 $0x10, s23  }
0x5d: {  	v30 =	vsel vm0, v17, v30;
	v33 =	vadd.s32 $0x10, v16;
	v18 =	vsel vm1, v13, v18;
	v13 =	vld [tilespmem:$0x1F58];
	s30 =	sor.u32 s25, s24  }
0x5e: {  	v40 =	vlaneseq.u32;
	v42 =	vimm.s32 $0x0;
	vm0 =	vgt.f32 v19, v27;
	s28 =	sor.u32 $0x2080, s22;
	s24 =	sor.u32 s23, s24;
	v62 =	vld [tilespmem:s30+$0x0]  }
0x5f: {  	v17 =	vsel vm1, v33, v32;
	v16 =	vsel vm0, v19, v27;
	vm1 =	vgt.f32 v29, v28;
	s31 =	sor.u32 s25, s28;
	v27 =	vld [tilespmem:s24+$0x0]  }
0x60: {  	vm2 =	vgt.f32 v22, v26;
	vm3 =	vgt.f32 v21, v16;
	s0 =	sor.u32 s23, s28;
	s28 =	sor.u32 $0x2100, s22;
	s22 =	sor.u32 $0x2180, s22;
	v19 =	vsel vm1, v29, v28;
	v36 =	vld [tilespmem:s31+$0x0]  }
0x61: {  	v26 =	vsel vm2, v22, v26;
	v22 =	vsel vm3, v21, v16;
	v35 =	vld [tilespmem:s0+$0x0];
	s1 =	sor.u32 s23, s28;
	s23 =	sor.u32 s23, s22;
	vm4 =	vgt.f32 v25, v19  }
0x62: {  	v21 =	vsel vm1, v20, v24;
	vm15 =	vgt.f32 v31, v26;
	v37 =	vld [tilespmem:s23+$0x0];
	v19 =	vsel vm4, v25, v19  }
0x63: {  	s4 =	simm.s32 $0x100;
	s5 =	simm.s32 $0x20;
	s2 =	sor.u32 s25, s28;
	v16 =	vsel vm15, v31, v26;
	v25 =	vsel vm0, v20, v30;
	v30 =	vld [tilespmem:s1+$0x0];
	v20 =	vsel vm2, v20, v23  }
0x64: {  	s28 =	sand.u32 $0x60, s5;
	s24 =	sand.u32 $0x1C00, s4;
	s8 =	sor.u32 s25, s22;
	v63 =	vld [tilespmem:s2+$0x0];
	v21 =	vsel vm4, v33, v21;
	v31 =	vimm.f32 $-Inf;
	v26 =	vadd.s32 $0x10, v40  }
0x65: {  	s14 =	sor.u32 $0x2000, s24;
	s22 =	sor.u32 $0x10, s28;
	v39 =	vld [tilespmem:s8+$0x0];
	v20 =	vsel vm15, v33, v20;
	v24 =	vsel vm3, v33, v25;
	vm0 =	vgt.f32 v27, v31  }
0x66: {  	v23 =	vld [tilespmem:$0x1FD8];
	s15 =	sor.u32 s22, s14;
	vm2 =	vgt.f32 v35, v31;
	v27 =	vsel vm0, v27, v31;
	v28 =	vsel vm0, v40, v42  }
0x67: {  	s19 =	sor.u32 $0x2080, s24;
	s25 =	sor.u32 s28, s14;
	v25 =	vld [tilespmem:s15+$0x0];
	vm4 =	vgt.f32 v37, v31;
	v38 =	vsel vm2, v35, v31;
	vm0 =	vgt.f32 v62, v27  }
0x68: {  	s29 =	sor.u32 $0x2100, s24;
	v32 =	vld [tilespmem:s25+$0x0];
	s25 =	sor.u32 s22, s19;
	v33 =	vsel vm2, v40, v42;
	vm3 =	vgt.f32 v30, v31;
	v29 =	vsel vm0, v62, v27  }
0x69: {  	s31 =	sor.u32 s28, s29;
	v34 =	vld [tilespmem:s25+$0x0];
	v28 =	vsel vm0, v26, v28;
	v41 =	vsel vm3, v30, v31;
	v31 =	vsel vm4, v37, v31  }
0x6a: {  	s26 =	sor.u32 $0x2180, s24;
	s30 =	sor.u32 s28, s19;
	v35 =	vld [tilespmem:s31+$0x0];
	v27 =	vadd.s32 $0x20, v40;
	vm0 =	vgt.f32 v36, v38;
	vm15 =	vgt.f32 v63, v41  }
0x6b: {  	s23 =	simm.s32 $0x2;
	s24 =	sor.u32 s28, s26;
	v30 =	vld [tilespmem:s30+$0x0];
	vm1 =	vgt.f32 v39, v31;
	v37 =	vsel vm0, v36, v38;
	v38 =	vsel vm15, v63, v41  }
0x6c: {  	s28 =	sor.u32 s22, s29;
	s25 =	simm.s32 $0x40;
	v36 =	vsel vm1, v39, v31;
	v39 =	vld [tilespmem:s24+$0x0];
	s24 =	simm.s32 $0x200;
	v41 =	vsel vm3, v40, v42;
	v40 =	vsel vm4, v40, v42;
	v31 =	vmovc v27  }
.LBB2_7:
0x6d: {  	s29 =	sand.u32 $0x60, s25;
	s30 =	sand.u32 $0x1C00, s24;
	vm2 =	vgt.f32 v32, v29;
	v42 =	vld [tilespmem:s28+$0x0];
	s26 =	sor.u32 s22, s26;
	v41 =	vsel vm15, v26, v41;
	v40 =	vsel vm1, v26, v40  }
0x6e: {  	v33 =	vsel vm0, v26, v33;
	s28 =	sor.u32 $0x2000, s30;
	s22 =	sor.u32 $0x10, s29;
	v29 =	vsel vm2, v32, v29;
	v28 =	vsel vm2, v27, v28;
	v43 =	vld [tilespmem:s26+$0x0];
	v44 =	vmovc v34  }
0x6f: {  	v26 =	vadd.s32 $0x10, v27;
	s23 =	sadd.s32 $0x2, s23;
	s26 =	sor.u32 s22, s28;
	vm0 =	vgt.f32 v25, v29  }
0x70: {  	s31 =	sor.u32 $0x2080, s30;
	v27 =	vadd.s32 $0x20, v27;
	p0 =	slt.u32 s23, $0x3C;
	s28 =	sor.u32 s29, s28;
	v29 =	vsel vm0, v25, v29;
	v25 =	vld [tilespmem:s26+$0x0];
	v28 =	vsel vm0, v26, v28  }
.Ltmp4:
0x71: {  	vm2 =	vgt.f32 v30, v37;
	s26 =	sor.u32 s22, s31;
	vm3 =	vgt.f32 v35, v38;
	v32 =	vld [tilespmem:s28+$0x0];
	vm4 =	vgt.f32 v39, v36;
	(pc) =	sbr.rel @p0 .LBB2_7-.Ltmp4, $4  }
0x72: {  	v37 =	vsel vm2, v30, v37;
	s28 =	sor.u32 s29, s31;
	s31 =	sor.u32 $0x2100, s30;
	v38 =	vsel vm3, v35, v38;
	v34 =	vld [tilespmem:s26+$0x0];
	v36 =	vsel vm4, v39, v36  }
0x73: {  	vm0 =	vgt.f32 v44, v37;
	s26 =	sor.u32 $0x2180, s30;
	vm15 =	vgt.f32 v42, v38;
	v30 =	vld [tilespmem:s28+$0x0];
	s28 =	sor.u32 s29, s31;
	vm1 =	vgt.f32 v43, v36  }
0x74: {  	v37 =	vsel vm0, v44, v37;
	v38 =	vsel vm15, v42, v38;
	v35 =	vld [tilespmem:s28+$0x0];
	s28 =	sor.u32 s29, s26;
	v36 =	vsel vm1, v43, v36  }
0x75: {  	s24 =	sadd.s32 $0x100, s24;
	s25 =	sadd.s32 $0x20, s25;
	v33 =	vsel vm2, v31, v33;
	v41 =	vsel vm3, v31, v41;
	v40 =	vsel vm4, v31, v40;
	v31 =	vmovc v27;
	v39 =	vld [tilespmem:s28+$0x0];
	s28 =	sor.u32 s22, s31  }
0x76: {  	v42 =	vld [tilespmem:s28+$0x0];
	s22 =	sor.u32 s22, s26  }
0x77: {  	vm2 =	vgt.f32 v32, v29;
	s31 =	simm.s32 $0x0;
	v43 =	vld [tilespmem:s22+$0x0]  }
0x78: {  	v41 =	vsel vm15, v26, v41;
	v32 =	vsel vm2, v32, v29;
	v29 =	vld [tilespmem:$0x3C58];
	s23 =	sand.u32 $0x60, s31;
	s22 =	sand.u32 $0x1C00, s31  }
0x79: {  	v40 =	vsel vm1, v26, v40;
	v26 =	vsel vm0, v26, v33;
	v44 =	vsel vm2, v27, v28;
	v28 =	vld [tilespmem:$0x3CD8];
	s24 =	sor.u32 $0x2200, s22;
	s25 =	sor.u32 $0x10, s23  }
0x7a: {  	v45 =	vadd.s32 $0x10, v27;
	v54 =	vlaneseq.u32;
	v27 =	vld [tilespmem:$0x3D58];
	vm1 =	vgt.f32 v25, v32;
	s0 =	sor.u32 s25, s24  }
0x7b: {  	v55 =	vimm.s32 $0x0;
	vm0 =	vgt.f32 v30, v37;
	s28 =	sor.u32 $0x2280, s22;
	v33 =	vsel vm1, v25, v32;
	s24 =	sor.u32 s23, s24;
	v57 =	vld [tilespmem:s0+$0x0]  }
0x7c: {  	v32 =	vsel vm1, v45, v44;
	vm1 =	vgt.f32 v35, v38;
	v25 =	vsel vm0, v30, v37;
	s1 =	sor.u32 s25, s28;
	s2 =	sor.u32 s23, s28;
	s28 =	sor.u32 $0x2300, s22;
	v58 =	vld [tilespmem:s24+$0x0]  }
0x7d: {  	s22 =	sor.u32 $0x2380, s22;
	vm2 =	vgt.f32 v39, v36;
	v30 =	vsel vm1, v35, v38;
	vm3 =	vgt.f32 v34, v25;
	v50 =	vld [tilespmem:s2+$0x0];
	s4 =	sor.u32 s23, s28  }
0x7e: {  	s23 =	sor.u32 s23, s22;
	v38 =	vadd.s32 $0x20, v54;
	v36 =	vsel vm2, v39, v36;
	vm4 =	vgt.f32 v42, v30;
	v59 =	vld [tilespmem:s4+$0x0]  }
0x7f: {  	v39 =	vsel vm3, v34, v25;
	v25 =	vsel vm0, v31, v26;
	v26 =	vsel vm1, v31, v41;
	v60 =	vld [tilespmem:s23+$0x0]  }
0x80: {  	s8 =	simm.s32 $0x100;
	s14 =	simm.s32 $0x20;
	v49 =	vld [tilespmem:s1+$0x0];
	s5 =	sor.u32 s25, s28;
	v31 =	vsel vm2, v31, v40;
	vm15 =	vgt.f32 v43, v36;
	v34 =	vsel vm4, v42, v30  }
0x81: {  	s26 =	sand.u32 $0x60, s14;
	s24 =	sand.u32 $0x1C00, s8;
	s15 =	sor.u32 s25, s22;
	v61 =	vld [tilespmem:s5+$0x0];
	v37 =	vsel vm4, v45, v26;
	v26 =	vimm.f32 $-Inf;
	v46 =	vsel vm3, v45, v25  }
0x82: {  	s22 =	sor.u32 $0x10, s26;
	s19 =	sor.u32 $0x2200, s24;
	v52 =	vld [tilespmem:s15+$0x0];
	v25 =	vadd.s32 $0x10, v54;
	v30 =	vsel vm15, v43, v36;
	vm0 =	vgt.f32 v58, v26  }
0x83: {  	v42 =	vld [tilespmem:$0x3DD8];
	s29 =	sor.u32 s22, s19;
	v31 =	vsel vm15, v45, v31;
	vm2 =	vgt.f32 v50, v26;
	v35 =	vsel vm0, v58, v26  }
0x84: {  	s28 =	sor.u32 $0x2280, s24;
	s25 =	sor.u32 s26, s19;
	v41 =	vld [tilespmem:s29+$0x0];
	v62 =	vsel vm0, v54, v55;
	vm3 =	vgt.f32 v59, v26;
	vm4 =	vgt.f32 v60, v26  }
0x85: {  	s30 =	sor.u32 s22, s28;
	v51 =	vld [tilespmem:s25+$0x0];
	v63 =	vsel vm2, v50, v26;
	v53 =	vsel vm2, v54, v55;
	vm0 =	vgt.f32 v57, v35  }
0x86: {  	s31 =	sor.u32 s26, s28;
	s28 =	sor.u32 $0x2300, s24;
	v47 =	vld [tilespmem:s30+$0x0];
	v36 =	vsel vm3, v59, v26;
	v26 =	vsel vm4, v60, v26;
	vm1 =	vgt.f32 v49, v63  }
0x87: {  	s23 =	sor.u32 $0x2380, s24;
	v43 =	vld [tilespmem:s31+$0x0];
	s29 =	sor.u32 s26, s28;
	v48 =	vsel vm0, v57, v35;
	v44 =	vsel vm0, v25, v62;
	vm0 =	vgt.f32 v61, v36  }
0x88: {  	s24 =	sor.u32 s26, s23;
	s25 =	simm.s32 $0x2;
	v40 =	vld [tilespmem:s29+$0x0];
	vm15 =	vgt.f32 v52, v26;
	v50 =	vsel vm1, v49, v63;
	v49 =	vsel vm4, v54, v55  }
0x89: {  	s26 =	simm.s32 $0x200;
	v45 =	vsel vm0, v61, v36;
	v35 =	vsel vm15, v52, v26;
	v36 =	vld [tilespmem:s24+$0x0];
	s24 =	sor.u32 s22, s28;
	s28 =	simm.s32 $0x40;
	v52 =	vsel vm3, v54, v55;
	v26 =	vmovc v38  }
.LBB2_9:
0x8a: {  	s29 =	sand.u32 $0x60, s28;
	s30 =	sand.u32 $0x1C00, s26;
	vm2 =	vgt.f32 v51, v48;
	v54 =	vld [tilespmem:s24+$0x0];
	s23 =	sor.u32 s22, s23;
	v52 =	vsel vm0, v25, v52;
	v49 =	vsel vm15, v25, v49  }
0x8b: {  	v53 =	vsel vm1, v25, v53;
	s24 =	sor.u32 $0x2200, s30;
	s22 =	sor.u32 $0x10, s29;
	v48 =	vsel vm2, v51, v48;
	v44 =	vsel vm2, v38, v44;
	v55 =	vld [tilespmem:s23+$0x0];
	v56 =	vmovc v47  }
0x8c: {  	v25 =	vadd.s32 $0x10, v38;
	s25 =	sadd.s32 $0x2, s25;
	s23 =	sor.u32 s22, s24;
	vm0 =	vgt.f32 v41, v48  }
0x8d: {  	s31 =	sor.u32 $0x2280, s30;
	v38 =	vadd.s32 $0x20, v38;
	p0 =	slt.u32 s25, $0x3C;
	s24 =	sor.u32 s29, s24;
	v48 =	vsel vm0, v41, v48;
	v41 =	vld [tilespmem:s23+$0x0];
	v44 =	vsel vm0, v25, v44  }
.Ltmp5:
0x8e: {  	vm2 =	vgt.f32 v43, v50;
	s23 =	sor.u32 s22, s31;
	vm3 =	vgt.f32 v40, v45;
	v51 =	vld [tilespmem:s24+$0x0];
	vm4 =	vgt.f32 v36, v35;
	(pc) =	sbr.rel @p0 .LBB2_9-.Ltmp5, $4  }
0x8f: {  	v50 =	vsel vm2, v43, v50;
	s24 =	sor.u32 s29, s31;
	s31 =	sor.u32 $0x2300, s30;
	v45 =	vsel vm3, v40, v45;
	v47 =	vld [tilespmem:s23+$0x0];
	v35 =	vsel vm4, v36, v35  }
0x90: {  	vm1 =	vgt.f32 v56, v50;
	s23 =	sor.u32 $0x2380, s30;
	vm0 =	vgt.f32 v54, v45;
	v43 =	vld [tilespmem:s24+$0x0];
	s24 =	sor.u32 s29, s31;
	vm15 =	vgt.f32 v55, v35  }
0x91: {  	v50 =	vsel vm1, v56, v50;
	v45 =	vsel vm0, v54, v45;
	v40 =	vld [tilespmem:s24+$0x0];
	s24 =	sor.u32 s29, s23;
	v35 =	vsel vm15, v55, v35  }
0x92: {  	s26 =	sadd.s32 $0x100, s26;
	s28 =	sadd.s32 $0x20, s28;
	v53 =	vsel vm2, v26, v53;
	v52 =	vsel vm3, v26, v52;
	v49 =	vsel vm4, v26, v49;
	v26 =	vmovc v38;
	v36 =	vld [tilespmem:s24+$0x0];
	s24 =	sor.u32 s22, s31  }
0x93: {  	vm2 =	vgt.f32 v4, v8  }
0x94: {  	v8 =	vsel vm2, v4, v8  }
0x95: {  	(xrf0) =	vmax.scan.msk.f32 $0xffff, v8;
	_ =	sdelay $0x5  }
0x96: {  	v4, _, _ =	vpop (xrf0)  }
0x97: {  	v54 =	vbroadcast v4, $0xF;
	v4 =	vlaneseq.u32  }
0x98: {  	v55 =	vxor.u32 $0x80000000, v7;
	v7 =	vadd.s32 $0x800003D8, v4  }
0x99: {  	vm3 =	veq.f32 v8, v54;
	v8 =	vsel vm2, v7, v55  }
0x9a: {  	vm2 =	vgt.f32 v2, v10;
	v8 =	vnsel vm3, $0x800003E8, v8  }
0x9b: {  	(xrf0) =	vmin.scan.msk.u32 $0xffff, v8;
	v8 =	vsel vm2, v2, v10  }
0x9c: {  	(xrf0) =	vmax.scan.msk.f32 $0xffff, v8;
	_ =	sdelay $0x4  }
0x9d: {  	v2, _, _ =	vpop (xrf0)  }
0x9e: {  	v10, _, _ =	vpop (xrf0)  }
0x9f: {  	v10 =	vbroadcast v10, $0xF  }
0xa0: {  	v12 =	vxor.u32 $0x80000000, v12  }
0xa1: {  	vm3 =	veq.f32 v8, v10;
	v8 =	vsel vm2, v7, v12  }
0xa2: {  	vm2 =	vgt.f32 v1, v6;
	v8 =	vnsel vm3, $0x800003E8, v8  }
0xa3: {  	v6 =	vsel vm2, v1, v6;
	(xrf0) =	vmin.scan.msk.u32 $0xffff, v8  }
0xa4: {  	(xrf0) =	vmax.scan.msk.f32 $0xffff, v6;
	_ =	sdelay $0x4  }
0xa5: {  	v1, _, _ =	vpop (xrf0)  }
0xa6: {  	v8, _, _ =	vpop (xrf0)  }
0xa7: {  	v8 =	vbroadcast v8, $0xF  }
0xa8: {  	v9 =	vxor.u32 $0x80000000, v9  }
0xa9: {  	vm3 =	veq.f32 v6, v8;
	v6 =	vsel vm2, v7, v9  }
0xaa: {  	vm2 =	vgt.f32 v11, v3;
	v6 =	vnsel vm3, $0x800003E8, v6  }
0xab: {  	(xrf0) =	vmin.scan.msk.u32 $0xffff, v6;
	v6 =	vsel vm2, v11, v3  }
0xac: {  	(xrf0) =	vmax.scan.msk.f32 $0xffff, v6;
	_ =	sdelay $0x4  }
0xad: {  	v3, _, _ =	vpop (xrf0)  }
0xae: {  	v8, _, _ =	vpop (xrf0)  }
0xaf: {  	v8 =	vbroadcast v8, $0xF  }
0xb0: {  	v5 =	vxor.u32 $0x80000000, v5  }
0xb1: {  	v5 =	vsel vm2, v7, v5;
	vm3 =	veq.f32 v6, v8  }
0xb2: {  	vm2 =	vgt.f32 v15, v18;
	v5 =	vnsel vm3, $0x800003E8, v5  }
0xb3: {  	v6 =	vsel vm2, v15, v18;
	(xrf0) =	vmin.scan.msk.u32 $0xffff, v5  }
0xb4: {  	(xrf0) =	vmax.scan.msk.f32 $0xffff, v6;
	_ =	sdelay $0x4  }
0xb5: {  	v5, _, _ =	vpop (xrf0)  }
0xb6: {  	v8, _, _ =	vpop (xrf0)  }
0xb7: {  	v8 =	vbroadcast v8, $0xF  }
0xb8: {  	v9 =	vxor.u32 $0x80000000, v17  }
0xb9: {  	vm3 =	veq.f32 v6, v8;
	v6 =	vsel vm2, v7, v9  }
0xba: {  	vm2 =	vgt.f32 v14, v22;
	v6 =	vnsel vm3, $0x800003E8, v6  }
0xbb: {  	v8 =	vsel vm2, v14, v22;
	(xrf0) =	vmin.scan.msk.u32 $0xffff, v6  }
0xbc: {  	(xrf0) =	vmax.scan.msk.f32 $0xffff, v8;
	_ =	sdelay $0x4  }
0xbd: {  	v6, _, _ =	vpop (xrf0)  }
0xbe: {  	v9, _, _ =	vpop (xrf0)  }
0xbf: {  	v9 =	vbroadcast v9, $0xF  }
0xc0: {  	v10 =	vxor.u32 $0x80000000, v24  }
0xc1: {  	vm3 =	veq.f32 v8, v9;
	v8 =	vsel vm2, v7, v10  }
0xc2: {  	vm2 =	vgt.f32 v13, v19;
	v8 =	vnsel vm3, $0x800003E8, v8  }
0xc3: {  	v9 =	vsel vm2, v13, v19;
	(xrf0) =	vmin.scan.msk.u32 $0xffff, v8  }
0xc4: {  	(xrf0) =	vmax.scan.msk.f32 $0xffff, v9;
	_ =	sdelay $0x4  }
0xc5: {  	v8, _, _ =	vpop (xrf0)  }
0xc6: {  	v10, _, _ =	vpop (xrf0)  }
0xc7: {  	v10 =	vbroadcast v10, $0xF  }
0xc8: {  	v11 =	vxor.u32 $0x80000000, v21  }
0xc9: {  	vm3 =	veq.f32 v9, v10;
	v9 =	vsel vm2, v7, v11  }
0xca: {  	vm2 =	vgt.f32 v23, v16;
	v9 =	vnsel vm3, $0x800003E8, v9  }
0xcb: {  	v10 =	vsel vm2, v23, v16;
	(xrf0) =	vmin.scan.msk.u32 $0xffff, v9  }
0xcc: {  	(xrf0) =	vmax.scan.msk.f32 $0xffff, v10;
	_ =	sdelay $0x4  }
0xcd: {  	v9, _, _ =	vpop (xrf0)  }
0xce: {  	v11, _, _ =	vpop (xrf0)  }
0xcf: {  	v11 =	vbroadcast v11, $0xF  }
0xd0: {  	v12 =	vxor.u32 $0x80000000, v20  }
0xd1: {  	vm3 =	veq.f32 v10, v11;
	v10 =	vsel vm2, v7, v12  }
0xd2: {  	vm2 =	vgt.f32 v29, v33;
	v10 =	vnsel vm3, $0x800003E8, v10  }
0xd3: {  	(xrf0) =	vmin.scan.msk.u32 $0xffff, v10;
	v10 =	vsel vm2, v29, v33  }
0xd4: {  	(xrf0) =	vmax.scan.msk.f32 $0xffff, v10;
	_ =	sdelay $0x4  }
0xd5: {  	v11, _, _ =	vpop (xrf0)  }
0xd6: {  	v12, _, _ =	vpop (xrf0)  }
0xd7: {  	v12 =	vbroadcast v12, $0xF  }
0xd8: {  	v13 =	vxor.u32 $0x80000000, v32  }
0xd9: {  	vm3 =	veq.f32 v10, v12;
	v10 =	vsel vm2, v7, v13  }
0xda: {  	vm2 =	vgt.f32 v28, v39;
	v10 =	vnsel vm3, $0x800003E8, v10  }
0xdb: {  	(xrf0) =	vmin.scan.msk.u32 $0xffff, v10;
	v10 =	vsel vm2, v28, v39  }
0xdc: {  	(xrf0) =	vmax.scan.msk.f32 $0xffff, v10;
	_ =	sdelay $0x4  }
0xdd: {  	v12, _, _ =	vpop (xrf0)  }
0xde: {  	v13, _, _ =	vpop (xrf0)  }
0xdf: {  	v13 =	vbroadcast v13, $0xF  }
0xe0: {  	v14 =	vxor.u32 $0x80000000, v46  }
0xe1: {  	vm3 =	veq.f32 v10, v13;
	v10 =	vsel vm2, v7, v14  }
0xe2: {  	vm2 =	vgt.f32 v27, v34;
	v10 =	vnsel vm3, $0x800003E8, v10  }
0xe3: {  	(xrf0) =	vmin.scan.msk.u32 $0xffff, v10;
	v10 =	vsel vm2, v27, v34  }
0xe4: {  	(xrf0) =	vmax.scan.msk.f32 $0xffff, v10;
	_ =	sdelay $0x4  }
0xe5: {  	v13, _, _ =	vpop (xrf0)  }
0xe6: {  	v14, _, _ =	vpop (xrf0)  }
0xe7: {  	v14 =	vbroadcast v14, $0xF  }
0xe8: {  	v15 =	vxor.u32 $0x80000000, v37  }
0xe9: {  	vm3 =	veq.f32 v10, v14;
	v10 =	vsel vm2, v7, v15  }
0xea: {  	vm2 =	vgt.f32 v42, v30;
	v10 =	vnsel vm3, $0x800003E8, v10  }
0xeb: {  	(xrf0) =	vmin.scan.msk.u32 $0xffff, v10;
	v10 =	vsel vm2, v42, v30  }
0xec: {  	(xrf0) =	vmax.scan.msk.f32 $0xffff, v10;
	_ =	sdelay $0x4  }
0xed: {  	v15 =	vld [tilespmem:$0x3E58];
	v14, _, _ =	vpop (xrf0)  }
0xee: {  	vm3 =	vgt.f32 v51, v48;
	v16, _, _ =	vpop (xrf0)  }
0xef: {  	v17 =	vsel vm3, v51, v48;
	v16 =	vbroadcast v16, $0xF  }
0xf0: {  	v18 =	vxor.u32 $0x80000000, v31;
	vm4 =	vgt.f32 v41, v17  }
0xf1: {  	v18 =	vsel vm2, v7, v18;
	v17 =	vsel vm4, v41, v17;
	vm2 =	veq.f32 v10, v16  }
0xf2: {  	v10 =	vnsel vm2, $0x800003E8, v18;
	vm2 =	vgt.f32 v15, v17  }
0xf3: {  	(xrf0) =	vmin.scan.msk.u32 $0xffff, v10;
	v10 =	vsel vm2, v15, v17  }
0xf4: {  	(xrf0) =	vmax.scan.msk.f32 $0xffff, v10;
	_ =	sdelay $0x4  }
0xf5: {  	v16 =	vld [tilespmem:$0x3ED8];
	v15, _, _ =	vpop (xrf0)  }
0xf6: {  	v18 =	vadd.s32 $0x10, v38;
	v17 =	vsel vm3, v38, v44;
	vm3 =	vgt.f32 v43, v50;
	v19, _, _ =	vpop (xrf0)  }
0xf7: {  	v17 =	vsel vm4, v18, v17;
	v55 =	vsel vm3, v43, v50;
	v19 =	vbroadcast v19, $0xF  }
0xf8: {  	vm4 =	vgt.f32 v47, v55;
	v17 =	vxor.u32 $0x80000000, v17  }
0xf9: {  	v20 =	vsel vm4, v47, v55;
	v17 =	vsel vm2, v7, v17;
	vm2 =	veq.f32 v10, v19  }
0xfa: {  	v10 =	vnsel vm2, $0x800003E8, v17;
	vm2 =	vgt.f32 v16, v20  }
0xfb: {  	(xrf0) =	vmin.scan.msk.u32 $0xffff, v10;
	v10 =	vsel vm2, v16, v20  }
0xfc: {  	(xrf0) =	vmax.scan.msk.f32 $0xffff, v10;
	_ =	sdelay $0x2  }
0xfd: {  	v16 =	vld [tilespmem:s24+$0x0];
	_ =	sdelay $0x1  }
0xfe: {  	v56 =	vld [tilespmem:$0x3F58];
	v17 =	vsel vm1, v25, v53;
	v19, _, _ =	vpop (xrf0)  }
0xff: {  	vm1 =	vgt.f32 v40, v45;
	v17 =	vsel vm3, v26, v17;
	v57, _, _ =	vpop (xrf0)  }
0x100: {  	v58 =	vsel vm1, v40, v45;
	v17 =	vsel vm4, v18, v17;
	v21 =	vbroadcast v57, $0xF  }
0x101: {  	v17 =	vxor.u32 $0x80000000, v17;
	vm3 =	vgt.f32 v16, v58  }
0x102: {  	v17 =	vsel vm2, v7, v17;
	v16 =	vsel vm3, v16, v58;
	vm2 =	veq.f32 v10, v21  }
0x103: {  	v10 =	vnsel vm2, $0x800003E8, v17;
	vm2 =	vgt.f32 v56, v16  }
0x104: {  	(xrf0) =	vmin.scan.msk.u32 $0xffff, v10;
	v10 =	vsel vm2, v56, v16  }
0x105: {  	(xrf0) =	vmax.scan.msk.f32 $0xffff, v10;
	_ =	sdelay $0x1  }
0x106: {  	s22 =	sor.u32 s22, s23  }
0x107: {  	v16 =	vld [tilespmem:s22+$0x0];
	_ =	sdelay $0x1  }
0x108: {  	v60 =	vld [tilespmem:$0x3FD8];
	v17 =	vsel vm0, v25, v52;
	v59, _, _ =	vpop (xrf0)  }
0x109: {  	vm0 =	vgt.f32 v36, v35;
	v17 =	vsel vm1, v26, v17;
	v61, _, _ =	vpop (xrf0)  }
0x10a: {  	v62 =	vsel vm0, v36, v35;
	v17 =	vsel vm3, v18, v17;
	v22 =	vbroadcast v61, $0xF  }
0x10b: {  	v17 =	vxor.u32 $0x80000000, v17;
	vm1 =	vgt.f32 v16, v62  }
0x10c: {  	v17 =	vsel vm2, v7, v17;
	v16 =	vsel vm1, v16, v62;
	vm2 =	veq.f32 v10, v22  }
0x10d: {  	v10 =	vnsel vm2, $0x800003E8, v17;
	vm2 =	vgt.f32 v60, v16  }
0x10e: {  	(xrf0) =	vmin.scan.msk.u32 $0xffff, v10;
	v10 =	vsel vm2, v60, v16  }
0x10f: {  	(xrf0) =	vmax.scan.msk.f32 $0xffff, v10;
	_ =	sdelay $0x2  }
0x110: {  	(v2sf) =	vpush v2, $0xF  }
0x111: {  	(v2sf) =	vpush v1, $0xF  }
0x112: {  	v1 =	vsel vm15, v25, v49;
	(v2sf) =	vpush v3, $0xF;
	v2, _, _ =	vpop (xrf0)  }
0x113: {  	(v2sf) =	vpush v5, $0xF;
	v1 =	vsel vm0, v26, v1;
	v3, _, _ =	vpop (xrf0)  }
0x114: {  	(v2sf) =	vpush v6, $0xF;
	v1 =	vsel vm1, v18, v1;
	v3 =	vbroadcast v3, $0xF  }
0x115: {  	(v2sf) =	vpush v8, $0xF;
	v1 =	vxor.u32 $0x80000000, v1  }
0x116: {  	(v2sf) =	vpush v9, $0xF;
	v1 =	vsel vm2, v7, v1;
	vm0 =	veq.f32 v10, v3  }
0x117: {  	(v2sf) =	vpush v11, $0xF;
	v1 =	vnsel vm0, $0x800003E8, v1  }
0x118: {  	(v2sf) =	vpush v12, $0xF;
	(xrf0) =	vmin.scan.msk.u32 $0xffff, v1  }
0x119: {  	(v2sf) =	vpush v13, $0xF  }
0x11a: {  	(v2sf) =	vpush v14, $0xF  }
0x11b: {  	(v2sf) =	vpush v15, $0xF  }
0x11c: {  	(v2sf) =	vpush v19, $0xF  }
0x11d: {  	(v2sf) =	vpush v59, $0xF  }
0x11e: {  	(v2sf) =	vpush v2, $0xF;
	v1, _, _ =	vpop (xrf0)  }
0x11f: {  	s24 =	spop (v2sf);
	(v2sf) =	vpush v1, $0xF  }
0x120: {  	s5 =	spop (v2sf)  }
0x121: {  	s8 =	spop (v2sf)  }
0x122: {  	s25 =	spop (v2sf)  }
0x123: {  	s26 =	spop (v2sf)  }
0x124: {  	s28 =	spop (v2sf)  }
0x125: {  	s29 =	spop (v2sf)  }
0x126: {  	s30 =	spop (v2sf)  }
0x127: {  	s31 =	spop (v2sf)  }
0x128: {  	s1 =	spop (v2sf)  }
0x129: {  	s0 =	spop (v2sf)  }
0x12a: {  	s15 =	spop (v2sf)  }
0x12b: {  	s19 =	spop (v2sf)  }
0x12c: {  	s2 =	spop (v2sf)  }
0x12d: {  	s14 =	spop (v2sf)  }
0x12e: {  	s4 =	spop (v2sf)  }
0x12f: {  	s4 =	sxor.u32 $0x80000000, s4  }
0x130: {  	s22 =	sxor.u32 $0x80000000, s24;
	vm0 =	vcmask $0x300;
	v1 =	vmov s4  }
0x131: {  	s5 =	sxor.u32 $0x80000000, s5;
	v1 =	vsel vm0, s22, v1;
	vm0 =	vcmask $0x704  }
0x132: {  	s8 =	sxor.u32 $0x80000000, s8;
	v1 =	vsel vm0, s5, v1;
	vm0 =	vcmask $0xB08  }
0x133: {  	s23 =	sxor.u32 $0x80000000, s25;
	v1 =	vsel vm0, s8, v1;
	vm0 =	vcmask $0xF0C  }
0x134: {  	s24 =	sxor.u32 $0x80000000, s26;
	v1 =	vsel vm0, s23, v1;
	vm0 =	vcmask $0x1310  }
0x135: {  	s25 =	sxor.u32 $0x80000000, s28;
	v1 =	vsel vm0, s24, v1  }
0x136: {  	s26 =	sxor.u32 $0x80000000, s29;
	v1 =	vsel vm5, s25, v1  }
0x137: {  	s5 =	sxor.u32 $0x80000000, s30;
	v1 =	vsel vm6, s26, v1  }
0x138: {  	s8 =	sxor.u32 $0x80000000, s31;
	v1 =	vsel vm7, s5, v1  }
0x139: {  	s1 =	sxor.u32 $0x80000000, s1;
	v1 =	vsel vm8, s8, v1  }
0x13a: {  	s0 =	sxor.u32 $0x80000000, s0;
	v1 =	vsel vm9, s1, v1  }
0x13b: {  	s15 =	sxor.u32 $0x80000000, s15;
	v1 =	vsel vm10, s0, v1  }
0x13c: {  	s22 =	sxor.u32 $0x80000000, s19;
	v1 =	vsel vm11, s15, v1  }
0x13d: {  	s23 =	sxor.u32 $0x80000000, s2;
	s24 =	simm.s32 $0x0;
	v1 =	vsel vm12, s22, v1  }
0x13e: {  	s25 =	sxor.u32 $0x80000000, s14;
	s30 =	sand.u32 $0x1C00, s24;
	s26 =	sshll.u32 s21, $0x6;
	v1 =	vsel vm13, s23, v1  }
0x13f: {  	s31 =	sor.u32 $0x4000, s30;
	s0 =	sand.u32 $0x60, s24;
	s22 =	sand.u32 $0x3FFFFFC0, s26;
	v1 =	vsel vm14, s25, v1  }
0x140: {  	s5 =	sor.u32 s0, s31;
	s23 =	sor.u32 $0x4100, s30;
	[tilespmem:s22+$0x10000] =	vst v1  }
0x141: {  	s4 =	sor.u32 $0x4180, s30;
	s8 =	sor.u32 $0x4080, s30;
	s24 =	sor.u32 s0, s23;
	v1 =	vld [tilespmem:s5+$0x0]  }
0x142: {  	s2 =	sor.u32 $0x10, s0;
	s19 =	sor.u32 s0, s8;
	s0 =	sor.u32 s0, s4;
	v8 =	vld [tilespmem:s24+$0x0]  }
0x143: {  	s1 =	sor.u32 s2, s31;
	v11 =	vld [tilespmem:s0+$0x0]  }
0x144: {  	v2 =	vld [tilespmem:s1+$0x0]  }
0x145: {  	s26 =	simm.s32 $0x100;
	s25 =	sor.u32 s2, s8;
	v7 =	vld [tilespmem:s19+$0x0]  }
0x146: {  	v10 =	vimm.f32 $-Inf;
	s30 =	simm.s32 $0x20;
	s31 =	sor.u32 s2, s23;
	v12 =	vld [tilespmem:s25+$0x0];
	s0 =	sand.u32 $0x1C00, s26  }
0x147: {  	v5 =	vadd.s32 $0x10, v4;
	v13 =	vimm.s32 $0x0;
	s8 =	sor.u32 s2, s4;
	s5 =	sand.u32 $0x60, s30;
	v18 =	vld [tilespmem:s31+$0x0];
	s15 =	sor.u32 $0x4000, s0;
	vm0 =	vgt.f32 v1, v10  }
0x148: {  	v19 =	vld [tilespmem:s8+$0x0];
	s23 =	sor.u32 $0x10, s5;
	s24 =	sor.u32 $0x4080, s0;
	s2 =	sor.u32 s5, s15;
	vm1 =	vgt.f32 v8, v10;
	vm2 =	vgt.f32 v11, v10;
	v3 =	vsel vm0, v1, v10  }
0x149: {  	s25 =	sor.u32 s23, s24;
	v14 =	vld [tilespmem:s2+$0x0];
	v6 =	vsel vm0, v4, v13;
	v63 =	vsel vm1, v8, v10;
	vm0 =	vgt.f32 v2, v3  }
0x14a: {  	s19 =	sor.u32 s23, s15;
	v9 =	vld [tilespmem:s25+$0x0];
	v3 =	vsel vm0, v2, v3;
	v2 =	vsel vm0, v5, v6;
	vm0 =	vgt.f32 v7, v10  }
0x14b: {  	s30 =	sor.u32 $0x4100, s0;
	s26 =	sor.u32 s5, s24;
	v1 =	vld [tilespmem:s19+$0x0];
	v17 =	vsel vm1, v4, v13;
	v16 =	vsel vm2, v4, v13;
	v7 =	vsel vm0, v7, v10  }
0x14c: {  	s28 =	sor.u32 $0x4180, s0;
	s31 =	sor.u32 s5, s30;
	v8 =	vld [tilespmem:s26+$0x0];
	vm15 =	vgt.f32 v18, v63;
	v6 =	vadd.s32 $0x20, v4;
	v10 =	vsel vm2, v11, v10  }
0x14d: {  	s24 =	simm.s32 $0x2;
	s0 =	sor.u32 s5, s28;
	v15 =	vsel vm0, v4, v13;
	v4 =	vld [tilespmem:s31+$0x0];
	vm0 =	vgt.f32 v12, v7;
	vm1 =	vgt.f32 v19, v10  }
0x14e: {  	s29 =	sor.u32 s23, s30;
	s25 =	simm.s32 $0x200;
	s26 =	simm.s32 $0x40;
	v13 =	vld [tilespmem:s0+$0x0];
	v11 =	vsel vm0, v12, v7;
	v12 =	vsel vm15, v18, v63;
	v10 =	vsel vm1, v19, v10;
	v7 =	vmovc v6  }
.LBB2_11:
0x14f: {  	s0 =	sand.u32 $0x60, s26;
	s1 =	sand.u32 $0x1C00, s25;
	vm2 =	vgt.f32 v14, v3;
	v18 =	vld [tilespmem:s29+$0x0];
	s2 =	sor.u32 s23, s28;
	v17 =	vsel vm15, v5, v17;
	v16 =	vsel vm1, v5, v16  }
0x150: {  	v15 =	vsel vm0, v5, v15;
	s4 =	sor.u32 $0x4000, s1;
	s23 =	sor.u32 $0x10, s0;
	v3 =	vsel vm2, v14, v3;
	v2 =	vsel vm2, v6, v2;
	v19 =	vld [tilespmem:s2+$0x0];
	v20 =	vmovc v9  }
0x151: {  	v5 =	vadd.s32 $0x10, v6;
	s24 =	sadd.s32 $0x2, s24;
	s2 =	sor.u32 s23, s4;
	vm0 =	vgt.f32 v1, v3  }
0x152: {  	s14 =	sor.u32 $0x4080, s1;
	v6 =	vadd.s32 $0x20, v6;
	p0 =	slt.u32 s24, $0x3C;
	s4 =	sor.u32 s0, s4;
	v3 =	vsel vm0, v1, v3;
	v1 =	vld [tilespmem:s2+$0x0];
	v2 =	vsel vm0, v5, v2  }
.Ltmp6:
0x153: {  	vm2 =	vgt.f32 v8, v11;
	s2 =	sor.u32 s23, s14;
	vm3 =	vgt.f32 v4, v12;
	v14 =	vld [tilespmem:s4+$0x0];
	vm4 =	vgt.f32 v13, v10;
	(pc) =	sbr.rel @p0 .LBB2_11-.Ltmp6, $4  }
0x154: {  	v11 =	vsel vm2, v8, v11;
	s4 =	sor.u32 s0, s14;
	s14 =	sor.u32 $0x4100, s1;
	v12 =	vsel vm3, v4, v12;
	v9 =	vld [tilespmem:s2+$0x0];
	v10 =	vsel vm4, v13, v10  }
0x155: {  	s28 =	sor.u32 $0x4180, s1;
	vm0 =	vgt.f32 v20, v11;
	s2 =	sor.u32 s0, s14;
	vm15 =	vgt.f32 v18, v12;
	v8 =	vld [tilespmem:s4+$0x0];
	vm1 =	vgt.f32 v19, v10  }
0x156: {  	s0 =	sor.u32 s0, s28;
	v11 =	vsel vm0, v20, v11;
	v12 =	vsel vm15, v18, v12;
	v4 =	vld [tilespmem:s2+$0x0];
	v10 =	vsel vm1, v19, v10  }
0x157: {  	s25 =	sadd.s32 $0x100, s25;
	s26 =	sadd.s32 $0x20, s26;
	v15 =	vsel vm2, v7, v15;
	v17 =	vsel vm3, v7, v17;
	s29 =	sor.u32 s23, s14;
	v16 =	vsel vm4, v7, v16;
	v7 =	vmovc v6;
	v13 =	vld [tilespmem:s0+$0x0]  }
0x158: {  	v18 =	vld [tilespmem:s29+$0x0];
	s0 =	sor.u32 s23, s28;
	s19 =	simm.s32 $0x0  }
0x159: {  	vm2 =	vgt.f32 v14, v3;
	v19 =	vld [tilespmem:s0+$0x0];
	s1 =	sand.u32 $0x60, s19;
	s0 =	sand.u32 $0x1C00, s19  }
0x15a: {  	v16 =	vsel vm1, v5, v16;
	v14 =	vsel vm2, v14, v3;
	v3 =	vld [tilespmem:$0x5C58];
	s2 =	sor.u32 $0x4200, s0;
	s4 =	sor.u32 $0x10, s1  }
0x15b: {  	v15 =	vsel vm0, v5, v15;
	v20 =	vsel vm2, v6, v2;
	v2 =	vld [tilespmem:$0x5CD8];
	vm1 =	vgt.f32 v1, v14;
	s14 =	sor.u32 s4, s2  }
0x15c: {  	v21 =	vadd.s32 $0x10, v6;
	vm0 =	vgt.f32 v8, v11;
	s15 =	sor.u32 $0x4280, s0;
	v6 =	vsel vm1, v1, v14;
	s2 =	sor.u32 s1, s2;
	v14 =	vld [tilespmem:s14+$0x0]  }
0x15d: {  	v17 =	vsel vm15, v5, v17;
	v22 =	vimm.f32 $-Inf;
	s25 =	sor.u32 $0x4300, s0;
	v8 =	vsel vm0, v8, v11;
	s23 =	sor.u32 s4, s15;
	v11 =	vld [tilespmem:s2+$0x0]  }
0x15e: {  	v28 =	vlaneseq.u32;
	s0 =	sor.u32 $0x4380, s0;
	v5 =	vsel vm1, v21, v20;
	vm1 =	vgt.f32 v4, v12;
	s26 =	sor.u32 s1, s25;
	v23 =	vld [tilespmem:s23+$0x0]  }
0x15f: {  	v30 =	vimm.s32 $0x0;
	s24 =	sor.u32 s1, s15;
	s1 =	sor.u32 s1, s0;
	vm2 =	vgt.f32 v13, v10;
	v4 =	vsel vm1, v4, v12;
	v20 =	vld [tilespmem:s26+$0x0]  }
0x160: {  	s30 =	sor.u32 s4, s25;
	vm3 =	vgt.f32 v9, v8;
	v24 =	vld [tilespmem:s1+$0x0];
	v12 =	vsel vm2, v13, v10;
	vm4 =	vgt.f32 v18, v4  }
0x161: {  	s31 =	simm.s32 $0x100;
	s5 =	simm.s32 $0x20;
	v25 =	vld [tilespmem:s30+$0x0];
	v10 =	vsel vm3, v9, v8;
	v9 =	vsel vm1, v7, v17;
	vm15 =	vgt.f32 v19, v12  }
0x162: {  	s0 =	sor.u32 s4, s0;
	s14 =	sand.u32 $0x60, s5;
	s2 =	sand.u32 $0x1C00, s31;
	v8 =	vsel vm4, v18, v4;
	v18 =	vld [tilespmem:s24+$0x0];
	v9 =	vsel vm4, v21, v9;
	v4 =	vsel vm15, v19, v12  }
0x163: {  	v26 =	vld [tilespmem:s0+$0x0];
	s8 =	sor.u32 $0x4200, s2;
	s23 =	sor.u32 $0x10, s14;
	v12 =	vsel vm0, v7, v15;
	v7 =	vsel vm2, v7, v16;
	v16 =	vadd.s32 $0x10, v28  }
0x164: {  	v1 =	vld [tilespmem:$0x5D58];
	s15 =	sor.u32 s23, s8;
	v7 =	vsel vm15, v21, v7;
	v12 =	vsel vm3, v21, v12;
	vm0 =	vgt.f32 v11, v22  }
0x165: {  	s19 =	sor.u32 $0x4280, s2;
	s1 =	sor.u32 s14, s8;
	v13 =	vld [tilespmem:s15+$0x0];
	vm3 =	vgt.f32 v20, v22;
	vm4 =	vgt.f32 v24, v22;
	v15 =	vsel vm0, v11, v22  }
0x166: {  	s24 =	sor.u32 s23, s19;
	v19 =	vld [tilespmem:s1+$0x0];
	v17 =	vsel vm0, v28, v30;
	v27 =	vsel vm3, v20, v22;
	v29 =	vsel vm4, v24, v22  }
0x167: {  	v21 =	vld [tilespmem:s24+$0x0];
	vm0 =	vgt.f32 v14, v15;
	vm2 =	vgt.f32 v18, v22;
	vm15 =	vgt.f32 v25, v27  }
0x168: {  	s26 =	sor.u32 $0x4300, s2;
	s25 =	sor.u32 s14, s19;
	v11 =	vld [tilespmem:$0x5DD8];
	vm1 =	vgt.f32 v26, v29;
	v15 =	vsel vm0, v14, v15;
	v18 =	vsel vm2, v18, v22  }
0x169: {  	s28 =	sor.u32 $0x4380, s2;
	s30 =	sor.u32 s14, s26;
	v20 =	vld [tilespmem:s25+$0x0];
	v14 =	vsel vm0, v16, v17;
	v17 =	vadd.s32 $0x20, v28;
	vm0 =	vgt.f32 v23, v18  }
0x16a: {  	s31 =	sor.u32 s14, s28;
	s29 =	sor.u32 s23, s26;
	v22 =	vld [tilespmem:s30+$0x0];
	v25 =	vsel vm15, v25, v27;
	v27 =	vsel vm2, v28, v30;
	v24 =	vsel vm0, v23, v18  }
0x16b: {  	s26 =	simm.s32 $0x40;
	s24 =	simm.s32 $0x2;
	s25 =	simm.s32 $0x200;
	v23 =	vsel vm1, v26, v29;
	v26 =	vld [tilespmem:s31+$0x0];
	v29 =	vsel vm3, v28, v30;
	v28 =	vsel vm4, v28, v30;
	v18 =	vmovc v17  }
.LBB2_13:
0x16c: {  	s0 =	sand.u32 $0x60, s26;
	s1 =	sand.u32 $0x1C00, s25;
	vm2 =	vgt.f32 v19, v15;
	v30 =	vld [tilespmem:s29+$0x0];
	s2 =	sor.u32 s23, s28;
	v29 =	vsel vm15, v16, v29;
	v28 =	vsel vm1, v16, v28  }
0x16d: {  	v27 =	vsel vm0, v16, v27;
	s4 =	sor.u32 $0x4200, s1;
	s23 =	sor.u32 $0x10, s0;
	v15 =	vsel vm2, v19, v15;
	v14 =	vsel vm2, v17, v14;
	v31 =	vld [tilespmem:s2+$0x0];
	v32 =	vmovc v21  }
0x16e: {  	v16 =	vadd.s32 $0x10, v17;
	s24 =	sadd.s32 $0x2, s24;
	s2 =	sor.u32 s23, s4;
	vm0 =	vgt.f32 v13, v15  }
0x16f: {  	s14 =	sor.u32 $0x4280, s1;
	v17 =	vadd.s32 $0x20, v17;
	p0 =	slt.u32 s24, $0x3C;
	s4 =	sor.u32 s0, s4;
	v15 =	vsel vm0, v13, v15;
	v13 =	vld [tilespmem:s2+$0x0];
	v14 =	vsel vm0, v16, v14  }
.Ltmp7:
0x170: {  	vm2 =	vgt.f32 v20, v24;
	s2 =	sor.u32 s23, s14;
	vm3 =	vgt.f32 v22, v25;
	v19 =	vld [tilespmem:s4+$0x0];
	vm4 =	vgt.f32 v26, v23;
	(pc) =	sbr.rel @p0 .LBB2_13-.Ltmp7, $4  }
0x171: {  	v24 =	vsel vm2, v20, v24;
	s4 =	sor.u32 s0, s14;
	s14 =	sor.u32 $0x4300, s1;
	v25 =	vsel vm3, v22, v25;
	v21 =	vld [tilespmem:s2+$0x0];
	v23 =	vsel vm4, v26, v23  }
0x172: {  	s28 =	sor.u32 $0x4380, s1;
	vm0 =	vgt.f32 v32, v24;
	s2 =	sor.u32 s0, s14;
	vm15 =	vgt.f32 v30, v25;
	v20 =	vld [tilespmem:s4+$0x0];
	vm1 =	vgt.f32 v31, v23  }
0x173: {  	s0 =	sor.u32 s0, s28;
	v24 =	vsel vm0, v32, v24;
	v25 =	vsel vm15, v30, v25;
	v22 =	vld [tilespmem:s2+$0x0];
	v23 =	vsel vm1, v31, v23  }
0x174: {  	s25 =	sadd.s32 $0x100, s25;
	s26 =	sadd.s32 $0x20, s26;
	v27 =	vsel vm2, v18, v27;
	v29 =	vsel vm3, v18, v29;
	s29 =	sor.u32 s23, s14;
	v28 =	vsel vm4, v18, v28;
	v18 =	vmovc v17;
	v26 =	vld [tilespmem:s0+$0x0]  }
0x175: {  	v30 =	vld [tilespmem:s29+$0x0];
	s0 =	sor.u32 s23, s28  }
0x176: {  	vm2 =	vgt.f32 v19, v15;
	s19 =	simm.s32 $0x0;
	v31 =	vld [tilespmem:s0+$0x0]  }
0x177: {  	v29 =	vsel vm15, v16, v29;
	v19 =	vsel vm2, v19, v15;
	v15 =	vld [tilespmem:$0x5E58];
	s1 =	sand.u32 $0x60, s19;
	s0 =	sand.u32 $0x1C00, s19  }
0x178: {  	v28 =	vsel vm1, v16, v28;
	v32 =	vsel vm2, v17, v14;
	v14 =	vld [tilespmem:$0x5ED8];
	vm1 =	vgt.f32 v13, v19;
	s2 =	sor.u32 $0x6000, s0;
	s4 =	sor.u32 $0x10, s1  }
0x179: {  	v27 =	vsel vm0, v16, v27;
	v33 =	vadd.s32 $0x10, v17;
	s15 =	sor.u32 $0x6080, s0;
	v19 =	vsel vm1, v13, v19;
	v13 =	vld [tilespmem:$0x5F58];
	s14 =	sor.u32 s4, s2  }
0x17a: {  	vm0 =	vgt.f32 v20, v24;
	s25 =	sor.u32 $0x6100, s0;
	s0 =	sor.u32 $0x6180, s0;
	v17 =	vsel vm1, v33, v32;
	vm1 =	vgt.f32 v22, v25;
	s2 =	sor.u32 s1, s2;
	v62 =	vld [tilespmem:s14+$0x0]  }
0x17b: {  	v35 =	vimm.f32 $-Inf;
	v16 =	vsel vm0, v20, v24;
	s24 =	sor.u32 s1, s15;
	s26 =	sor.u32 s1, s25;
	s1 =	sor.u32 s1, s0;
	v20 =	vsel vm1, v22, v25;
	v25 =	vld [tilespmem:s2+$0x0]  }
0x17c: {  	v40 =	vlaneseq.u32;
	v42 =	vimm.s32 $0x0;
	s0 =	sor.u32 s4, s0;
	vm2 =	vgt.f32 v26, v23;
	v37 =	vld [tilespmem:s1+$0x0]  }
0x17d: {  	vm3 =	vgt.f32 v21, v16;
	v39 =	vld [tilespmem:s0+$0x0];
	v23 =	vsel vm2, v26, v23;
	vm4 =	vgt.f32 v30, v20  }
0x17e: {  	s31 =	simm.s32 $0x100;
	v22 =	vsel vm3, v21, v16;
	vm15 =	vgt.f32 v31, v23;
	v20 =	vsel vm4, v30, v20;
	v30 =	vld [tilespmem:s24+$0x0]  }
0x17f: {  	s5 =	simm.s32 $0x20;
	s23 =	sor.u32 s4, s15;
	s2 =	sand.u32 $0x1C00, s31;
	v21 =	vsel vm1, v18, v29;
	v26 =	vadd.s32 $0x10, v40;
	v16 =	vsel vm15, v31, v23;
	v31 =	vld [tilespmem:s26+$0x0]  }
0x180: {  	s30 =	sor.u32 s4, s25;
	v36 =	vld [tilespmem:s23+$0x0];
	s14 =	sand.u32 $0x60, s5;
	s8 =	sor.u32 $0x6000, s2;
	v21 =	vsel vm4, v33, v21;
	v23 =	vsel vm0, v18, v27;
	v18 =	vsel vm2, v18, v28  }
0x181: {  	v63 =	vld [tilespmem:s30+$0x0];
	s23 =	sor.u32 $0x10, s14;
	s19 =	sor.u32 $0x6080, s2;
	s1 =	sor.u32 s14, s8;
	v18 =	vsel vm15, v33, v18;
	v24 =	vsel vm3, v33, v23;
	vm0 =	vgt.f32 v25, v35  }
0x182: {  	s24 =	sor.u32 s23, s19;
	v32 =	vld [tilespmem:s1+$0x0];
	vm4 =	vgt.f32 v37, v35;
	v27 =	vsel vm0, v25, v35;
	v28 =	vsel vm0, v40, v42  }
0x183: {  	v34 =	vld [tilespmem:s24+$0x0];
	v41 =	vsel vm4, v37, v35;
	vm0 =	vgt.f32 v62, v27;
	vm2 =	vgt.f32 v30, v35  }
0x184: {  	s15 =	sor.u32 s23, s8;
	v23 =	vld [tilespmem:$0x5FD8];
	vm1 =	vgt.f32 v39, v41;
	v29 =	vsel vm0, v62, v27;
	vm3 =	vgt.f32 v31, v35  }
0x185: {  	s25 =	sor.u32 s14, s19;
	s26 =	sor.u32 $0x6100, s2;
	v25 =	vld [tilespmem:s15+$0x0];
	v28 =	vsel vm0, v26, v28;
	v38 =	vsel vm2, v30, v35;
	v31 =	vsel vm3, v31, v35  }
0x186: {  	s28 =	sor.u32 $0x6180, s2;
	s30 =	sor.u32 s14, s26;
	v27 =	vadd.s32 $0x20, v40;
	v30 =	vld [tilespmem:s25+$0x0];
	v33 =	vsel vm2, v40, v42;
	vm0 =	vgt.f32 v36, v38  }
0x187: {  	s31 =	sor.u32 s14, s28;
	s24 =	simm.s32 $0x2;
	v35 =	vld [tilespmem:s30+$0x0];
	vm15 =	vgt.f32 v63, v31;
	v37 =	vsel vm0, v36, v38;
	v36 =	vsel vm1, v39, v41  }
0x188: {  	s29 =	sor.u32 s23, s26;
	s26 =	simm.s32 $0x40;
	s25 =	simm.s32 $0x200;
	v39 =	vld [tilespmem:s31+$0x0];
	v41 =	vsel vm3, v40, v42;
	v40 =	vsel vm4, v40, v42;
	v38 =	vsel vm15, v63, v31;
	v31 =	vmovc v27  }
.LBB2_15:
0x189: {  	s0 =	sand.u32 $0x60, s26;
	s1 =	sand.u32 $0x1C00, s25;
	vm2 =	vgt.f32 v32, v29;
	v42 =	vld [tilespmem:s29+$0x0];
	s2 =	sor.u32 s23, s28;
	v41 =	vsel vm15, v26, v41;
	v40 =	vsel vm1, v26, v40  }
0x18a: {  	v33 =	vsel vm0, v26, v33;
	s4 =	sor.u32 $0x6000, s1;
	s23 =	sor.u32 $0x10, s0;
	v29 =	vsel vm2, v32, v29;
	v28 =	vsel vm2, v27, v28;
	v43 =	vld [tilespmem:s2+$0x0];
	v44 =	vmovc v34  }
0x18b: {  	v26 =	vadd.s32 $0x10, v27;
	s24 =	sadd.s32 $0x2, s24;
	s2 =	sor.u32 s23, s4;
	vm0 =	vgt.f32 v25, v29  }
0x18c: {  	s14 =	sor.u32 $0x6080, s1;
	v27 =	vadd.s32 $0x20, v27;
	p0 =	slt.u32 s24, $0x3C;
	s4 =	sor.u32 s0, s4;
	v29 =	vsel vm0, v25, v29;
	v25 =	vld [tilespmem:s2+$0x0];
	v28 =	vsel vm0, v26, v28  }
.Ltmp8:
0x18d: {  	vm2 =	vgt.f32 v30, v37;
	s2 =	sor.u32 s23, s14;
	vm3 =	vgt.f32 v35, v38;
	v32 =	vld [tilespmem:s4+$0x0];
	vm4 =	vgt.f32 v39, v36;
	(pc) =	sbr.rel @p0 .LBB2_15-.Ltmp8, $4  }
0x18e: {  	v37 =	vsel vm2, v30, v37;
	s4 =	sor.u32 s0, s14;
	s14 =	sor.u32 $0x6100, s1;
	v38 =	vsel vm3, v35, v38;
	v34 =	vld [tilespmem:s2+$0x0];
	v36 =	vsel vm4, v39, v36  }
0x18f: {  	s28 =	sor.u32 $0x6180, s1;
	vm0 =	vgt.f32 v44, v37;
	s2 =	sor.u32 s0, s14;
	vm15 =	vgt.f32 v42, v38;
	v30 =	vld [tilespmem:s4+$0x0];
	vm1 =	vgt.f32 v43, v36  }
0x190: {  	s0 =	sor.u32 s0, s28;
	v37 =	vsel vm0, v44, v37;
	v38 =	vsel vm15, v42, v38;
	v35 =	vld [tilespmem:s2+$0x0];
	v36 =	vsel vm1, v43, v36  }
0x191: {  	s25 =	sadd.s32 $0x100, s25;
	s26 =	sadd.s32 $0x20, s26;
	v33 =	vsel vm2, v31, v33;
	v41 =	vsel vm3, v31, v41;
	s29 =	sor.u32 s23, s14;
	v40 =	vsel vm4, v31, v40;
	v31 =	vmovc v27;
	v39 =	vld [tilespmem:s0+$0x0]  }
0x192: {  	v42 =	vld [tilespmem:s29+$0x0];
	s0 =	sor.u32 s23, s28  }
0x193: {  	vm2 =	vgt.f32 v32, v29;
	s15 =	simm.s32 $0x0;
	v43 =	vld [tilespmem:s0+$0x0]  }
0x194: {  	v41 =	vsel vm15, v26, v41;
	v32 =	vsel vm2, v32, v29;
	v29 =	vld [tilespmem:$0x7C58];
	s1 =	sand.u32 $0x60, s15;
	s0 =	sand.u32 $0x1C00, s15  }
0x195: {  	v40 =	vsel vm1, v26, v40;
	v26 =	vsel vm0, v26, v33;
	v44 =	vsel vm2, v27, v28;
	v28 =	vld [tilespmem:$0x7CD8];
	s2 =	sor.u32 $0x6200, s0;
	s4 =	sor.u32 $0x10, s1  }
0x196: {  	v45 =	vadd.s32 $0x10, v27;
	v54 =	vlaneseq.u32;
	v27 =	vld [tilespmem:$0x7D58];
	vm1 =	vgt.f32 v25, v32;
	s14 =	sor.u32 s4, s2  }
0x197: {  	v55 =	vimm.s32 $0x0;
	vm0 =	vgt.f32 v30, v37;
	s15 =	sor.u32 $0x6280, s0;
	v33 =	vsel vm1, v25, v32;
	s2 =	sor.u32 s1, s2;
	v57 =	vld [tilespmem:s14+$0x0]  }
0x198: {  	s24 =	sor.u32 $0x6300, s0;
	v32 =	vsel vm1, v45, v44;
	vm1 =	vgt.f32 v35, v38;
	v25 =	vsel vm0, v30, v37;
	s23 =	sor.u32 s1, s15;
	v58 =	vld [tilespmem:s2+$0x0]  }
0x199: {  	s0 =	sor.u32 $0x6380, s0;
	s25 =	sor.u32 s1, s24;
	vm2 =	vgt.f32 v39, v36;
	v30 =	vsel vm1, v35, v38;
	vm3 =	vgt.f32 v34, v25;
	v50 =	vld [tilespmem:s23+$0x0]  }
0x19a: {  	s1 =	sor.u32 s1, s0;
	v59 =	vld [tilespmem:s25+$0x0];
	v38 =	vadd.s32 $0x20, v54;
	v36 =	vsel vm2, v39, v36;
	vm4 =	vgt.f32 v42, v30  }
0x19b: {  	s19 =	sor.u32 s4, s15;
	v60 =	vld [tilespmem:s1+$0x0];
	v39 =	vsel vm3, v34, v25;
	v25 =	vsel vm0, v31, v26;
	v26 =	vsel vm1, v31, v41  }
0x19c: {  	s30 =	simm.s32 $0x100;
	s31 =	simm.s32 $0x20;
	s26 =	sor.u32 s4, s24;
	v49 =	vld [tilespmem:s19+$0x0];
	v31 =	vsel vm2, v31, v40;
	vm15 =	vgt.f32 v43, v36;
	v34 =	vsel vm4, v42, v30  }
0x19d: {  	s0 =	sor.u32 s4, s0;
	s14 =	sand.u32 $0x60, s31;
	s2 =	sand.u32 $0x1C00, s30;
	v61 =	vld [tilespmem:s26+$0x0];
	v37 =	vsel vm4, v45, v26;
	v26 =	vimm.f32 $-Inf;
	v46 =	vsel vm3, v45, v25  }
0x19e: {  	v52 =	vld [tilespmem:s0+$0x0];
	s5 =	sor.u32 $0x6200, s2;
	s23 =	sor.u32 $0x10, s14;
	v25 =	vadd.s32 $0x10, v54;
	v30 =	vsel vm15, v43, v36;
	v31 =	vsel vm15, v45, v31  }
0x19f: {  	v42 =	vld [tilespmem:$0x7DD8];
	s8 =	sor.u32 s23, s5;
	vm0 =	vgt.f32 v58, v26;
	vm2 =	vgt.f32 v50, v26;
	vm3 =	vgt.f32 v59, v26  }
0x1a0: {  	s15 =	sor.u32 $0x6280, s2;
	s1 =	sor.u32 s14, s5;
	v41 =	vld [tilespmem:s8+$0x0];
	vm4 =	vgt.f32 v60, v26;
	v35 =	vsel vm0, v58, v26;
	v62 =	vsel vm0, v54, v55  }
0x1a1: {  	s19 =	sor.u32 s23, s15;
	v51 =	vld [tilespmem:s1+$0x0];
	v63 =	vsel vm2, v50, v26;
	v36 =	vsel vm3, v59, v26;
	v26 =	vsel vm4, v60, v26  }
0x1a2: {  	s25 =	sor.u32 $0x6300, s2;
	s24 =	sor.u32 s14, s15;
	v47 =	vld [tilespmem:s19+$0x0];
	v53 =	vsel vm2, v54, v55;
	vm0 =	vgt.f32 v57, v35;
	vm1 =	vgt.f32 v49, v63  }
0x1a3: {  	s30 =	sor.u32 s14, s25;
	v43 =	vld [tilespmem:s24+$0x0];
	s24 =	sor.u32 $0x6380, s2;
	vm15 =	vgt.f32 v52, v26;
	v48 =	vsel vm0, v57, v35;
	v44 =	vsel vm0, v25, v62  }
0x1a4: {  	s28 =	simm.s32 $0x200;
	v40 =	vld [tilespmem:s30+$0x0];
	s31 =	sor.u32 s14, s24;
	vm0 =	vgt.f32 v61, v36;
	v50 =	vsel vm1, v49, v63;
	v35 =	vsel vm15, v52, v26  }
0x1a5: {  	s29 =	simm.s32 $0x40;
	s26 =	simm.s32 $0x2;
	s25 =	sor.u32 s23, s25;
	v52 =	vsel vm3, v54, v55;
	v49 =	vsel vm4, v54, v55;
	v45 =	vsel vm0, v61, v36;
	v36 =	vld [tilespmem:s31+$0x0];
	v26 =	vmovc v38  }
.LBB2_17:
0x1a6: {  	s0 =	sand.u32 $0x60, s29;
	s1 =	sand.u32 $0x1C00, s28;
	vm2 =	vgt.f32 v51, v48;
	v54 =	vld [tilespmem:s25+$0x0];
	s2 =	sor.u32 s23, s24;
	v52 =	vsel vm0, v25, v52;
	v49 =	vsel vm15, v25, v49  }
0x1a7: {  	v53 =	vsel vm1, v25, v53;
	s4 =	sor.u32 $0x6200, s1;
	s23 =	sor.u32 $0x10, s0;
	v48 =	vsel vm2, v51, v48;
	v44 =	vsel vm2, v38, v44;
	v55 =	vld [tilespmem:s2+$0x0];
	v56 =	vmovc v47  }
0x1a8: {  	v25 =	vadd.s32 $0x10, v38;
	s26 =	sadd.s32 $0x2, s26;
	s2 =	sor.u32 s23, s4;
	vm0 =	vgt.f32 v41, v48  }
0x1a9: {  	s14 =	sor.u32 $0x6280, s1;
	v38 =	vadd.s32 $0x20, v38;
	p0 =	slt.u32 s26, $0x3C;
	s4 =	sor.u32 s0, s4;
	v48 =	vsel vm0, v41, v48;
	v41 =	vld [tilespmem:s2+$0x0];
	v44 =	vsel vm0, v25, v44  }
.Ltmp9:
0x1aa: {  	vm2 =	vgt.f32 v43, v50;
	s2 =	sor.u32 s23, s14;
	vm3 =	vgt.f32 v40, v45;
	v51 =	vld [tilespmem:s4+$0x0];
	vm4 =	vgt.f32 v36, v35;
	(pc) =	sbr.rel @p0 .LBB2_17-.Ltmp9, $4  }
0x1ab: {  	v50 =	vsel vm2, v43, v50;
	s4 =	sor.u32 s0, s14;
	s14 =	sor.u32 $0x6300, s1;
	v45 =	vsel vm3, v40, v45;
	v47 =	vld [tilespmem:s2+$0x0];
	v35 =	vsel vm4, v36, v35  }
0x1ac: {  	s24 =	sor.u32 $0x6380, s1;
	vm1 =	vgt.f32 v56, v50;
	s2 =	sor.u32 s0, s14;
	vm0 =	vgt.f32 v54, v45;
	v43 =	vld [tilespmem:s4+$0x0];
	vm15 =	vgt.f32 v55, v35  }
0x1ad: {  	s0 =	sor.u32 s0, s24;
	v50 =	vsel vm1, v56, v50;
	v45 =	vsel vm0, v54, v45;
	v40 =	vld [tilespmem:s2+$0x0];
	v35 =	vsel vm15, v55, v35  }
0x1ae: {  	s28 =	sadd.s32 $0x100, s28;
	s29 =	sadd.s32 $0x20, s29;
	v53 =	vsel vm2, v26, v53;
	v52 =	vsel vm3, v26, v52;
	s25 =	sor.u32 s23, s14;
	v49 =	vsel vm4, v26, v49;
	v26 =	vmovc v38;
	v36 =	vld [tilespmem:s0+$0x0]  }
0x1af: {  	vm2 =	vgt.f32 v3, v6  }
0x1b0: {  	v3 =	vsel vm2, v3, v6  }
0x1b1: {  	(xrf0) =	vmax.scan.msk.f32 $0xffff, v3;
	_ =	sdelay $0x5  }
0x1b2: {  	v6, _, _ =	vpop (xrf0)  }
0x1b3: {  	v6 =	vbroadcast v6, $0xF  }
0x1b4: {  	v5 =	vxor.u32 $0x80000000, v5  }
0x1b5: {  	vm3 =	veq.f32 v3, v6;
	v3 =	vsel vm2, v0, v5  }
0x1b6: {  	vm2 =	vgt.f32 v2, v10;
	v3 =	vnsel vm3, $0x800003E8, v3  }
0x1b7: {  	(xrf0) =	vmin.scan.msk.u32 $0xffff, v3;
	v3 =	vsel vm2, v2, v10  }
0x1b8: {  	(xrf0) =	vmax.scan.msk.f32 $0xffff, v3;
	_ =	sdelay $0x4  }
0x1b9: {  	v2, _, _ =	vpop (xrf0)  }
0x1ba: {  	v5, _, _ =	vpop (xrf0)  }
0x1bb: {  	v5 =	vbroadcast v5, $0xF  }
0x1bc: {  	v6 =	vxor.u32 $0x80000000, v12  }
0x1bd: {  	vm3 =	veq.f32 v3, v5;
	v3 =	vsel vm2, v0, v6  }
0x1be: {  	vm2 =	vgt.f32 v1, v8;
	v3 =	vnsel vm3, $0x800003E8, v3  }
0x1bf: {  	(xrf0) =	vmin.scan.msk.u32 $0xffff, v3;
	v3 =	vsel vm2, v1, v8  }
0x1c0: {  	(xrf0) =	vmax.scan.msk.f32 $0xffff, v3;
	_ =	sdelay $0x4  }
0x1c1: {  	v1, _, _ =	vpop (xrf0)  }
0x1c2: {  	v5, _, _ =	vpop (xrf0)  }
0x1c3: {  	v5 =	vbroadcast v5, $0xF  }
0x1c4: {  	v6 =	vxor.u32 $0x80000000, v9  }
0x1c5: {  	vm3 =	veq.f32 v3, v5;
	v3 =	vsel vm2, v0, v6  }
0x1c6: {  	vm2 =	vgt.f32 v11, v4;
	v3 =	vnsel vm3, $0x800003E8, v3  }
0x1c7: {  	v4 =	vsel vm2, v11, v4;
	(xrf0) =	vmin.scan.msk.u32 $0xffff, v3  }
0x1c8: {  	(xrf0) =	vmax.scan.msk.f32 $0xffff, v4;
	_ =	sdelay $0x4  }
0x1c9: {  	v3, _, _ =	vpop (xrf0)  }
0x1ca: {  	v5, _, _ =	vpop (xrf0)  }
0x1cb: {  	v5 =	vbroadcast v5, $0xF  }
0x1cc: {  	v6 =	vxor.u32 $0x80000000, v7  }
0x1cd: {  	vm3 =	veq.f32 v4, v5;
	v4 =	vsel vm2, v0, v6  }
0x1ce: {  	vm2 =	vgt.f32 v15, v19;
	v4 =	vnsel vm3, $0x800003E8, v4  }
0x1cf: {  	v5 =	vsel vm2, v15, v19;
	(xrf0) =	vmin.scan.msk.u32 $0xffff, v4  }
0x1d0: {  	(xrf0) =	vmax.scan.msk.f32 $0xffff, v5;
	_ =	sdelay $0x4  }
0x1d1: {  	v4, _, _ =	vpop (xrf0)  }
0x1d2: {  	v6, _, _ =	vpop (xrf0)  }
0x1d3: {  	v6 =	vbroadcast v6, $0xF  }
0x1d4: {  	v7 =	vxor.u32 $0x80000000, v17  }
0x1d5: {  	vm3 =	veq.f32 v5, v6;
	v5 =	vsel vm2, v0, v7  }
0x1d6: {  	vm2 =	vgt.f32 v14, v22;
	v5 =	vnsel vm3, $0x800003E8, v5  }
0x1d7: {  	v6 =	vsel vm2, v14, v22;
	(xrf0) =	vmin.scan.msk.u32 $0xffff, v5  }
0x1d8: {  	(xrf0) =	vmax.scan.msk.f32 $0xffff, v6;
	_ =	sdelay $0x4  }
0x1d9: {  	v5, _, _ =	vpop (xrf0)  }
0x1da: {  	v7, _, _ =	vpop (xrf0)  }
0x1db: {  	v7 =	vbroadcast v7, $0xF  }
0x1dc: {  	v8 =	vxor.u32 $0x80000000, v24  }
0x1dd: {  	vm3 =	veq.f32 v6, v7;
	v6 =	vsel vm2, v0, v8  }
0x1de: {  	vm2 =	vgt.f32 v13, v20;
	v6 =	vnsel vm3, $0x800003E8, v6  }
0x1df: {  	v7 =	vsel vm2, v13, v20;
	(xrf0) =	vmin.scan.msk.u32 $0xffff, v6  }
0x1e0: {  	(xrf0) =	vmax.scan.msk.f32 $0xffff, v7;
	_ =	sdelay $0x4  }
0x1e1: {  	v6, _, _ =	vpop (xrf0)  }
0x1e2: {  	v8, _, _ =	vpop (xrf0)  }
0x1e3: {  	v8 =	vbroadcast v8, $0xF  }
0x1e4: {  	v9 =	vxor.u32 $0x80000000, v21  }
0x1e5: {  	vm3 =	veq.f32 v7, v8;
	v7 =	vsel vm2, v0, v9  }
0x1e6: {  	vm2 =	vgt.f32 v23, v16;
	v7 =	vnsel vm3, $0x800003E8, v7  }
0x1e7: {  	v8 =	vsel vm2, v23, v16;
	(xrf0) =	vmin.scan.msk.u32 $0xffff, v7  }
0x1e8: {  	(xrf0) =	vmax.scan.msk.f32 $0xffff, v8;
	_ =	sdelay $0x4  }
0x1e9: {  	v7, _, _ =	vpop (xrf0)  }
0x1ea: {  	v9, _, _ =	vpop (xrf0)  }
0x1eb: {  	v9 =	vbroadcast v9, $0xF  }
0x1ec: {  	v10 =	vxor.u32 $0x80000000, v18  }
0x1ed: {  	vm3 =	veq.f32 v8, v9;
	v8 =	vsel vm2, v0, v10  }
0x1ee: {  	vm2 =	vgt.f32 v29, v33;
	v8 =	vnsel vm3, $0x800003E8, v8  }
0x1ef: {  	(xrf0) =	vmin.scan.msk.u32 $0xffff, v8;
	v8 =	vsel vm2, v29, v33  }
0x1f0: {  	(xrf0) =	vmax.scan.msk.f32 $0xffff, v8;
	_ =	sdelay $0x4  }
0x1f1: {  	v9, _, _ =	vpop (xrf0)  }
0x1f2: {  	v10, _, _ =	vpop (xrf0)  }
0x1f3: {  	v10 =	vbroadcast v10, $0xF  }
0x1f4: {  	v11 =	vxor.u32 $0x80000000, v32  }
0x1f5: {  	vm3 =	veq.f32 v8, v10;
	v8 =	vsel vm2, v0, v11  }
0x1f6: {  	vm2 =	vgt.f32 v28, v39;
	v8 =	vnsel vm3, $0x800003E8, v8  }
0x1f7: {  	(xrf0) =	vmin.scan.msk.u32 $0xffff, v8;
	v8 =	vsel vm2, v28, v39  }
0x1f8: {  	(xrf0) =	vmax.scan.msk.f32 $0xffff, v8;
	_ =	sdelay $0x4  }
0x1f9: {  	v10, _, _ =	vpop (xrf0)  }
0x1fa: {  	v11, _, _ =	vpop (xrf0)  }
0x1fb: {  	v11 =	vbroadcast v11, $0xF  }
0x1fc: {  	v12 =	vxor.u32 $0x80000000, v46  }
0x1fd: {  	vm3 =	veq.f32 v8, v11;
	v8 =	vsel vm2, v0, v12  }
0x1fe: {  	vm2 =	vgt.f32 v27, v34;
	v8 =	vnsel vm3, $0x800003E8, v8  }
0x1ff: {  	(xrf0) =	vmin.scan.msk.u32 $0xffff, v8;
	v8 =	vsel vm2, v27, v34  }
0x200: {  	(xrf0) =	vmax.scan.msk.f32 $0xffff, v8;
	_ =	sdelay $0x4  }
0x201: {  	v11, _, _ =	vpop (xrf0)  }
0x202: {  	v12, _, _ =	vpop (xrf0)  }
0x203: {  	v12 =	vbroadcast v12, $0xF  }
0x204: {  	v13 =	vxor.u32 $0x80000000, v37  }
0x205: {  	vm3 =	veq.f32 v8, v12;
	v8 =	vsel vm2, v0, v13  }
0x206: {  	vm2 =	vgt.f32 v42, v30;
	v8 =	vnsel vm3, $0x800003E8, v8  }
0x207: {  	(xrf0) =	vmin.scan.msk.u32 $0xffff, v8;
	v8 =	vsel vm2, v42, v30  }
0x208: {  	(xrf0) =	vmax.scan.msk.f32 $0xffff, v8;
	_ =	sdelay $0x4  }
0x209: {  	v13 =	vld [tilespmem:$0x7E58];
	v12, _, _ =	vpop (xrf0)  }
0x20a: {  	vm3 =	vgt.f32 v51, v48;
	v14, _, _ =	vpop (xrf0)  }
0x20b: {  	v15 =	vsel vm3, v51, v48;
	v14 =	vbroadcast v14, $0xF  }
0x20c: {  	v16 =	vxor.u32 $0x80000000, v31;
	vm4 =	vgt.f32 v41, v15  }
0x20d: {  	v16 =	vsel vm2, v0, v16;
	v15 =	vsel vm4, v41, v15;
	vm2 =	veq.f32 v8, v14  }
0x20e: {  	v8 =	vnsel vm2, $0x800003E8, v16;
	vm2 =	vgt.f32 v13, v15  }
0x20f: {  	(xrf0) =	vmin.scan.msk.u32 $0xffff, v8;
	v8 =	vsel vm2, v13, v15  }
0x210: {  	(xrf0) =	vmax.scan.msk.f32 $0xffff, v8;
	_ =	sdelay $0x4  }
0x211: {  	v14 =	vld [tilespmem:$0x7ED8];
	v13, _, _ =	vpop (xrf0)  }
0x212: {  	v16 =	vadd.s32 $0x10, v38;
	v15 =	vsel vm3, v38, v44;
	vm3 =	vgt.f32 v43, v50;
	v17, _, _ =	vpop (xrf0)  }
0x213: {  	v15 =	vsel vm4, v16, v15;
	v18 =	vsel vm3, v43, v50;
	v17 =	vbroadcast v17, $0xF  }
0x214: {  	vm4 =	vgt.f32 v47, v18;
	v15 =	vxor.u32 $0x80000000, v15  }
0x215: {  	v18 =	vsel vm4, v47, v18;
	v15 =	vsel vm2, v0, v15;
	vm2 =	veq.f32 v8, v17  }
0x216: {  	v8 =	vnsel vm2, $0x800003E8, v15;
	vm2 =	vgt.f32 v14, v18  }
0x217: {  	(xrf0) =	vmin.scan.msk.u32 $0xffff, v8;
	v8 =	vsel vm2, v14, v18  }
0x218: {  	(xrf0) =	vmax.scan.msk.f32 $0xffff, v8;
	_ =	sdelay $0x2  }
0x219: {  	v14 =	vld [tilespmem:s25+$0x0];
	_ =	sdelay $0x1  }
0x21a: {  	v15 =	vsel vm1, v25, v53;
	v18 =	vld [tilespmem:$0x7F58];
	v17, _, _ =	vpop (xrf0)  }
0x21b: {  	vm1 =	vgt.f32 v40, v45;
	v15 =	vsel vm3, v26, v15;
	v19, _, _ =	vpop (xrf0)  }
0x21c: {  	v20 =	vsel vm1, v40, v45;
	v15 =	vsel vm4, v16, v15;
	v19 =	vbroadcast v19, $0xF  }
0x21d: {  	v15 =	vxor.u32 $0x80000000, v15;
	vm3 =	vgt.f32 v14, v20  }
0x21e: {  	v15 =	vsel vm2, v0, v15;
	v14 =	vsel vm3, v14, v20;
	vm2 =	veq.f32 v8, v19  }
0x21f: {  	v8 =	vnsel vm2, $0x800003E8, v15;
	vm2 =	vgt.f32 v18, v14  }
0x220: {  	(xrf0) =	vmin.scan.msk.u32 $0xffff, v8;
	v8 =	vsel vm2, v18, v14  }
0x221: {  	(xrf0) =	vmax.scan.msk.f32 $0xffff, v8;
	_ =	sdelay $0x1  }
0x222: {  	s0 =	sor.u32 s23, s24  }
0x223: {  	v14 =	vld [tilespmem:s0+$0x0];
	_ =	sdelay $0x1  }
0x224: {  	v19 =	vld [tilespmem:$0x7FD8];
	v15 =	vsel vm0, v25, v52;
	v18, _, _ =	vpop (xrf0)  }
0x225: {  	vm0 =	vgt.f32 v36, v35;
	v15 =	vsel vm1, v26, v15;
	v20, _, _ =	vpop (xrf0)  }
0x226: {  	v63 =	vsel vm0, v36, v35;
	v15 =	vsel vm3, v16, v15;
	v20 =	vbroadcast v20, $0xF  }
0x227: {  	v15 =	vxor.u32 $0x80000000, v15;
	vm1 =	vgt.f32 v14, v63  }
0x228: {  	v15 =	vsel vm2, v0, v15;
	v14 =	vsel vm1, v14, v63;
	vm2 =	veq.f32 v8, v20  }
0x229: {  	v8 =	vnsel vm2, $0x800003E8, v15;
	vm2 =	vgt.f32 v19, v14  }
0x22a: {  	(xrf0) =	vmin.scan.msk.u32 $0xffff, v8;
	v8 =	vsel vm2, v19, v14  }
0x22b: {  	(xrf0) =	vmax.scan.msk.f32 $0xffff, v8;
	_ =	sdelay $0x2  }
0x22c: {  	(v2sf) =	vpush v2, $0xF  }
0x22d: {  	(v2sf) =	vpush v1, $0xF  }
0x22e: {  	v1 =	vsel vm15, v25, v49;
	(v2sf) =	vpush v3, $0xF;
	v2, _, _ =	vpop (xrf0)  }
0x22f: {  	(v2sf) =	vpush v4, $0xF;
	v1 =	vsel vm0, v26, v1;
	v3, _, _ =	vpop (xrf0)  }
0x230: {  	(v2sf) =	vpush v5, $0xF;
	v1 =	vsel vm1, v16, v1;
	v3 =	vbroadcast v3, $0xF  }
0x231: {  	(v2sf) =	vpush v6, $0xF;
	v1 =	vxor.u32 $0x80000000, v1  }
0x232: {  	(v2sf) =	vpush v7, $0xF;
	v1 =	vsel vm2, v0, v1;
	vm0 =	veq.f32 v8, v3  }
0x233: {  	(v2sf) =	vpush v9, $0xF;
	v1 =	vnsel vm0, $0x800003E8, v1  }
0x234: {  	(v2sf) =	vpush v10, $0xF;
	(xrf0) =	vmin.scan.msk.u32 $0xffff, v1  }
0x235: {  	(v2sf) =	vpush v11, $0xF  }
0x236: {  	(v2sf) =	vpush v12, $0xF  }
0x237: {  	(v2sf) =	vpush v13, $0xF  }
0x238: {  	(v2sf) =	vpush v17, $0xF  }
0x239: {  	(v2sf) =	vpush v18, $0xF  }
0x23a: {  	(v2sf) =	vpush v2, $0xF;
	v1, _, _ =	vpop (xrf0)  }
0x23b: {  	s8 =	spop (v2sf);
	(v2sf) =	vpush v1, $0xF  }
0x23c: {  	s1 =	spop (v2sf)  }
0x23d: {  	s2 =	spop (v2sf)  }
0x23e: {  	s4 =	spop (v2sf)  }
0x23f: {  	s14 =	spop (v2sf)  }
0x240: {  	s15 =	spop (v2sf)  }
0x241: {  	s19 =	spop (v2sf)  }
0x242: {  	s23 =	spop (v2sf)  }
0x243: {  	s24 =	spop (v2sf)  }
0x244: {  	s25 =	spop (v2sf)  }
0x245: {  	s26 =	spop (v2sf)  }
0x246: {  	s28 =	spop (v2sf)  }
0x247: {  	s29 =	spop (v2sf)  }
0x248: {  	s30 =	spop (v2sf)  }
0x249: {  	s31 =	spop (v2sf)  }
0x24a: {  	s5 =	spop (v2sf)  }
0x24b: {  	s5 =	sxor.u32 $0x80000000, s5  }
0x24c: {  	s0 =	sxor.u32 $0x80000000, s8;
	vm0 =	vcmask $0x300;
	v1 =	vmov s5  }
0x24d: {  	s1 =	sxor.u32 $0x80000000, s1;
	v1 =	vsel vm0, s0, v1;
	vm0 =	vcmask $0x704  }
0x24e: {  	s5 =	sxor.u32 $0x80000000, s2;
	v1 =	vsel vm0, s1, v1;
	vm0 =	vcmask $0xB08  }
0x24f: {  	s8 =	sxor.u32 $0x80000000, s4;
	v1 =	vsel vm0, s5, v1;
	vm0 =	vcmask $0xF0C  }
0x250: {  	s14 =	sxor.u32 $0x80000000, s14;
	v1 =	vsel vm0, s8, v1;
	vm0 =	vcmask $0x1310  }
0x251: {  	s2 =	sxor.u32 $0x80000000, s15;
	v1 =	vsel vm0, s14, v1  }
0x252: {  	s4 =	sxor.u32 $0x80000000, s19;
	v1 =	vsel vm5, s2, v1  }
0x253: {  	s5 =	sxor.u32 $0x80000000, s23;
	v1 =	vsel vm6, s4, v1  }
0x254: {  	s8 =	sxor.u32 $0x80000000, s24;
	v1 =	vsel vm7, s5, v1  }
0x255: {  	s14 =	sxor.u32 $0x80000000, s25;
	v1 =	vsel vm8, s8, v1  }
0x256: {  	s15 =	sxor.u32 $0x80000000, s26;
	v1 =	vsel vm9, s14, v1  }
0x257: {  	s19 =	sxor.u32 $0x80000000, s28;
	v1 =	vsel vm10, s15, v1  }
0x258: {  	s23 =	sxor.u32 $0x80000000, s29;
	v1 =	vsel vm11, s19, v1  }
0x259: {  	s24 =	sxor.u32 $0x80000000, s30;
	v1 =	vsel vm12, s23, v1  }
0x25a: {  	s25 =	sxor.u32 $0x80000000, s31;
	v1 =	vsel vm13, s24, v1  }
0x25b: {  	p0 =	seq.s32 s21, $0x3;
	s23 =	sshll.u32 s21, $0xD;
	v1 =	vsel vm14, s25, v1  }
0x25c: {  	s1 =	simm.s32 @!p0 $0x0;
	s0 =	sadd.s32 @!p0 s23, s6;
	[tilespmem:s22+$0x10010] =	vst v1  }
0x25d: {  	[tilespmem:s1], [sflag:$0x1] =	stream.linear.gather @!p0 [hbm4b:s0+s1], $0x8000, $0x38;
	[tilespmem:$0x14100] =	vst v63  }
0x25e: {  	s26 =	simm.s32 $0x0;
	_ =	swait.ge [sflag:s13], $0x8000  }
0x25f: {  	s29 =	sand.u32 $0x60, s26;
	s0 =	sand.u32 $0x1C00, s26;
	[sflag:s13] =	ssyncset.done $0x0  }
0x260: {  	s0 =	sor.u32 s29, s0;
	[sflag:s13] =	ssyncadd.s32 $0xFFFF8000  }
0x261: {  	v1 =	vld [tilespmem:s0+$0x8000]  }
0x262: {  	v2 =	vld [tilespmem:s0+$0x8010]  }
0x263: {  	v11 =	vld [tilespmem:s0+$0x8100]  }
0x264: {  	v5 =	vld [tilespmem:s0+$0x8090]  }
0x265: {  	v9 =	vimm.f32 $-Inf;
	v8 =	vld [tilespmem:s0+$0x8080]  }
0x266: {  	s30 =	simm.s32 $0x100;
	s31 =	simm.s32 $0x20;
	v12 =	vld [tilespmem:s0+$0x8180];
	vm0 =	vgt.f32 v1, v9  }
0x267: {  	v13 =	vlaneseq.u32;
	v14 =	vimm.s32 $0x0;
	s2 =	sand.u32 $0x60, s31;
	s1 =	sand.u32 $0x1C00, s30;
	v15 =	vld [tilespmem:s0+$0x8110];
	v4 =	vsel vm0, v1, v9  }
0x268: {  	s24 =	sor.u32 s2, s1;
	v17 =	vld [tilespmem:s0+$0x8190];
	vm1 =	vgt.f32 v11, v9;
	v6 =	vsel vm0, v13, v14;
	vm0 =	vgt.f32 v2, v4  }
0x269: {  	v3 =	vadd.s32 $0x10, v13;
	v7 =	vld [tilespmem:s24+$0x8000];
	v11 =	vsel vm1, v11, v9;
	v4 =	vsel vm0, v2, v4  }
0x26a: {  	v10 =	vld [tilespmem:s24+$0x8090];
	v2 =	vsel vm0, v3, v6;
	vm0 =	vgt.f32 v8, v9;
	v6 =	vadd.s32 $0x20, v13  }
0x26b: {  	v1 =	vld [tilespmem:s24+$0x8010];
	v16 =	vsel vm0, v8, v9;
	v8 =	vsel vm0, v13, v14;
	vm0 =	vgt.f32 v12, v9  }
0x26c: {  	v19 =	vsel vm0, v12, v9;
	v12 =	vld [tilespmem:s24+$0x8080];
	v9 =	vsel vm1, v13, v14;
	vm1 =	vgt.f32 v15, v11  }
0x26d: {  	v14 =	vsel vm0, v13, v14;
	vm0 =	vgt.f32 v5, v16;
	v13 =	vld [tilespmem:s24+$0x8100];
	v15 =	vsel vm1, v15, v11  }
0x26e: {  	v9 =	vsel vm1, v3, v9;
	vm1 =	vgt.f32 v17, v19;
	v18 =	vsel vm0, v5, v16;
	v16 =	vld [tilespmem:s24+$0x8180]  }
0x26f: {  	s28 =	simm.s32 $0x40;
	s25 =	simm.s32 $0x2;
	s26 =	simm.s32 $0x200;
	v5 =	vmovc v6;
	v17 =	vsel vm1, v17, v19;
	v11 =	vsel vm1, v3, v14;
	vm1 =	vgt.f32 v7, v4;
	v14 =	vld [tilespmem:s24+$0x8110]  }
.LBB2_19:
0x270: {  	s0 =	sand.u32 $0x60, s28;
	s1 =	sand.u32 $0x1C00, s26;
	v4 =	vsel vm1, v7, v4;
	v2 =	vsel vm1, v6, v2;
	v19 =	vld [tilespmem:s24+$0x8190];
	v8 =	vsel vm0, v3, v8;
	v20 =	vmovc v10  }
0x271: {  	v3 =	vadd.s32 $0x10, v6;
	s24 =	sor.u32 s0, s1;
	vm0 =	vgt.f32 v1, v4  }
0x272: {  	v6 =	vadd.s32 $0x20, v6;
	s25 =	sadd.s32 $0x2, s25;
	v4 =	vsel vm0, v1, v4;
	v1 =	vld [tilespmem:s24+$0x8010];
	v2 =	vsel vm0, v3, v2  }
0x273: {  	vm1 =	vgt.f32 v12, v18;
	p1 =	slt.u32 s25, $0x3C;
	vm2 =	vgt.f32 v13, v15;
	v7 =	vld [tilespmem:s24+$0x8000];
	vm3 =	vgt.f32 v16, v17  }
.Ltmp10:
0x274: {  	v18 =	vsel vm1, v12, v18;
	v15 =	vsel vm2, v13, v15;
	v10 =	vld [tilespmem:s24+$0x8090];
	v16 =	vsel vm3, v16, v17;
	(pc) =	sbr.rel @p1 .LBB2_19-.Ltmp10, $4  }
0x275: {  	vm0 =	vgt.f32 v20, v18;
	vm4 =	vgt.f32 v14, v15;
	v12 =	vld [tilespmem:s24+$0x8080];
	vm15 =	vgt.f32 v19, v16  }
0x276: {  	v18 =	vsel vm0, v20, v18;
	v15 =	vsel vm4, v14, v15;
	v13 =	vld [tilespmem:s24+$0x8100];
	v17 =	vsel vm15, v19, v16  }
0x277: {  	v8 =	vsel vm1, v5, v8;
	v9 =	vsel vm2, v5, v9;
	v11 =	vsel vm3, v5, v11;
	v5 =	vmovc v6;
	v16 =	vld [tilespmem:s24+$0x8180]  }
0x278: {  	s26 =	sadd.s32 $0x100, s26;
	s28 =	sadd.s32 $0x20, s28;
	v9 =	vsel vm4, v3, v9;
	v11 =	vsel vm15, v3, v11;
	vm1 =	vgt.f32 v7, v4;
	v14 =	vld [tilespmem:s24+$0x8110]  }
0x279: {  	v19 =	vld [tilespmem:s24+$0x8190]  }
0x27a: {  	v7 =	vsel vm1, v7, v4;
	v4 =	vld [tilespmem:$0x9C58];
	s0 =	simm.s32 $0x0  }
0x27b: {  	v20 =	vsel vm1, v6, v2;
	v2 =	vld [tilespmem:$0x9CD8];
	vm1 =	vgt.f32 v1, v7;
	s1 =	sand.u32 $0x60, s0;
	s2 =	sand.u32 $0x1C00, s0  }
0x27c: {  	v21 =	vsel vm0, v3, v8;
	v22 =	vadd.s32 $0x10, v6;
	v8 =	vsel vm1, v1, v7;
	v1 =	vld [tilespmem:$0x9D58];
	s1 =	sor.u32 s1, s2  }
0x27d: {  	v25 =	vimm.f32 $-Inf;
	s4 =	sand.u32 $0x3, s0;
	v7 =	vsel vm1, v22, v20;
	vm1 =	vgt.f32 v13, v15;
	v20 =	vld [tilespmem:s1+$0x8210]  }
0x27e: {  	v31 =	vlaneseq.u32;
	vm0 =	vgt.f32 v12, v18;
	s2 =	sshll.u32 s4, $0x5;
	v6 =	vsel vm1, v13, v15;
	v13 =	vld [tilespmem:s1+$0x8200]  }
0x27f: {  	v32 =	vimm.s32 $0x0;
	v3 =	vsel vm0, v12, v18;
	vm2 =	vgt.f32 v16, v17;
	v23 =	vld [tilespmem:s1+$0x8290];
	s5 =	sadd.s32 $0x0, s2  }
0x280: {  	s0 =	sor.u32 s0, s0;
	vm3 =	vgt.f32 v10, v3;
	v24 =	vld [tilespmem:s1+$0x8280];
	v9 =	vsel vm1, v5, v9;
	v12 =	vsel vm2, v16, v17;
	s2 =	sor.u32 $0x300, s5  }
0x281: {  	s0 =	sor.u32 $0x380, s0;
	vm4 =	vgt.f32 v14, v6;
	v10 =	vsel vm3, v10, v3;
	s8 =	sadd.s32 $0x10, s5;
	vm15 =	vgt.f32 v19, v12;
	v26 =	vld [tilespmem:s2+$0x8000]  }
0x282: {  	v17 =	vadd.s32 $0x10, v31;
	v6 =	vsel vm4, v14, v6;
	s1 =	sor.u32 $0x300, s8;
	v3 =	vsel vm15, v19, v12;
	v19 =	vld [tilespmem:s0+$0x8000]  }
0x283: {  	s14 =	simm.s32 $0x100;
	s15 =	simm.s32 $0x20;
	v9 =	vsel vm4, v22, v9;
	v12 =	vsel vm0, v5, v21;
	v5 =	vsel vm2, v5, v11;
	v28 =	vld [tilespmem:s1+$0x8000]  }
0x284: {  	s4 =	sand.u32 $0x60, s15;
	s5 =	sand.u32 $0x1C00, s14;
	s0 =	sor.u32 $0x380, s8;
	v11 =	vld [tilespmem:$0x9DD8];
	v5 =	vsel vm15, v22, v5;
	v12 =	vsel vm3, v22, v12;
	vm0 =	vgt.f32 v13, v25  }
0x285: {  	s19 =	sor.u32 s4, s5;
	v29 =	vld [tilespmem:s0+$0x8000];
	vm1 =	vgt.f32 v24, v25;
	v14 =	vsel vm0, v13, v25;
	v16 =	vsel vm0, v31, v32  }
0x286: {  	s24 =	simm.s32 $0x1;
	v18 =	vld [tilespmem:s19+$0x8200];
	s1 =	sor.u32 s14, s15;
	v30 =	vsel vm1, v31, v32;
	vm0 =	vgt.f32 v20, v14;
	vm2 =	vgt.f32 v26, v25  }
0x287: {  	s25 =	sand.u32 $0x3, s24;
	v21 =	vld [tilespmem:s19+$0x8290];
	s1 =	sor.u32 $0x380, s1;
	v15 =	vsel vm0, v20, v14;
	v14 =	vsel vm0, v17, v16;
	v20 =	vsel vm1, v24, v25  }
0x288: {  	s4 =	sshll.u32 s25, $0x5;
	v22 =	vld [tilespmem:s1+$0x8000];
	vm3 =	vgt.f32 v19, v25;
	v24 =	vsel vm2, v26, v25;
	vm0 =	vgt.f32 v23, v20  }
0x289: {  	s26 =	sadd.s32 $0x100, s4;
	v13 =	vld [tilespmem:s19+$0x8210];
	v25 =	vsel vm3, v19, v25;
	v27 =	vsel vm0, v23, v20;
	v20 =	vsel vm2, v31, v32  }
0x28a: {  	s30 =	sor.u32 $0x300, s26;
	s0 =	sadd.s32 $0x10, s26;
	v16 =	vadd.s32 $0x20, v31;
	v19 =	vld [tilespmem:s19+$0x8280];
	vm4 =	vgt.f32 v28, v24;
	vm15 =	vgt.f32 v29, v25  }
0x28b: {  	s28 =	simm.s32 $0x40;
	s31 =	sor.u32 $0x300, s0;
	vm1 =	vgt.f32 v18, v15;
	v23 =	vsel vm3, v31, v32;
	v26 =	vsel vm15, v29, v25;
	v29 =	vld [tilespmem:s30+$0x8000]  }
0x28c: {  	s25 =	simm.s32 $0x2;
	s26 =	simm.s32 $0x200;
	s29 =	sor.u32 $0x380, s0;
	v28 =	vsel vm4, v28, v24;
	v25 =	vld [tilespmem:s31+$0x8000];
	v24 =	vsel vm4, v17, v20;
	v23 =	vsel vm15, v17, v23;
	v20 =	vmovc v16  }
.LBB2_21:
0x28d: {  	s0 =	sand.u32 $0x60, s28;
	s1 =	sand.u32 $0x1C00, s26;
	v15 =	vsel vm1, v18, v15;
	v14 =	vsel vm1, v16, v14;
	v31 =	vld [tilespmem:s29+$0x8000];
	v30 =	vsel vm0, v17, v30;
	v32 =	vmovc v21  }
0x28e: {  	v17 =	vadd.s32 $0x10, v16;
	s0 =	sor.u32 s0, s1;
	vm0 =	vgt.f32 v13, v15  }
0x28f: {  	v16 =	vadd.s32 $0x20, v16;
	s24 =	sadd.s32 $0x1, s24;
	s25 =	sadd.s32 $0x2, s25;
	v15 =	vsel vm0, v13, v15;
	v13 =	vld [tilespmem:s0+$0x8210];
	v14 =	vsel vm0, v17, v14  }
0x290: {  	s1 =	sand.u32 $0x3, s24;
	vm1 =	vgt.f32 v19, v27;
	p1 =	slt.u32 s25, $0x3C;
	vm3 =	vgt.f32 v22, v26;
	v18 =	vld [tilespmem:s0+$0x8200];
	vm2 =	vgt.f32 v29, v28  }
.Ltmp11:
0x291: {  	s2 =	sor.u32 s26, s28;
	s1 =	sshll.u32 s1, $0x5;
	v27 =	vsel vm1, v19, v27;
	v26 =	vsel vm3, v22, v26;
	v21 =	vld [tilespmem:s0+$0x8290];
	v28 =	vsel vm2, v29, v28;
	(pc) =	sbr.rel @p1 .LBB2_21-.Ltmp11, $4  }
0x292: {  	vm0 =	vgt.f32 v32, v27;
	v19 =	vld [tilespmem:s0+$0x8280];
	s0 =	sadd.s32 s1, s26;
	s1 =	sor.u32 $0x380, s2;
	vm4 =	vgt.f32 v25, v28;
	vm15 =	vgt.f32 v31, v26  }
0x293: {  	v27 =	vsel vm0, v32, v27;
	s2 =	sor.u32 $0x300, s0;
	v22 =	vld [tilespmem:s1+$0x8000];
	s0 =	sadd.s32 $0x10, s0;
	v28 =	vsel vm4, v25, v28;
	v26 =	vsel vm15, v31, v26  }
0x294: {  	v30 =	vsel vm1, v20, v30;
	v23 =	vsel vm3, v20, v23;
	v24 =	vsel vm2, v20, v24;
	v20 =	vmovc v16;
	v29 =	vld [tilespmem:s2+$0x8000];
	s1 =	sor.u32 $0x300, s0  }
0x295: {  	s28 =	sadd.s32 $0x20, s28;
	s26 =	sadd.s32 $0x100, s26;
	v24 =	vsel vm4, v17, v24;
	v23 =	vsel vm15, v17, v23;
	s29 =	sor.u32 $0x380, s0;
	vm1 =	vgt.f32 v18, v15;
	v25 =	vld [tilespmem:s1+$0x8000]  }
0x296: {  	v31 =	vld [tilespmem:s29+$0x8000];
	s0 =	simm.s32 $0x0  }
0x297: {  	v18 =	vsel vm1, v18, v15;
	v15 =	vld [tilespmem:$0x9E58];
	s1 =	sand.u32 $0x60, s0;
	s0 =	sand.u32 $0x1C00, s0  }
0x298: {  	v32 =	vsel vm1, v16, v14;
	v14 =	vld [tilespmem:$0x9ED8];
	vm1 =	vgt.f32 v13, v18;
	s2 =	sor.u32 $0xA000, s0;
	s4 =	sor.u32 $0x10, s1  }
0x299: {  	v30 =	vsel vm0, v17, v30;
	v33 =	vadd.s32 $0x10, v16;
	v18 =	vsel vm1, v13, v18;
	v13 =	vld [tilespmem:$0x9F58];
	s5 =	sor.u32 s4, s2  }
0x29a: {  	v40 =	vlaneseq.u32;
	v42 =	vimm.s32 $0x0;
	vm0 =	vgt.f32 v19, v27;
	s14 =	sor.u32 $0xA080, s0;
	s15 =	sor.u32 $0xA100, s0;
	s2 =	sor.u32 s1, s2;
	v62 =	vld [tilespmem:s5+$0x0]  }
0x29b: {  	v17 =	vsel vm1, v33, v32;
	v16 =	vsel vm0, v19, v27;
	s0 =	sor.u32 $0xA180, s0;
	vm1 =	vgt.f32 v29, v28;
	s8 =	sor.u32 s4, s14;
	s14 =	sor.u32 s1, s14;
	v27 =	vld [tilespmem:s2+$0x0]  }
0x29c: {  	vm2 =	vgt.f32 v22, v26;
	vm3 =	vgt.f32 v21, v16;
	s19 =	sor.u32 s1, s15;
	s1 =	sor.u32 s1, s0;
	v19 =	vsel vm1, v29, v28;
	v35 =	vld [tilespmem:s14+$0x0]  }
0x29d: {  	v26 =	vsel vm2, v22, v26;
	v22 =	vsel vm3, v21, v16;
	v37 =	vld [tilespmem:s1+$0x0];
	vm4 =	vgt.f32 v25, v19  }
0x29e: {  	v36 =	vld [tilespmem:s8+$0x0];
	v21 =	vsel vm1, v20, v24;
	vm15 =	vgt.f32 v31, v26;
	v19 =	vsel vm4, v25, v19  }
0x29f: {  	s25 =	simm.s32 $0x100;
	s26 =	simm.s32 $0x20;
	s24 =	sor.u32 s4, s15;
	v16 =	vsel vm15, v31, v26;
	v25 =	vsel vm0, v20, v30;
	v30 =	vld [tilespmem:s19+$0x0];
	v20 =	vsel vm2, v20, v23  }
0x2a0: {  	s0 =	sor.u32 s4, s0;
	s5 =	sand.u32 $0x60, s26;
	s2 =	sand.u32 $0x1C00, s25;
	v63 =	vld [tilespmem:s24+$0x0];
	v21 =	vsel vm4, v33, v21;
	v31 =	vimm.f32 $-Inf;
	v26 =	vadd.s32 $0x10, v40  }
0x2a1: {  	v39 =	vld [tilespmem:s0+$0x0];
	s31 =	sor.u32 $0xA000, s2;
	s24 =	sor.u32 $0x10, s5;
	v20 =	vsel vm15, v33, v20;
	v24 =	vsel vm3, v33, v25;
	vm0 =	vgt.f32 v27, v31  }
0x2a2: {  	v23 =	vld [tilespmem:$0x9FD8];
	s4 =	sor.u32 s24, s31;
	vm2 =	vgt.f32 v35, v31;
	vm4 =	vgt.f32 v37, v31;
	v27 =	vsel vm0, v27, v31  }
0x2a3: {  	s8 =	sor.u32 $0xA080, s2;
	s1 =	sor.u32 s5, s31;
	v25 =	vld [tilespmem:s4+$0x0];
	v28 =	vsel vm0, v40, v42;
	v38 =	vsel vm2, v35, v31;
	vm0 =	vgt.f32 v62, v27  }
0x2a4: {  	s14 =	sor.u32 s24, s8;
	s19 =	sor.u32 $0xA100, s2;
	v32 =	vld [tilespmem:s1+$0x0];
	v33 =	vsel vm2, v40, v42;
	vm3 =	vgt.f32 v30, v31;
	v29 =	vsel vm0, v62, v27  }
0x2a5: {  	v34 =	vld [tilespmem:s14+$0x0];
	s26 =	sor.u32 s5, s19;
	v28 =	vsel vm0, v26, v28;
	v41 =	vsel vm3, v30, v31;
	v31 =	vsel vm4, v37, v31  }
0x2a6: {  	s29 =	sor.u32 $0xA180, s2;
	s15 =	sor.u32 s5, s8;
	v35 =	vld [tilespmem:s26+$0x0];
	v27 =	vadd.s32 $0x20, v40;
	vm0 =	vgt.f32 v36, v38;
	vm15 =	vgt.f32 v63, v41  }
0x2a7: {  	s28 =	simm.s32 $0x40;
	s31 =	sor.u32 s5, s29;
	v30 =	vld [tilespmem:s15+$0x0];
	vm1 =	vgt.f32 v39, v31;
	v37 =	vsel vm0, v36, v38;
	v38 =	vsel vm15, v63, v41  }
0x2a8: {  	s25 =	simm.s32 $0x2;
	s30 =	sor.u32 s24, s19;
	s26 =	simm.s32 $0x200;
	v36 =	vsel vm1, v39, v31;
	v39 =	vld [tilespmem:s31+$0x0];
	v41 =	vsel vm3, v40, v42;
	v40 =	vsel vm4, v40, v42;
	v31 =	vmovc v27  }
.LBB2_23:
0x2a9: {  	s0 =	sand.u32 $0x60, s28;
	s1 =	sand.u32 $0x1C00, s26;
	vm2 =	vgt.f32 v32, v29;
	v42 =	vld [tilespmem:s30+$0x0];
	s2 =	sor.u32 s24, s29;
	v41 =	vsel vm15, v26, v41;
	v40 =	vsel vm1, v26, v40  }
0x2aa: {  	v33 =	vsel vm0, v26, v33;
	s4 =	sor.u32 $0xA000, s1;
	s24 =	sor.u32 $0x10, s0;
	v29 =	vsel vm2, v32, v29;
	v28 =	vsel vm2, v27, v28;
	v43 =	vld [tilespmem:s2+$0x0];
	v44 =	vmovc v34  }
0x2ab: {  	v26 =	vadd.s32 $0x10, v27;
	s25 =	sadd.s32 $0x2, s25;
	s2 =	sor.u32 s24, s4;
	vm0 =	vgt.f32 v25, v29  }
0x2ac: {  	s5 =	sor.u32 $0xA080, s1;
	v27 =	vadd.s32 $0x20, v27;
	p1 =	slt.u32 s25, $0x3C;
	s4 =	sor.u32 s0, s4;
	v29 =	vsel vm0, v25, v29;
	v25 =	vld [tilespmem:s2+$0x0];
	v28 =	vsel vm0, v26, v28  }
.Ltmp12:
0x2ad: {  	vm2 =	vgt.f32 v30, v37;
	s2 =	sor.u32 s24, s5;
	vm3 =	vgt.f32 v35, v38;
	v32 =	vld [tilespmem:s4+$0x0];
	vm4 =	vgt.f32 v39, v36;
	(pc) =	sbr.rel @p1 .LBB2_23-.Ltmp12, $4  }
0x2ae: {  	v37 =	vsel vm2, v30, v37;
	s4 =	sor.u32 s0, s5;
	s5 =	sor.u32 $0xA100, s1;
	v38 =	vsel vm3, v35, v38;
	v34 =	vld [tilespmem:s2+$0x0];
	v36 =	vsel vm4, v39, v36  }
0x2af: {  	s29 =	sor.u32 $0xA180, s1;
	vm0 =	vgt.f32 v44, v37;
	s2 =	sor.u32 s0, s5;
	vm15 =	vgt.f32 v42, v38;
	v30 =	vld [tilespmem:s4+$0x0];
	vm1 =	vgt.f32 v43, v36  }
0x2b0: {  	s0 =	sor.u32 s0, s29;
	v37 =	vsel vm0, v44, v37;
	v38 =	vsel vm15, v42, v38;
	v35 =	vld [tilespmem:s2+$0x0];
	v36 =	vsel vm1, v43, v36  }
0x2b1: {  	s26 =	sadd.s32 $0x100, s26;
	s28 =	sadd.s32 $0x20, s28;
	v33 =	vsel vm2, v31, v33;
	v41 =	vsel vm3, v31, v41;
	s30 =	sor.u32 s24, s5;
	v40 =	vsel vm4, v31, v40;
	v31 =	vmovc v27;
	v39 =	vld [tilespmem:s0+$0x0]  }
0x2b2: {  	v42 =	vld [tilespmem:s30+$0x0];
	s0 =	sor.u32 s24, s29  }
0x2b3: {  	vm2 =	vgt.f32 v32, v29;
	s5 =	simm.s32 $0x0;
	v43 =	vld [tilespmem:s0+$0x0]  }
0x2b4: {  	v41 =	vsel vm15, v26, v41;
	v32 =	vsel vm2, v32, v29;
	v29 =	vld [tilespmem:$0xBC58];
	s1 =	sand.u32 $0x60, s5;
	s0 =	sand.u32 $0x1C00, s5  }
0x2b5: {  	v40 =	vsel vm1, v26, v40;
	v26 =	vsel vm0, v26, v33;
	v44 =	vsel vm2, v27, v28;
	v28 =	vld [tilespmem:$0xBCD8];
	s2 =	sor.u32 $0xA200, s0;
	s4 =	sor.u32 $0x10, s1  }
0x2b6: {  	v45 =	vadd.s32 $0x10, v27;
	v54 =	vlaneseq.u32;
	v27 =	vld [tilespmem:$0xBD58];
	vm1 =	vgt.f32 v25, v32;
	s5 =	sor.u32 s4, s2  }
0x2b7: {  	v55 =	vimm.s32 $0x0;
	vm0 =	vgt.f32 v30, v37;
	s14 =	sor.u32 $0xA280, s0;
	v33 =	vsel vm1, v25, v32;
	s2 =	sor.u32 s1, s2;
	v57 =	vld [tilespmem:s5+$0x0]  }
0x2b8: {  	s15 =	sor.u32 $0xA300, s0;
	v32 =	vsel vm1, v45, v44;
	vm1 =	vgt.f32 v35, v38;
	v25 =	vsel vm0, v30, v37;
	s8 =	sor.u32 s4, s14;
	s14 =	sor.u32 s1, s14;
	v58 =	vld [tilespmem:s2+$0x0]  }
0x2b9: {  	s0 =	sor.u32 $0xA380, s0;
	s19 =	sor.u32 s1, s15;
	vm2 =	vgt.f32 v39, v36;
	v30 =	vsel vm1, v35, v38;
	vm3 =	vgt.f32 v34, v25;
	v50 =	vld [tilespmem:s14+$0x0]  }
0x2ba: {  	s1 =	sor.u32 s1, s0;
	v59 =	vld [tilespmem:s19+$0x0];
	v38 =	vadd.s32 $0x20, v54;
	v36 =	vsel vm2, v39, v36;
	vm4 =	vgt.f32 v42, v30  }
0x2bb: {  	v60 =	vld [tilespmem:s1+$0x0];
	v39 =	vsel vm3, v34, v25;
	v25 =	vsel vm0, v31, v26;
	v26 =	vsel vm1, v31, v41  }
0x2bc: {  	s25 =	simm.s32 $0x100;
	s26 =	simm.s32 $0x20;
	s24 =	sor.u32 s4, s15;
	v49 =	vld [tilespmem:s8+$0x0];
	v31 =	vsel vm2, v31, v40;
	vm15 =	vgt.f32 v43, v36;
	v34 =	vsel vm4, v42, v30  }
0x2bd: {  	s0 =	sor.u32 s4, s0;
	s5 =	sand.u32 $0x60, s26;
	s2 =	sand.u32 $0x1C00, s25;
	v61 =	vld [tilespmem:s24+$0x0];
	v37 =	vsel vm4, v45, v26;
	v26 =	vimm.f32 $-Inf;
	v46 =	vsel vm3, v45, v25  }
0x2be: {  	v52 =	vld [tilespmem:s0+$0x0];
	s31 =	sor.u32 $0xA200, s2;
	s24 =	sor.u32 $0x10, s5;
	v25 =	vadd.s32 $0x10, v54;
	v30 =	vsel vm15, v43, v36;
	v31 =	vsel vm15, v45, v31  }
0x2bf: {  	v42 =	vld [tilespmem:$0xBDD8];
	s4 =	sor.u32 s24, s31;
	vm0 =	vgt.f32 v58, v26;
	vm2 =	vgt.f32 v50, v26;
	vm3 =	vgt.f32 v59, v26  }
0x2c0: {  	s8 =	sor.u32 $0xA280, s2;
	s1 =	sor.u32 s5, s31;
	v41 =	vld [tilespmem:s4+$0x0];
	vm4 =	vgt.f32 v60, v26;
	v35 =	vsel vm0, v58, v26;
	v62 =	vsel vm0, v54, v55  }
0x2c1: {  	s14 =	sor.u32 s24, s8;
	v51 =	vld [tilespmem:s1+$0x0];
	v63 =	vsel vm2, v50, v26;
	v36 =	vsel vm3, v59, v26;
	v26 =	vsel vm4, v60, v26  }
0x2c2: {  	s19 =	sor.u32 $0xA300, s2;
	s15 =	sor.u32 s5, s8;
	v47 =	vld [tilespmem:s14+$0x0];
	v53 =	vsel vm2, v54, v55;
	vm0 =	vgt.f32 v57, v35;
	vm1 =	vgt.f32 v49, v63  }
0x2c3: {  	s25 =	sor.u32 $0xA380, s2;
	s26 =	sor.u32 s5, s19;
	v43 =	vld [tilespmem:s15+$0x0];
	vm15 =	vgt.f32 v52, v26;
	v48 =	vsel vm0, v57, v35;
	v44 =	vsel vm0, v25, v62  }
0x2c4: {  	s28 =	simm.s32 $0x2;
	s31 =	sor.u32 s5, s25;
	v40 =	vld [tilespmem:s26+$0x0];
	vm0 =	vgt.f32 v61, v36;
	v50 =	vsel vm1, v49, v63;
	v35 =	vsel vm15, v52, v26  }
0x2c5: {  	s29 =	simm.s32 $0x200;
	s30 =	simm.s32 $0x40;
	s26 =	sor.u32 s24, s19;
	v52 =	vsel vm3, v54, v55;
	v49 =	vsel vm4, v54, v55;
	v45 =	vsel vm0, v61, v36;
	v36 =	vld [tilespmem:s31+$0x0];
	v26 =	vmovc v38  }
.LBB2_25:
0x2c6: {  	s0 =	sand.u32 $0x60, s30;
	s1 =	sand.u32 $0x1C00, s29;
	vm2 =	vgt.f32 v51, v48;
	v54 =	vld [tilespmem:s26+$0x0];
	s2 =	sor.u32 s24, s25;
	v52 =	vsel vm0, v25, v52;
	v49 =	vsel vm15, v25, v49  }
0x2c7: {  	v53 =	vsel vm1, v25, v53;
	s4 =	sor.u32 $0xA200, s1;
	s24 =	sor.u32 $0x10, s0;
	v48 =	vsel vm2, v51, v48;
	v44 =	vsel vm2, v38, v44;
	v55 =	vld [tilespmem:s2+$0x0];
	v56 =	vmovc v47  }
0x2c8: {  	v25 =	vadd.s32 $0x10, v38;
	s28 =	sadd.s32 $0x2, s28;
	s2 =	sor.u32 s24, s4;
	vm0 =	vgt.f32 v41, v48  }
0x2c9: {  	s5 =	sor.u32 $0xA280, s1;
	v38 =	vadd.s32 $0x20, v38;
	p1 =	slt.u32 s28, $0x3C;
	s4 =	sor.u32 s0, s4;
	v48 =	vsel vm0, v41, v48;
	v41 =	vld [tilespmem:s2+$0x0];
	v44 =	vsel vm0, v25, v44  }
.Ltmp13:
0x2ca: {  	vm2 =	vgt.f32 v43, v50;
	s2 =	sor.u32 s24, s5;
	vm3 =	vgt.f32 v40, v45;
	v51 =	vld [tilespmem:s4+$0x0];
	vm4 =	vgt.f32 v36, v35;
	(pc) =	sbr.rel @p1 .LBB2_25-.Ltmp13, $4  }
0x2cb: {  	v50 =	vsel vm2, v43, v50;
	s4 =	sor.u32 s0, s5;
	s5 =	sor.u32 $0xA300, s1;
	v45 =	vsel vm3, v40, v45;
	v47 =	vld [tilespmem:s2+$0x0];
	v35 =	vsel vm4, v36, v35  }
0x2cc: {  	s25 =	sor.u32 $0xA380, s1;
	vm1 =	vgt.f32 v56, v50;
	s2 =	sor.u32 s0, s5;
	vm0 =	vgt.f32 v54, v45;
	v43 =	vld [tilespmem:s4+$0x0];
	vm15 =	vgt.f32 v55, v35  }
0x2cd: {  	s0 =	sor.u32 s0, s25;
	v50 =	vsel vm1, v56, v50;
	v45 =	vsel vm0, v54, v45;
	v40 =	vld [tilespmem:s2+$0x0];
	v35 =	vsel vm15, v55, v35  }
0x2ce: {  	s29 =	sadd.s32 $0x100, s29;
	s30 =	sadd.s32 $0x20, s30;
	v53 =	vsel vm2, v26, v53;
	v52 =	vsel vm3, v26, v52;
	s26 =	sor.u32 s24, s5;
	v49 =	vsel vm4, v26, v49;
	v26 =	vmovc v38;
	v36 =	vld [tilespmem:s0+$0x0]  }
0x2cf: {  	vm2 =	vgt.f32 v4, v8  }
0x2d0: {  	v8 =	vsel vm2, v4, v8  }
0x2d1: {  	(xrf0) =	vmax.scan.msk.f32 $0xffff, v8;
	_ =	sdelay $0x5  }
0x2d2: {  	v4, _, _ =	vpop (xrf0)  }
0x2d3: {  	v54 =	vbroadcast v4, $0xF;
	v4 =	vlaneseq.u32  }
0x2d4: {  	v55 =	vxor.u32 $0x80000000, v7;
	v7 =	vadd.s32 $0x800003D8, v4  }
0x2d5: {  	vm3 =	veq.f32 v8, v54;
	v8 =	vsel vm2, v7, v55  }
0x2d6: {  	vm2 =	vgt.f32 v2, v10;
	v8 =	vnsel vm3, $0x800003E8, v8  }
0x2d7: {  	(xrf0) =	vmin.scan.msk.u32 $0xffff, v8;
	v8 =	vsel vm2, v2, v10  }
0x2d8: {  	(xrf0) =	vmax.scan.msk.f32 $0xffff, v8;
	_ =	sdelay $0x4  }
0x2d9: {  	v2, _, _ =	vpop (xrf0)  }
0x2da: {  	v10, _, _ =	vpop (xrf0)  }
0x2db: {  	v10 =	vbroadcast v10, $0xF  }
0x2dc: {  	v12 =	vxor.u32 $0x80000000, v12  }
0x2dd: {  	vm3 =	veq.f32 v8, v10;
	v8 =	vsel vm2, v7, v12  }
0x2de: {  	vm2 =	vgt.f32 v1, v6;
	v8 =	vnsel vm3, $0x800003E8, v8  }
0x2df: {  	v6 =	vsel vm2, v1, v6;
	(xrf0) =	vmin.scan.msk.u32 $0xffff, v8  }
0x2e0: {  	(xrf0) =	vmax.scan.msk.f32 $0xffff, v6;
	_ =	sdelay $0x4  }
0x2e1: {  	v1, _, _ =	vpop (xrf0)  }
0x2e2: {  	v8, _, _ =	vpop (xrf0)  }
0x2e3: {  	v8 =	vbroadcast v8, $0xF  }
0x2e4: {  	v9 =	vxor.u32 $0x80000000, v9  }
0x2e5: {  	vm3 =	veq.f32 v6, v8;
	v6 =	vsel vm2, v7, v9  }
0x2e6: {  	vm2 =	vgt.f32 v11, v3;
	v6 =	vnsel vm3, $0x800003E8, v6  }
0x2e7: {  	(xrf0) =	vmin.scan.msk.u32 $0xffff, v6;
	v6 =	vsel vm2, v11, v3  }
0x2e8: {  	(xrf0) =	vmax.scan.msk.f32 $0xffff, v6;
	_ =	sdelay $0x4  }
0x2e9: {  	v3, _, _ =	vpop (xrf0)  }
0x2ea: {  	v8, _, _ =	vpop (xrf0)  }
0x2eb: {  	v8 =	vbroadcast v8, $0xF  }
0x2ec: {  	v5 =	vxor.u32 $0x80000000, v5  }
0x2ed: {  	v5 =	vsel vm2, v7, v5;
	vm3 =	veq.f32 v6, v8  }
0x2ee: {  	vm2 =	vgt.f32 v15, v18;
	v5 =	vnsel vm3, $0x800003E8, v5  }
0x2ef: {  	v6 =	vsel vm2, v15, v18;
	(xrf0) =	vmin.scan.msk.u32 $0xffff, v5  }
0x2f0: {  	(xrf0) =	vmax.scan.msk.f32 $0xffff, v6;
	_ =	sdelay $0x4  }
0x2f1: {  	v5, _, _ =	vpop (xrf0)  }
0x2f2: {  	v8, _, _ =	vpop (xrf0)  }
0x2f3: {  	v8 =	vbroadcast v8, $0xF  }
0x2f4: {  	v9 =	vxor.u32 $0x80000000, v17  }
0x2f5: {  	vm3 =	veq.f32 v6, v8;
	v6 =	vsel vm2, v7, v9  }
0x2f6: {  	vm2 =	vgt.f32 v14, v22;
	v6 =	vnsel vm3, $0x800003E8, v6  }
0x2f7: {  	v8 =	vsel vm2, v14, v22;
	(xrf0) =	vmin.scan.msk.u32 $0xffff, v6  }
0x2f8: {  	(xrf0) =	vmax.scan.msk.f32 $0xffff, v8;
	_ =	sdelay $0x4  }
0x2f9: {  	v6, _, _ =	vpop (xrf0)  }
0x2fa: {  	v9, _, _ =	vpop (xrf0)  }
0x2fb: {  	v9 =	vbroadcast v9, $0xF  }
0x2fc: {  	v10 =	vxor.u32 $0x80000000, v24  }
0x2fd: {  	vm3 =	veq.f32 v8, v9;
	v8 =	vsel vm2, v7, v10  }
0x2fe: {  	vm2 =	vgt.f32 v13, v19;
	v8 =	vnsel vm3, $0x800003E8, v8  }
0x2ff: {  	v9 =	vsel vm2, v13, v19;
	(xrf0) =	vmin.scan.msk.u32 $0xffff, v8  }
0x300: {  	(xrf0) =	vmax.scan.msk.f32 $0xffff, v9;
	_ =	sdelay $0x4  }
0x301: {  	v8, _, _ =	vpop (xrf0)  }
0x302: {  	v10, _, _ =	vpop (xrf0)  }
0x303: {  	v10 =	vbroadcast v10, $0xF  }
0x304: {  	v11 =	vxor.u32 $0x80000000, v21  }
0x305: {  	vm3 =	veq.f32 v9, v10;
	v9 =	vsel vm2, v7, v11  }
0x306: {  	vm2 =	vgt.f32 v23, v16;
	v9 =	vnsel vm3, $0x800003E8, v9  }
0x307: {  	v10 =	vsel vm2, v23, v16;
	(xrf0) =	vmin.scan.msk.u32 $0xffff, v9  }
0x308: {  	(xrf0) =	vmax.scan.msk.f32 $0xffff, v10;
	_ =	sdelay $0x4  }
0x309: {  	v9, _, _ =	vpop (xrf0)  }
0x30a: {  	v11, _, _ =	vpop (xrf0)  }
0x30b: {  	v11 =	vbroadcast v11, $0xF  }
0x30c: {  	v12 =	vxor.u32 $0x80000000, v20  }
0x30d: {  	vm3 =	veq.f32 v10, v11;
	v10 =	vsel vm2, v7, v12  }
0x30e: {  	vm2 =	vgt.f32 v29, v33;
	v10 =	vnsel vm3, $0x800003E8, v10  }
0x30f: {  	(xrf0) =	vmin.scan.msk.u32 $0xffff, v10;
	v10 =	vsel vm2, v29, v33  }
0x310: {  	(xrf0) =	vmax.scan.msk.f32 $0xffff, v10;
	_ =	sdelay $0x4  }
0x311: {  	v11, _, _ =	vpop (xrf0)  }
0x312: {  	v12, _, _ =	vpop (xrf0)  }
0x313: {  	v12 =	vbroadcast v12, $0xF  }
0x314: {  	v13 =	vxor.u32 $0x80000000, v32  }
0x315: {  	vm3 =	veq.f32 v10, v12;
	v10 =	vsel vm2, v7, v13  }
0x316: {  	vm2 =	vgt.f32 v28, v39;
	v10 =	vnsel vm3, $0x800003E8, v10  }
0x317: {  	(xrf0) =	vmin.scan.msk.u32 $0xffff, v10;
	v10 =	vsel vm2, v28, v39  }
0x318: {  	(xrf0) =	vmax.scan.msk.f32 $0xffff, v10;
	_ =	sdelay $0x4  }
0x319: {  	v12, _, _ =	vpop (xrf0)  }
0x31a: {  	v13, _, _ =	vpop (xrf0)  }
0x31b: {  	v13 =	vbroadcast v13, $0xF  }
0x31c: {  	v14 =	vxor.u32 $0x80000000, v46  }
0x31d: {  	vm3 =	veq.f32 v10, v13;
	v10 =	vsel vm2, v7, v14  }
0x31e: {  	vm2 =	vgt.f32 v27, v34;
	v10 =	vnsel vm3, $0x800003E8, v10  }
0x31f: {  	(xrf0) =	vmin.scan.msk.u32 $0xffff, v10;
	v10 =	vsel vm2, v27, v34  }
0x320: {  	(xrf0) =	vmax.scan.msk.f32 $0xffff, v10;
	_ =	sdelay $0x4  }
0x321: {  	v13, _, _ =	vpop (xrf0)  }
0x322: {  	v14, _, _ =	vpop (xrf0)  }
0x323: {  	v14 =	vbroadcast v14, $0xF  }
0x324: {  	v15 =	vxor.u32 $0x80000000, v37  }
0x325: {  	vm3 =	veq.f32 v10, v14;
	v10 =	vsel vm2, v7, v15  }
0x326: {  	vm2 =	vgt.f32 v42, v30;
	v10 =	vnsel vm3, $0x800003E8, v10  }
0x327: {  	(xrf0) =	vmin.scan.msk.u32 $0xffff, v10;
	v10 =	vsel vm2, v42, v30  }
0x328: {  	(xrf0) =	vmax.scan.msk.f32 $0xffff, v10;
	_ =	sdelay $0x4  }
0x329: {  	v15 =	vld [tilespmem:$0xBE58];
	v14, _, _ =	vpop (xrf0)  }
0x32a: {  	vm3 =	vgt.f32 v51, v48;
	v16, _, _ =	vpop (xrf0)  }
0x32b: {  	v17 =	vsel vm3, v51, v48;
	v16 =	vbroadcast v16, $0xF  }
0x32c: {  	v18 =	vxor.u32 $0x80000000, v31;
	vm4 =	vgt.f32 v41, v17  }
0x32d: {  	v18 =	vsel vm2, v7, v18;
	v17 =	vsel vm4, v41, v17;
	vm2 =	veq.f32 v10, v16  }
0x32e: {  	v10 =	vnsel vm2, $0x800003E8, v18;
	vm2 =	vgt.f32 v15, v17  }
0x32f: {  	(xrf0) =	vmin.scan.msk.u32 $0xffff, v10;
	v10 =	vsel vm2, v15, v17  }
0x330: {  	(xrf0) =	vmax.scan.msk.f32 $0xffff, v10;
	_ =	sdelay $0x4  }
0x331: {  	v16 =	vld [tilespmem:$0xBED8];
	v15, _, _ =	vpop (xrf0)  }
0x332: {  	v18 =	vadd.s32 $0x10, v38;
	v17 =	vsel vm3, v38, v44;
	vm3 =	vgt.f32 v43, v50;
	v19, _, _ =	vpop (xrf0)  }
0x333: {  	v17 =	vsel vm4, v18, v17;
	v55 =	vsel vm3, v43, v50;
	v19 =	vbroadcast v19, $0xF  }
0x334: {  	vm4 =	vgt.f32 v47, v55;
	v17 =	vxor.u32 $0x80000000, v17  }
0x335: {  	v20 =	vsel vm4, v47, v55;
	v17 =	vsel vm2, v7, v17;
	vm2 =	veq.f32 v10, v19  }
0x336: {  	v10 =	vnsel vm2, $0x800003E8, v17;
	vm2 =	vgt.f32 v16, v20  }
0x337: {  	(xrf0) =	vmin.scan.msk.u32 $0xffff, v10;
	v10 =	vsel vm2, v16, v20  }
0x338: {  	(xrf0) =	vmax.scan.msk.f32 $0xffff, v10;
	_ =	sdelay $0x2  }
0x339: {  	v16 =	vld [tilespmem:s26+$0x0];
	_ =	sdelay $0x1  }
0x33a: {  	v56 =	vld [tilespmem:$0xBF58];
	v17 =	vsel vm1, v25, v53;
	v19, _, _ =	vpop (xrf0)  }
0x33b: {  	vm1 =	vgt.f32 v40, v45;
	v17 =	vsel vm3, v26, v17;
	v57, _, _ =	vpop (xrf0)  }
0x33c: {  	v58 =	vsel vm1, v40, v45;
	v17 =	vsel vm4, v18, v17;
	v21 =	vbroadcast v57, $0xF  }
0x33d: {  	v17 =	vxor.u32 $0x80000000, v17;
	vm3 =	vgt.f32 v16, v58  }
0x33e: {  	v17 =	vsel vm2, v7, v17;
	v16 =	vsel vm3, v16, v58;
	vm2 =	veq.f32 v10, v21  }
0x33f: {  	v10 =	vnsel vm2, $0x800003E8, v17;
	vm2 =	vgt.f32 v56, v16  }
0x340: {  	(xrf0) =	vmin.scan.msk.u32 $0xffff, v10;
	v10 =	vsel vm2, v56, v16  }
0x341: {  	(xrf0) =	vmax.scan.msk.f32 $0xffff, v10;
	_ =	sdelay $0x1  }
0x342: {  	s0 =	sor.u32 s24, s25  }
0x343: {  	v16 =	vld [tilespmem:s0+$0x0];
	_ =	sdelay $0x1  }
0x344: {  	v60 =	vld [tilespmem:$0xBFD8];
	v17 =	vsel vm0, v25, v52;
	v59, _, _ =	vpop (xrf0)  }
0x345: {  	vm0 =	vgt.f32 v36, v35;
	v17 =	vsel vm1, v26, v17;
	v61, _, _ =	vpop (xrf0)  }
0x346: {  	v62 =	vsel vm0, v36, v35;
	v17 =	vsel vm3, v18, v17;
	v22 =	vbroadcast v61, $0xF  }
0x347: {  	v17 =	vxor.u32 $0x80000000, v17;
	vm1 =	vgt.f32 v16, v62  }
0x348: {  	v17 =	vsel vm2, v7, v17;
	v16 =	vsel vm1, v16, v62;
	vm2 =	veq.f32 v10, v22  }
0x349: {  	v10 =	vnsel vm2, $0x800003E8, v17;
	vm2 =	vgt.f32 v60, v16  }
0x34a: {  	(xrf0) =	vmin.scan.msk.u32 $0xffff, v10;
	v10 =	vsel vm2, v60, v16  }
0x34b: {  	(xrf0) =	vmax.scan.msk.f32 $0xffff, v10;
	_ =	sdelay $0x2  }
0x34c: {  	(v2sf) =	vpush v2, $0xF  }
0x34d: {  	(v2sf) =	vpush v1, $0xF  }
0x34e: {  	v1 =	vsel vm15, v25, v49;
	(v2sf) =	vpush v3, $0xF;
	v2, _, _ =	vpop (xrf0)  }
0x34f: {  	(v2sf) =	vpush v5, $0xF;
	v1 =	vsel vm0, v26, v1;
	v3, _, _ =	vpop (xrf0)  }
0x350: {  	(v2sf) =	vpush v6, $0xF;
	v1 =	vsel vm1, v18, v1;
	v3 =	vbroadcast v3, $0xF  }
0x351: {  	(v2sf) =	vpush v8, $0xF;
	v1 =	vxor.u32 $0x80000000, v1  }
0x352: {  	(v2sf) =	vpush v9, $0xF;
	v1 =	vsel vm2, v7, v1;
	vm0 =	veq.f32 v10, v3  }
0x353: {  	(v2sf) =	vpush v11, $0xF;
	v1 =	vnsel vm0, $0x800003E8, v1  }
0x354: {  	(v2sf) =	vpush v12, $0xF;
	(xrf0) =	vmin.scan.msk.u32 $0xffff, v1  }
0x355: {  	(v2sf) =	vpush v13, $0xF  }
0x356: {  	(v2sf) =	vpush v14, $0xF  }
0x357: {  	(v2sf) =	vpush v15, $0xF  }
0x358: {  	(v2sf) =	vpush v19, $0xF  }
0x359: {  	(v2sf) =	vpush v59, $0xF  }
0x35a: {  	(v2sf) =	vpush v2, $0xF;
	v1, _, _ =	vpop (xrf0)  }
0x35b: {  	s0 =	spop (v2sf);
	(v2sf) =	vpush v1, $0xF  }
0x35c: {  	s1 =	spop (v2sf)  }
0x35d: {  	s2 =	spop (v2sf)  }
0x35e: {  	s4 =	spop (v2sf)  }
0x35f: {  	s5 =	spop (v2sf)  }
0x360: {  	s14 =	spop (v2sf)  }
0x361: {  	s15 =	spop (v2sf)  }
0x362: {  	s19 =	spop (v2sf)  }
0x363: {  	s24 =	spop (v2sf)  }
0x364: {  	s25 =	spop (v2sf)  }
0x365: {  	s26 =	spop (v2sf)  }
0x366: {  	s28 =	spop (v2sf)  }
0x367: {  	s29 =	spop (v2sf)  }
0x368: {  	s30 =	spop (v2sf)  }
0x369: {  	s31 =	spop (v2sf)  }
0x36a: {  	s8 =	spop (v2sf)  }
0x36b: {  	s8 =	sxor.u32 $0x80000000, s8  }
0x36c: {  	s0 =	sxor.u32 $0x80000000, s0;
	vm0 =	vcmask $0x300;
	v1 =	vmov s8  }
0x36d: {  	s1 =	sxor.u32 $0x80000000, s1;
	v1 =	vsel vm0, s0, v1;
	vm0 =	vcmask $0x704  }
0x36e: {  	s2 =	sxor.u32 $0x80000000, s2;
	v1 =	vsel vm0, s1, v1;
	vm0 =	vcmask $0xB08  }
0x36f: {  	s4 =	sxor.u32 $0x80000000, s4;
	v1 =	vsel vm0, s2, v1;
	vm0 =	vcmask $0xF0C  }
0x370: {  	s8 =	sxor.u32 $0x80000000, s5;
	v1 =	vsel vm0, s4, v1;
	vm0 =	vcmask $0x1310  }
0x371: {  	s14 =	sxor.u32 $0x80000000, s14;
	v1 =	vsel vm0, s8, v1  }
0x372: {  	s15 =	sxor.u32 $0x80000000, s15;
	v1 =	vsel vm5, s14, v1  }
0x373: {  	s19 =	sxor.u32 $0x80000000, s19;
	v1 =	vsel vm6, s15, v1  }
0x374: {  	s24 =	sxor.u32 $0x80000000, s24;
	v1 =	vsel vm7, s19, v1  }
0x375: {  	s2 =	sxor.u32 $0x80000000, s25;
	v1 =	vsel vm8, s24, v1  }
0x376: {  	s4 =	sxor.u32 $0x80000000, s26;
	v1 =	vsel vm9, s2, v1  }
0x377: {  	s5 =	sxor.u32 $0x80000000, s28;
	v1 =	vsel vm10, s4, v1  }
0x378: {  	s8 =	sxor.u32 $0x80000000, s29;
	v1 =	vsel vm11, s5, v1  }
0x379: {  	s14 =	sxor.u32 $0x80000000, s30;
	s15 =	simm.s32 $0x0;
	v1 =	vsel vm12, s8, v1  }
0x37a: {  	s19 =	sxor.u32 $0x80000000, s31;
	s24 =	sand.u32 $0x1C00, s15;
	v1 =	vsel vm13, s14, v1  }
0x37b: {  	s0 =	sand.u32 $0x60, s15;
	s25 =	sor.u32 $0xC000, s24;
	v1 =	vsel vm14, s19, v1  }
0x37c: {  	s15 =	sor.u32 $0xC100, s24;
	s26 =	sor.u32 s0, s25;
	[tilespmem:s22+$0x10020] =	vst v1  }
0x37d: {  	s31 =	sor.u32 $0xC080, s24;
	s1 =	sor.u32 $0xC180, s24;
	s19 =	sor.u32 s0, s15;
	v1 =	vld [tilespmem:s26+$0x0]  }
0x37e: {  	s4 =	sor.u32 $0x10, s0;
	s14 =	sor.u32 s0, s31;
	s0 =	sor.u32 s0, s1;
	v8 =	vld [tilespmem:s19+$0x0]  }
0x37f: {  	s2 =	sor.u32 s4, s25;
	v11 =	vld [tilespmem:s0+$0x0]  }
0x380: {  	v2 =	vld [tilespmem:s2+$0x0]  }
0x381: {  	s24 =	sor.u32 s4, s31;
	s25 =	simm.s32 $0x100;
	v7 =	vld [tilespmem:s14+$0x0]  }
0x382: {  	v10 =	vimm.f32 $-Inf;
	s31 =	sor.u32 s4, s15;
	s26 =	simm.s32 $0x20;
	v12 =	vld [tilespmem:s24+$0x0];
	s0 =	sand.u32 $0x1C00, s25  }
0x383: {  	v5 =	vadd.s32 $0x10, v4;
	v13 =	vimm.s32 $0x0;
	s1 =	sor.u32 s4, s1;
	v18 =	vld [tilespmem:s31+$0x0];
	s5 =	sand.u32 $0x60, s26;
	s8 =	sor.u32 $0xC000, s0;
	vm0 =	vgt.f32 v1, v10  }
0x384: {  	v19 =	vld [tilespmem:s1+$0x0];
	s15 =	sor.u32 $0xC080, s0;
	s24 =	sor.u32 $0x10, s5;
	s2 =	sor.u32 s5, s8;
	vm1 =	vgt.f32 v8, v10;
	vm2 =	vgt.f32 v11, v10;
	v3 =	vsel vm0, v1, v10  }
0x385: {  	v14 =	vld [tilespmem:s2+$0x0];
	s19 =	sor.u32 s24, s15;
	v6 =	vsel vm0, v4, v13;
	v63 =	vsel vm1, v8, v10;
	vm0 =	vgt.f32 v2, v3  }
0x386: {  	s14 =	sor.u32 s24, s8;
	v9 =	vld [tilespmem:s19+$0x0];
	v3 =	vsel vm0, v2, v3;
	v2 =	vsel vm0, v5, v6;
	vm0 =	vgt.f32 v7, v10  }
0x387: {  	s26 =	sor.u32 $0xC100, s0;
	s25 =	sor.u32 s5, s15;
	v1 =	vld [tilespmem:s14+$0x0];
	v17 =	vsel vm1, v4, v13;
	v16 =	vsel vm2, v4, v13;
	v7 =	vsel vm0, v7, v10  }
0x388: {  	s29 =	sor.u32 $0xC180, s0;
	s31 =	sor.u32 s5, s26;
	v8 =	vld [tilespmem:s25+$0x0];
	vm15 =	vgt.f32 v18, v63;
	v6 =	vadd.s32 $0x20, v4;
	v10 =	vsel vm2, v11, v10  }
0x389: {  	s28 =	simm.s32 $0x40;
	s0 =	sor.u32 s5, s29;
	v15 =	vsel vm0, v4, v13;
	v4 =	vld [tilespmem:s31+$0x0];
	vm0 =	vgt.f32 v12, v7;
	vm1 =	vgt.f32 v19, v10  }
0x38a: {  	s30 =	sor.u32 s24, s26;
	s26 =	simm.s32 $0x200;
	s25 =	simm.s32 $0x2;
	v13 =	vld [tilespmem:s0+$0x0];
	v11 =	vsel vm0, v12, v7;
	v12 =	vsel vm15, v18, v63;
	v10 =	vsel vm1, v19, v10;
	v7 =	vmovc v6  }
.LBB2_27:
0x38b: {  	s0 =	sand.u32 $0x60, s28;
	s1 =	sand.u32 $0x1C00, s26;
	vm2 =	vgt.f32 v14, v3;
	v18 =	vld [tilespmem:s30+$0x0];
	s2 =	sor.u32 s24, s29;
	v17 =	vsel vm15, v5, v17;
	v16 =	vsel vm1, v5, v16  }
0x38c: {  	v15 =	vsel vm0, v5, v15;
	s4 =	sor.u32 $0xC000, s1;
	s24 =	sor.u32 $0x10, s0;
	v3 =	vsel vm2, v14, v3;
	v2 =	vsel vm2, v6, v2;
	v19 =	vld [tilespmem:s2+$0x0];
	v20 =	vmovc v9  }
0x38d: {  	v5 =	vadd.s32 $0x10, v6;
	s25 =	sadd.s32 $0x2, s25;
	s2 =	sor.u32 s24, s4;
	vm0 =	vgt.f32 v1, v3  }
0x38e: {  	s5 =	sor.u32 $0xC080, s1;
	v6 =	vadd.s32 $0x20, v6;
	p1 =	slt.u32 s25, $0x3C;
	s4 =	sor.u32 s0, s4;
	v3 =	vsel vm0, v1, v3;
	v1 =	vld [tilespmem:s2+$0x0];
	v2 =	vsel vm0, v5, v2  }
.Ltmp14:
0x38f: {  	vm2 =	vgt.f32 v8, v11;
	s2 =	sor.u32 s24, s5;
	vm3 =	vgt.f32 v4, v12;
	v14 =	vld [tilespmem:s4+$0x0];
	vm4 =	vgt.f32 v13, v10;
	(pc) =	sbr.rel @p1 .LBB2_27-.Ltmp14, $4  }
0x390: {  	v11 =	vsel vm2, v8, v11;
	s4 =	sor.u32 s0, s5;
	s5 =	sor.u32 $0xC100, s1;
	v12 =	vsel vm3, v4, v12;
	v9 =	vld [tilespmem:s2+$0x0];
	v10 =	vsel vm4, v13, v10  }
0x391: {  	s29 =	sor.u32 $0xC180, s1;
	vm0 =	vgt.f32 v20, v11;
	s2 =	sor.u32 s0, s5;
	vm15 =	vgt.f32 v18, v12;
	v8 =	vld [tilespmem:s4+$0x0];
	vm1 =	vgt.f32 v19, v10  }
0x392: {  	s0 =	sor.u32 s0, s29;
	v11 =	vsel vm0, v20, v11;
	v12 =	vsel vm15, v18, v12;
	v4 =	vld [tilespmem:s2+$0x0];
	v10 =	vsel vm1, v19, v10  }
0x393: {  	s26 =	sadd.s32 $0x100, s26;
	s28 =	sadd.s32 $0x20, s28;
	v15 =	vsel vm2, v7, v15;
	v17 =	vsel vm3, v7, v17;
	s30 =	sor.u32 s24, s5;
	v16 =	vsel vm4, v7, v16;
	v7 =	vmovc v6;
	v13 =	vld [tilespmem:s0+$0x0]  }
0x394: {  	v18 =	vld [tilespmem:s30+$0x0];
	s0 =	sor.u32 s24, s29;
	s4 =	simm.s32 $0x0  }
0x395: {  	vm2 =	vgt.f32 v14, v3;
	v19 =	vld [tilespmem:s0+$0x0];
	s1 =	sand.u32 $0x60, s4;
	s0 =	sand.u32 $0x1C00, s4  }
0x396: {  	v16 =	vsel vm1, v5, v16;
	v14 =	vsel vm2, v14, v3;
	v3 =	vld [tilespmem:$0xDC58];
	s2 =	sor.u32 $0xC200, s0;
	s4 =	sor.u32 $0x10, s1  }
0x397: {  	v15 =	vsel vm0, v5, v15;
	v20 =	vsel vm2, v6, v2;
	v2 =	vld [tilespmem:$0xDCD8];
	vm1 =	vgt.f32 v1, v14;
	s5 =	sor.u32 s4, s2  }
0x398: {  	v21 =	vadd.s32 $0x10, v6;
	vm0 =	vgt.f32 v8, v11;
	s15 =	sor.u32 $0xC300, s0;
	v6 =	vsel vm1, v1, v14;
	s2 =	sor.u32 s1, s2;
	v14 =	vld [tilespmem:s5+$0x0]  }
0x399: {  	v17 =	vsel vm15, v5, v17;
	v22 =	vimm.f32 $-Inf;
	s8 =	sor.u32 $0xC280, s0;
	s0 =	sor.u32 $0xC380, s0;
	v8 =	vsel vm0, v8, v11;
	s19 =	sor.u32 s1, s15;
	v11 =	vld [tilespmem:s2+$0x0]  }
0x39a: {  	v28 =	vlaneseq.u32;
	v5 =	vsel vm1, v21, v20;
	vm1 =	vgt.f32 v4, v12;
	s14 =	sor.u32 s1, s8;
	s1 =	sor.u32 s1, s0;
	v20 =	vld [tilespmem:s19+$0x0]  }
0x39b: {  	v30 =	vimm.s32 $0x0;
	s24 =	sor.u32 s4, s15;
	vm2 =	vgt.f32 v13, v10;
	v4 =	vsel vm1, v4, v12;
	v24 =	vld [tilespmem:s1+$0x0]  }
0x39c: {  	s0 =	sor.u32 s4, s0;
	vm3 =	vgt.f32 v9, v8;
	v25 =	vld [tilespmem:s24+$0x0];
	v12 =	vsel vm2, v13, v10;
	vm4 =	vgt.f32 v18, v4  }
0x39d: {  	s25 =	simm.s32 $0x100;
	v26 =	vld [tilespmem:s0+$0x0];
	v10 =	vsel vm3, v9, v8;
	v9 =	vsel vm1, v7, v17;
	vm15 =	vgt.f32 v19, v12  }
0x39e: {  	s26 =	simm.s32 $0x20;
	s5 =	sor.u32 s4, s8;
	s2 =	sand.u32 $0x1C00, s25;
	v8 =	vsel vm4, v18, v4;
	v18 =	vld [tilespmem:s14+$0x0];
	v9 =	vsel vm4, v21, v9;
	v4 =	vsel vm15, v19, v12  }
0x39f: {  	v23 =	vld [tilespmem:s5+$0x0];
	s5 =	sand.u32 $0x60, s26;
	s31 =	sor.u32 $0xC200, s2;
	v12 =	vsel vm0, v7, v15;
	v7 =	vsel vm2, v7, v16;
	v16 =	vadd.s32 $0x10, v28  }
0x3a0: {  	v1 =	vld [tilespmem:$0xDD58];
	s24 =	sor.u32 $0x10, s5;
	s1 =	sor.u32 s5, s31;
	v7 =	vsel vm15, v21, v7;
	v12 =	vsel vm3, v21, v12;
	vm0 =	vgt.f32 v11, v22  }
0x3a1: {  	s8 =	sor.u32 $0xC280, s2;
	s4 =	sor.u32 s24, s31;
	v19 =	vld [tilespmem:s1+$0x0];
	vm3 =	vgt.f32 v20, v22;
	vm4 =	vgt.f32 v24, v22;
	v15 =	vsel vm0, v11, v22  }
0x3a2: {  	s14 =	sor.u32 s24, s8;
	v13 =	vld [tilespmem:s4+$0x0];
	v17 =	vsel vm0, v28, v30;
	v27 =	vsel vm3, v20, v22;
	v29 =	vsel vm4, v24, v22  }
0x3a3: {  	v21 =	vld [tilespmem:s14+$0x0];
	vm0 =	vgt.f32 v14, v15;
	vm2 =	vgt.f32 v18, v22;
	vm15 =	vgt.f32 v25, v27  }
0x3a4: {  	s19 =	sor.u32 $0xC300, s2;
	s15 =	sor.u32 s5, s8;
	v11 =	vld [tilespmem:$0xDDD8];
	vm1 =	vgt.f32 v26, v29;
	v15 =	vsel vm0, v14, v15;
	v18 =	vsel vm2, v18, v22  }
0x3a5: {  	s29 =	sor.u32 $0xC380, s2;
	s26 =	sor.u32 s5, s19;
	v20 =	vld [tilespmem:s15+$0x0];
	v14 =	vsel vm0, v16, v17;
	v17 =	vadd.s32 $0x20, v28;
	vm0 =	vgt.f32 v23, v18  }
0x3a6: {  	s28 =	simm.s32 $0x40;
	s31 =	sor.u32 s5, s29;
	v22 =	vld [tilespmem:s26+$0x0];
	v25 =	vsel vm15, v25, v27;
	v27 =	vsel vm2, v28, v30;
	v24 =	vsel vm0, v23, v18  }
0x3a7: {  	s25 =	simm.s32 $0x2;
	s30 =	sor.u32 s24, s19;
	s26 =	simm.s32 $0x200;
	v23 =	vsel vm1, v26, v29;
	v26 =	vld [tilespmem:s31+$0x0];
	v29 =	vsel vm3, v28, v30;
	v28 =	vsel vm4, v28, v30;
	v18 =	vmovc v17  }
.LBB2_29:
0x3a8: {  	s0 =	sand.u32 $0x60, s28;
	s1 =	sand.u32 $0x1C00, s26;
	vm2 =	vgt.f32 v19, v15;
	v30 =	vld [tilespmem:s30+$0x0];
	s2 =	sor.u32 s24, s29;
	v29 =	vsel vm15, v16, v29;
	v28 =	vsel vm1, v16, v28  }
0x3a9: {  	v27 =	vsel vm0, v16, v27;
	s4 =	sor.u32 $0xC200, s1;
	s24 =	sor.u32 $0x10, s0;
	v15 =	vsel vm2, v19, v15;
	v14 =	vsel vm2, v17, v14;
	v31 =	vld [tilespmem:s2+$0x0];
	v32 =	vmovc v21  }
0x3aa: {  	v16 =	vadd.s32 $0x10, v17;
	s25 =	sadd.s32 $0x2, s25;
	s2 =	sor.u32 s24, s4;
	vm0 =	vgt.f32 v13, v15  }
0x3ab: {  	s5 =	sor.u32 $0xC280, s1;
	v17 =	vadd.s32 $0x20, v17;
	p1 =	slt.u32 s25, $0x3C;
	s4 =	sor.u32 s0, s4;
	v15 =	vsel vm0, v13, v15;
	v13 =	vld [tilespmem:s2+$0x0];
	v14 =	vsel vm0, v16, v14  }
.Ltmp15:
0x3ac: {  	vm2 =	vgt.f32 v20, v24;
	s2 =	sor.u32 s24, s5;
	vm3 =	vgt.f32 v22, v25;
	v19 =	vld [tilespmem:s4+$0x0];
	vm4 =	vgt.f32 v26, v23;
	(pc) =	sbr.rel @p1 .LBB2_29-.Ltmp15, $4  }
0x3ad: {  	v24 =	vsel vm2, v20, v24;
	s4 =	sor.u32 s0, s5;
	s5 =	sor.u32 $0xC300, s1;
	v25 =	vsel vm3, v22, v25;
	v21 =	vld [tilespmem:s2+$0x0];
	v23 =	vsel vm4, v26, v23  }
0x3ae: {  	s29 =	sor.u32 $0xC380, s1;
	vm0 =	vgt.f32 v32, v24;
	s2 =	sor.u32 s0, s5;
	vm15 =	vgt.f32 v30, v25;
	v20 =	vld [tilespmem:s4+$0x0];
	vm1 =	vgt.f32 v31, v23  }
0x3af: {  	s0 =	sor.u32 s0, s29;
	v24 =	vsel vm0, v32, v24;
	v25 =	vsel vm15, v30, v25;
	v22 =	vld [tilespmem:s2+$0x0];
	v23 =	vsel vm1, v31, v23  }
0x3b0: {  	s26 =	sadd.s32 $0x100, s26;
	s28 =	sadd.s32 $0x20, s28;
	v27 =	vsel vm2, v18, v27;
	v29 =	vsel vm3, v18, v29;
	s30 =	sor.u32 s24, s5;
	v28 =	vsel vm4, v18, v28;
	v18 =	vmovc v17;
	v26 =	vld [tilespmem:s0+$0x0]  }
0x3b1: {  	v30 =	vld [tilespmem:s30+$0x0];
	s0 =	sor.u32 s24, s29  }
0x3b2: {  	vm2 =	vgt.f32 v19, v15;
	s4 =	simm.s32 $0x0;
	v31 =	vld [tilespmem:s0+$0x0]  }
0x3b3: {  	v29 =	vsel vm15, v16, v29;
	v19 =	vsel vm2, v19, v15;
	v15 =	vld [tilespmem:$0xDE58];
	s1 =	sand.u32 $0x60, s4;
	s0 =	sand.u32 $0x1C00, s4  }
0x3b4: {  	v28 =	vsel vm1, v16, v28;
	v32 =	vsel vm2, v17, v14;
	v14 =	vld [tilespmem:$0xDED8];
	vm1 =	vgt.f32 v13, v19;
	s2 =	sor.u32 $0xE000, s0;
	s4 =	sor.u32 $0x10, s1  }
0x3b5: {  	v27 =	vsel vm0, v16, v27;
	v33 =	vadd.s32 $0x10, v17;
	s8 =	sor.u32 $0xE080, s0;
	v19 =	vsel vm1, v13, v19;
	v13 =	vld [tilespmem:$0xDF58];
	s5 =	sor.u32 s4, s2  }
0x3b6: {  	vm0 =	vgt.f32 v20, v24;
	s15 =	sor.u32 $0xE100, s0;
	s0 =	sor.u32 $0xE180, s0;
	v17 =	vsel vm1, v33, v32;
	vm1 =	vgt.f32 v22, v25;
	s2 =	sor.u32 s1, s2;
	v62 =	vld [tilespmem:s5+$0x0]  }
0x3b7: {  	v35 =	vimm.f32 $-Inf;
	v16 =	vsel vm0, v20, v24;
	s14 =	sor.u32 s1, s8;
	s19 =	sor.u32 s1, s15;
	s1 =	sor.u32 s1, s0;
	v20 =	vsel vm1, v22, v25;
	v25 =	vld [tilespmem:s2+$0x0]  }
0x3b8: {  	v40 =	vlaneseq.u32;
	v42 =	vimm.s32 $0x0;
	s0 =	sor.u32 s4, s0;
	vm2 =	vgt.f32 v26, v23;
	v37 =	vld [tilespmem:s1+$0x0]  }
0x3b9: {  	vm3 =	vgt.f32 v21, v16;
	v39 =	vld [tilespmem:s0+$0x0];
	v23 =	vsel vm2, v26, v23;
	vm4 =	vgt.f32 v30, v20  }
0x3ba: {  	s25 =	simm.s32 $0x100;
	v22 =	vsel vm3, v21, v16;
	vm15 =	vgt.f32 v31, v23;
	v20 =	vsel vm4, v30, v20;
	v30 =	vld [tilespmem:s14+$0x0]  }
0x3bb: {  	s26 =	simm.s32 $0x20;
	s5 =	sor.u32 s4, s8;
	s2 =	sand.u32 $0x1C00, s25;
	v21 =	vsel vm1, v18, v29;
	v26 =	vadd.s32 $0x10, v40;
	v16 =	vsel vm15, v31, v23;
	v31 =	vld [tilespmem:s19+$0x0]  }
0x3bc: {  	s24 =	sor.u32 s4, s15;
	v36 =	vld [tilespmem:s5+$0x0];
	s5 =	sand.u32 $0x60, s26;
	s31 =	sor.u32 $0xE000, s2;
	v21 =	vsel vm4, v33, v21;
	v23 =	vsel vm0, v18, v27;
	v18 =	vsel vm2, v18, v28  }
0x3bd: {  	v63 =	vld [tilespmem:s24+$0x0];
	s1 =	sor.u32 s5, s31;
	v18 =	vsel vm15, v33, v18;
	v24 =	vsel vm3, v33, v23;
	vm0 =	vgt.f32 v25, v35  }
0x3be: {  	s8 =	sor.u32 $0xE080, s2;
	s24 =	sor.u32 $0x10, s5;
	v32 =	vld [tilespmem:s1+$0x0];
	vm4 =	vgt.f32 v37, v35;
	v27 =	vsel vm0, v25, v35;
	v28 =	vsel vm0, v40, v42  }
0x3bf: {  	s14 =	sor.u32 s24, s8;
	v23 =	vld [tilespmem:$0xDFD8];
	v41 =	vsel vm4, v37, v35;
	vm0 =	vgt.f32 v62, v27;
	vm2 =	vgt.f32 v30, v35  }
0x3c0: {  	s4 =	sor.u32 s24, s31;
	v34 =	vld [tilespmem:s14+$0x0];
	vm1 =	vgt.f32 v39, v41;
	v29 =	vsel vm0, v62, v27;
	vm3 =	vgt.f32 v31, v35  }
0x3c1: {  	s15 =	sor.u32 s5, s8;
	s19 =	sor.u32 $0xE100, s2;
	v25 =	vld [tilespmem:s4+$0x0];
	v28 =	vsel vm0, v26, v28;
	v38 =	vsel vm2, v30, v35;
	v31 =	vsel vm3, v31, v35  }
0x3c2: {  	s29 =	sor.u32 $0xE180, s2;
	s26 =	sor.u32 s5, s19;
	v27 =	vadd.s32 $0x20, v40;
	v30 =	vld [tilespmem:s15+$0x0];
	v33 =	vsel vm2, v40, v42;
	vm0 =	vgt.f32 v36, v38  }
0x3c3: {  	s28 =	simm.s32 $0x40;
	s31 =	sor.u32 s5, s29;
	v35 =	vld [tilespmem:s26+$0x0];
	vm15 =	vgt.f32 v63, v31;
	v37 =	vsel vm0, v36, v38;
	v36 =	vsel vm1, v39, v41  }
0x3c4: {  	s25 =	simm.s32 $0x2;
	s30 =	sor.u32 s24, s19;
	s26 =	simm.s32 $0x200;
	v39 =	vld [tilespmem:s31+$0x0];
	v41 =	vsel vm3, v40, v42;
	v40 =	vsel vm4, v40, v42;
	v38 =	vsel vm15, v63, v31;
	v31 =	vmovc v27  }
.LBB2_31:
0x3c5: {  	s0 =	sand.u32 $0x60, s28;
	s1 =	sand.u32 $0x1C00, s26;
	vm2 =	vgt.f32 v32, v29;
	v42 =	vld [tilespmem:s30+$0x0];
	s2 =	sor.u32 s24, s29;
	v41 =	vsel vm15, v26, v41;
	v40 =	vsel vm1, v26, v40  }
0x3c6: {  	v33 =	vsel vm0, v26, v33;
	s4 =	sor.u32 $0xE000, s1;
	s24 =	sor.u32 $0x10, s0;
	v29 =	vsel vm2, v32, v29;
	v28 =	vsel vm2, v27, v28;
	v43 =	vld [tilespmem:s2+$0x0];
	v44 =	vmovc v34  }
0x3c7: {  	v26 =	vadd.s32 $0x10, v27;
	s25 =	sadd.s32 $0x2, s25;
	s2 =	sor.u32 s24, s4;
	vm0 =	vgt.f32 v25, v29  }
0x3c8: {  	s5 =	sor.u32 $0xE080, s1;
	v27 =	vadd.s32 $0x20, v27;
	p1 =	slt.u32 s25, $0x3C;
	s4 =	sor.u32 s0, s4;
	v29 =	vsel vm0, v25, v29;
	v25 =	vld [tilespmem:s2+$0x0];
	v28 =	vsel vm0, v26, v28  }
.Ltmp16:
0x3c9: {  	vm2 =	vgt.f32 v30, v37;
	s2 =	sor.u32 s24, s5;
	vm3 =	vgt.f32 v35, v38;
	v32 =	vld [tilespmem:s4+$0x0];
	vm4 =	vgt.f32 v39, v36;
	(pc) =	sbr.rel @p1 .LBB2_31-.Ltmp16, $4  }
0x3ca: {  	v37 =	vsel vm2, v30, v37;
	s4 =	sor.u32 s0, s5;
	s5 =	sor.u32 $0xE100, s1;
	v38 =	vsel vm3, v35, v38;
	v34 =	vld [tilespmem:s2+$0x0];
	v36 =	vsel vm4, v39, v36  }
0x3cb: {  	s29 =	sor.u32 $0xE180, s1;
	vm0 =	vgt.f32 v44, v37;
	s2 =	sor.u32 s0, s5;
	vm15 =	vgt.f32 v42, v38;
	v30 =	vld [tilespmem:s4+$0x0];
	vm1 =	vgt.f32 v43, v36  }
0x3cc: {  	s0 =	sor.u32 s0, s29;
	v37 =	vsel vm0, v44, v37;
	v38 =	vsel vm15, v42, v38;
	v35 =	vld [tilespmem:s2+$0x0];
	v36 =	vsel vm1, v43, v36  }
0x3cd: {  	s26 =	sadd.s32 $0x100, s26;
	s28 =	sadd.s32 $0x20, s28;
	v33 =	vsel vm2, v31, v33;
	v41 =	vsel vm3, v31, v41;
	s30 =	sor.u32 s24, s5;
	v40 =	vsel vm4, v31, v40;
	v31 =	vmovc v27;
	v39 =	vld [tilespmem:s0+$0x0]  }
0x3ce: {  	v42 =	vld [tilespmem:s30+$0x0];
	s0 =	sor.u32 s24, s29  }
0x3cf: {  	vm2 =	vgt.f32 v32, v29;
	s4 =	simm.s32 $0x0;
	v43 =	vld [tilespmem:s0+$0x0]  }
0x3d0: {  	v41 =	vsel vm15, v26, v41;
	v32 =	vsel vm2, v32, v29;
	v29 =	vld [tilespmem:$0xFC58];
	s1 =	sand.u32 $0x60, s4;
	s0 =	sand.u32 $0x1C00, s4  }
0x3d1: {  	v40 =	vsel vm1, v26, v40;
	v26 =	vsel vm0, v26, v33;
	v44 =	vsel vm2, v27, v28;
	v28 =	vld [tilespmem:$0xFCD8];
	s2 =	sor.u32 $0xE200, s0;
	s4 =	sor.u32 $0x10, s1  }
0x3d2: {  	v45 =	vadd.s32 $0x10, v27;
	v54 =	vlaneseq.u32;
	v27 =	vld [tilespmem:$0xFD58];
	vm1 =	vgt.f32 v25, v32;
	s5 =	sor.u32 s4, s2  }
0x3d3: {  	v55 =	vimm.s32 $0x0;
	vm0 =	vgt.f32 v30, v37;
	s8 =	sor.u32 $0xE280, s0;
	v33 =	vsel vm1, v25, v32;
	s2 =	sor.u32 s1, s2;
	v57 =	vld [tilespmem:s5+$0x0]  }
0x3d4: {  	s15 =	sor.u32 $0xE300, s0;
	v32 =	vsel vm1, v45, v44;
	vm1 =	vgt.f32 v35, v38;
	v25 =	vsel vm0, v30, v37;
	s14 =	sor.u32 s1, s8;
	v58 =	vld [tilespmem:s2+$0x0]  }
0x3d5: {  	s0 =	sor.u32 $0xE380, s0;
	s19 =	sor.u32 s1, s15;
	vm2 =	vgt.f32 v39, v36;
	v30 =	vsel vm1, v35, v38;
	vm3 =	vgt.f32 v34, v25;
	v50 =	vld [tilespmem:s14+$0x0]  }
0x3d6: {  	s1 =	sor.u32 s1, s0;
	v59 =	vld [tilespmem:s19+$0x0];
	v38 =	vadd.s32 $0x20, v54;
	v36 =	vsel vm2, v39, v36;
	vm4 =	vgt.f32 v42, v30  }
0x3d7: {  	s24 =	sor.u32 s4, s15;
	v60 =	vld [tilespmem:s1+$0x0];
	v39 =	vsel vm3, v34, v25;
	v25 =	vsel vm0, v31, v26;
	v26 =	vsel vm1, v31, v41  }
0x3d8: {  	s25 =	simm.s32 $0x100;
	s5 =	sor.u32 s4, s8;
	v61 =	vld [tilespmem:s24+$0x0];
	v31 =	vsel vm2, v31, v40;
	vm15 =	vgt.f32 v43, v36;
	v34 =	vsel vm4, v42, v30  }
0x3d9: {  	s26 =	simm.s32 $0x20;
	s0 =	sor.u32 s4, s0;
	s2 =	sand.u32 $0x1C00, s25;
	v49 =	vld [tilespmem:s5+$0x0];
	v37 =	vsel vm4, v45, v26;
	v26 =	vimm.f32 $-Inf;
	v46 =	vsel vm3, v45, v25  }
0x3da: {  	v52 =	vld [tilespmem:s0+$0x0];
	s5 =	sand.u32 $0x60, s26;
	s31 =	sor.u32 $0xE200, s2;
	v25 =	vadd.s32 $0x10, v54;
	v30 =	vsel vm15, v43, v36;
	v31 =	vsel vm15, v45, v31  }
0x3db: {  	s8 =	sor.u32 $0xE280, s2;
	v42 =	vld [tilespmem:$0xFDD8];
	s1 =	sor.u32 s5, s31;
	vm0 =	vgt.f32 v58, v26;
	vm2 =	vgt.f32 v50, v26;
	vm3 =	vgt.f32 v59, v26  }
0x3dc: {  	s24 =	sor.u32 $0x10, s5;
	s15 =	sor.u32 s5, s8;
	v51 =	vld [tilespmem:s1+$0x0];
	vm4 =	vgt.f32 v60, v26;
	v35 =	vsel vm0, v58, v26;
	v62 =	vsel vm0, v54, v55  }
0x3dd: {  	s14 =	sor.u32 s24, s8;
	v43 =	vld [tilespmem:s15+$0x0];
	v63 =	vsel vm2, v50, v26;
	v36 =	vsel vm3, v59, v26;
	v26 =	vsel vm4, v60, v26  }
0x3de: {  	s19 =	sor.u32 $0xE300, s2;
	s4 =	sor.u32 s24, s31;
	v47 =	vld [tilespmem:s14+$0x0];
	v53 =	vsel vm2, v54, v55;
	vm0 =	vgt.f32 v57, v35;
	vm1 =	vgt.f32 v49, v63  }
0x3df: {  	s25 =	sor.u32 $0xE380, s2;
	s26 =	sor.u32 s5, s19;
	v41 =	vld [tilespmem:s4+$0x0];
	vm15 =	vgt.f32 v52, v26;
	v48 =	vsel vm0, v57, v35;
	v44 =	vsel vm0, v25, v62  }
0x3e0: {  	s28 =	simm.s32 $0x2;
	v40 =	vld [tilespmem:s26+$0x0];
	s31 =	sor.u32 s5, s25;
	vm0 =	vgt.f32 v61, v36;
	v50 =	vsel vm1, v49, v63;
	v35 =	vsel vm15, v52, v26  }
0x3e1: {  	s29 =	simm.s32 $0x200;
	s30 =	simm.s32 $0x40;
	s26 =	sor.u32 s24, s19;
	v52 =	vsel vm3, v54, v55;
	v49 =	vsel vm4, v54, v55;
	v45 =	vsel vm0, v61, v36;
	v36 =	vld [tilespmem:s31+$0x0];
	v26 =	vmovc v38  }
.LBB2_33:
0x3e2: {  	s0 =	sand.u32 $0x60, s30;
	s1 =	sand.u32 $0x1C00, s29;
	vm2 =	vgt.f32 v51, v48;
	v54 =	vld [tilespmem:s26+$0x0];
	s2 =	sor.u32 s24, s25;
	v52 =	vsel vm0, v25, v52;
	v49 =	vsel vm15, v25, v49  }
0x3e3: {  	v53 =	vsel vm1, v25, v53;
	s4 =	sor.u32 $0xE200, s1;
	s24 =	sor.u32 $0x10, s0;
	v48 =	vsel vm2, v51, v48;
	v44 =	vsel vm2, v38, v44;
	v55 =	vld [tilespmem:s2+$0x0];
	v56 =	vmovc v47  }
0x3e4: {  	v25 =	vadd.s32 $0x10, v38;
	s28 =	sadd.s32 $0x2, s28;
	s2 =	sor.u32 s24, s4;
	vm0 =	vgt.f32 v41, v48  }
0x3e5: {  	s5 =	sor.u32 $0xE280, s1;
	v38 =	vadd.s32 $0x20, v38;
	p1 =	slt.u32 s28, $0x3C;
	s4 =	sor.u32 s0, s4;
	v48 =	vsel vm0, v41, v48;
	v41 =	vld [tilespmem:s2+$0x0];
	v44 =	vsel vm0, v25, v44  }
.Ltmp17:
0x3e6: {  	vm2 =	vgt.f32 v43, v50;
	s2 =	sor.u32 s24, s5;
	vm3 =	vgt.f32 v40, v45;
	v51 =	vld [tilespmem:s4+$0x0];
	vm4 =	vgt.f32 v36, v35;
	(pc) =	sbr.rel @p1 .LBB2_33-.Ltmp17, $4  }
0x3e7: {  	v50 =	vsel vm2, v43, v50;
	s4 =	sor.u32 s0, s5;
	s5 =	sor.u32 $0xE300, s1;
	v45 =	vsel vm3, v40, v45;
	v47 =	vld [tilespmem:s2+$0x0];
	v35 =	vsel vm4, v36, v35  }
0x3e8: {  	s25 =	sor.u32 $0xE380, s1;
	vm1 =	vgt.f32 v56, v50;
	s2 =	sor.u32 s0, s5;
	vm0 =	vgt.f32 v54, v45;
	v43 =	vld [tilespmem:s4+$0x0];
	vm15 =	vgt.f32 v55, v35  }
0x3e9: {  	s0 =	sor.u32 s0, s25;
	v50 =	vsel vm1, v56, v50;
	v45 =	vsel vm0, v54, v45;
	v40 =	vld [tilespmem:s2+$0x0];
	v35 =	vsel vm15, v55, v35  }
0x3ea: {  	s29 =	sadd.s32 $0x100, s29;
	s30 =	sadd.s32 $0x20, s30;
	v53 =	vsel vm2, v26, v53;
	v52 =	vsel vm3, v26, v52;
	s26 =	sor.u32 s24, s5;
	v49 =	vsel vm4, v26, v49;
	v26 =	vmovc v38;
	v36 =	vld [tilespmem:s0+$0x0]  }
0x3eb: {  	vm2 =	vgt.f32 v3, v6  }
0x3ec: {  	v3 =	vsel vm2, v3, v6  }
0x3ed: {  	(xrf0) =	vmax.scan.msk.f32 $0xffff, v3;
	_ =	sdelay $0x5  }
0x3ee: {  	v59, _, _ =	vpop (xrf0)  }
0x3ef: {  	v6 =	vbroadcast v59, $0xF  }
0x3f0: {  	v5 =	vxor.u32 $0x80000000, v5  }
0x3f1: {  	vm3 =	veq.f32 v3, v6;
	v3 =	vsel vm2, v0, v5  }
0x3f2: {  	vm2 =	vgt.f32 v2, v10;
	v3 =	vnsel vm3, $0x800003E8, v3  }
0x3f3: {  	(xrf0) =	vmin.scan.msk.u32 $0xffff, v3;
	v3 =	vsel vm2, v2, v10  }
0x3f4: {  	(xrf0) =	vmax.scan.msk.f32 $0xffff, v3;
	_ =	sdelay $0x4  }
0x3f5: {  	v2, _, _ =	vpop (xrf0)  }
0x3f6: {  	v60, _, _ =	vpop (xrf0)  }
0x3f7: {  	v5 =	vbroadcast v60, $0xF  }
0x3f8: {  	v61 =	vxor.u32 $0x80000000, v12  }
0x3f9: {  	vm3 =	veq.f32 v3, v5;
	v3 =	vsel vm2, v0, v61  }
0x3fa: {  	vm2 =	vgt.f32 v1, v8;
	v3 =	vnsel vm3, $0x800003E8, v3  }
0x3fb: {  	(xrf0) =	vmin.scan.msk.u32 $0xffff, v3;
	v3 =	vsel vm2, v1, v8  }
0x3fc: {  	(xrf0) =	vmax.scan.msk.f32 $0xffff, v3;
	_ =	sdelay $0x4  }
0x3fd: {  	v1, _, _ =	vpop (xrf0)  }
0x3fe: {  	v62, _, _ =	vpop (xrf0)  }
0x3ff: {  	v5 =	vbroadcast v62, $0xF  }
0x400: {  	v63 =	vxor.u32 $0x80000000, v9  }
0x401: {  	vm3 =	veq.f32 v3, v5;
	v3 =	vsel vm2, v0, v63  }
0x402: {  	vm2 =	vgt.f32 v11, v4;
	v3 =	vnsel vm3, $0x800003E8, v3  }
0x403: {  	v4 =	vsel vm2, v11, v4;
	(xrf0) =	vmin.scan.msk.u32 $0xffff, v3  }
0x404: {  	(xrf0) =	vmax.scan.msk.f32 $0xffff, v4;
	_ =	sdelay $0x4  }
0x405: {  	v3, _, _ =	vpop (xrf0)  }
0x406: {  	v9, _, _ =	vpop (xrf0)  }
0x407: {  	v5 =	vbroadcast v9, $0xF  }
0x408: {  	v10 =	vxor.u32 $0x80000000, v7  }
0x409: {  	v11 =	vsel vm2, v0, v10;
	vm3 =	veq.f32 v4, v5  }
0x40a: {  	vm2 =	vgt.f32 v15, v19;
	v4 =	vnsel vm3, $0x800003E8, v11  }
0x40b: {  	v12 =	vsel vm2, v15, v19;
	(xrf0) =	vmin.scan.msk.u32 $0xffff, v4  }
0x40c: {  	(xrf0) =	vmax.scan.msk.f32 $0xffff, v12;
	_ =	sdelay $0x4  }
0x40d: {  	v4, _, _ =	vpop (xrf0)  }
0x40e: {  	v15, _, _ =	vpop (xrf0)  }
0x40f: {  	v6 =	vbroadcast v15, $0xF  }
0x410: {  	v17 =	vxor.u32 $0x80000000, v17  }
0x411: {  	v19 =	vsel vm2, v0, v17;
	vm3 =	veq.f32 v12, v6  }
0x412: {  	vm2 =	vgt.f32 v14, v22;
	v5 =	vnsel vm3, $0x800003E8, v19  }
0x413: {  	v22 =	vsel vm2, v14, v22;
	(xrf0) =	vmin.scan.msk.u32 $0xffff, v5  }
0x414: {  	(xrf0) =	vmax.scan.msk.f32 $0xffff, v22;
	_ =	sdelay $0x4  }
0x415: {  	v5, _, _ =	vpop (xrf0)  }
0x416: {  	v54, _, _ =	vpop (xrf0)  }
0x417: {  	v7 =	vbroadcast v54, $0xF  }
0x418: {  	v55 =	vxor.u32 $0x80000000, v24  }
0x419: {  	v56 =	vsel vm2, v0, v55;
	vm3 =	veq.f32 v22, v7  }
0x41a: {  	vm2 =	vgt.f32 v13, v20;
	v6 =	vnsel vm3, $0x800003E8, v56  }
0x41b: {  	v57 =	vsel vm2, v13, v20;
	(xrf0) =	vmin.scan.msk.u32 $0xffff, v6  }
0x41c: {  	(xrf0) =	vmax.scan.msk.f32 $0xffff, v57;
	_ =	sdelay $0x4  }
0x41d: {  	v6, _, _ =	vpop (xrf0)  }
0x41e: {  	v58, _, _ =	vpop (xrf0)  }
0x41f: {  	v8 =	vbroadcast v58, $0xF  }
0x420: {  	v59 =	vxor.u32 $0x80000000, v21  }
0x421: {  	v60 =	vsel vm2, v0, v59;
	vm3 =	veq.f32 v57, v8  }
0x422: {  	vm2 =	vgt.f32 v23, v16;
	v7 =	vnsel vm3, $0x800003E8, v60  }
0x423: {  	v61 =	vsel vm2, v23, v16;
	(xrf0) =	vmin.scan.msk.u32 $0xffff, v7  }
0x424: {  	(xrf0) =	vmax.scan.msk.f32 $0xffff, v61;
	_ =	sdelay $0x4  }
0x425: {  	v7, _, _ =	vpop (xrf0)  }
0x426: {  	v62, _, _ =	vpop (xrf0)  }
0x427: {  	v9 =	vbroadcast v62, $0xF  }
0x428: {  	v63 =	vxor.u32 $0x80000000, v18  }
0x429: {  	v12 =	vsel vm2, v0, v63;
	vm3 =	veq.f32 v61, v9  }
0x42a: {  	vm2 =	vgt.f32 v29, v33;
	v8 =	vnsel vm3, $0x800003E8, v12  }
0x42b: {  	v13 =	vsel vm2, v29, v33;
	(xrf0) =	vmin.scan.msk.u32 $0xffff, v8  }
0x42c: {  	(xrf0) =	vmax.scan.msk.f32 $0xffff, v13;
	_ =	sdelay $0x4  }
0x42d: {  	v9, _, _ =	vpop (xrf0)  }
0x42e: {  	v14, _, _ =	vpop (xrf0)  }
0x42f: {  	v10 =	vbroadcast v14, $0xF  }
0x430: {  	v15 =	vxor.u32 $0x80000000, v32  }
0x431: {  	v16 =	vsel vm2, v0, v15;
	vm3 =	veq.f32 v13, v10  }
0x432: {  	vm2 =	vgt.f32 v28, v39;
	v8 =	vnsel vm3, $0x800003E8, v16  }
0x433: {  	v17 =	vsel vm2, v28, v39;
	(xrf0) =	vmin.scan.msk.u32 $0xffff, v8  }
0x434: {  	(xrf0) =	vmax.scan.msk.f32 $0xffff, v17;
	_ =	sdelay $0x4  }
0x435: {  	v10, _, _ =	vpop (xrf0)  }
0x436: {  	v18, _, _ =	vpop (xrf0)  }
0x437: {  	v11 =	vbroadcast v18, $0xF  }
0x438: {  	v19 =	vxor.u32 $0x80000000, v46  }
0x439: {  	v20 =	vsel vm2, v0, v19;
	vm3 =	veq.f32 v17, v11  }
0x43a: {  	vm2 =	vgt.f32 v27, v34;
	v8 =	vnsel vm3, $0x800003E8, v20  }
0x43b: {  	v21 =	vsel vm2, v27, v34;
	(xrf0) =	vmin.scan.msk.u32 $0xffff, v8  }
0x43c: {  	(xrf0) =	vmax.scan.msk.f32 $0xffff, v21;
	_ =	sdelay $0x4  }
0x43d: {  	v11, _, _ =	vpop (xrf0)  }
0x43e: {  	v22, _, _ =	vpop (xrf0)  }
0x43f: {  	v12 =	vbroadcast v22, $0xF  }
0x440: {  	v23 =	vxor.u32 $0x80000000, v37  }
0x441: {  	v24 =	vsel vm2, v0, v23;
	vm3 =	veq.f32 v21, v12  }
0x442: {  	vm2 =	vgt.f32 v42, v30;
	v8 =	vnsel vm3, $0x800003E8, v24  }
0x443: {  	v27 =	vsel vm2, v42, v30;
	(xrf0) =	vmin.scan.msk.u32 $0xffff, v8  }
0x444: {  	(xrf0) =	vmax.scan.msk.f32 $0xffff, v27;
	_ =	sdelay $0x4  }
0x445: {  	v29 =	vld [tilespmem:$0xFE58];
	v28, _, _ =	vpop (xrf0)  }
0x446: {  	vm3 =	vgt.f32 v51, v48;
	v30, _, _ =	vpop (xrf0)  }
0x447: {  	v32 =	vsel vm3, v51, v48;
	v14 =	vbroadcast v30, $0xF  }
0x448: {  	v33 =	vxor.u32 $0x80000000, v31;
	vm4 =	vgt.f32 v41, v32  }
0x449: {  	v16 =	vsel vm2, v0, v33;
	v15 =	vsel vm4, v41, v32;
	vm2 =	veq.f32 v27, v14  }
0x44a: {  	v8 =	vnsel vm2, $0x800003E8, v16;
	vm2 =	vgt.f32 v29, v15  }
0x44b: {  	(xrf0) =	vmin.scan.msk.u32 $0xffff, v8;
	v34 =	vsel vm2, v29, v15  }
0x44c: {  	(xrf0) =	vmax.scan.msk.f32 $0xffff, v34;
	_ =	sdelay $0x4  }
0x44d: {  	v39 =	vld [tilespmem:$0xFED8];
	v37, _, _ =	vpop (xrf0)  }
0x44e: {  	v42 =	vadd.s32 $0x10, v38;
	v41 =	vsel vm3, v38, v44;
	vm3 =	vgt.f32 v43, v50;
	v44, _, _ =	vpop (xrf0)  }
0x44f: {  	v46 =	vsel vm3, v43, v50;
	v15 =	vsel vm4, v42, v41;
	v17 =	vbroadcast v44, $0xF  }
0x450: {  	vm4 =	vgt.f32 v47, v46;
	v15 =	vxor.u32 $0x80000000, v15  }
0x451: {  	v18 =	vsel vm4, v47, v46;
	v15 =	vsel vm2, v0, v15;
	vm2 =	veq.f32 v34, v17  }
0x452: {  	v8 =	vnsel vm2, $0x800003E8, v15;
	vm2 =	vgt.f32 v39, v18  }
0x453: {  	(xrf0) =	vmin.scan.msk.u32 $0xffff, v8;
	v47 =	vsel vm2, v39, v18  }
0x454: {  	(xrf0) =	vmax.scan.msk.f32 $0xffff, v47;
	_ =	sdelay $0x2  }
0x455: {  	v48 =	vld [tilespmem:s26+$0x0];
	_ =	sdelay $0x1  }
0x456: {  	v50 =	vsel vm1, v25, v53;
	v53 =	vld [tilespmem:$0xFF58];
	v51, _, _ =	vpop (xrf0)  }
0x457: {  	vm1 =	vgt.f32 v40, v45;
	v15 =	vsel vm3, v26, v50;
	v54, _, _ =	vpop (xrf0)  }
0x458: {  	v55 =	vsel vm1, v40, v45;
	v15 =	vsel vm4, v42, v15;
	v19 =	vbroadcast v54, $0xF  }
0x459: {  	vm3 =	vgt.f32 v48, v55;
	v15 =	vxor.u32 $0x80000000, v15  }
0x45a: {  	v14 =	vsel vm3, v48, v55;
	v15 =	vsel vm2, v0, v15;
	vm2 =	veq.f32 v47, v19  }
0x45b: {  	v8 =	vnsel vm2, $0x800003E8, v15;
	vm2 =	vgt.f32 v53, v14  }
0x45c: {  	(xrf0) =	vmin.scan.msk.u32 $0xffff, v8;
	v56 =	vsel vm2, v53, v14  }
0x45d: {  	(xrf0) =	vmax.scan.msk.f32 $0xffff, v56;
	_ =	sdelay $0x1  }
0x45e: {  	s0 =	sor.u32 s24, s25  }
0x45f: {  	v57 =	vld [tilespmem:s0+$0x0];
	_ =	sdelay $0x1  }
0x460: {  	v58 =	vsel vm0, v25, v52;
	v60 =	vld [tilespmem:$0xFFD8];
	v59, _, _ =	vpop (xrf0)  }
0x461: {  	vm0 =	vgt.f32 v36, v35;
	v15 =	vsel vm1, v26, v58;
	v61, _, _ =	vpop (xrf0)  }
0x462: {  	v62 =	vsel vm0, v36, v35;
	v15 =	vsel vm3, v42, v15;
	v20 =	vbroadcast v61, $0xF  }
0x463: {  	vm1 =	vgt.f32 v57, v62;
	v15 =	vxor.u32 $0x80000000, v15  }
0x464: {  	v14 =	vsel vm1, v57, v62;
	v15 =	vsel vm2, v0, v15;
	vm2 =	veq.f32 v56, v20  }
0x465: {  	v8 =	vnsel vm2, $0x800003E8, v15;
	vm2 =	vgt.f32 v60, v14  }
0x466: {  	(xrf0) =	vmin.scan.msk.u32 $0xffff, v8;
	v63 =	vsel vm2, v60, v14  }
0x467: {  	(xrf0) =	vmax.scan.msk.f32 $0xffff, v63;
	_ =	sdelay $0x2  }
0x468: {  	(v2sf) =	vpush v2, $0xF  }
0x469: {  	(v2sf) =	vpush v1, $0xF  }
0x46a: {  	v1 =	vsel vm15, v25, v49;
	(v2sf) =	vpush v3, $0xF;
	v2, _, _ =	vpop (xrf0)  }
0x46b: {  	(v2sf) =	vpush v4, $0xF;
	v1 =	vsel vm0, v26, v1;
	v3, _, _ =	vpop (xrf0)  }
0x46c: {  	(v2sf) =	vpush v5, $0xF;
	v1 =	vsel vm1, v42, v1;
	v3 =	vbroadcast v3, $0xF  }
0x46d: {  	(v2sf) =	vpush v6, $0xF;
	v1 =	vxor.u32 $0x80000000, v1  }
0x46e: {  	(v2sf) =	vpush v7, $0xF;
	v1 =	vsel vm2, v0, v1;
	vm0 =	veq.f32 v63, v3  }
0x46f: {  	(v2sf) =	vpush v9, $0xF;
	v1 =	vnsel vm0, $0x800003E8, v1  }
0x470: {  	(v2sf) =	vpush v10, $0xF;
	(xrf0) =	vmin.scan.msk.u32 $0xffff, v1  }
0x471: {  	(v2sf) =	vpush v11, $0xF  }
0x472: {  	(v2sf) =	vpush v28, $0xF  }
0x473: {  	(v2sf) =	vpush v37, $0xF  }
0x474: {  	(v2sf) =	vpush v51, $0xF  }
0x475: {  	(v2sf) =	vpush v59, $0xF  }
0x476: {  	(v2sf) =	vpush v2, $0xF;
	v1, _, _ =	vpop (xrf0)  }
0x477: {  	s0 =	spop (v2sf);
	(v2sf) =	vpush v1, $0xF  }
0x478: {  	s1 =	spop (v2sf)  }
0x479: {  	s2 =	spop (v2sf)  }
0x47a: {  	s4 =	spop (v2sf)  }
0x47b: {  	s5 =	spop (v2sf)  }
0x47c: {  	s8 =	spop (v2sf)  }
0x47d: {  	s14 =	spop (v2sf)  }
0x47e: {  	s15 =	spop (v2sf)  }
0x47f: {  	s19 =	spop (v2sf)  }
0x480: {  	s24 =	spop (v2sf)  }
0x481: {  	s25 =	spop (v2sf)  }
0x482: {  	s26 =	spop (v2sf)  }
0x483: {  	s28 =	spop (v2sf)  }
0x484: {  	s29 =	spop (v2sf)  }
0x485: {  	s30 =	spop (v2sf)  }
0x486: {  	s31 =	spop (v2sf)  }
0x487: {  	s31 =	sxor.u32 $0x80000000, s31  }
0x488: {  	s0 =	sxor.u32 $0x80000000, s0;
	vm0 =	vcmask $0x300;
	v1 =	vmov s31  }
0x489: {  	s1 =	sxor.u32 $0x80000000, s1;
	v1 =	vsel vm0, s0, v1;
	vm0 =	vcmask $0x704  }
0x48a: {  	s2 =	sxor.u32 $0x80000000, s2;
	v1 =	vsel vm0, s1, v1;
	vm0 =	vcmask $0xB08  }
0x48b: {  	s4 =	sxor.u32 $0x80000000, s4;
	v1 =	vsel vm0, s2, v1;
	vm0 =	vcmask $0xF0C  }
0x48c: {  	s5 =	sxor.u32 $0x80000000, s5;
	v1 =	vsel vm0, s4, v1;
	vm0 =	vcmask $0x1310  }
0x48d: {  	s8 =	sxor.u32 $0x80000000, s8;
	v1 =	vsel vm0, s5, v1  }
0x48e: {  	s14 =	sxor.u32 $0x80000000, s14;
	v1 =	vsel vm5, s8, v1  }
0x48f: {  	s15 =	sxor.u32 $0x80000000, s15;
	v1 =	vsel vm6, s14, v1  }
0x490: {  	s19 =	sxor.u32 $0x80000000, s19;
	v1 =	vsel vm7, s15, v1  }
0x491: {  	s24 =	sxor.u32 $0x80000000, s24;
	v1 =	vsel vm8, s19, v1  }
0x492: {  	s25 =	sxor.u32 $0x80000000, s25;
	v1 =	vsel vm9, s24, v1  }
0x493: {  	s26 =	sxor.u32 $0x80000000, s26;
	v1 =	vsel vm10, s25, v1  }
.Ltmp18:
0x494: {  	s28 =	sxor.u32 $0x80000000, s28;
	v1 =	vsel vm11, s26, v1;
	(pc) =	sbr.rel @p0 .LBB2_36-.Ltmp18, $4  }
0x495: {  	s29 =	sxor.u32 $0x80000000, s29;
	v1 =	vsel vm12, s28, v1  }
0x496: {  	s31 =	sxor.u32 $0x80000000, s30;
	v1 =	vsel vm13, s29, v1  }
0x497: {  	v1 =	vsel vm14, s31, v1  }
0x498: {  	[tilespmem:s22+$0x10030] =	vst v1  }
.Ltmp19:
0x499: {  	(pc) =	sbr.rel .LBB2_2-.Ltmp19, $3  }
0x49a: {  	_ =	sdelay $0x1  }
0x49b: {  	s0 =	sadd.s32 s23, s7;
	s21 =	sadd.s32 $0x1, s21  }
0x49c: {  	[tilespmem:s11], [sflag:$0x2] =	stream.linear.gather [hbm4b:s0+s3], $0x8000, $0x38;
	[tilespmem:$0x14100] =	vst v63  }
.LBB2_37:
0x49d: {  	_ =	sfence.sel $0x180000  }
0x49e: {  	[bflag:$0x0] =	sbarrier.arrive $0xFFFF  }
0x49f: {  	_ =	strace $0x90000047  }
0x4a0: {  	s0 =	stileid.u32;
	[bflag:$0x2] =	sbarrier.arrive $0xFFFF  }
0x4a1: {  	p0 =	sne.s32 s0, $0x0;
	s0 =	rddreg [dreg:$0x2]  }
0x4a2: {  	s0 =	sadd.s32 @!p0 $0x100000, s0  }
0x4a3: {  	[sflag:s0] =	ssyncadd.tile.s32 @!p0 $0x1;
	_ =	shalt  }
.Lfunc_end2:
_tile_overlayer_lowered:
.L_overlay_start_2:
0x4a4: {  	(tag) =	ssettag $0x2  }
0x4a5: {  	s0 =	rddreg [dreg:$0x0];
	s2 =	stileid.u32  }
0x4a6: {  	s1 =	rddreg [dreg:$0x1];
	p0 =	sne.s32 s2, $0x0  }
0x4a7: {  	s3 =	rddreg [dreg:$0x2];
	[bflag:$0x3] =	sbarrier.arrive $0xFFFF;
	s2 =	simm.s32 @!p0 $0x1C04  }
0x4a8: {  	[timem:s3], [sflag:s2] =	dma.local @!p0 [hbm:s0], s1  }
0x4a9: {  	s0 =	simm.s32 @!p0 $0x4  }
0x4aa: {  	_ =	swait.ge @!p0 [sflag:s0], s1  }
0x4ab: {  	s1 =	ssub.s32 @!p0 $0x0, s1;
	[sflag:s0] =	ssyncset.done @!p0 $0x0  }
0x4ac: {  	[sflag:s0] =	ssyncadd.s32 @!p0 s1  }
0x4ad: {  	[bflag:$0x3] =	sbarrier.arrive $0xFFFF  }
0x4ae: {  	_ =	shalt  }

</sc_bundles>
